<compile_context>
chip_gen: v7x
topology: tpu7x:2x2x1
jax: 0.10.2.dev20260603
libtpu: 0.0.44.dev20260713+nightly
codegen_flags: <defaults>
</compile_context>

<pallas_src>
import functools

import jax
import jax.numpy as jnp
from jax import lax
from jax.experimental import pallas as pl
from jax.experimental.pallas import tpu as pltpu
from jax.experimental.pallas import tpu_sc as plsc

PI = 3.141592653589793
GAMMA = 9.0
EMB_RANGE = 0.34375
EMB_RANGE_TYPE = 0.34375

B = 1024
D = 32
HD = D // 2
NUM_TYPE_ROWS = 1000

NC = 2
NS = 16
NW = NC * NS
B_PER_W = B // NW

BI = 128
GRID_I = B // BI


def _sc_gather(ent, ent_tableT):
    mesh = plsc.VectorSubcoreMesh(
        core_axis_name="c", subcore_axis_name="s", num_cores=NC, num_subcores=NS
    )

    @functools.partial(
        pl.kernel,
        mesh=mesh,
        out_type=jax.ShapeDtypeStruct((B, D), jnp.float32),
        scratch_types=[
            pltpu.VMEM((B_PER_W,), jnp.int32),
            pltpu.VMEM((3, 8, D, 128), jnp.float32),
            pltpu.VMEM((B_PER_W, D), jnp.float32),
            pltpu.SemaphoreType.DMA,
            pltpu.SemaphoreType.DMA,
            pltpu.SemaphoreType.DMA,
        ],
        compiler_params=pltpu.CompilerParams(needs_layout_passes=False),
    )
    def gather_kernel(ent_hbm, etabT_hbm, e_out,
                      eidx_v, eslab_v, erow_v, sem0, sem1, sem2):
        wid = lax.axis_index("s") * NC + lax.axis_index("c")
        base = wid * B_PER_W
        pltpu.sync_copy(ent_hbm.at[pl.ds(base, B_PER_W)], eidx_v)

        rows_re = lax.iota(jnp.int32, 16)
        rows_im = rows_re + HD
        evec = [eidx_v[0:16], eidx_v[16:32]]
        sems = [sem0, sem1, sem2]

        def fire(chunk):
            cps = []
            for s in range(8):
                m = chunk * 8 + s
                ve = pl.multiple_of((evec[m // 16][m % 16] // 128) * 128, 128)
                cps.append(pltpu.async_copy(
                    etabT_hbm.at[:, pl.ds(ve, 128)],
                    eslab_v.at[chunk % 3, s], sems[chunk % 3]))
            return cps

        nchunks = B_PER_W // 8
        pending = [fire(0), fire(1)]
        for chunk in range(nchunks):
            if chunk + 2 < nchunks:
                pending.append(fire(chunk + 2))
            for c in pending.pop(0):
                c.wait()
            for s in range(8):
                m = chunk * 8 + s
                lane_e = jnp.full((16,), evec[m // 16][m % 16] % 128, jnp.int32)
                slab = eslab_v.at[chunk % 3, s]
                erow_v[m, 0:HD] = plsc.load_gather(slab, [rows_re, lane_e])
                erow_v[m, HD:D] = plsc.load_gather(slab, [rows_im, lane_e])

        pltpu.sync_copy(erow_v, e_out.at[pl.ds(base, B_PER_W)])

    return gather_kernel(ent, ent_tableT)


def _score_body(mw_ref, pw_ref, tidx_ref, ttabT_ref, e_ref, out_ref,
                modT_s, ph_s):
    i = pl.program_id(0)
    scale_e = PI / EMB_RANGE
    scale_t = PI / EMB_RANGE_TYPE
    mw = mw_ref[0, 0]
    pw = pw_ref[0, 0]

    @pl.when(i == 0)
    def _prologue():
        idx_row = jnp.concatenate(
            [tidx_ref[s:s + 1, :] for s in range(8)], axis=1)
        rsel = lax.broadcasted_iota(jnp.int32, (NUM_TYPE_ROWS, B), 0)
        onehot = jnp.where(rsel == idx_row, 1.0, 0.0).astype(jnp.float32)
        tT = lax.dot_general(
            ttabT_ref[...], onehot, (((1,), (0,)), ((), ())),
            preferred_element_type=jnp.float32,
        ) * scale_t

        eT = jnp.transpose(e_ref[...], (1, 0)) * scale_e
        drT = eT[:HD, :] - tT[:HD, :]
        diT = eT[HD:, :] - tT[HD:, :]
        modT_s[...] = jnp.sqrt(drT * drT + diT * diT) * mw
        ph_s[...] = (
            jnp.sum(jnp.cos(drT) * jnp.cos(diT), axis=0, keepdims=True) * pw
            - GAMMA
        )

    slab = modT_s[:, pl.ds(i * BI, BI)]
    phr = ph_s[...]
    for p in range(BI):
        col = slab[:, p:p + 1]
        out_ref[p, :, :] = col + phr


def _tc_score(mw, pw, tidx2d, ttabT, e_g):
    return pl.pallas_call(
        _score_body,
        grid=(GRID_I,),
        in_specs=[
            pl.BlockSpec((1, 1), lambda i: (0, 0)),
            pl.BlockSpec((1, 1), lambda i: (0, 0)),
            pl.BlockSpec((8, 128), lambda i: (0, 0)),
            pl.BlockSpec((D, NUM_TYPE_ROWS), lambda i: (0, 0)),
            pl.BlockSpec((B, D), lambda i: (0, 0)),
        ],
        out_specs=pl.BlockSpec((BI, HD, B), lambda i: (i, 0, 0)),
        out_shape=jax.ShapeDtypeStruct((B, HD, B), jnp.float32),
        scratch_shapes=[
            pltpu.VMEM((HD, B), jnp.float32),
            pltpu.VMEM((1, B), jnp.float32),
        ],
    )(mw, pw, tidx2d, ttabT, e_g)


def kernel(ent, type_idx, ent_table, type_table, modulus_weight, phase_weight):
    e_g = _sc_gather(ent.astype(jnp.int32), jnp.transpose(ent_table))
    out3 = _tc_score(
        modulus_weight.reshape(1, 1).astype(jnp.float32),
        phase_weight.reshape(1, 1).astype(jnp.float32),
        type_idx.astype(jnp.int32).reshape(8, 128),
        jnp.transpose(type_table),
        e_g,
    )
    return jnp.transpose(out3, (0, 2, 1))

# --- scband reference (transcript-rebuilt; emitter-appended) ---
"""Pipeline reference for scband-compound-e-type-16552803959071 (READ-ONLY COPY).

The authoritative reference and input builder live on the scoring server;
editing this copy changes nothing except your own understanding.
"""

import jax, jax.numpy as jnp
import numpy as np

PI = 3.141592653589793
GAMMA = 9.0
EMB_RANGE = 0.34375
EMB_RANGE_TYPE = 0.34375

NUM_ENT = 100000
NUM_TYPE = 1000
EMB_DIM = 32
BATCH = 1024


def setup_inputs(seed: int = 0) -> dict:
    key = jax.random.key(seed)
    k1, k2, k3, k4 = jax.random.split(key, 4)
    ent = jax.random.randint(k1, (BATCH,), 0, NUM_ENT)
    type_idx = jax.random.randint(k2, (BATCH,), 0, NUM_TYPE)
    ent_table = jax.random.uniform(k3, (NUM_ENT, EMB_DIM), dtype=jnp.float32, minval=-EMB_RANGE, maxval=EMB_RANGE)
    type_table = jax.random.uniform(k4, (NUM_TYPE, EMB_DIM), dtype=jnp.float32, minval=-EMB_RANGE_TYPE, maxval=EMB_RANGE_TYPE)
    modulus_weight = jnp.array([1.0], dtype=jnp.float32)
    phase_weight = jnp.array([0.5], dtype=jnp.float32)
    return {
        "ent": ent,
        "type_idx": type_idx,
        "ent_table": ent_table,
        "type_table": type_table,
        "modulus_weight": modulus_weight,
        "phase_weight": phase_weight,
    }


def reference(ent, type_idx, ent_table, type_table, modulus_weight, phase_weight):
    # batch_type == 0 path of CompoundE_type.embed
    e = jnp.take(ent_table, ent, axis=0)[:, None, :]   # [B, 1, d]
    t = jnp.take(type_table, type_idx, axis=0)[:, None, :]  # [B, 1, d]

    real_ent, imag_ent = jnp.split(e, 2, axis=2)   # [B, 1, d/2] each
    real_type, imag_type = jnp.split(t, 2, axis=2)

    real_ent = real_ent / (EMB_RANGE / PI)
    imag_ent = imag_ent / (EMB_RANGE / PI)
    real_type = real_type / (EMB_RANGE_TYPE / PI)
    imag_type = imag_type / (EMB_RANGE_TYPE / PI)

    mod_score = (real_ent - real_type) ** 2 + (imag_ent - imag_type) ** 2
    mod_score = jnp.sqrt(mod_score) * modulus_weight          # [B, 1, d/2]

    phase_score = jnp.cos(real_ent - real_type) * jnp.cos(imag_ent - imag_type)
    phase_score = jnp.sum(phase_score, axis=2) * phase_weight  # [B, 1]

    # Faithful to torch broadcasting: (B,1) + (B,1,d/2) -> (B, B, d/2)
    score = -(GAMMA - (phase_score + mod_score))
    return score

if __name__ == "__main__":
    import jax
    _d = setup_inputs()
    print(jax.jit(kernel)(*tuple(_d.values())))

</pallas_src>

<mosaic_0001>
#map = affine_map<(d0, d1) -> (0)>
#map1 = affine_map<(d0, d1) -> (0, 0)>
module attributes {stable_mosaic.version = 14 : i64} {
  func.func @gather_kernel(%arg0: i32, %arg1: i32, %arg2: memref<1024xi32, #tpu.memory_space<hbm>>, %arg3: memref<32x100000xf32, #tpu.memory_space<hbm>>, %arg4: memref<1024x32xf32, #tpu.memory_space<hbm>>, %arg5: memref<32xi32, #tpu.memory_space<vmem>>, %arg6: memref<3x8x32x128xf32, #tpu.memory_space<vmem>>, %arg7: memref<32x32xf32, #tpu.memory_space<vmem>>, %arg8: memref<!tpu.dma_semaphore, #tpu.memory_space<semaphore_mem>>, %arg9: memref<!tpu.dma_semaphore, #tpu.memory_space<semaphore_mem>>, %arg10: memref<!tpu.dma_semaphore, #tpu.memory_space<semaphore_mem>>) attributes {dimension_semantics = [#tpu.dimension_semantics<core_parallel>, #tpu.dimension_semantics<subcore_parallel>], iteration_bounds = array<i64: 2, 16>, scalar_prefetch = 0 : i64, scratch_operands = 6 : i64, tpu.core_type = #tpu.core_type<sc_vector_subcore>, window_params = [{transform_indices = #map}, {transform_indices = #map1}, {transform_indices = #map1}]} {
    %mul3A = arith.constant 2 : i32
    %mul3A_0 = arith.muli %arg1, %mul3A : i32
    %add3A = arith.addi %mul3A_0, %arg0 : i32
    %mul3A_1 = arith.constant 32 : i32
    %mul3A_2 = arith.muli %add3A, %mul3A_1 : i32
    "tpu.region"() ({
      %run_scoped3A = tpu.sem_alloc : memref<!tpu.dma_semaphore, #tpu.memory_space<semaphore_mem>>
      %dma_start3A_3127 = tpu.memref_slice %arg2[%mul3A_2] : memref<1024xi32, #tpu.memory_space<hbm>> -> memref<32xi32, #tpu.memory_space<hbm>>
      %dma_start3A_3128 = tpu.memref_slice %arg2[%mul3A_2] : memref<1024xi32, #tpu.memory_space<hbm>> -> memref<32xi32, #tpu.memory_space<hbm>>
      tpu.enqueue_dma source(%dma_start3A_3128 : memref<32xi32, #tpu.memory_space<hbm>>) target(%arg5 : memref<32xi32, #tpu.memory_space<vmem>>) target_semaphore(%run_scoped3A : memref<!tpu.dma_semaphore, #tpu.memory_space<semaphore_mem>>)
      %dma_wait3A_3129 = tpu.memref_slice %arg2[%mul3A_2] : memref<1024xi32, #tpu.memory_space<hbm>> -> memref<32xi32, #tpu.memory_space<hbm>>
      %dma_wait3A_3130 = tpu.memref_slice %arg2[%mul3A_2] : memref<1024xi32, #tpu.memory_space<hbm>> -> memref<32xi32, #tpu.memory_space<hbm>>
      tpu.wait_dma2 semaphore(%run_scoped3A : memref<!tpu.dma_semaphore, #tpu.memory_space<semaphore_mem>>) src(%dma_wait3A_3130 : memref<32xi32, #tpu.memory_space<hbm>>) dst(%arg5 : memref<32xi32, #tpu.memory_space<vmem>>)
      tpu.yield
    }) : () -> ()
    %iota3A = tpu.iota {dimensions = array<i32: 0>} : vector<16xi32>
    %add3A_3 = arith.constant 16 : i32
    %add3A_4 = vector.broadcast %add3A_3 : i32 to vector<16xi32>
    %add3A_5 = arith.addi %iota3A, %add3A_4 : vector<16xi32>
    %get3A = arith.constant 0 : index
    %get3A_6 = tpu.vector_load %arg5[%get3A] {strides = array<i32>} : memref<32xi32, #tpu.memory_space<vmem>>, vector<16xi32>,
    %get3A_7 = arith.constant 16 : index
    %get3A_8 = tpu.vector_load %arg5[%get3A_7] {strides = array<i32>} : memref<32xi32, #tpu.memory_space<vmem>>, vector<16xi32>,
    %slice3A = vector.extract_strided_slice %get3A_6 {offsets = [0], sizes = [1], strides = [1]} : vector<16xi32> to vector<1xi32>
    %squeeze3A = vector.extract %slice3A[0] : i32 from vector<1xi32>
    %jit3A = arith.constant 128 : i32
    %div3A = arith.divsi %squeeze3A, %jit3A : i32
    %sign3A = arith.constant 0 : i32
    %sign3A_9 = arith.cmpi sgt, %squeeze3A, %sign3A : i32
    %sign3A_10 = arith.extui %sign3A_9 : i1 to i32
    %sign3A_11 = arith.constant 0 : i32
    %sign3A_12 = arith.cmpi slt, %squeeze3A, %sign3A_11 : i32
    %sign3A_13 = arith.extui %sign3A_12 : i1 to i32
    %sign3A_14 = arith.subi %sign3A_10, %sign3A_13 : i32
    %sign3A_15 = arith.constant 0 : i32
    %sign3A_16 = arith.cmpi sgt, %jit3A, %sign3A_15 : i32
    %sign3A_17 = arith.extui %sign3A_16 : i1 to i32
    %sign3A_18 = arith.constant 0 : i32
    %sign3A_19 = arith.cmpi slt, %jit3A, %sign3A_18 : i32
    %sign3A_20 = arith.extui %sign3A_19 : i1 to i32
    %sign3A_21 = arith.subi %sign3A_17, %sign3A_20 : i32
    %ne3A = arith.cmpi ne, %sign3A_14, %sign3A_21 : i32
    %rem3A = arith.remsi %squeeze3A, %jit3A : i32
    %ne3A_22 = arith.constant 0 : i32
    %ne3A_23 = arith.cmpi ne, %rem3A, %ne3A_22 : i32
    %and3A = arith.andi %ne3A, %ne3A_23 : i1
    %sub3A = arith.constant 1 : i32
    %sub3A_24 = arith.subi %div3A, %sub3A : i32
    %select_n3A = arith.select %and3A, %sub3A_24, %div3A : i32
    %mul3A_25 = arith.constant 128 : i32
    %mul3A_26 = arith.muli %select_n3A, %mul3A_25 : i32
    %multiple_of3A = tpu.assume_multiple %mul3A_26, 128 : i32
    %dma_start3A = arith.constant 0 : i32
    %dma_start3A_27 = arith.constant 0 : i32
    %dma_start3A_28 = arith.constant 0 : i32
    %dma_start3A_29 = arith.constant 0 : i32
    %dma_start3A_30 = tpu.memref_slice %arg6[%dma_start3A, %dma_start3A_27, %dma_start3A_28, %dma_start3A_29] : memref<3x8x32x128xf32, #tpu.memory_space<vmem>> -> memref<1x1x32x128xf32, #tpu.memory_space<vmem>>
    %dma_start3A_31 = tpu.memref_squeeze %dma_start3A_30 : memref<1x1x32x128xf32, #tpu.memory_space<vmem>> -> memref<32x128xf32, #tpu.memory_space<vmem>>
    %dma_start3A_32 = arith.constant 0 : i32
    %dma_start3A_33 = tpu.memref_slice %arg3[%dma_start3A_32, %multiple_of3A] : memref<32x100000xf32, #tpu.memory_space<hbm>> -> memref<32x128xf32, #tpu.memory_space<hbm>>
    %dma_start3A_34 = arith.constant 0 : i32
    %dma_start3A_35 = arith.constant 0 : i32
    %dma_start3A_36 = tpu.memref_slice %arg6[%dma_start3A, %dma_start3A_27, %dma_start3A_34, %dma_start3A_35] : memref<3x8x32x128xf32, #tpu.memory_space<vmem>> -> memref<1x1x32x128xf32, #tpu.memory_space<vmem>>
    %dma_start3A_37 = tpu.memref_squeeze %dma_start3A_36 : memref<1x1x32x128xf32, #tpu.memory_space<vmem>> -> memref<32x128xf32, #tpu.memory_space<vmem>>
    %dma_start3A_38 = arith.constant 0 : i32
    %dma_start3A_39 = tpu.memref_slice %arg3[%dma_start3A_38, %multiple_of3A] : memref<32x100000xf32, #tpu.memory_space<hbm>> -> memref<32x128xf32, #tpu.memory_space<hbm>>
    tpu.enqueue_dma source(%dma_start3A_39 : memref<32x128xf32, #tpu.memory_space<hbm>>) target(%dma_start3A_37 : memref<32x128xf32, #tpu.memory_space<vmem>>) target_semaphore(%arg8 : memref<!tpu.dma_semaphore, #tpu.memory_space<semaphore_mem>>)
    %slice3A_40 = vector.extract_strided_slice %get3A_6 {offsets = [1], sizes = [1], strides = [1]} : vector<16xi32> to vector<1xi32>
    %squeeze3A_41 = vector.extract %slice3A_40[0] : i32 from vector<1xi32>
    %jit3A_42 = arith.constant 128 : i32
    %div3A_43 = arith.divsi %squeeze3A_41, %jit3A_42 : i32
    %sign3A_44 = arith.constant 0 : i32
    %sign3A_45 = arith.cmpi sgt, %squeeze3A_41, %sign3A_44 : i32
    %sign3A_46 = arith.extui %sign3A_45 : i1 to i32
    %sign3A_47 = arith.constant 0 : i32
    %sign3A_48 = arith.cmpi slt, %squeeze3A_41, %sign3A_47 : i32
    %sign3A_49 = arith.extui %sign3A_48 : i1 to i32
    %sign3A_50 = arith.subi %sign3A_46, %sign3A_49 : i32
    %sign3A_51 = arith.constant 0 : i32
    %sign3A_52 = arith.cmpi sgt, %jit3A_42, %sign3A_51 : i32
    %sign3A_53 = arith.extui %sign3A_52 : i1 to i32
    %sign3A_54 = arith.constant 0 : i32
    %sign3A_55 = arith.cmpi slt, %jit3A_42, %sign3A_54 : i32
    %sign3A_56 = arith.extui %sign3A_55 : i1 to i32
    %sign3A_57 = arith.subi %sign3A_53, %sign3A_56 : i32
    %ne3A_58 = arith.cmpi ne, %sign3A_50, %sign3A_57 : i32
    %rem3A_59 = arith.remsi %squeeze3A_41, %jit3A_42 : i32
    %ne3A_60 = arith.constant 0 : i32
    %ne3A_61 = arith.cmpi ne, %rem3A_59, %ne3A_60 : i32
    %and3A_62 = arith.andi %ne3A_58, %ne3A_61 : i1
    %sub3A_63 = arith.constant 1 : i32
    %sub3A_64 = arith.subi %div3A_43, %sub3A_63 : i32
    %select_n3A_65 = arith.select %and3A_62, %sub3A_64, %div3A_43 : i32
    %mul3A_66 = arith.constant 128 : i32
    %mul3A_67 = arith.muli %select_n3A_65, %mul3A_66 : i32
    %multiple_of3A_68 = tpu.assume_multiple %mul3A_67, 128 : i32
    %dma_start3A_69 = arith.constant 0 : i32
    %dma_start3A_70 = arith.constant 1 : i32
    %dma_start3A_71 = arith.constant 0 : i32
    %dma_start3A_72 = arith.constant 0 : i32
    %dma_start3A_73 = tpu.memref_slice %arg6[%dma_start3A_69, %dma_start3A_70, %dma_start3A_71, %dma_start3A_72] : memref<3x8x32x128xf32, #tpu.memory_space<vmem>> -> memref<1x1x32x128xf32, #tpu.memory_space<vmem>>
    %dma_start3A_74 = tpu.memref_squeeze %dma_start3A_73 : memref<1x1x32x128xf32, #tpu.memory_space<vmem>> -> memref<32x128xf32, #tpu.memory_space<vmem>>
    %dma_start3A_75 = arith.constant 0 : i32
    %dma_start3A_76 = tpu.memref_slice %arg3[%dma_start3A_75, %multiple_of3A_68] : memref<32x100000xf32, #tpu.memory_space<hbm>> -> memref<32x128xf32, #tpu.memory_space<hbm>>
    %dma_start3A_77 = arith.constant 0 : i32
    %dma_start3A_78 = arith.constant 0 : i32
    %dma_start3A_79 = tpu.memref_slice %arg6[%dma_start3A_69, %dma_start3A_70, %dma_start3A_77, %dma_start3A_78] : memref<3x8x32x128xf32, #tpu.memory_space<vmem>> -> memref<1x1x32x128xf32, #tpu.memory_space<vmem>>
    %dma_start3A_80 = tpu.memref_squeeze %dma_start3A_79 : memref<1x1x32x128xf32, #tpu.memory_space<vmem>> -> memref<32x128xf32, #tpu.memory_space<vmem>>
    %dma_start3A_81 = arith.constant 0 : i32
    %dma_start3A_82 = tpu.memref_slice %arg3[%dma_start3A_81, %multiple_of3A_68] : memref<32x100000xf32, #tpu.memory_space<hbm>> -> memref<32x128xf32, #tpu.memory_space<hbm>>
    tpu.enqueue_dma source(%dma_start3A_82 : memref<32x128xf32, #tpu.memory_space<hbm>>) target(%dma_start3A_80 : memref<32x128xf32, #tpu.memory_space<vmem>>) target_semaphore(%arg8 : memref<!tpu.dma_semaphore, #tpu.memory_space<semaphore_mem>>)
    %slice3A_83 = vector.extract_strided_slice %get3A_6 {offsets = [2], sizes = [1], strides = [1]} : vector<16xi32> to vector<1xi32>
    %squeeze3A_84 = vector.extract %slice3A_83[0] : i32 from vector<1xi32>
    %jit3A_85 = arith.constant 128 : i32
    %div3A_86 = arith.divsi %squeeze3A_84, %jit3A_85 : i32
    %sign3A_87 = arith.constant 0 : i32
    %sign3A_88 = arith.cmpi sgt, %squeeze3A_84, %sign3A_87 : i32
    %sign3A_89 = arith.extui %sign3A_88 : i1 to i32
    %sign3A_90 = arith.constant 0 : i32
    %sign3A_91 = arith.cmpi slt, %squeeze3A_84, %sign3A_90 : i32
    %sign3A_92 = arith.extui %sign3A_91 : i1 to i32
    %sign3A_93 = arith.subi %sign3A_89, %sign3A_92 : i32
    %sign3A_94 = arith.constant 0 : i32
    %sign3A_95 = arith.cmpi sgt, %jit3A_85, %sign3A_94 : i32
    %sign3A_96 = arith.extui %sign3A_95 : i1 to i32
    %sign3A_97 = arith.constant 0 : i32
    %sign3A_98 = arith.cmpi slt, %jit3A_85, %sign3A_97 : i32
    %sign3A_99 = arith.extui %sign3A_98 : i1 to i32
    %sign3A_100 = arith.subi %sign3A_96, %sign3A_99 : i32
    %ne3A_101 = arith.cmpi ne, %sign3A_93, %sign3A_100 : i32
    %rem3A_102 = arith.remsi %squeeze3A_84, %jit3A_85 : i32
    %ne3A_103 = arith.constant 0 : i32
    %ne3A_104 = arith.cmpi ne, %rem3A_102, %ne3A_103 : i32
    %and3A_105 = arith.andi %ne3A_101, %ne3A_104 : i1
    %sub3A_106 = arith.constant 1 : i32
    %sub3A_107 = arith.subi %div3A_86, %sub3A_106 : i32
    %select_n3A_108 = arith.select %and3A_105, %sub3A_107, %div3A_86 : i32
    %mul3A_109 = arith.constant 128 : i32
    %mul3A_110 = arith.muli %select_n3A_108, %mul3A_109 : i32
    %multiple_of3A_111 = tpu.assume_multiple %mul3A_110, 128 : i32
    %dma_start3A_112 = arith.constant 0 : i32
    %dma_start3A_113 = arith.constant 2 : i32
    %dma_start3A_114 = arith.constant 0 : i32
    %dma_start3A_115 = arith.constant 0 : i32
    %dma_start3A_116 = tpu.memref_slice %arg6[%dma_start3A_112, %dma_start3A_113, %dma_start3A_114, %dma_start3A_115] : memref<3x8x32x128xf32, #tpu.memory_space<vmem>> -> memref<1x1x32x128xf32, #tpu.memory_space<vmem>>
    %dma_start3A_117 = tpu.memref_squeeze %dma_start3A_116 : memref<1x1x32x128xf32, #tpu.memory_space<vmem>> -> memref<32x128xf32, #tpu.memory_space<vmem>>
    %dma_start3A_118 = arith.constant 0 : i32
    %dma_start3A_119 = tpu.memref_slice %arg3[%dma_start3A_118, %multiple_of3A_111] : memref<32x100000xf32, #tpu.memory_space<hbm>> -> memref<32x128xf32, #tpu.memory_space<hbm>>
    %dma_start3A_120 = arith.constant 0 : i32
    %dma_start3A_121 = arith.constant 0 : i32
    %dma_start3A_122 = tpu.memref_slice %arg6[%dma_start3A_112, %dma_start3A_113, %dma_start3A_120, %dma_start3A_121] : memref<3x8x32x128xf32, #tpu.memory_space<vmem>> -> memref<1x1x32x128xf32, #tpu.memory_space<vmem>>
    %dma_start3A_123 = tpu.memref_squeeze %dma_start3A_122 : memref<1x1x32x128xf32, #tpu.memory_space<vmem>> -> memref<32x128xf32, #tpu.memory_space<vmem>>
    %dma_start3A_124 = arith.constant 0 : i32
    %dma_start3A_125 = tpu.memref_slice %arg3[%dma_start3A_124, %multiple_of3A_111] : memref<32x100000xf32, #tpu.memory_space<hbm>> -> memref<32x128xf32, #tpu.memory_space<hbm>>
    tpu.enqueue_dma source(%dma_start3A_125 : memref<32x128xf32, #tpu.memory_space<hbm>>) target(%dma_start3A_123 : memref<32x128xf32, #tpu.memory_space<vmem>>) target_semaphore(%arg8 : memref<!tpu.dma_semaphore, #tpu.memory_space<semaphore_mem>>)
    %slice3A_126 = vector.extract_strided_slice %get3A_6 {offsets = [3], sizes = [1], strides = [1]} : vector<16xi32> to vector<1xi32>
    %squeeze3A_127 = vector.extract %slice3A_126[0] : i32 from vector<1xi32>
    %jit3A_128 = arith.constant 128 : i32
    %div3A_129 = arith.divsi %squeeze3A_127, %jit3A_128 : i32
    %sign3A_130 = arith.constant 0 : i32
    %sign3A_131 = arith.cmpi sgt, %squeeze3A_127, %sign3A_130 : i32
    %sign3A_132 = arith.extui %sign3A_131 : i1 to i32
    %sign3A_133 = arith.constant 0 : i32
    %sign3A_134 = arith.cmpi slt, %squeeze3A_127, %sign3A_133 : i32
    %sign3A_135 = arith.extui %sign3A_134 : i1 to i32
    %sign3A_136 = arith.subi %sign3A_132, %sign3A_135 : i32
    %sign3A_137 = arith.constant 0 : i32
    %sign3A_138 = arith.cmpi sgt, %jit3A_128, %sign3A_137 : i32
    %sign3A_139 = arith.extui %sign3A_138 : i1 to i32
    %sign3A_140 = arith.constant 0 : i32
    %sign3A_141 = arith.cmpi slt, %jit3A_128, %sign3A_140 : i32
    %sign3A_142 = arith.extui %sign3A_141 : i1 to i32
    %sign3A_143 = arith.subi %sign3A_139, %sign3A_142 : i32
    %ne3A_144 = arith.cmpi ne, %sign3A_136, %sign3A_143 : i32
    %rem3A_145 = arith.remsi %squeeze3A_127, %jit3A_128 : i32
    %ne3A_146 = arith.constant 0 : i32
    %ne3A_147 = arith.cmpi ne, %rem3A_145, %ne3A_146 : i32
    %and3A_148 = arith.andi %ne3A_144, %ne3A_147 : i1
    %sub3A_149 = arith.constant 1 : i32
    %sub3A_150 = arith.subi %div3A_129, %sub3A_149 : i32
    %select_n3A_151 = arith.select %and3A_148, %sub3A_150, %div3A_129 : i32
    %mul3A_152 = arith.constant 128 : i32
    %mul3A_153 = arith.muli %select_n3A_151, %mul3A_152 : i32
    %multiple_of3A_154 = tpu.assume_multiple %mul3A_153, 128 : i32
    %dma_start3A_155 = arith.constant 0 : i32
    %dma_start3A_156 = arith.constant 3 : i32
    %dma_start3A_157 = arith.constant 0 : i32
    %dma_start3A_158 = arith.constant 0 : i32
    %dma_start3A_159 = tpu.memref_slice %arg6[%dma_start3A_155, %dma_start3A_156, %dma_start3A_157, %dma_start3A_158] : memref<3x8x32x128xf32, #tpu.memory_space<vmem>> -> memref<1x1x32x128xf32, #tpu.memory_space<vmem>>
    %dma_start3A_160 = tpu.memref_squeeze %dma_start3A_159 : memref<1x1x32x128xf32, #tpu.memory_space<vmem>> -> memref<32x128xf32, #tpu.memory_space<vmem>>
    %dma_start3A_161 = arith.constant 0 : i32
    %dma_start3A_162 = tpu.memref_slice %arg3[%dma_start3A_161, %multiple_of3A_154] : memref<32x100000xf32, #tpu.memory_space<hbm>> -> memref<32x128xf32, #tpu.memory_space<hbm>>
    %dma_start3A_163 = arith.constant 0 : i32
    %dma_start3A_164 = arith.constant 0 : i32
    %dma_start3A_165 = tpu.memref_slice %arg6[%dma_start3A_155, %dma_start3A_156, %dma_start3A_163, %dma_start3A_164] : memref<3x8x32x128xf32, #tpu.memory_space<vmem>> -> memref<1x1x32x128xf32, #tpu.memory_space<vmem>>
    %dma_start3A_166 = tpu.memref_squeeze %dma_start3A_165 : memref<1x1x32x128xf32, #tpu.memory_space<vmem>> -> memref<32x128xf32, #tpu.memory_space<vmem>>
    %dma_start3A_167 = arith.constant 0 : i32
    %dma_start3A_168 = tpu.memref_slice %arg3[%dma_start3A_167, %multiple_of3A_154] : memref<32x100000xf32, #tpu.memory_space<hbm>> -> memref<32x128xf32, #tpu.memory_space<hbm>>
    tpu.enqueue_dma source(%dma_start3A_168 : memref<32x128xf32, #tpu.memory_space<hbm>>) target(%dma_start3A_166 : memref<32x128xf32, #tpu.memory_space<vmem>>) target_semaphore(%arg8 : memref<!tpu.dma_semaphore, #tpu.memory_space<semaphore_mem>>)
    %slice3A_169 = vector.extract_strided_slice %get3A_6 {offsets = [4], sizes = [1], strides = [1]} : vector<16xi32> to vector<1xi32>
    %squeeze3A_170 = vector.extract %slice3A_169[0] : i32 from vector<1xi32>
    %jit3A_171 = arith.constant 128 : i32
    %div3A_172 = arith.divsi %squeeze3A_170, %jit3A_171 : i32
    %sign3A_173 = arith.constant 0 : i32
    %sign3A_174 = arith.cmpi sgt, %squeeze3A_170, %sign3A_173 : i32
    %sign3A_175 = arith.extui %sign3A_174 : i1 to i32
    %sign3A_176 = arith.constant 0 : i32
    %sign3A_177 = arith.cmpi slt, %squeeze3A_170, %sign3A_176 : i32
    %sign3A_178 = arith.extui %sign3A_177 : i1 to i32
    %sign3A_179 = arith.subi %sign3A_175, %sign3A_178 : i32
    %sign3A_180 = arith.constant 0 : i32
    %sign3A_181 = arith.cmpi sgt, %jit3A_171, %sign3A_180 : i32
    %sign3A_182 = arith.extui %sign3A_181 : i1 to i32
    %sign3A_183 = arith.constant 0 : i32
    %sign3A_184 = arith.cmpi slt, %jit3A_171, %sign3A_183 : i32
    %sign3A_185 = arith.extui %sign3A_184 : i1 to i32
    %sign3A_186 = arith.subi %sign3A_182, %sign3A_185 : i32
    %ne3A_187 = arith.cmpi ne, %sign3A_179, %sign3A_186 : i32
    %rem3A_188 = arith.remsi %squeeze3A_170, %jit3A_171 : i32
    %ne3A_189 = arith.constant 0 : i32
    %ne3A_190 = arith.cmpi ne, %rem3A_188, %ne3A_189 : i32
    %and3A_191 = arith.andi %ne3A_187, %ne3A_190 : i1
    %sub3A_192 = arith.constant 1 : i32
    %sub3A_193 = arith.subi %div3A_172, %sub3A_192 : i32
    %select_n3A_194 = arith.select %and3A_191, %sub3A_193, %div3A_172 : i32
    %mul3A_195 = arith.constant 128 : i32
    %mul3A_196 = arith.muli %select_n3A_194, %mul3A_195 : i32
    %multiple_of3A_197 = tpu.assume_multiple %mul3A_196, 128 : i32
    %dma_start3A_198 = arith.constant 0 : i32
    %dma_start3A_199 = arith.constant 4 : i32
    %dma_start3A_200 = arith.constant 0 : i32
    %dma_start3A_201 = arith.constant 0 : i32
    %dma_start3A_202 = tpu.memref_slice %arg6[%dma_start3A_198, %dma_start3A_199, %dma_start3A_200, %dma_start3A_201] : memref<3x8x32x128xf32, #tpu.memory_space<vmem>> -> memref<1x1x32x128xf32, #tpu.memory_space<vmem>>
    %dma_start3A_203 = tpu.memref_squeeze %dma_start3A_202 : memref<1x1x32x128xf32, #tpu.memory_space<vmem>> -> memref<32x128xf32, #tpu.memory_space<vmem>>
    %dma_start3A_204 = arith.constant 0 : i32
    %dma_start3A_205 = tpu.memref_slice %arg3[%dma_start3A_204, %multiple_of3A_197] : memref<32x100000xf32, #tpu.memory_space<hbm>> -> memref<32x128xf32, #tpu.memory_space<hbm>>
    %dma_start3A_206 = arith.constant 0 : i32
    %dma_start3A_207 = arith.constant 0 : i32
    %dma_start3A_208 = tpu.memref_slice %arg6[%dma_start3A_198, %dma_start3A_199, %dma_start3A_206, %dma_start3A_207] : memref<3x8x32x128xf32, #tpu.memory_space<vmem>> -> memref<1x1x32x128xf32, #tpu.memory_space<vmem>>
    %dma_start3A_209 = tpu.memref_squeeze %dma_start3A_208 : memref<1x1x32x128xf32, #tpu.memory_space<vmem>> -> memref<32x128xf32, #tpu.memory_space<vmem>>
    %dma_start3A_210 = arith.constant 0 : i32
    %dma_start3A_211 = tpu.memref_slice %arg3[%dma_start3A_210, %multiple_of3A_197] : memref<32x100000xf32, #tpu.memory_space<hbm>> -> memref<32x128xf32, #tpu.memory_space<hbm>>
    tpu.enqueue_dma source(%dma_start3A_211 : memref<32x128xf32, #tpu.memory_space<hbm>>) target(%dma_start3A_209 : memref<32x128xf32, #tpu.memory_space<vmem>>) target_semaphore(%arg8 : memref<!tpu.dma_semaphore, #tpu.memory_space<semaphore_mem>>)
    %slice3A_212 = vector.extract_strided_slice %get3A_6 {offsets = [5], sizes = [1], strides = [1]} : vector<16xi32> to vector<1xi32>
    %squeeze3A_213 = vector.extract %slice3A_212[0] : i32 from vector<1xi32>
    %jit3A_214 = arith.constant 128 : i32
    %div3A_215 = arith.divsi %squeeze3A_213, %jit3A_214 : i32
    %sign3A_216 = arith.constant 0 : i32
    %sign3A_217 = arith.cmpi sgt, %squeeze3A_213, %sign3A_216 : i32
    %sign3A_218 = arith.extui %sign3A_217 : i1 to i32
    %sign3A_219 = arith.constant 0 : i32
    %sign3A_220 = arith.cmpi slt, %squeeze3A_213, %sign3A_219 : i32
    %sign3A_221 = arith.extui %sign3A_220 : i1 to i32
    %sign3A_222 = arith.subi %sign3A_218, %sign3A_221 : i32
    %sign3A_223 = arith.constant 0 : i32
    %sign3A_224 = arith.cmpi sgt, %jit3A_214, %sign3A_223 : i32
    %sign3A_225 = arith.extui %sign3A_224 : i1 to i32
    %sign3A_226 = arith.constant 0 : i32
    %sign3A_227 = arith.cmpi slt, %jit3A_214, %sign3A_226 : i32
    %sign3A_228 = arith.extui %sign3A_227 : i1 to i32
    %sign3A_229 = arith.subi %sign3A_225, %sign3A_228 : i32
    %ne3A_230 = arith.cmpi ne, %sign3A_222, %sign3A_229 : i32
    %rem3A_231 = arith.remsi %squeeze3A_213, %jit3A_214 : i32
    %ne3A_232 = arith.constant 0 : i32
    %ne3A_233 = arith.cmpi ne, %rem3A_231, %ne3A_232 : i32
    %and3A_234 = arith.andi %ne3A_230, %ne3A_233 : i1
    %sub3A_235 = arith.constant 1 : i32
    %sub3A_236 = arith.subi %div3A_215, %sub3A_235 : i32
    %select_n3A_237 = arith.select %and3A_234, %sub3A_236, %div3A_215 : i32
    %mul3A_238 = arith.constant 128 : i32
    %mul3A_239 = arith.muli %select_n3A_237, %mul3A_238 : i32
    %multiple_of3A_240 = tpu.assume_multiple %mul3A_239, 128 : i32
    %dma_start3A_241 = arith.constant 0 : i32
    %dma_start3A_242 = arith.constant 5 : i32
    %dma_start3A_243 = arith.constant 0 : i32
    %dma_start3A_244 = arith.constant 0 : i32
    %dma_start3A_245 = tpu.memref_slice %arg6[%dma_start3A_241, %dma_start3A_242, %dma_start3A_243, %dma_start3A_244] : memref<3x8x32x128xf32, #tpu.memory_space<vmem>> -> memref<1x1x32x128xf32, #tpu.memory_space<vmem>>
    %dma_start3A_246 = tpu.memref_squeeze %dma_start3A_245 : memref<1x1x32x128xf32, #tpu.memory_space<vmem>> -> memref<32x128xf32, #tpu.memory_space<vmem>>
    %dma_start3A_247 = arith.constant 0 : i32
    %dma_start3A_248 = tpu.memref_slice %arg3[%dma_start3A_247, %multiple_of3A_240] : memref<32x100000xf32, #tpu.memory_space<hbm>> -> memref<32x128xf32, #tpu.memory_space<hbm>>
    %dma_start3A_249 = arith.constant 0 : i32
    %dma_start3A_250 = arith.constant 0 : i32
    %dma_start3A_251 = tpu.memref_slice %arg6[%dma_start3A_241, %dma_start3A_242, %dma_start3A_249, %dma_start3A_250] : memref<3x8x32x128xf32, #tpu.memory_space<vmem>> -> memref<1x1x32x128xf32, #tpu.memory_space<vmem>>
    %dma_start3A_252 = tpu.memref_squeeze %dma_start3A_251 : memref<1x1x32x128xf32, #tpu.memory_space<vmem>> -> memref<32x128xf32, #tpu.memory_space<vmem>>
    %dma_start3A_253 = arith.constant 0 : i32
    %dma_start3A_254 = tpu.memref_slice %arg3[%dma_start3A_253, %multiple_of3A_240] : memref<32x100000xf32, #tpu.memory_space<hbm>> -> memref<32x128xf32, #tpu.memory_space<hbm>>
    tpu.enqueue_dma source(%dma_start3A_254 : memref<32x128xf32, #tpu.memory_space<hbm>>) target(%dma_start3A_252 : memref<32x128xf32, #tpu.memory_space<vmem>>) target_semaphore(%arg8 : memref<!tpu.dma_semaphore, #tpu.memory_space<semaphore_mem>>)
    %slice3A_255 = vector.extract_strided_slice %get3A_6 {offsets = [6], sizes = [1], strides = [1]} : vector<16xi32> to vector<1xi32>
    %squeeze3A_256 = vector.extract %slice3A_255[0] : i32 from vector<1xi32>
    %jit3A_257 = arith.constant 128 : i32
    %div3A_258 = arith.divsi %squeeze3A_256, %jit3A_257 : i32
    %sign3A_259 = arith.constant 0 : i32
    %sign3A_260 = arith.cmpi sgt, %squeeze3A_256, %sign3A_259 : i32
    %sign3A_261 = arith.extui %sign3A_260 : i1 to i32
    %sign3A_262 = arith.constant 0 : i32
    %sign3A_263 = arith.cmpi slt, %squeeze3A_256, %sign3A_262 : i32
    %sign3A_264 = arith.extui %sign3A_263 : i1 to i32
    %sign3A_265 = arith.subi %sign3A_261, %sign3A_264 : i32
    %sign3A_266 = arith.constant 0 : i32
    %sign3A_267 = arith.cmpi sgt, %jit3A_257, %sign3A_266 : i32
    %sign3A_268 = arith.extui %sign3A_267 : i1 to i32
    %sign3A_269 = arith.constant 0 : i32
    %sign3A_270 = arith.cmpi slt, %jit3A_257, %sign3A_269 : i32
    %sign3A_271 = arith.extui %sign3A_270 : i1 to i32
    %sign3A_272 = arith.subi %sign3A_268, %sign3A_271 : i32
    %ne3A_273 = arith.cmpi ne, %sign3A_265, %sign3A_272 : i32
    %rem3A_274 = arith.remsi %squeeze3A_256, %jit3A_257 : i32
    %ne3A_275 = arith.constant 0 : i32
    %ne3A_276 = arith.cmpi ne, %rem3A_274, %ne3A_275 : i32
    %and3A_277 = arith.andi %ne3A_273, %ne3A_276 : i1
    %sub3A_278 = arith.constant 1 : i32
    %sub3A_279 = arith.subi %div3A_258, %sub3A_278 : i32
    %select_n3A_280 = arith.select %and3A_277, %sub3A_279, %div3A_258 : i32
    %mul3A_281 = arith.constant 128 : i32
    %mul3A_282 = arith.muli %select_n3A_280, %mul3A_281 : i32
    %multiple_of3A_283 = tpu.assume_multiple %mul3A_282, 128 : i32
    %dma_start3A_284 = arith.constant 0 : i32
    %dma_start3A_285 = arith.constant 6 : i32
    %dma_start3A_286 = arith.constant 0 : i32
    %dma_start3A_287 = arith.constant 0 : i32
    %dma_start3A_288 = tpu.memref_slice %arg6[%dma_start3A_284, %dma_start3A_285, %dma_start3A_286, %dma_start3A_287] : memref<3x8x32x128xf32, #tpu.memory_space<vmem>> -> memref<1x1x32x128xf32, #tpu.memory_space<vmem>>
    %dma_start3A_289 = tpu.memref_squeeze %dma_start3A_288 : memref<1x1x32x128xf32, #tpu.memory_space<vmem>> -> memref<32x128xf32, #tpu.memory_space<vmem>>
    %dma_start3A_290 = arith.constant 0 : i32
    %dma_start3A_291 = tpu.memref_slice %arg3[%dma_start3A_290, %multiple_of3A_283] : memref<32x100000xf32, #tpu.memory_space<hbm>> -> memref<32x128xf32, #tpu.memory_space<hbm>>
    %dma_start3A_292 = arith.constant 0 : i32
    %dma_start3A_293 = arith.constant 0 : i32
    %dma_start3A_294 = tpu.memref_slice %arg6[%dma_start3A_284, %dma_start3A_285, %dma_start3A_292, %dma_start3A_293] : memref<3x8x32x128xf32, #tpu.memory_space<vmem>> -> memref<1x1x32x128xf32, #tpu.memory_space<vmem>>
    %dma_start3A_295 = tpu.memref_squeeze %dma_start3A_294 : memref<1x1x32x128xf32, #tpu.memory_space<vmem>> -> memref<32x128xf32, #tpu.memory_space<vmem>>
    %dma_start3A_296 = arith.constant 0 : i32
    %dma_start3A_297 = tpu.memref_slice %arg3[%dma_start3A_296, %multiple_of3A_283] : memref<32x100000xf32, #tpu.memory_space<hbm>> -> memref<32x128xf32, #tpu.memory_space<hbm>>
    tpu.enqueue_dma source(%dma_start3A_297 : memref<32x128xf32, #tpu.memory_space<hbm>>) target(%dma_start3A_295 : memref<32x128xf32, #tpu.memory_space<vmem>>) target_semaphore(%arg8 : memref<!tpu.dma_semaphore, #tpu.memory_space<semaphore_mem>>)
    %slice3A_298 = vector.extract_strided_slice %get3A_6 {offsets = [7], sizes = [1], strides = [1]} : vector<16xi32> to vector<1xi32>
    %squeeze3A_299 = vector.extract %slice3A_298[0] : i32 from vector<1xi32>
    %jit3A_300 = arith.constant 128 : i32
    %div3A_301 = arith.divsi %squeeze3A_299, %jit3A_300 : i32
    %sign3A_302 = arith.constant 0 : i32
    %sign3A_303 = arith.cmpi sgt, %squeeze3A_299, %sign3A_302 : i32
    %sign3A_304 = arith.extui %sign3A_303 : i1 to i32
    %sign3A_305 = arith.constant 0 : i32
    %sign3A_306 = arith.cmpi slt, %squeeze3A_299, %sign3A_305 : i32
    %sign3A_307 = arith.extui %sign3A_306 : i1 to i32
    %sign3A_308 = arith.subi %sign3A_304, %sign3A_307 : i32
    %sign3A_309 = arith.constant 0 : i32
    %sign3A_310 = arith.cmpi sgt, %jit3A_300, %sign3A_309 : i32
    %sign3A_311 = arith.extui %sign3A_310 : i1 to i32
    %sign3A_312 = arith.constant 0 : i32
    %sign3A_313 = arith.cmpi slt, %jit3A_300, %sign3A_312 : i32
    %sign3A_314 = arith.extui %sign3A_313 : i1 to i32
    %sign3A_315 = arith.subi %sign3A_311, %sign3A_314 : i32
    %ne3A_316 = arith.cmpi ne, %sign3A_308, %sign3A_315 : i32
    %rem3A_317 = arith.remsi %squeeze3A_299, %jit3A_300 : i32
    %ne3A_318 = arith.constant 0 : i32
    %ne3A_319 = arith.cmpi ne, %rem3A_317, %ne3A_318 : i32
    %and3A_320 = arith.andi %ne3A_316, %ne3A_319 : i1
    %sub3A_321 = arith.constant 1 : i32
    %sub3A_322 = arith.subi %div3A_301, %sub3A_321 : i32
    %select_n3A_323 = arith.select %and3A_320, %sub3A_322, %div3A_301 : i32
    %mul3A_324 = arith.constant 128 : i32
    %mul3A_325 = arith.muli %select_n3A_323, %mul3A_324 : i32
    %multiple_of3A_326 = tpu.assume_multiple %mul3A_325, 128 : i32
    %dma_start3A_327 = arith.constant 0 : i32
    %dma_start3A_328 = arith.constant 7 : i32
    %dma_start3A_329 = arith.constant 0 : i32
    %dma_start3A_330 = arith.constant 0 : i32
    %dma_start3A_331 = tpu.memref_slice %arg6[%dma_start3A_327, %dma_start3A_328, %dma_start3A_329, %dma_start3A_330] : memref<3x8x32x128xf32, #tpu.memory_space<vmem>> -> memref<1x1x32x128xf32, #tpu.memory_space<vmem>>
    %dma_start3A_332 = tpu.memref_squeeze %dma_start3A_331 : memref<1x1x32x128xf32, #tpu.memory_space<vmem>> -> memref<32x128xf32, #tpu.memory_space<vmem>>
    %dma_start3A_333 = arith.constant 0 : i32
    %dma_start3A_334 = tpu.memref_slice %arg3[%dma_start3A_333, %multiple_of3A_326] : memref<32x100000xf32, #tpu.memory_space<hbm>> -> memref<32x128xf32, #tpu.memory_space<hbm>>
    %dma_start3A_335 = arith.constant 0 : i32
    %dma_start3A_336 = arith.constant 0 : i32
    %dma_start3A_337 = tpu.memref_slice %arg6[%dma_start3A_327, %dma_start3A_328, %dma_start3A_335, %dma_start3A_336] : memref<3x8x32x128xf32, #tpu.memory_space<vmem>> -> memref<1x1x32x128xf32, #tpu.memory_space<vmem>>
    %dma_start3A_338 = tpu.memref_squeeze %dma_start3A_337 : memref<1x1x32x128xf32, #tpu.memory_space<vmem>> -> memref<32x128xf32, #tpu.memory_space<vmem>>
    %dma_start3A_339 = arith.constant 0 : i32
    %dma_start3A_340 = tpu.memref_slice %arg3[%dma_start3A_339, %multiple_of3A_326] : memref<32x100000xf32, #tpu.memory_space<hbm>> -> memref<32x128xf32, #tpu.memory_space<hbm>>
    tpu.enqueue_dma source(%dma_start3A_340 : memref<32x128xf32, #tpu.memory_space<hbm>>) target(%dma_start3A_338 : memref<32x128xf32, #tpu.memory_space<vmem>>) target_semaphore(%arg8 : memref<!tpu.dma_semaphore, #tpu.memory_space<semaphore_mem>>)
    %slice3A_341 = vector.extract_strided_slice %get3A_6 {offsets = [8], sizes = [1], strides = [1]} : vector<16xi32> to vector<1xi32>
    %squeeze3A_342 = vector.extract %slice3A_341[0] : i32 from vector<1xi32>
    %jit3A_343 = arith.constant 128 : i32
    %div3A_344 = arith.divsi %squeeze3A_342, %jit3A_343 : i32
    %sign3A_345 = arith.constant 0 : i32
    %sign3A_346 = arith.cmpi sgt, %squeeze3A_342, %sign3A_345 : i32
    %sign3A_347 = arith.extui %sign3A_346 : i1 to i32
    %sign3A_348 = arith.constant 0 : i32
    %sign3A_349 = arith.cmpi slt, %squeeze3A_342, %sign3A_348 : i32
    %sign3A_350 = arith.extui %sign3A_349 : i1 to i32
    %sign3A_351 = arith.subi %sign3A_347, %sign3A_350 : i32
    %sign3A_352 = arith.constant 0 : i32
    %sign3A_353 = arith.cmpi sgt, %jit3A_343, %sign3A_352 : i32
    %sign3A_354 = arith.extui %sign3A_353 : i1 to i32
    %sign3A_355 = arith.constant 0 : i32
    %sign3A_356 = arith.cmpi slt, %jit3A_343, %sign3A_355 : i32
    %sign3A_357 = arith.extui %sign3A_356 : i1 to i32
    %sign3A_358 = arith.subi %sign3A_354, %sign3A_357 : i32
    %ne3A_359 = arith.cmpi ne, %sign3A_351, %sign3A_358 : i32
    %rem3A_360 = arith.remsi %squeeze3A_342, %jit3A_343 : i32
    %ne3A_361 = arith.constant 0 : i32
    %ne3A_362 = arith.cmpi ne, %rem3A_360, %ne3A_361 : i32
    %and3A_363 = arith.andi %ne3A_359, %ne3A_362 : i1
    %sub3A_364 = arith.constant 1 : i32
    %sub3A_365 = arith.subi %div3A_344, %sub3A_364 : i32
    %select_n3A_366 = arith.select %and3A_363, %sub3A_365, %div3A_344 : i32
    %mul3A_367 = arith.constant 128 : i32
    %mul3A_368 = arith.muli %select_n3A_366, %mul3A_367 : i32
    %multiple_of3A_369 = tpu.assume_multiple %mul3A_368, 128 : i32
    %dma_start3A_370 = arith.constant 1 : i32
    %dma_start3A_371 = arith.constant 0 : i32
    %dma_start3A_372 = arith.constant 0 : i32
    %dma_start3A_373 = arith.constant 0 : i32
    %dma_start3A_374 = tpu.memref_slice %arg6[%dma_start3A_370, %dma_start3A_371, %dma_start3A_372, %dma_start3A_373] : memref<3x8x32x128xf32, #tpu.memory_space<vmem>> -> memref<1x1x32x128xf32, #tpu.memory_space<vmem>>
    %dma_start3A_375 = tpu.memref_squeeze %dma_start3A_374 : memref<1x1x32x128xf32, #tpu.memory_space<vmem>> -> memref<32x128xf32, #tpu.memory_space<vmem>>
    %dma_start3A_376 = arith.constant 0 : i32
    %dma_start3A_377 = tpu.memref_slice %arg3[%dma_start3A_376, %multiple_of3A_369] : memref<32x100000xf32, #tpu.memory_space<hbm>> -> memref<32x128xf32, #tpu.memory_space<hbm>>
    %dma_start3A_378 = arith.constant 0 : i32
    %dma_start3A_379 = arith.constant 0 : i32
    %dma_start3A_380 = tpu.memref_slice %arg6[%dma_start3A_370, %dma_start3A_371, %dma_start3A_378, %dma_start3A_379] : memref<3x8x32x128xf32, #tpu.memory_space<vmem>> -> memref<1x1x32x128xf32, #tpu.memory_space<vmem>>
    %dma_start3A_381 = tpu.memref_squeeze %dma_start3A_380 : memref<1x1x32x128xf32, #tpu.memory_space<vmem>> -> memref<32x128xf32, #tpu.memory_space<vmem>>
    %dma_start3A_382 = arith.constant 0 : i32
    %dma_start3A_383 = tpu.memref_slice %arg3[%dma_start3A_382, %multiple_of3A_369] : memref<32x100000xf32, #tpu.memory_space<hbm>> -> memref<32x128xf32, #tpu.memory_space<hbm>>
    tpu.enqueue_dma source(%dma_start3A_383 : memref<32x128xf32, #tpu.memory_space<hbm>>) target(%dma_start3A_381 : memref<32x128xf32, #tpu.memory_space<vmem>>) target_semaphore(%arg9 : memref<!tpu.dma_semaphore, #tpu.memory_space<semaphore_mem>>)
    %slice3A_384 = vector.extract_strided_slice %get3A_6 {offsets = [9], sizes = [1], strides = [1]} : vector<16xi32> to vector<1xi32>
    %squeeze3A_385 = vector.extract %slice3A_384[0] : i32 from vector<1xi32>
    %jit3A_386 = arith.constant 128 : i32
    %div3A_387 = arith.divsi %squeeze3A_385, %jit3A_386 : i32
    %sign3A_388 = arith.constant 0 : i32
    %sign3A_389 = arith.cmpi sgt, %squeeze3A_385, %sign3A_388 : i32
    %sign3A_390 = arith.extui %sign3A_389 : i1 to i32
    %sign3A_391 = arith.constant 0 : i32
    %sign3A_392 = arith.cmpi slt, %squeeze3A_385, %sign3A_391 : i32
    %sign3A_393 = arith.extui %sign3A_392 : i1 to i32
    %sign3A_394 = arith.subi %sign3A_390, %sign3A_393 : i32
    %sign3A_395 = arith.constant 0 : i32
    %sign3A_396 = arith.cmpi sgt, %jit3A_386, %sign3A_395 : i32
    %sign3A_397 = arith.extui %sign3A_396 : i1 to i32
    %sign3A_398 = arith.constant 0 : i32
    %sign3A_399 = arith.cmpi slt, %jit3A_386, %sign3A_398 : i32
    %sign3A_400 = arith.extui %sign3A_399 : i1 to i32
    %sign3A_401 = arith.subi %sign3A_397, %sign3A_400 : i32
    %ne3A_402 = arith.cmpi ne, %sign3A_394, %sign3A_401 : i32
    %rem3A_403 = arith.remsi %squeeze3A_385, %jit3A_386 : i32
    %ne3A_404 = arith.constant 0 : i32
    %ne3A_405 = arith.cmpi ne, %rem3A_403, %ne3A_404 : i32
    %and3A_406 = arith.andi %ne3A_402, %ne3A_405 : i1
    %sub3A_407 = arith.constant 1 : i32
    %sub3A_408 = arith.subi %div3A_387, %sub3A_407 : i32
    %select_n3A_409 = arith.select %and3A_406, %sub3A_408, %div3A_387 : i32
    %mul3A_410 = arith.constant 128 : i32
    %mul3A_411 = arith.muli %select_n3A_409, %mul3A_410 : i32
    %multiple_of3A_412 = tpu.assume_multiple %mul3A_411, 128 : i32
    %dma_start3A_413 = arith.constant 1 : i32
    %dma_start3A_414 = arith.constant 1 : i32
    %dma_start3A_415 = arith.constant 0 : i32
    %dma_start3A_416 = arith.constant 0 : i32
    %dma_start3A_417 = tpu.memref_slice %arg6[%dma_start3A_413, %dma_start3A_414, %dma_start3A_415, %dma_start3A_416] : memref<3x8x32x128xf32, #tpu.memory_space<vmem>> -> memref<1x1x32x128xf32, #tpu.memory_space<vmem>>
    %dma_start3A_418 = tpu.memref_squeeze %dma_start3A_417 : memref<1x1x32x128xf32, #tpu.memory_space<vmem>> -> memref<32x128xf32, #tpu.memory_space<vmem>>
    %dma_start3A_419 = arith.constant 0 : i32
    %dma_start3A_420 = tpu.memref_slice %arg3[%dma_start3A_419, %multiple_of3A_412] : memref<32x100000xf32, #tpu.memory_space<hbm>> -> memref<32x128xf32, #tpu.memory_space<hbm>>
    %dma_start3A_421 = arith.constant 0 : i32
    %dma_start3A_422 = arith.constant 0 : i32
    %dma_start3A_423 = tpu.memref_slice %arg6[%dma_start3A_413, %dma_start3A_414, %dma_start3A_421, %dma_start3A_422] : memref<3x8x32x128xf32, #tpu.memory_space<vmem>> -> memref<1x1x32x128xf32, #tpu.memory_space<vmem>>
    %dma_start3A_424 = tpu.memref_squeeze %dma_start3A_423 : memref<1x1x32x128xf32, #tpu.memory_space<vmem>> -> memref<32x128xf32, #tpu.memory_space<vmem>>
    %dma_start3A_425 = arith.constant 0 : i32
    %dma_start3A_426 = tpu.memref_slice %arg3[%dma_start3A_425, %multiple_of3A_412] : memref<32x100000xf32, #tpu.memory_space<hbm>> -> memref<32x128xf32, #tpu.memory_space<hbm>>
    tpu.enqueue_dma source(%dma_start3A_426 : memref<32x128xf32, #tpu.memory_space<hbm>>) target(%dma_start3A_424 : memref<32x128xf32, #tpu.memory_space<vmem>>) target_semaphore(%arg9 : memref<!tpu.dma_semaphore, #tpu.memory_space<semaphore_mem>>)
    %slice3A_427 = vector.extract_strided_slice %get3A_6 {offsets = [10], sizes = [1], strides = [1]} : vector<16xi32> to vector<1xi32>
    %squeeze3A_428 = vector.extract %slice3A_427[0] : i32 from vector<1xi32>
    %jit3A_429 = arith.constant 128 : i32
    %div3A_430 = arith.divsi %squeeze3A_428, %jit3A_429 : i32
    %sign3A_431 = arith.constant 0 : i32
    %sign3A_432 = arith.cmpi sgt, %squeeze3A_428, %sign3A_431 : i32
    %sign3A_433 = arith.extui %sign3A_432 : i1 to i32
    %sign3A_434 = arith.constant 0 : i32
    %sign3A_435 = arith.cmpi slt, %squeeze3A_428, %sign3A_434 : i32
    %sign3A_436 = arith.extui %sign3A_435 : i1 to i32
    %sign3A_437 = arith.subi %sign3A_433, %sign3A_436 : i32
    %sign3A_438 = arith.constant 0 : i32
    %sign3A_439 = arith.cmpi sgt, %jit3A_429, %sign3A_438 : i32
    %sign3A_440 = arith.extui %sign3A_439 : i1 to i32
    %sign3A_441 = arith.constant 0 : i32
    %sign3A_442 = arith.cmpi slt, %jit3A_429, %sign3A_441 : i32
    %sign3A_443 = arith.extui %sign3A_442 : i1 to i32
    %sign3A_444 = arith.subi %sign3A_440, %sign3A_443 : i32
    %ne3A_445 = arith.cmpi ne, %sign3A_437, %sign3A_444 : i32
    %rem3A_446 = arith.remsi %squeeze3A_428, %jit3A_429 : i32
    %ne3A_447 = arith.constant 0 : i32
    %ne3A_448 = arith.cmpi ne, %rem3A_446, %ne3A_447 : i32
    %and3A_449 = arith.andi %ne3A_445, %ne3A_448 : i1
    %sub3A_450 = arith.constant 1 : i32
    %sub3A_451 = arith.subi %div3A_430, %sub3A_450 : i32
    %select_n3A_452 = arith.select %and3A_449, %sub3A_451, %div3A_430 : i32
    %mul3A_453 = arith.constant 128 : i32
    %mul3A_454 = arith.muli %select_n3A_452, %mul3A_453 : i32
    %multiple_of3A_455 = tpu.assume_multiple %mul3A_454, 128 : i32
    %dma_start3A_456 = arith.constant 1 : i32
    %dma_start3A_457 = arith.constant 2 : i32
    %dma_start3A_458 = arith.constant 0 : i32
    %dma_start3A_459 = arith.constant 0 : i32
    %dma_start3A_460 = tpu.memref_slice %arg6[%dma_start3A_456, %dma_start3A_457, %dma_start3A_458, %dma_start3A_459] : memref<3x8x32x128xf32, #tpu.memory_space<vmem>> -> memref<1x1x32x128xf32, #tpu.memory_space<vmem>>
    %dma_start3A_461 = tpu.memref_squeeze %dma_start3A_460 : memref<1x1x32x128xf32, #tpu.memory_space<vmem>> -> memref<32x128xf32, #tpu.memory_space<vmem>>
    %dma_start3A_462 = arith.constant 0 : i32
    %dma_start3A_463 = tpu.memref_slice %arg3[%dma_start3A_462, %multiple_of3A_455] : memref<32x100000xf32, #tpu.memory_space<hbm>> -> memref<32x128xf32, #tpu.memory_space<hbm>>
    %dma_start3A_464 = arith.constant 0 : i32
    %dma_start3A_465 = arith.constant 0 : i32
    %dma_start3A_466 = tpu.memref_slice %arg6[%dma_start3A_456, %dma_start3A_457, %dma_start3A_464, %dma_start3A_465] : memref<3x8x32x128xf32, #tpu.memory_space<vmem>> -> memref<1x1x32x128xf32, #tpu.memory_space<vmem>>
    %dma_start3A_467 = tpu.memref_squeeze %dma_start3A_466 : memref<1x1x32x128xf32, #tpu.memory_space<vmem>> -> memref<32x128xf32, #tpu.memory_space<vmem>>
    %dma_start3A_468 = arith.constant 0 : i32
    %dma_start3A_469 = tpu.memref_slice %arg3[%dma_start3A_468, %multiple_of3A_455] : memref<32x100000xf32, #tpu.memory_space<hbm>> -> memref<32x128xf32, #tpu.memory_space<hbm>>
    tpu.enqueue_dma source(%dma_start3A_469 : memref<32x128xf32, #tpu.memory_space<hbm>>) target(%dma_start3A_467 : memref<32x128xf32, #tpu.memory_space<vmem>>) target_semaphore(%arg9 : memref<!tpu.dma_semaphore, #tpu.memory_space<semaphore_mem>>)
    %slice3A_470 = vector.extract_strided_slice %get3A_6 {offsets = [11], sizes = [1], strides = [1]} : vector<16xi32> to vector<1xi32>
    %squeeze3A_471 = vector.extract %slice3A_470[0] : i32 from vector<1xi32>
    %jit3A_472 = arith.constant 128 : i32
    %div3A_473 = arith.divsi %squeeze3A_471, %jit3A_472 : i32
    %sign3A_474 = arith.constant 0 : i32
    %sign3A_475 = arith.cmpi sgt, %squeeze3A_471, %sign3A_474 : i32
    %sign3A_476 = arith.extui %sign3A_475 : i1 to i32
    %sign3A_477 = arith.constant 0 : i32
    %sign3A_478 = arith.cmpi slt, %squeeze3A_471, %sign3A_477 : i32
    %sign3A_479 = arith.extui %sign3A_478 : i1 to i32
    %sign3A_480 = arith.subi %sign3A_476, %sign3A_479 : i32
    %sign3A_481 = arith.constant 0 : i32
    %sign3A_482 = arith.cmpi sgt, %jit3A_472, %sign3A_481 : i32
    %sign3A_483 = arith.extui %sign3A_482 : i1 to i32
    %sign3A_484 = arith.constant 0 : i32
    %sign3A_485 = arith.cmpi slt, %jit3A_472, %sign3A_484 : i32
    %sign3A_486 = arith.extui %sign3A_485 : i1 to i32
    %sign3A_487 = arith.subi %sign3A_483, %sign3A_486 : i32
    %ne3A_488 = arith.cmpi ne, %sign3A_480, %sign3A_487 : i32
    %rem3A_489 = arith.remsi %squeeze3A_471, %jit3A_472 : i32
    %ne3A_490 = arith.constant 0 : i32
    %ne3A_491 = arith.cmpi ne, %rem3A_489, %ne3A_490 : i32
    %and3A_492 = arith.andi %ne3A_488, %ne3A_491 : i1
    %sub3A_493 = arith.constant 1 : i32
    %sub3A_494 = arith.subi %div3A_473, %sub3A_493 : i32
    %select_n3A_495 = arith.select %and3A_492, %sub3A_494, %div3A_473 : i32
    %mul3A_496 = arith.constant 128 : i32
    %mul3A_497 = arith.muli %select_n3A_495, %mul3A_496 : i32
    %multiple_of3A_498 = tpu.assume_multiple %mul3A_497, 128 : i32
    %dma_start3A_499 = arith.constant 1 : i32
    %dma_start3A_500 = arith.constant 3 : i32
    %dma_start3A_501 = arith.constant 0 : i32
    %dma_start3A_502 = arith.constant 0 : i32
    %dma_start3A_503 = tpu.memref_slice %arg6[%dma_start3A_499, %dma_start3A_500, %dma_start3A_501, %dma_start3A_502] : memref<3x8x32x128xf32, #tpu.memory_space<vmem>> -> memref<1x1x32x128xf32, #tpu.memory_space<vmem>>
    %dma_start3A_504 = tpu.memref_squeeze %dma_start3A_503 : memref<1x1x32x128xf32, #tpu.memory_space<vmem>> -> memref<32x128xf32, #tpu.memory_space<vmem>>
    %dma_start3A_505 = arith.constant 0 : i32
    %dma_start3A_506 = tpu.memref_slice %arg3[%dma_start3A_505, %multiple_of3A_498] : memref<32x100000xf32, #tpu.memory_space<hbm>> -> memref<32x128xf32, #tpu.memory_space<hbm>>
    %dma_start3A_507 = arith.constant 0 : i32
    %dma_start3A_508 = arith.constant 0 : i32
    %dma_start3A_509 = tpu.memref_slice %arg6[%dma_start3A_499, %dma_start3A_500, %dma_start3A_507, %dma_start3A_508] : memref<3x8x32x128xf32, #tpu.memory_space<vmem>> -> memref<1x1x32x128xf32, #tpu.memory_space<vmem>>
    %dma_start3A_510 = tpu.memref_squeeze %dma_start3A_509 : memref<1x1x32x128xf32, #tpu.memory_space<vmem>> -> memref<32x128xf32, #tpu.memory_space<vmem>>
    %dma_start3A_511 = arith.constant 0 : i32
    %dma_start3A_512 = tpu.memref_slice %arg3[%dma_start3A_511, %multiple_of3A_498] : memref<32x100000xf32, #tpu.memory_space<hbm>> -> memref<32x128xf32, #tpu.memory_space<hbm>>
    tpu.enqueue_dma source(%dma_start3A_512 : memref<32x128xf32, #tpu.memory_space<hbm>>) target(%dma_start3A_510 : memref<32x128xf32, #tpu.memory_space<vmem>>) target_semaphore(%arg9 : memref<!tpu.dma_semaphore, #tpu.memory_space<semaphore_mem>>)
    %slice3A_513 = vector.extract_strided_slice %get3A_6 {offsets = [12], sizes = [1], strides = [1]} : vector<16xi32> to vector<1xi32>
    %squeeze3A_514 = vector.extract %slice3A_513[0] : i32 from vector<1xi32>
    %jit3A_515 = arith.constant 128 : i32
    %div3A_516 = arith.divsi %squeeze3A_514, %jit3A_515 : i32
    %sign3A_517 = arith.constant 0 : i32
    %sign3A_518 = arith.cmpi sgt, %squeeze3A_514, %sign3A_517 : i32
    %sign3A_519 = arith.extui %sign3A_518 : i1 to i32
    %sign3A_520 = arith.constant 0 : i32
    %sign3A_521 = arith.cmpi slt, %squeeze3A_514, %sign3A_520 : i32
    %sign3A_522 = arith.extui %sign3A_521 : i1 to i32
    %sign3A_523 = arith.subi %sign3A_519, %sign3A_522 : i32
    %sign3A_524 = arith.constant 0 : i32
    %sign3A_525 = arith.cmpi sgt, %jit3A_515, %sign3A_524 : i32
    %sign3A_526 = arith.extui %sign3A_525 : i1 to i32
    %sign3A_527 = arith.constant 0 : i32
    %sign3A_528 = arith.cmpi slt, %jit3A_515, %sign3A_527 : i32
    %sign3A_529 = arith.extui %sign3A_528 : i1 to i32
    %sign3A_530 = arith.subi %sign3A_526, %sign3A_529 : i32
    %ne3A_531 = arith.cmpi ne, %sign3A_523, %sign3A_530 : i32
    %rem3A_532 = arith.remsi %squeeze3A_514, %jit3A_515 : i32
    %ne3A_533 = arith.constant 0 : i32
    %ne3A_534 = arith.cmpi ne, %rem3A_532, %ne3A_533 : i32
    %and3A_535 = arith.andi %ne3A_531, %ne3A_534 : i1
    %sub3A_536 = arith.constant 1 : i32
    %sub3A_537 = arith.subi %div3A_516, %sub3A_536 : i32
    %select_n3A_538 = arith.select %and3A_535, %sub3A_537, %div3A_516 : i32
    %mul3A_539 = arith.constant 128 : i32
    %mul3A_540 = arith.muli %select_n3A_538, %mul3A_539 : i32
    %multiple_of3A_541 = tpu.assume_multiple %mul3A_540, 128 : i32
    %dma_start3A_542 = arith.constant 1 : i32
    %dma_start3A_543 = arith.constant 4 : i32
    %dma_start3A_544 = arith.constant 0 : i32
    %dma_start3A_545 = arith.constant 0 : i32
    %dma_start3A_546 = tpu.memref_slice %arg6[%dma_start3A_542, %dma_start3A_543, %dma_start3A_544, %dma_start3A_545] : memref<3x8x32x128xf32, #tpu.memory_space<vmem>> -> memref<1x1x32x128xf32, #tpu.memory_space<vmem>>
    %dma_start3A_547 = tpu.memref_squeeze %dma_start3A_546 : memref<1x1x32x128xf32, #tpu.memory_space<vmem>> -> memref<32x128xf32, #tpu.memory_space<vmem>>
    %dma_start3A_548 = arith.constant 0 : i32
    %dma_start3A_549 = tpu.memref_slice %arg3[%dma_start3A_548, %multiple_of3A_541] : memref<32x100000xf32, #tpu.memory_space<hbm>> -> memref<32x128xf32, #tpu.memory_space<hbm>>
    %dma_start3A_550 = arith.constant 0 : i32
    %dma_start3A_551 = arith.constant 0 : i32
    %dma_start3A_552 = tpu.memref_slice %arg6[%dma_start3A_542, %dma_start3A_543, %dma_start3A_550, %dma_start3A_551] : memref<3x8x32x128xf32, #tpu.memory_space<vmem>> -> memref<1x1x32x128xf32, #tpu.memory_space<vmem>>
    %dma_start3A_553 = tpu.memref_squeeze %dma_start3A_552 : memref<1x1x32x128xf32, #tpu.memory_space<vmem>> -> memref<32x128xf32, #tpu.memory_space<vmem>>
    %dma_start3A_554 = arith.constant 0 : i32
    %dma_start3A_555 = tpu.memref_slice %arg3[%dma_start3A_554, %multiple_of3A_541] : memref<32x100000xf32, #tpu.memory_space<hbm>> -> memref<32x128xf32, #tpu.memory_space<hbm>>
    tpu.enqueue_dma source(%dma_start3A_555 : memref<32x128xf32, #tpu.memory_space<hbm>>) target(%dma_start3A_553 : memref<32x128xf32, #tpu.memory_space<vmem>>) target_semaphore(%arg9 : memref<!tpu.dma_semaphore, #tpu.memory_space<semaphore_mem>>)
    %slice3A_556 = vector.extract_strided_slice %get3A_6 {offsets = [13], sizes = [1], strides = [1]} : vector<16xi32> to vector<1xi32>
    %squeeze3A_557 = vector.extract %slice3A_556[0] : i32 from vector<1xi32>
    %jit3A_558 = arith.constant 128 : i32
    %div3A_559 = arith.divsi %squeeze3A_557, %jit3A_558 : i32
    %sign3A_560 = arith.constant 0 : i32
    %sign3A_561 = arith.cmpi sgt, %squeeze3A_557, %sign3A_560 : i32
    %sign3A_562 = arith.extui %sign3A_561 : i1 to i32
    %sign3A_563 = arith.constant 0 : i32
    %sign3A_564 = arith.cmpi slt, %squeeze3A_557, %sign3A_563 : i32
    %sign3A_565 = arith.extui %sign3A_564 : i1 to i32
    %sign3A_566 = arith.subi %sign3A_562, %sign3A_565 : i32
    %sign3A_567 = arith.constant 0 : i32
    %sign3A_568 = arith.cmpi sgt, %jit3A_558, %sign3A_567 : i32
    %sign3A_569 = arith.extui %sign3A_568 : i1 to i32
    %sign3A_570 = arith.constant 0 : i32
    %sign3A_571 = arith.cmpi slt, %jit3A_558, %sign3A_570 : i32
    %sign3A_572 = arith.extui %sign3A_571 : i1 to i32
    %sign3A_573 = arith.subi %sign3A_569, %sign3A_572 : i32
    %ne3A_574 = arith.cmpi ne, %sign3A_566, %sign3A_573 : i32
    %rem3A_575 = arith.remsi %squeeze3A_557, %jit3A_558 : i32
    %ne3A_576 = arith.constant 0 : i32
    %ne3A_577 = arith.cmpi ne, %rem3A_575, %ne3A_576 : i32
    %and3A_578 = arith.andi %ne3A_574, %ne3A_577 : i1
    %sub3A_579 = arith.constant 1 : i32
    %sub3A_580 = arith.subi %div3A_559, %sub3A_579 : i32
    %select_n3A_581 = arith.select %and3A_578, %sub3A_580, %div3A_559 : i32
    %mul3A_582 = arith.constant 128 : i32
    %mul3A_583 = arith.muli %select_n3A_581, %mul3A_582 : i32
    %multiple_of3A_584 = tpu.assume_multiple %mul3A_583, 128 : i32
    %dma_start3A_585 = arith.constant 1 : i32
    %dma_start3A_586 = arith.constant 5 : i32
    %dma_start3A_587 = arith.constant 0 : i32
    %dma_start3A_588 = arith.constant 0 : i32
    %dma_start3A_589 = tpu.memref_slice %arg6[%dma_start3A_585, %dma_start3A_586, %dma_start3A_587, %dma_start3A_588] : memref<3x8x32x128xf32, #tpu.memory_space<vmem>> -> memref<1x1x32x128xf32, #tpu.memory_space<vmem>>
    %dma_start3A_590 = tpu.memref_squeeze %dma_start3A_589 : memref<1x1x32x128xf32, #tpu.memory_space<vmem>> -> memref<32x128xf32, #tpu.memory_space<vmem>>
    %dma_start3A_591 = arith.constant 0 : i32
    %dma_start3A_592 = tpu.memref_slice %arg3[%dma_start3A_591, %multiple_of3A_584] : memref<32x100000xf32, #tpu.memory_space<hbm>> -> memref<32x128xf32, #tpu.memory_space<hbm>>
    %dma_start3A_593 = arith.constant 0 : i32
    %dma_start3A_594 = arith.constant 0 : i32
    %dma_start3A_595 = tpu.memref_slice %arg6[%dma_start3A_585, %dma_start3A_586, %dma_start3A_593, %dma_start3A_594] : memref<3x8x32x128xf32, #tpu.memory_space<vmem>> -> memref<1x1x32x128xf32, #tpu.memory_space<vmem>>
    %dma_start3A_596 = tpu.memref_squeeze %dma_start3A_595 : memref<1x1x32x128xf32, #tpu.memory_space<vmem>> -> memref<32x128xf32, #tpu.memory_space<vmem>>
    %dma_start3A_597 = arith.constant 0 : i32
    %dma_start3A_598 = tpu.memref_slice %arg3[%dma_start3A_597, %multiple_of3A_584] : memref<32x100000xf32, #tpu.memory_space<hbm>> -> memref<32x128xf32, #tpu.memory_space<hbm>>
    tpu.enqueue_dma source(%dma_start3A_598 : memref<32x128xf32, #tpu.memory_space<hbm>>) target(%dma_start3A_596 : memref<32x128xf32, #tpu.memory_space<vmem>>) target_semaphore(%arg9 : memref<!tpu.dma_semaphore, #tpu.memory_space<semaphore_mem>>)
    %slice3A_599 = vector.extract_strided_slice %get3A_6 {offsets = [14], sizes = [1], strides = [1]} : vector<16xi32> to vector<1xi32>
    %squeeze3A_600 = vector.extract %slice3A_599[0] : i32 from vector<1xi32>
    %jit3A_601 = arith.constant 128 : i32
    %div3A_602 = arith.divsi %squeeze3A_600, %jit3A_601 : i32
    %sign3A_603 = arith.constant 0 : i32
    %sign3A_604 = arith.cmpi sgt, %squeeze3A_600, %sign3A_603 : i32
    %sign3A_605 = arith.extui %sign3A_604 : i1 to i32
    %sign3A_606 = arith.constant 0 : i32
    %sign3A_607 = arith.cmpi slt, %squeeze3A_600, %sign3A_606 : i32
    %sign3A_608 = arith.extui %sign3A_607 : i1 to i32
    %sign3A_609 = arith.subi %sign3A_605, %sign3A_608 : i32
    %sign3A_610 = arith.constant 0 : i32
    %sign3A_611 = arith.cmpi sgt, %jit3A_601, %sign3A_610 : i32
    %sign3A_612 = arith.extui %sign3A_611 : i1 to i32
    %sign3A_613 = arith.constant 0 : i32
    %sign3A_614 = arith.cmpi slt, %jit3A_601, %sign3A_613 : i32
    %sign3A_615 = arith.extui %sign3A_614 : i1 to i32
    %sign3A_616 = arith.subi %sign3A_612, %sign3A_615 : i32
    %ne3A_617 = arith.cmpi ne, %sign3A_609, %sign3A_616 : i32
    %rem3A_618 = arith.remsi %squeeze3A_600, %jit3A_601 : i32
    %ne3A_619 = arith.constant 0 : i32
    %ne3A_620 = arith.cmpi ne, %rem3A_618, %ne3A_619 : i32
    %and3A_621 = arith.andi %ne3A_617, %ne3A_620 : i1
    %sub3A_622 = arith.constant 1 : i32
    %sub3A_623 = arith.subi %div3A_602, %sub3A_622 : i32
    %select_n3A_624 = arith.select %and3A_621, %sub3A_623, %div3A_602 : i32
    %mul3A_625 = arith.constant 128 : i32
    %mul3A_626 = arith.muli %select_n3A_624, %mul3A_625 : i32
    %multiple_of3A_627 = tpu.assume_multiple %mul3A_626, 128 : i32
    %dma_start3A_628 = arith.constant 1 : i32
    %dma_start3A_629 = arith.constant 6 : i32
    %dma_start3A_630 = arith.constant 0 : i32
    %dma_start3A_631 = arith.constant 0 : i32
    %dma_start3A_632 = tpu.memref_slice %arg6[%dma_start3A_628, %dma_start3A_629, %dma_start3A_630, %dma_start3A_631] : memref<3x8x32x128xf32, #tpu.memory_space<vmem>> -> memref<1x1x32x128xf32, #tpu.memory_space<vmem>>
    %dma_start3A_633 = tpu.memref_squeeze %dma_start3A_632 : memref<1x1x32x128xf32, #tpu.memory_space<vmem>> -> memref<32x128xf32, #tpu.memory_space<vmem>>
    %dma_start3A_634 = arith.constant 0 : i32
    %dma_start3A_635 = tpu.memref_slice %arg3[%dma_start3A_634, %multiple_of3A_627] : memref<32x100000xf32, #tpu.memory_space<hbm>> -> memref<32x128xf32, #tpu.memory_space<hbm>>
    %dma_start3A_636 = arith.constant 0 : i32
    %dma_start3A_637 = arith.constant 0 : i32
    %dma_start3A_638 = tpu.memref_slice %arg6[%dma_start3A_628, %dma_start3A_629, %dma_start3A_636, %dma_start3A_637] : memref<3x8x32x128xf32, #tpu.memory_space<vmem>> -> memref<1x1x32x128xf32, #tpu.memory_space<vmem>>
    %dma_start3A_639 = tpu.memref_squeeze %dma_start3A_638 : memref<1x1x32x128xf32, #tpu.memory_space<vmem>> -> memref<32x128xf32, #tpu.memory_space<vmem>>
    %dma_start3A_640 = arith.constant 0 : i32
    %dma_start3A_641 = tpu.memref_slice %arg3[%dma_start3A_640, %multiple_of3A_627] : memref<32x100000xf32, #tpu.memory_space<hbm>> -> memref<32x128xf32, #tpu.memory_space<hbm>>
    tpu.enqueue_dma source(%dma_start3A_641 : memref<32x128xf32, #tpu.memory_space<hbm>>) target(%dma_start3A_639 : memref<32x128xf32, #tpu.memory_space<vmem>>) target_semaphore(%arg9 : memref<!tpu.dma_semaphore, #tpu.memory_space<semaphore_mem>>)
    %slice3A_642 = vector.extract_strided_slice %get3A_6 {offsets = [15], sizes = [1], strides = [1]} : vector<16xi32> to vector<1xi32>
    %squeeze3A_643 = vector.extract %slice3A_642[0] : i32 from vector<1xi32>
    %jit3A_644 = arith.constant 128 : i32
    %div3A_645 = arith.divsi %squeeze3A_643, %jit3A_644 : i32
    %sign3A_646 = arith.constant 0 : i32
    %sign3A_647 = arith.cmpi sgt, %squeeze3A_643, %sign3A_646 : i32
    %sign3A_648 = arith.extui %sign3A_647 : i1 to i32
    %sign3A_649 = arith.constant 0 : i32
    %sign3A_650 = arith.cmpi slt, %squeeze3A_643, %sign3A_649 : i32
    %sign3A_651 = arith.extui %sign3A_650 : i1 to i32
    %sign3A_652 = arith.subi %sign3A_648, %sign3A_651 : i32
    %sign3A_653 = arith.constant 0 : i32
    %sign3A_654 = arith.cmpi sgt, %jit3A_644, %sign3A_653 : i32
    %sign3A_655 = arith.extui %sign3A_654 : i1 to i32
    %sign3A_656 = arith.constant 0 : i32
    %sign3A_657 = arith.cmpi slt, %jit3A_644, %sign3A_656 : i32
    %sign3A_658 = arith.extui %sign3A_657 : i1 to i32
    %sign3A_659 = arith.subi %sign3A_655, %sign3A_658 : i32
    %ne3A_660 = arith.cmpi ne, %sign3A_652, %sign3A_659 : i32
    %rem3A_661 = arith.remsi %squeeze3A_643, %jit3A_644 : i32
    %ne3A_662 = arith.constant 0 : i32
    %ne3A_663 = arith.cmpi ne, %rem3A_661, %ne3A_662 : i32
    %and3A_664 = arith.andi %ne3A_660, %ne3A_663 : i1
    %sub3A_665 = arith.constant 1 : i32
    %sub3A_666 = arith.subi %div3A_645, %sub3A_665 : i32
    %select_n3A_667 = arith.select %and3A_664, %sub3A_666, %div3A_645 : i32
    %mul3A_668 = arith.constant 128 : i32
    %mul3A_669 = arith.muli %select_n3A_667, %mul3A_668 : i32
    %multiple_of3A_670 = tpu.assume_multiple %mul3A_669, 128 : i32
    %dma_start3A_671 = arith.constant 1 : i32
    %dma_start3A_672 = arith.constant 7 : i32
    %dma_start3A_673 = arith.constant 0 : i32
    %dma_start3A_674 = arith.constant 0 : i32
    %dma_start3A_675 = tpu.memref_slice %arg6[%dma_start3A_671, %dma_start3A_672, %dma_start3A_673, %dma_start3A_674] : memref<3x8x32x128xf32, #tpu.memory_space<vmem>> -> memref<1x1x32x128xf32, #tpu.memory_space<vmem>>
    %dma_start3A_676 = tpu.memref_squeeze %dma_start3A_675 : memref<1x1x32x128xf32, #tpu.memory_space<vmem>> -> memref<32x128xf32, #tpu.memory_space<vmem>>
    %dma_start3A_677 = arith.constant 0 : i32
    %dma_start3A_678 = tpu.memref_slice %arg3[%dma_start3A_677, %multiple_of3A_670] : memref<32x100000xf32, #tpu.memory_space<hbm>> -> memref<32x128xf32, #tpu.memory_space<hbm>>
    %dma_start3A_679 = arith.constant 0 : i32
    %dma_start3A_680 = arith.constant 0 : i32
    %dma_start3A_681 = tpu.memref_slice %arg6[%dma_start3A_671, %dma_start3A_672, %dma_start3A_679, %dma_start3A_680] : memref<3x8x32x128xf32, #tpu.memory_space<vmem>> -> memref<1x1x32x128xf32, #tpu.memory_space<vmem>>
    %dma_start3A_682 = tpu.memref_squeeze %dma_start3A_681 : memref<1x1x32x128xf32, #tpu.memory_space<vmem>> -> memref<32x128xf32, #tpu.memory_space<vmem>>
    %dma_start3A_683 = arith.constant 0 : i32
    %dma_start3A_684 = tpu.memref_slice %arg3[%dma_start3A_683, %multiple_of3A_670] : memref<32x100000xf32, #tpu.memory_space<hbm>> -> memref<32x128xf32, #tpu.memory_space<hbm>>
    tpu.enqueue_dma source(%dma_start3A_684 : memref<32x128xf32, #tpu.memory_space<hbm>>) target(%dma_start3A_682 : memref<32x128xf32, #tpu.memory_space<vmem>>) target_semaphore(%arg9 : memref<!tpu.dma_semaphore, #tpu.memory_space<semaphore_mem>>)
    %slice3A_685 = vector.extract_strided_slice %get3A_8 {offsets = [0], sizes = [1], strides = [1]} : vector<16xi32> to vector<1xi32>
    %squeeze3A_686 = vector.extract %slice3A_685[0] : i32 from vector<1xi32>
    %jit3A_687 = arith.constant 128 : i32
    %div3A_688 = arith.divsi %squeeze3A_686, %jit3A_687 : i32
    %sign3A_689 = arith.constant 0 : i32
    %sign3A_690 = arith.cmpi sgt, %squeeze3A_686, %sign3A_689 : i32
    %sign3A_691 = arith.extui %sign3A_690 : i1 to i32
    %sign3A_692 = arith.constant 0 : i32
    %sign3A_693 = arith.cmpi slt, %squeeze3A_686, %sign3A_692 : i32
    %sign3A_694 = arith.extui %sign3A_693 : i1 to i32
    %sign3A_695 = arith.subi %sign3A_691, %sign3A_694 : i32
    %sign3A_696 = arith.constant 0 : i32
    %sign3A_697 = arith.cmpi sgt, %jit3A_687, %sign3A_696 : i32
    %sign3A_698 = arith.extui %sign3A_697 : i1 to i32
    %sign3A_699 = arith.constant 0 : i32
    %sign3A_700 = arith.cmpi slt, %jit3A_687, %sign3A_699 : i32
    %sign3A_701 = arith.extui %sign3A_700 : i1 to i32
    %sign3A_702 = arith.subi %sign3A_698, %sign3A_701 : i32
    %ne3A_703 = arith.cmpi ne, %sign3A_695, %sign3A_702 : i32
    %rem3A_704 = arith.remsi %squeeze3A_686, %jit3A_687 : i32
    %ne3A_705 = arith.constant 0 : i32
    %ne3A_706 = arith.cmpi ne, %rem3A_704, %ne3A_705 : i32
    %and3A_707 = arith.andi %ne3A_703, %ne3A_706 : i1
    %sub3A_708 = arith.constant 1 : i32
    %sub3A_709 = arith.subi %div3A_688, %sub3A_708 : i32
    %select_n3A_710 = arith.select %and3A_707, %sub3A_709, %div3A_688 : i32
    %mul3A_711 = arith.constant 128 : i32
    %mul3A_712 = arith.muli %select_n3A_710, %mul3A_711 : i32
    %multiple_of3A_713 = tpu.assume_multiple %mul3A_712, 128 : i32
    %dma_start3A_714 = arith.constant 2 : i32
    %dma_start3A_715 = arith.constant 0 : i32
    %dma_start3A_716 = arith.constant 0 : i32
    %dma_start3A_717 = arith.constant 0 : i32
    %dma_start3A_718 = tpu.memref_slice %arg6[%dma_start3A_714, %dma_start3A_715, %dma_start3A_716, %dma_start3A_717] : memref<3x8x32x128xf32, #tpu.memory_space<vmem>> -> memref<1x1x32x128xf32, #tpu.memory_space<vmem>>
    %dma_start3A_719 = tpu.memref_squeeze %dma_start3A_718 : memref<1x1x32x128xf32, #tpu.memory_space<vmem>> -> memref<32x128xf32, #tpu.memory_space<vmem>>
    %dma_start3A_720 = arith.constant 0 : i32
    %dma_start3A_721 = tpu.memref_slice %arg3[%dma_start3A_720, %multiple_of3A_713] : memref<32x100000xf32, #tpu.memory_space<hbm>> -> memref<32x128xf32, #tpu.memory_space<hbm>>
    %dma_start3A_722 = arith.constant 0 : i32
    %dma_start3A_723 = arith.constant 0 : i32
    %dma_start3A_724 = tpu.memref_slice %arg6[%dma_start3A_714, %dma_start3A_715, %dma_start3A_722, %dma_start3A_723] : memref<3x8x32x128xf32, #tpu.memory_space<vmem>> -> memref<1x1x32x128xf32, #tpu.memory_space<vmem>>
    %dma_start3A_725 = tpu.memref_squeeze %dma_start3A_724 : memref<1x1x32x128xf32, #tpu.memory_space<vmem>> -> memref<32x128xf32, #tpu.memory_space<vmem>>
    %dma_start3A_726 = arith.constant 0 : i32
    %dma_start3A_727 = tpu.memref_slice %arg3[%dma_start3A_726, %multiple_of3A_713] : memref<32x100000xf32, #tpu.memory_space<hbm>> -> memref<32x128xf32, #tpu.memory_space<hbm>>
    tpu.enqueue_dma source(%dma_start3A_727 : memref<32x128xf32, #tpu.memory_space<hbm>>) target(%dma_start3A_725 : memref<32x128xf32, #tpu.memory_space<vmem>>) target_semaphore(%arg10 : memref<!tpu.dma_semaphore, #tpu.memory_space<semaphore_mem>>)
    %slice3A_728 = vector.extract_strided_slice %get3A_8 {offsets = [1], sizes = [1], strides = [1]} : vector<16xi32> to vector<1xi32>
    %squeeze3A_729 = vector.extract %slice3A_728[0] : i32 from vector<1xi32>
    %jit3A_730 = arith.constant 128 : i32
    %div3A_731 = arith.divsi %squeeze3A_729, %jit3A_730 : i32
    %sign3A_732 = arith.constant 0 : i32
    %sign3A_733 = arith.cmpi sgt, %squeeze3A_729, %sign3A_732 : i32
    %sign3A_734 = arith.extui %sign3A_733 : i1 to i32
    %sign3A_735 = arith.constant 0 : i32
    %sign3A_736 = arith.cmpi slt, %squeeze3A_729, %sign3A_735 : i32
    %sign3A_737 = arith.extui %sign3A_736 : i1 to i32
    %sign3A_738 = arith.subi %sign3A_734, %sign3A_737 : i32
    %sign3A_739 = arith.constant 0 : i32
    %sign3A_740 = arith.cmpi sgt, %jit3A_730, %sign3A_739 : i32
    %sign3A_741 = arith.extui %sign3A_740 : i1 to i32
    %sign3A_742 = arith.constant 0 : i32
    %sign3A_743 = arith.cmpi slt, %jit3A_730, %sign3A_742 : i32
    %sign3A_744 = arith.extui %sign3A_743 : i1 to i32
    %sign3A_745 = arith.subi %sign3A_741, %sign3A_744 : i32
    %ne3A_746 = arith.cmpi ne, %sign3A_738, %sign3A_745 : i32
    %rem3A_747 = arith.remsi %squeeze3A_729, %jit3A_730 : i32
    %ne3A_748 = arith.constant 0 : i32
    %ne3A_749 = arith.cmpi ne, %rem3A_747, %ne3A_748 : i32
    %and3A_750 = arith.andi %ne3A_746, %ne3A_749 : i1
    %sub3A_751 = arith.constant 1 : i32
    %sub3A_752 = arith.subi %div3A_731, %sub3A_751 : i32
    %select_n3A_753 = arith.select %and3A_750, %sub3A_752, %div3A_731 : i32
    %mul3A_754 = arith.constant 128 : i32
    %mul3A_755 = arith.muli %select_n3A_753, %mul3A_754 : i32
    %multiple_of3A_756 = tpu.assume_multiple %mul3A_755, 128 : i32
    %dma_start3A_757 = arith.constant 2 : i32
    %dma_start3A_758 = arith.constant 1 : i32
    %dma_start3A_759 = arith.constant 0 : i32
    %dma_start3A_760 = arith.constant 0 : i32
    %dma_start3A_761 = tpu.memref_slice %arg6[%dma_start3A_757, %dma_start3A_758, %dma_start3A_759, %dma_start3A_760] : memref<3x8x32x128xf32, #tpu.memory_space<vmem>> -> memref<1x1x32x128xf32, #tpu.memory_space<vmem>>
    %dma_start3A_762 = tpu.memref_squeeze %dma_start3A_761 : memref<1x1x32x128xf32, #tpu.memory_space<vmem>> -> memref<32x128xf32, #tpu.memory_space<vmem>>
    %dma_start3A_763 = arith.constant 0 : i32
    %dma_start3A_764 = tpu.memref_slice %arg3[%dma_start3A_763, %multiple_of3A_756] : memref<32x100000xf32, #tpu.memory_space<hbm>> -> memref<32x128xf32, #tpu.memory_space<hbm>>
    %dma_start3A_765 = arith.constant 0 : i32
    %dma_start3A_766 = arith.constant 0 : i32
    %dma_start3A_767 = tpu.memref_slice %arg6[%dma_start3A_757, %dma_start3A_758, %dma_start3A_765, %dma_start3A_766] : memref<3x8x32x128xf32, #tpu.memory_space<vmem>> -> memref<1x1x32x128xf32, #tpu.memory_space<vmem>>
    %dma_start3A_768 = tpu.memref_squeeze %dma_start3A_767 : memref<1x1x32x128xf32, #tpu.memory_space<vmem>> -> memref<32x128xf32, #tpu.memory_space<vmem>>
    %dma_start3A_769 = arith.constant 0 : i32
    %dma_start3A_770 = tpu.memref_slice %arg3[%dma_start3A_769, %multiple_of3A_756] : memref<32x100000xf32, #tpu.memory_space<hbm>> -> memref<32x128xf32, #tpu.memory_space<hbm>>
    tpu.enqueue_dma source(%dma_start3A_770 : memref<32x128xf32, #tpu.memory_space<hbm>>) target(%dma_start3A_768 : memref<32x128xf32, #tpu.memory_space<vmem>>) target_semaphore(%arg10 : memref<!tpu.dma_semaphore, #tpu.memory_space<semaphore_mem>>)
    %slice3A_771 = vector.extract_strided_slice %get3A_8 {offsets = [2], sizes = [1], strides = [1]} : vector<16xi32> to vector<1xi32>
    %squeeze3A_772 = vector.extract %slice3A_771[0] : i32 from vector<1xi32>
    %jit3A_773 = arith.constant 128 : i32
    %div3A_774 = arith.divsi %squeeze3A_772, %jit3A_773 : i32
    %sign3A_775 = arith.constant 0 : i32
    %sign3A_776 = arith.cmpi sgt, %squeeze3A_772, %sign3A_775 : i32
    %sign3A_777 = arith.extui %sign3A_776 : i1 to i32
    %sign3A_778 = arith.constant 0 : i32
    %sign3A_779 = arith.cmpi slt, %squeeze3A_772, %sign3A_778 : i32
    %sign3A_780 = arith.extui %sign3A_779 : i1 to i32
    %sign3A_781 = arith.subi %sign3A_777, %sign3A_780 : i32
    %sign3A_782 = arith.constant 0 : i32
    %sign3A_783 = arith.cmpi sgt, %jit3A_773, %sign3A_782 : i32
    %sign3A_784 = arith.extui %sign3A_783 : i1 to i32
    %sign3A_785 = arith.constant 0 : i32
    %sign3A_786 = arith.cmpi slt, %jit3A_773, %sign3A_785 : i32
    %sign3A_787 = arith.extui %sign3A_786 : i1 to i32
    %sign3A_788 = arith.subi %sign3A_784, %sign3A_787 : i32
    %ne3A_789 = arith.cmpi ne, %sign3A_781, %sign3A_788 : i32
    %rem3A_790 = arith.remsi %squeeze3A_772, %jit3A_773 : i32
    %ne3A_791 = arith.constant 0 : i32
    %ne3A_792 = arith.cmpi ne, %rem3A_790, %ne3A_791 : i32
    %and3A_793 = arith.andi %ne3A_789, %ne3A_792 : i1
    %sub3A_794 = arith.constant 1 : i32
    %sub3A_795 = arith.subi %div3A_774, %sub3A_794 : i32
    %select_n3A_796 = arith.select %and3A_793, %sub3A_795, %div3A_774 : i32
    %mul3A_797 = arith.constant 128 : i32
    %mul3A_798 = arith.muli %select_n3A_796, %mul3A_797 : i32
    %multiple_of3A_799 = tpu.assume_multiple %mul3A_798, 128 : i32
    %dma_start3A_800 = arith.constant 2 : i32
    %dma_start3A_801 = arith.constant 2 : i32
    %dma_start3A_802 = arith.constant 0 : i32
    %dma_start3A_803 = arith.constant 0 : i32
    %dma_start3A_804 = tpu.memref_slice %arg6[%dma_start3A_800, %dma_start3A_801, %dma_start3A_802, %dma_start3A_803] : memref<3x8x32x128xf32, #tpu.memory_space<vmem>> -> memref<1x1x32x128xf32, #tpu.memory_space<vmem>>
    %dma_start3A_805 = tpu.memref_squeeze %dma_start3A_804 : memref<1x1x32x128xf32, #tpu.memory_space<vmem>> -> memref<32x128xf32, #tpu.memory_space<vmem>>
    %dma_start3A_806 = arith.constant 0 : i32
    %dma_start3A_807 = tpu.memref_slice %arg3[%dma_start3A_806, %multiple_of3A_799] : memref<32x100000xf32, #tpu.memory_space<hbm>> -> memref<32x128xf32, #tpu.memory_space<hbm>>
    %dma_start3A_808 = arith.constant 0 : i32
    %dma_start3A_809 = arith.constant 0 : i32
    %dma_start3A_810 = tpu.memref_slice %arg6[%dma_start3A_800, %dma_start3A_801, %dma_start3A_808, %dma_start3A_809] : memref<3x8x32x128xf32, #tpu.memory_space<vmem>> -> memref<1x1x32x128xf32, #tpu.memory_space<vmem>>
    %dma_start3A_811 = tpu.memref_squeeze %dma_start3A_810 : memref<1x1x32x128xf32, #tpu.memory_space<vmem>> -> memref<32x128xf32, #tpu.memory_space<vmem>>
    %dma_start3A_812 = arith.constant 0 : i32
    %dma_start3A_813 = tpu.memref_slice %arg3[%dma_start3A_812, %multiple_of3A_799] : memref<32x100000xf32, #tpu.memory_space<hbm>> -> memref<32x128xf32, #tpu.memory_space<hbm>>
    tpu.enqueue_dma source(%dma_start3A_813 : memref<32x128xf32, #tpu.memory_space<hbm>>) target(%dma_start3A_811 : memref<32x128xf32, #tpu.memory_space<vmem>>) target_semaphore(%arg10 : memref<!tpu.dma_semaphore, #tpu.memory_space<semaphore_mem>>)
    %slice3A_814 = vector.extract_strided_slice %get3A_8 {offsets = [3], sizes = [1], strides = [1]} : vector<16xi32> to vector<1xi32>
    %squeeze3A_815 = vector.extract %slice3A_814[0] : i32 from vector<1xi32>
    %jit3A_816 = arith.constant 128 : i32
    %div3A_817 = arith.divsi %squeeze3A_815, %jit3A_816 : i32
    %sign3A_818 = arith.constant 0 : i32
    %sign3A_819 = arith.cmpi sgt, %squeeze3A_815, %sign3A_818 : i32
    %sign3A_820 = arith.extui %sign3A_819 : i1 to i32
    %sign3A_821 = arith.constant 0 : i32
    %sign3A_822 = arith.cmpi slt, %squeeze3A_815, %sign3A_821 : i32
    %sign3A_823 = arith.extui %sign3A_822 : i1 to i32
    %sign3A_824 = arith.subi %sign3A_820, %sign3A_823 : i32
    %sign3A_825 = arith.constant 0 : i32
    %sign3A_826 = arith.cmpi sgt, %jit3A_816, %sign3A_825 : i32
    %sign3A_827 = arith.extui %sign3A_826 : i1 to i32
    %sign3A_828 = arith.constant 0 : i32
    %sign3A_829 = arith.cmpi slt, %jit3A_816, %sign3A_828 : i32
    %sign3A_830 = arith.extui %sign3A_829 : i1 to i32
    %sign3A_831 = arith.subi %sign3A_827, %sign3A_830 : i32
    %ne3A_832 = arith.cmpi ne, %sign3A_824, %sign3A_831 : i32
    %rem3A_833 = arith.remsi %squeeze3A_815, %jit3A_816 : i32
    %ne3A_834 = arith.constant 0 : i32
    %ne3A_835 = arith.cmpi ne, %rem3A_833, %ne3A_834 : i32
    %and3A_836 = arith.andi %ne3A_832, %ne3A_835 : i1
    %sub3A_837 = arith.constant 1 : i32
    %sub3A_838 = arith.subi %div3A_817, %sub3A_837 : i32
    %select_n3A_839 = arith.select %and3A_836, %sub3A_838, %div3A_817 : i32
    %mul3A_840 = arith.constant 128 : i32
    %mul3A_841 = arith.muli %select_n3A_839, %mul3A_840 : i32
    %multiple_of3A_842 = tpu.assume_multiple %mul3A_841, 128 : i32
    %dma_start3A_843 = arith.constant 2 : i32
    %dma_start3A_844 = arith.constant 3 : i32
    %dma_start3A_845 = arith.constant 0 : i32
    %dma_start3A_846 = arith.constant 0 : i32
    %dma_start3A_847 = tpu.memref_slice %arg6[%dma_start3A_843, %dma_start3A_844, %dma_start3A_845, %dma_start3A_846] : memref<3x8x32x128xf32, #tpu.memory_space<vmem>> -> memref<1x1x32x128xf32, #tpu.memory_space<vmem>>
    %dma_start3A_848 = tpu.memref_squeeze %dma_start3A_847 : memref<1x1x32x128xf32, #tpu.memory_space<vmem>> -> memref<32x128xf32, #tpu.memory_space<vmem>>
    %dma_start3A_849 = arith.constant 0 : i32
    %dma_start3A_850 = tpu.memref_slice %arg3[%dma_start3A_849, %multiple_of3A_842] : memref<32x100000xf32, #tpu.memory_space<hbm>> -> memref<32x128xf32, #tpu.memory_space<hbm>>
    %dma_start3A_851 = arith.constant 0 : i32
    %dma_start3A_852 = arith.constant 0 : i32
    %dma_start3A_853 = tpu.memref_slice %arg6[%dma_start3A_843, %dma_start3A_844, %dma_start3A_851, %dma_start3A_852] : memref<3x8x32x128xf32, #tpu.memory_space<vmem>> -> memref<1x1x32x128xf32, #tpu.memory_space<vmem>>
    %dma_start3A_854 = tpu.memref_squeeze %dma_start3A_853 : memref<1x1x32x128xf32, #tpu.memory_space<vmem>> -> memref<32x128xf32, #tpu.memory_space<vmem>>
    %dma_start3A_855 = arith.constant 0 : i32
    %dma_start3A_856 = tpu.memref_slice %arg3[%dma_start3A_855, %multiple_of3A_842] : memref<32x100000xf32, #tpu.memory_space<hbm>> -> memref<32x128xf32, #tpu.memory_space<hbm>>
    tpu.enqueue_dma source(%dma_start3A_856 : memref<32x128xf32, #tpu.memory_space<hbm>>) target(%dma_start3A_854 : memref<32x128xf32, #tpu.memory_space<vmem>>) target_semaphore(%arg10 : memref<!tpu.dma_semaphore, #tpu.memory_space<semaphore_mem>>)
    %slice3A_857 = vector.extract_strided_slice %get3A_8 {offsets = [4], sizes = [1], strides = [1]} : vector<16xi32> to vector<1xi32>
    %squeeze3A_858 = vector.extract %slice3A_857[0] : i32 from vector<1xi32>
    %jit3A_859 = arith.constant 128 : i32
    %div3A_860 = arith.divsi %squeeze3A_858, %jit3A_859 : i32
    %sign3A_861 = arith.constant 0 : i32
    %sign3A_862 = arith.cmpi sgt, %squeeze3A_858, %sign3A_861 : i32
    %sign3A_863 = arith.extui %sign3A_862 : i1 to i32
    %sign3A_864 = arith.constant 0 : i32
    %sign3A_865 = arith.cmpi slt, %squeeze3A_858, %sign3A_864 : i32
    %sign3A_866 = arith.extui %sign3A_865 : i1 to i32
    %sign3A_867 = arith.subi %sign3A_863, %sign3A_866 : i32
    %sign3A_868 = arith.constant 0 : i32
    %sign3A_869 = arith.cmpi sgt, %jit3A_859, %sign3A_868 : i32
    %sign3A_870 = arith.extui %sign3A_869 : i1 to i32
    %sign3A_871 = arith.constant 0 : i32
    %sign3A_872 = arith.cmpi slt, %jit3A_859, %sign3A_871 : i32
    %sign3A_873 = arith.extui %sign3A_872 : i1 to i32
    %sign3A_874 = arith.subi %sign3A_870, %sign3A_873 : i32
    %ne3A_875 = arith.cmpi ne, %sign3A_867, %sign3A_874 : i32
    %rem3A_876 = arith.remsi %squeeze3A_858, %jit3A_859 : i32
    %ne3A_877 = arith.constant 0 : i32
    %ne3A_878 = arith.cmpi ne, %rem3A_876, %ne3A_877 : i32
    %and3A_879 = arith.andi %ne3A_875, %ne3A_878 : i1
    %sub3A_880 = arith.constant 1 : i32
    %sub3A_881 = arith.subi %div3A_860, %sub3A_880 : i32
    %select_n3A_882 = arith.select %and3A_879, %sub3A_881, %div3A_860 : i32
    %mul3A_883 = arith.constant 128 : i32
    %mul3A_884 = arith.muli %select_n3A_882, %mul3A_883 : i32
    %multiple_of3A_885 = tpu.assume_multiple %mul3A_884, 128 : i32
    %dma_start3A_886 = arith.constant 2 : i32
    %dma_start3A_887 = arith.constant 4 : i32
    %dma_start3A_888 = arith.constant 0 : i32
    %dma_start3A_889 = arith.constant 0 : i32
    %dma_start3A_890 = tpu.memref_slice %arg6[%dma_start3A_886, %dma_start3A_887, %dma_start3A_888, %dma_start3A_889] : memref<3x8x32x128xf32, #tpu.memory_space<vmem>> -> memref<1x1x32x128xf32, #tpu.memory_space<vmem>>
    %dma_start3A_891 = tpu.memref_squeeze %dma_start3A_890 : memref<1x1x32x128xf32, #tpu.memory_space<vmem>> -> memref<32x128xf32, #tpu.memory_space<vmem>>
    %dma_start3A_892 = arith.constant 0 : i32
    %dma_start3A_893 = tpu.memref_slice %arg3[%dma_start3A_892, %multiple_of3A_885] : memref<32x100000xf32, #tpu.memory_space<hbm>> -> memref<32x128xf32, #tpu.memory_space<hbm>>
    %dma_start3A_894 = arith.constant 0 : i32
    %dma_start3A_895 = arith.constant 0 : i32
    %dma_start3A_896 = tpu.memref_slice %arg6[%dma_start3A_886, %dma_start3A_887, %dma_start3A_894, %dma_start3A_895] : memref<3x8x32x128xf32, #tpu.memory_space<vmem>> -> memref<1x1x32x128xf32, #tpu.memory_space<vmem>>
    %dma_start3A_897 = tpu.memref_squeeze %dma_start3A_896 : memref<1x1x32x128xf32, #tpu.memory_space<vmem>> -> memref<32x128xf32, #tpu.memory_space<vmem>>
    %dma_start3A_898 = arith.constant 0 : i32
    %dma_start3A_899 = tpu.memref_slice %arg3[%dma_start3A_898, %multiple_of3A_885] : memref<32x100000xf32, #tpu.memory_space<hbm>> -> memref<32x128xf32, #tpu.memory_space<hbm>>
    tpu.enqueue_dma source(%dma_start3A_899 : memref<32x128xf32, #tpu.memory_space<hbm>>) target(%dma_start3A_897 : memref<32x128xf32, #tpu.memory_space<vmem>>) target_semaphore(%arg10 : memref<!tpu.dma_semaphore, #tpu.memory_space<semaphore_mem>>)
    %slice3A_900 = vector.extract_strided_slice %get3A_8 {offsets = [5], sizes = [1], strides = [1]} : vector<16xi32> to vector<1xi32>
    %squeeze3A_901 = vector.extract %slice3A_900[0] : i32 from vector<1xi32>
    %jit3A_902 = arith.constant 128 : i32
    %div3A_903 = arith.divsi %squeeze3A_901, %jit3A_902 : i32
    %sign3A_904 = arith.constant 0 : i32
    %sign3A_905 = arith.cmpi sgt, %squeeze3A_901, %sign3A_904 : i32
    %sign3A_906 = arith.extui %sign3A_905 : i1 to i32
    %sign3A_907 = arith.constant 0 : i32
    %sign3A_908 = arith.cmpi slt, %squeeze3A_901, %sign3A_907 : i32
    %sign3A_909 = arith.extui %sign3A_908 : i1 to i32
    %sign3A_910 = arith.subi %sign3A_906, %sign3A_909 : i32
    %sign3A_911 = arith.constant 0 : i32
    %sign3A_912 = arith.cmpi sgt, %jit3A_902, %sign3A_911 : i32
    %sign3A_913 = arith.extui %sign3A_912 : i1 to i32
    %sign3A_914 = arith.constant 0 : i32
    %sign3A_915 = arith.cmpi slt, %jit3A_902, %sign3A_914 : i32
    %sign3A_916 = arith.extui %sign3A_915 : i1 to i32
    %sign3A_917 = arith.subi %sign3A_913, %sign3A_916 : i32
    %ne3A_918 = arith.cmpi ne, %sign3A_910, %sign3A_917 : i32
    %rem3A_919 = arith.remsi %squeeze3A_901, %jit3A_902 : i32
    %ne3A_920 = arith.constant 0 : i32
    %ne3A_921 = arith.cmpi ne, %rem3A_919, %ne3A_920 : i32
    %and3A_922 = arith.andi %ne3A_918, %ne3A_921 : i1
    %sub3A_923 = arith.constant 1 : i32
    %sub3A_924 = arith.subi %div3A_903, %sub3A_923 : i32
    %select_n3A_925 = arith.select %and3A_922, %sub3A_924, %div3A_903 : i32
    %mul3A_926 = arith.constant 128 : i32
    %mul3A_927 = arith.muli %select_n3A_925, %mul3A_926 : i32
    %multiple_of3A_928 = tpu.assume_multiple %mul3A_927, 128 : i32
    %dma_start3A_929 = arith.constant 2 : i32
    %dma_start3A_930 = arith.constant 5 : i32
    %dma_start3A_931 = arith.constant 0 : i32
    %dma_start3A_932 = arith.constant 0 : i32
    %dma_start3A_933 = tpu.memref_slice %arg6[%dma_start3A_929, %dma_start3A_930, %dma_start3A_931, %dma_start3A_932] : memref<3x8x32x128xf32, #tpu.memory_space<vmem>> -> memref<1x1x32x128xf32, #tpu.memory_space<vmem>>
    %dma_start3A_934 = tpu.memref_squeeze %dma_start3A_933 : memref<1x1x32x128xf32, #tpu.memory_space<vmem>> -> memref<32x128xf32, #tpu.memory_space<vmem>>
    %dma_start3A_935 = arith.constant 0 : i32
    %dma_start3A_936 = tpu.memref_slice %arg3[%dma_start3A_935, %multiple_of3A_928] : memref<32x100000xf32, #tpu.memory_space<hbm>> -> memref<32x128xf32, #tpu.memory_space<hbm>>
    %dma_start3A_937 = arith.constant 0 : i32
    %dma_start3A_938 = arith.constant 0 : i32
    %dma_start3A_939 = tpu.memref_slice %arg6[%dma_start3A_929, %dma_start3A_930, %dma_start3A_937, %dma_start3A_938] : memref<3x8x32x128xf32, #tpu.memory_space<vmem>> -> memref<1x1x32x128xf32, #tpu.memory_space<vmem>>
    %dma_start3A_940 = tpu.memref_squeeze %dma_start3A_939 : memref<1x1x32x128xf32, #tpu.memory_space<vmem>> -> memref<32x128xf32, #tpu.memory_space<vmem>>
    %dma_start3A_941 = arith.constant 0 : i32
    %dma_start3A_942 = tpu.memref_slice %arg3[%dma_start3A_941, %multiple_of3A_928] : memref<32x100000xf32, #tpu.memory_space<hbm>> -> memref<32x128xf32, #tpu.memory_space<hbm>>
    tpu.enqueue_dma source(%dma_start3A_942 : memref<32x128xf32, #tpu.memory_space<hbm>>) target(%dma_start3A_940 : memref<32x128xf32, #tpu.memory_space<vmem>>) target_semaphore(%arg10 : memref<!tpu.dma_semaphore, #tpu.memory_space<semaphore_mem>>)
    %slice3A_943 = vector.extract_strided_slice %get3A_8 {offsets = [6], sizes = [1], strides = [1]} : vector<16xi32> to vector<1xi32>
    %squeeze3A_944 = vector.extract %slice3A_943[0] : i32 from vector<1xi32>
    %jit3A_945 = arith.constant 128 : i32
    %div3A_946 = arith.divsi %squeeze3A_944, %jit3A_945 : i32
    %sign3A_947 = arith.constant 0 : i32
    %sign3A_948 = arith.cmpi sgt, %squeeze3A_944, %sign3A_947 : i32
    %sign3A_949 = arith.extui %sign3A_948 : i1 to i32
    %sign3A_950 = arith.constant 0 : i32
    %sign3A_951 = arith.cmpi slt, %squeeze3A_944, %sign3A_950 : i32
    %sign3A_952 = arith.extui %sign3A_951 : i1 to i32
    %sign3A_953 = arith.subi %sign3A_949, %sign3A_952 : i32
    %sign3A_954 = arith.constant 0 : i32
    %sign3A_955 = arith.cmpi sgt, %jit3A_945, %sign3A_954 : i32
    %sign3A_956 = arith.extui %sign3A_955 : i1 to i32
    %sign3A_957 = arith.constant 0 : i32
    %sign3A_958 = arith.cmpi slt, %jit3A_945, %sign3A_957 : i32
    %sign3A_959 = arith.extui %sign3A_958 : i1 to i32
    %sign3A_960 = arith.subi %sign3A_956, %sign3A_959 : i32
    %ne3A_961 = arith.cmpi ne, %sign3A_953, %sign3A_960 : i32
    %rem3A_962 = arith.remsi %squeeze3A_944, %jit3A_945 : i32
    %ne3A_963 = arith.constant 0 : i32
    %ne3A_964 = arith.cmpi ne, %rem3A_962, %ne3A_963 : i32
    %and3A_965 = arith.andi %ne3A_961, %ne3A_964 : i1
    %sub3A_966 = arith.constant 1 : i32
    %sub3A_967 = arith.subi %div3A_946, %sub3A_966 : i32
    %select_n3A_968 = arith.select %and3A_965, %sub3A_967, %div3A_946 : i32
    %mul3A_969 = arith.constant 128 : i32
    %mul3A_970 = arith.muli %select_n3A_968, %mul3A_969 : i32
    %multiple_of3A_971 = tpu.assume_multiple %mul3A_970, 128 : i32
    %dma_start3A_972 = arith.constant 2 : i32
    %dma_start3A_973 = arith.constant 6 : i32
    %dma_start3A_974 = arith.constant 0 : i32
    %dma_start3A_975 = arith.constant 0 : i32
    %dma_start3A_976 = tpu.memref_slice %arg6[%dma_start3A_972, %dma_start3A_973, %dma_start3A_974, %dma_start3A_975] : memref<3x8x32x128xf32, #tpu.memory_space<vmem>> -> memref<1x1x32x128xf32, #tpu.memory_space<vmem>>
    %dma_start3A_977 = tpu.memref_squeeze %dma_start3A_976 : memref<1x1x32x128xf32, #tpu.memory_space<vmem>> -> memref<32x128xf32, #tpu.memory_space<vmem>>
    %dma_start3A_978 = arith.constant 0 : i32
    %dma_start3A_979 = tpu.memref_slice %arg3[%dma_start3A_978, %multiple_of3A_971] : memref<32x100000xf32, #tpu.memory_space<hbm>> -> memref<32x128xf32, #tpu.memory_space<hbm>>
    %dma_start3A_980 = arith.constant 0 : i32
    %dma_start3A_981 = arith.constant 0 : i32
    %dma_start3A_982 = tpu.memref_slice %arg6[%dma_start3A_972, %dma_start3A_973, %dma_start3A_980, %dma_start3A_981] : memref<3x8x32x128xf32, #tpu.memory_space<vmem>> -> memref<1x1x32x128xf32, #tpu.memory_space<vmem>>
    %dma_start3A_983 = tpu.memref_squeeze %dma_start3A_982 : memref<1x1x32x128xf32, #tpu.memory_space<vmem>> -> memref<32x128xf32, #tpu.memory_space<vmem>>
    %dma_start3A_984 = arith.constant 0 : i32
    %dma_start3A_985 = tpu.memref_slice %arg3[%dma_start3A_984, %multiple_of3A_971] : memref<32x100000xf32, #tpu.memory_space<hbm>> -> memref<32x128xf32, #tpu.memory_space<hbm>>
    tpu.enqueue_dma source(%dma_start3A_985 : memref<32x128xf32, #tpu.memory_space<hbm>>) target(%dma_start3A_983 : memref<32x128xf32, #tpu.memory_space<vmem>>) target_semaphore(%arg10 : memref<!tpu.dma_semaphore, #tpu.memory_space<semaphore_mem>>)
    %slice3A_986 = vector.extract_strided_slice %get3A_8 {offsets = [7], sizes = [1], strides = [1]} : vector<16xi32> to vector<1xi32>
    %squeeze3A_987 = vector.extract %slice3A_986[0] : i32 from vector<1xi32>
    %jit3A_988 = arith.constant 128 : i32
    %div3A_989 = arith.divsi %squeeze3A_987, %jit3A_988 : i32
    %sign3A_990 = arith.constant 0 : i32
    %sign3A_991 = arith.cmpi sgt, %squeeze3A_987, %sign3A_990 : i32
    %sign3A_992 = arith.extui %sign3A_991 : i1 to i32
    %sign3A_993 = arith.constant 0 : i32
    %sign3A_994 = arith.cmpi slt, %squeeze3A_987, %sign3A_993 : i32
    %sign3A_995 = arith.extui %sign3A_994 : i1 to i32
    %sign3A_996 = arith.subi %sign3A_992, %sign3A_995 : i32
    %sign3A_997 = arith.constant 0 : i32
    %sign3A_998 = arith.cmpi sgt, %jit3A_988, %sign3A_997 : i32
    %sign3A_999 = arith.extui %sign3A_998 : i1 to i32
    %sign3A_1000 = arith.constant 0 : i32
    %sign3A_1001 = arith.cmpi slt, %jit3A_988, %sign3A_1000 : i32
    %sign3A_1002 = arith.extui %sign3A_1001 : i1 to i32
    %sign3A_1003 = arith.subi %sign3A_999, %sign3A_1002 : i32
    %ne3A_1004 = arith.cmpi ne, %sign3A_996, %sign3A_1003 : i32
    %rem3A_1005 = arith.remsi %squeeze3A_987, %jit3A_988 : i32
    %ne3A_1006 = arith.constant 0 : i32
    %ne3A_1007 = arith.cmpi ne, %rem3A_1005, %ne3A_1006 : i32
    %and3A_1008 = arith.andi %ne3A_1004, %ne3A_1007 : i1
    %sub3A_1009 = arith.constant 1 : i32
    %sub3A_1010 = arith.subi %div3A_989, %sub3A_1009 : i32
    %select_n3A_1011 = arith.select %and3A_1008, %sub3A_1010, %div3A_989 : i32
    %mul3A_1012 = arith.constant 128 : i32
    %mul3A_1013 = arith.muli %select_n3A_1011, %mul3A_1012 : i32
    %multiple_of3A_1014 = tpu.assume_multiple %mul3A_1013, 128 : i32
    %dma_start3A_1015 = arith.constant 2 : i32
    %dma_start3A_1016 = arith.constant 7 : i32
    %dma_start3A_1017 = arith.constant 0 : i32
    %dma_start3A_1018 = arith.constant 0 : i32
    %dma_start3A_1019 = tpu.memref_slice %arg6[%dma_start3A_1015, %dma_start3A_1016, %dma_start3A_1017, %dma_start3A_1018] : memref<3x8x32x128xf32, #tpu.memory_space<vmem>> -> memref<1x1x32x128xf32, #tpu.memory_space<vmem>>
    %dma_start3A_1020 = tpu.memref_squeeze %dma_start3A_1019 : memref<1x1x32x128xf32, #tpu.memory_space<vmem>> -> memref<32x128xf32, #tpu.memory_space<vmem>>
    %dma_start3A_1021 = arith.constant 0 : i32
    %dma_start3A_1022 = tpu.memref_slice %arg3[%dma_start3A_1021, %multiple_of3A_1014] : memref<32x100000xf32, #tpu.memory_space<hbm>> -> memref<32x128xf32, #tpu.memory_space<hbm>>
    %dma_start3A_1023 = arith.constant 0 : i32
    %dma_start3A_1024 = arith.constant 0 : i32
    %dma_start3A_1025 = tpu.memref_slice %arg6[%dma_start3A_1015, %dma_start3A_1016, %dma_start3A_1023, %dma_start3A_1024] : memref<3x8x32x128xf32, #tpu.memory_space<vmem>> -> memref<1x1x32x128xf32, #tpu.memory_space<vmem>>
    %dma_start3A_1026 = tpu.memref_squeeze %dma_start3A_1025 : memref<1x1x32x128xf32, #tpu.memory_space<vmem>> -> memref<32x128xf32, #tpu.memory_space<vmem>>
    %dma_start3A_1027 = arith.constant 0 : i32
    %dma_start3A_1028 = tpu.memref_slice %arg3[%dma_start3A_1027, %multiple_of3A_1014] : memref<32x100000xf32, #tpu.memory_space<hbm>> -> memref<32x128xf32, #tpu.memory_space<hbm>>
    tpu.enqueue_dma source(%dma_start3A_1028 : memref<32x128xf32, #tpu.memory_space<hbm>>) target(%dma_start3A_1026 : memref<32x128xf32, #tpu.memory_space<vmem>>) target_semaphore(%arg10 : memref<!tpu.dma_semaphore, #tpu.memory_space<semaphore_mem>>)
    %dma_wait3A = arith.constant 0 : i32
    %dma_wait3A_1029 = arith.constant 0 : i32
    %dma_wait3A_1030 = arith.constant 0 : i32
    %dma_wait3A_1031 = arith.constant 0 : i32
    %dma_wait3A_1032 = tpu.memref_slice %arg6[%dma_wait3A, %dma_wait3A_1029, %dma_wait3A_1030, %dma_wait3A_1031] : memref<3x8x32x128xf32, #tpu.memory_space<vmem>> -> memref<1x1x32x128xf32, #tpu.memory_space<vmem>>
    %dma_wait3A_1033 = tpu.memref_squeeze %dma_wait3A_1032 : memref<1x1x32x128xf32, #tpu.memory_space<vmem>> -> memref<32x128xf32, #tpu.memory_space<vmem>>
    %dma_wait3A_1034 = arith.constant 0 : i32
    %dma_wait3A_1035 = tpu.memref_slice %arg3[%dma_wait3A_1034, %multiple_of3A] : memref<32x100000xf32, #tpu.memory_space<hbm>> -> memref<32x128xf32, #tpu.memory_space<hbm>>
    %dma_wait3A_1036 = arith.constant 0 : i32
    %dma_wait3A_1037 = arith.constant 0 : i32
    %dma_wait3A_1038 = tpu.memref_slice %arg6[%dma_wait3A, %dma_wait3A_1029, %dma_wait3A_1036, %dma_wait3A_1037] : memref<3x8x32x128xf32, #tpu.memory_space<vmem>> -> memref<1x1x32x128xf32, #tpu.memory_space<vmem>>
    %dma_wait3A_1039 = tpu.memref_squeeze %dma_wait3A_1038 : memref<1x1x32x128xf32, #tpu.memory_space<vmem>> -> memref<32x128xf32, #tpu.memory_space<vmem>>
    %dma_wait3A_1040 = arith.constant 0 : i32
    %dma_wait3A_1041 = tpu.memref_slice %arg3[%dma_wait3A_1040, %multiple_of3A] : memref<32x100000xf32, #tpu.memory_space<hbm>> -> memref<32x128xf32, #tpu.memory_space<hbm>>
    tpu.wait_dma2 semaphore(%arg8 : memref<!tpu.dma_semaphore, #tpu.memory_space<semaphore_mem>>) src(%dma_wait3A_1041 : memref<32x128xf32, #tpu.memory_space<hbm>>) dst(%dma_wait3A_1039 : memref<32x128xf32, #tpu.memory_space<vmem>>)
    %dma_wait3A_1042 = arith.constant 0 : i32
    %dma_wait3A_1043 = arith.constant 1 : i32
    %dma_wait3A_1044 = arith.constant 0 : i32
    %dma_wait3A_1045 = arith.constant 0 : i32
    %dma_wait3A_1046 = tpu.memref_slice %arg6[%dma_wait3A_1042, %dma_wait3A_1043, %dma_wait3A_1044, %dma_wait3A_1045] : memref<3x8x32x128xf32, #tpu.memory_space<vmem>> -> memref<1x1x32x128xf32, #tpu.memory_space<vmem>>
    %dma_wait3A_1047 = tpu.memref_squeeze %dma_wait3A_1046 : memref<1x1x32x128xf32, #tpu.memory_space<vmem>> -> memref<32x128xf32, #tpu.memory_space<vmem>>
    %dma_wait3A_1048 = arith.constant 0 : i32
    %dma_wait3A_1049 = tpu.memref_slice %arg3[%dma_wait3A_1048, %multiple_of3A_68] : memref<32x100000xf32, #tpu.memory_space<hbm>> -> memref<32x128xf32, #tpu.memory_space<hbm>>
    %dma_wait3A_1050 = arith.constant 0 : i32
    %dma_wait3A_1051 = arith.constant 0 : i32
    %dma_wait3A_1052 = tpu.memref_slice %arg6[%dma_wait3A_1042, %dma_wait3A_1043, %dma_wait3A_1050, %dma_wait3A_1051] : memref<3x8x32x128xf32, #tpu.memory_space<vmem>> -> memref<1x1x32x128xf32, #tpu.memory_space<vmem>>
    %dma_wait3A_1053 = tpu.memref_squeeze %dma_wait3A_1052 : memref<1x1x32x128xf32, #tpu.memory_space<vmem>> -> memref<32x128xf32, #tpu.memory_space<vmem>>
    %dma_wait3A_1054 = arith.constant 0 : i32
    %dma_wait3A_1055 = tpu.memref_slice %arg3[%dma_wait3A_1054, %multiple_of3A_68] : memref<32x100000xf32, #tpu.memory_space<hbm>> -> memref<32x128xf32, #tpu.memory_space<hbm>>
    tpu.wait_dma2 semaphore(%arg8 : memref<!tpu.dma_semaphore, #tpu.memory_space<semaphore_mem>>) src(%dma_wait3A_1055 : memref<32x128xf32, #tpu.memory_space<hbm>>) dst(%dma_wait3A_1053 : memref<32x128xf32, #tpu.memory_space<vmem>>)
    %dma_wait3A_1056 = arith.constant 0 : i32
    %dma_wait3A_1057 = arith.constant 2 : i32
    %dma_wait3A_1058 = arith.constant 0 : i32
    %dma_wait3A_1059 = arith.constant 0 : i32
    %dma_wait3A_1060 = tpu.memref_slice %arg6[%dma_wait3A_1056, %dma_wait3A_1057, %dma_wait3A_1058, %dma_wait3A_1059] : memref<3x8x32x128xf32, #tpu.memory_space<vmem>> -> memref<1x1x32x128xf32, #tpu.memory_space<vmem>>
    %dma_wait3A_1061 = tpu.memref_squeeze %dma_wait3A_1060 : memref<1x1x32x128xf32, #tpu.memory_space<vmem>> -> memref<32x128xf32, #tpu.memory_space<vmem>>
    %dma_wait3A_1062 = arith.constant 0 : i32
    %dma_wait3A_1063 = tpu.memref_slice %arg3[%dma_wait3A_1062, %multiple_of3A_111] : memref<32x100000xf32, #tpu.memory_space<hbm>> -> memref<32x128xf32, #tpu.memory_space<hbm>>
    %dma_wait3A_1064 = arith.constant 0 : i32
    %dma_wait3A_1065 = arith.constant 0 : i32
    %dma_wait3A_1066 = tpu.memref_slice %arg6[%dma_wait3A_1056, %dma_wait3A_1057, %dma_wait3A_1064, %dma_wait3A_1065] : memref<3x8x32x128xf32, #tpu.memory_space<vmem>> -> memref<1x1x32x128xf32, #tpu.memory_space<vmem>>
    %dma_wait3A_1067 = tpu.memref_squeeze %dma_wait3A_1066 : memref<1x1x32x128xf32, #tpu.memory_space<vmem>> -> memref<32x128xf32, #tpu.memory_space<vmem>>
    %dma_wait3A_1068 = arith.constant 0 : i32
    %dma_wait3A_1069 = tpu.memref_slice %arg3[%dma_wait3A_1068, %multiple_of3A_111] : memref<32x100000xf32, #tpu.memory_space<hbm>> -> memref<32x128xf32, #tpu.memory_space<hbm>>
    tpu.wait_dma2 semaphore(%arg8 : memref<!tpu.dma_semaphore, #tpu.memory_space<semaphore_mem>>) src(%dma_wait3A_1069 : memref<32x128xf32, #tpu.memory_space<hbm>>) dst(%dma_wait3A_1067 : memref<32x128xf32, #tpu.memory_space<vmem>>)
    %dma_wait3A_1070 = arith.constant 0 : i32
    %dma_wait3A_1071 = arith.constant 3 : i32
    %dma_wait3A_1072 = arith.constant 0 : i32
    %dma_wait3A_1073 = arith.constant 0 : i32
    %dma_wait3A_1074 = tpu.memref_slice %arg6[%dma_wait3A_1070, %dma_wait3A_1071, %dma_wait3A_1072, %dma_wait3A_1073] : memref<3x8x32x128xf32, #tpu.memory_space<vmem>> -> memref<1x1x32x128xf32, #tpu.memory_space<vmem>>
    %dma_wait3A_1075 = tpu.memref_squeeze %dma_wait3A_1074 : memref<1x1x32x128xf32, #tpu.memory_space<vmem>> -> memref<32x128xf32, #tpu.memory_space<vmem>>
    %dma_wait3A_1076 = arith.constant 0 : i32
    %dma_wait3A_1077 = tpu.memref_slice %arg3[%dma_wait3A_1076, %multiple_of3A_154] : memref<32x100000xf32, #tpu.memory_space<hbm>> -> memref<32x128xf32, #tpu.memory_space<hbm>>
    %dma_wait3A_1078 = arith.constant 0 : i32
    %dma_wait3A_1079 = arith.constant 0 : i32
    %dma_wait3A_1080 = tpu.memref_slice %arg6[%dma_wait3A_1070, %dma_wait3A_1071, %dma_wait3A_1078, %dma_wait3A_1079] : memref<3x8x32x128xf32, #tpu.memory_space<vmem>> -> memref<1x1x32x128xf32, #tpu.memory_space<vmem>>
    %dma_wait3A_1081 = tpu.memref_squeeze %dma_wait3A_1080 : memref<1x1x32x128xf32, #tpu.memory_space<vmem>> -> memref<32x128xf32, #tpu.memory_space<vmem>>
    %dma_wait3A_1082 = arith.constant 0 : i32
    %dma_wait3A_1083 = tpu.memref_slice %arg3[%dma_wait3A_1082, %multiple_of3A_154] : memref<32x100000xf32, #tpu.memory_space<hbm>> -> memref<32x128xf32, #tpu.memory_space<hbm>>
    tpu.wait_dma2 semaphore(%arg8 : memref<!tpu.dma_semaphore, #tpu.memory_space<semaphore_mem>>) src(%dma_wait3A_1083 : memref<32x128xf32, #tpu.memory_space<hbm>>) dst(%dma_wait3A_1081 : memref<32x128xf32, #tpu.memory_space<vmem>>)
    %dma_wait3A_1084 = arith.constant 0 : i32
    %dma_wait3A_1085 = arith.constant 4 : i32
    %dma_wait3A_1086 = arith.constant 0 : i32
    %dma_wait3A_1087 = arith.constant 0 : i32
    %dma_wait3A_1088 = tpu.memref_slice %arg6[%dma_wait3A_1084, %dma_wait3A_1085, %dma_wait3A_1086, %dma_wait3A_1087] : memref<3x8x32x128xf32, #tpu.memory_space<vmem>> -> memref<1x1x32x128xf32, #tpu.memory_space<vmem>>
    %dma_wait3A_1089 = tpu.memref_squeeze %dma_wait3A_1088 : memref<1x1x32x128xf32, #tpu.memory_space<vmem>> -> memref<32x128xf32, #tpu.memory_space<vmem>>
    %dma_wait3A_1090 = arith.constant 0 : i32
    %dma_wait3A_1091 = tpu.memref_slice %arg3[%dma_wait3A_1090, %multiple_of3A_197] : memref<32x100000xf32, #tpu.memory_space<hbm>> -> memref<32x128xf32, #tpu.memory_space<hbm>>
    %dma_wait3A_1092 = arith.constant 0 : i32
    %dma_wait3A_1093 = arith.constant 0 : i32
    %dma_wait3A_1094 = tpu.memref_slice %arg6[%dma_wait3A_1084, %dma_wait3A_1085, %dma_wait3A_1092, %dma_wait3A_1093] : memref<3x8x32x128xf32, #tpu.memory_space<vmem>> -> memref<1x1x32x128xf32, #tpu.memory_space<vmem>>
    %dma_wait3A_1095 = tpu.memref_squeeze %dma_wait3A_1094 : memref<1x1x32x128xf32, #tpu.memory_space<vmem>> -> memref<32x128xf32, #tpu.memory_space<vmem>>
    %dma_wait3A_1096 = arith.constant 0 : i32
    %dma_wait3A_1097 = tpu.memref_slice %arg3[%dma_wait3A_1096, %multiple_of3A_197] : memref<32x100000xf32, #tpu.memory_space<hbm>> -> memref<32x128xf32, #tpu.memory_space<hbm>>
    tpu.wait_dma2 semaphore(%arg8 : memref<!tpu.dma_semaphore, #tpu.memory_space<semaphore_mem>>) src(%dma_wait3A_1097 : memref<32x128xf32, #tpu.memory_space<hbm>>) dst(%dma_wait3A_1095 : memref<32x128xf32, #tpu.memory_space<vmem>>)
    %dma_wait3A_1098 = arith.constant 0 : i32
    %dma_wait3A_1099 = arith.constant 5 : i32
    %dma_wait3A_1100 = arith.constant 0 : i32
    %dma_wait3A_1101 = arith.constant 0 : i32
    %dma_wait3A_1102 = tpu.memref_slice %arg6[%dma_wait3A_1098, %dma_wait3A_1099, %dma_wait3A_1100, %dma_wait3A_1101] : memref<3x8x32x128xf32, #tpu.memory_space<vmem>> -> memref<1x1x32x128xf32, #tpu.memory_space<vmem>>
    %dma_wait3A_1103 = tpu.memref_squeeze %dma_wait3A_1102 : memref<1x1x32x128xf32, #tpu.memory_space<vmem>> -> memref<32x128xf32, #tpu.memory_space<vmem>>
    %dma_wait3A_1104 = arith.constant 0 : i32
    %dma_wait3A_1105 = tpu.memref_slice %arg3[%dma_wait3A_1104, %multiple_of3A_240] : memref<32x100000xf32, #tpu.memory_space<hbm>> -> memref<32x128xf32, #tpu.memory_space<hbm>>
    %dma_wait3A_1106 = arith.constant 0 : i32
    %dma_wait3A_1107 = arith.constant 0 : i32
    %dma_wait3A_1108 = tpu.memref_slice %arg6[%dma_wait3A_1098, %dma_wait3A_1099, %dma_wait3A_1106, %dma_wait3A_1107] : memref<3x8x32x128xf32, #tpu.memory_space<vmem>> -> memref<1x1x32x128xf32, #tpu.memory_space<vmem>>
    %dma_wait3A_1109 = tpu.memref_squeeze %dma_wait3A_1108 : memref<1x1x32x128xf32, #tpu.memory_space<vmem>> -> memref<32x128xf32, #tpu.memory_space<vmem>>
    %dma_wait3A_1110 = arith.constant 0 : i32
    %dma_wait3A_1111 = tpu.memref_slice %arg3[%dma_wait3A_1110, %multiple_of3A_240] : memref<32x100000xf32, #tpu.memory_space<hbm>> -> memref<32x128xf32, #tpu.memory_space<hbm>>
    tpu.wait_dma2 semaphore(%arg8 : memref<!tpu.dma_semaphore, #tpu.memory_space<semaphore_mem>>) src(%dma_wait3A_1111 : memref<32x128xf32, #tpu.memory_space<hbm>>) dst(%dma_wait3A_1109 : memref<32x128xf32, #tpu.memory_space<vmem>>)
    %dma_wait3A_1112 = arith.constant 0 : i32
    %dma_wait3A_1113 = arith.constant 6 : i32
    %dma_wait3A_1114 = arith.constant 0 : i32
    %dma_wait3A_1115 = arith.constant 0 : i32
    %dma_wait3A_1116 = tpu.memref_slice %arg6[%dma_wait3A_1112, %dma_wait3A_1113, %dma_wait3A_1114, %dma_wait3A_1115] : memref<3x8x32x128xf32, #tpu.memory_space<vmem>> -> memref<1x1x32x128xf32, #tpu.memory_space<vmem>>
    %dma_wait3A_1117 = tpu.memref_squeeze %dma_wait3A_1116 : memref<1x1x32x128xf32, #tpu.memory_space<vmem>> -> memref<32x128xf32, #tpu.memory_space<vmem>>
    %dma_wait3A_1118 = arith.constant 0 : i32
    %dma_wait3A_1119 = tpu.memref_slice %arg3[%dma_wait3A_1118, %multiple_of3A_283] : memref<32x100000xf32, #tpu.memory_space<hbm>> -> memref<32x128xf32, #tpu.memory_space<hbm>>
    %dma_wait3A_1120 = arith.constant 0 : i32
    %dma_wait3A_1121 = arith.constant 0 : i32
    %dma_wait3A_1122 = tpu.memref_slice %arg6[%dma_wait3A_1112, %dma_wait3A_1113, %dma_wait3A_1120, %dma_wait3A_1121] : memref<3x8x32x128xf32, #tpu.memory_space<vmem>> -> memref<1x1x32x128xf32, #tpu.memory_space<vmem>>
    %dma_wait3A_1123 = tpu.memref_squeeze %dma_wait3A_1122 : memref<1x1x32x128xf32, #tpu.memory_space<vmem>> -> memref<32x128xf32, #tpu.memory_space<vmem>>
    %dma_wait3A_1124 = arith.constant 0 : i32
    %dma_wait3A_1125 = tpu.memref_slice %arg3[%dma_wait3A_1124, %multiple_of3A_283] : memref<32x100000xf32, #tpu.memory_space<hbm>> -> memref<32x128xf32, #tpu.memory_space<hbm>>
    tpu.wait_dma2 semaphore(%arg8 : memref<!tpu.dma_semaphore, #tpu.memory_space<semaphore_mem>>) src(%dma_wait3A_1125 : memref<32x128xf32, #tpu.memory_space<hbm>>) dst(%dma_wait3A_1123 : memref<32x128xf32, #tpu.memory_space<vmem>>)
    %dma_wait3A_1126 = arith.constant 0 : i32
    %dma_wait3A_1127 = arith.constant 7 : i32
    %dma_wait3A_1128 = arith.constant 0 : i32
    %dma_wait3A_1129 = arith.constant 0 : i32
    %dma_wait3A_1130 = tpu.memref_slice %arg6[%dma_wait3A_1126, %dma_wait3A_1127, %dma_wait3A_1128, %dma_wait3A_1129] : memref<3x8x32x128xf32, #tpu.memory_space<vmem>> -> memref<1x1x32x128xf32, #tpu.memory_space<vmem>>
    %dma_wait3A_1131 = tpu.memref_squeeze %dma_wait3A_1130 : memref<1x1x32x128xf32, #tpu.memory_space<vmem>> -> memref<32x128xf32, #tpu.memory_space<vmem>>
    %dma_wait3A_1132 = arith.constant 0 : i32
    %dma_wait3A_1133 = tpu.memref_slice %arg3[%dma_wait3A_1132, %multiple_of3A_326] : memref<32x100000xf32, #tpu.memory_space<hbm>> -> memref<32x128xf32, #tpu.memory_space<hbm>>
    %dma_wait3A_1134 = arith.constant 0 : i32
    %dma_wait3A_1135 = arith.constant 0 : i32
    %dma_wait3A_1136 = tpu.memref_slice %arg6[%dma_wait3A_1126, %dma_wait3A_1127, %dma_wait3A_1134, %dma_wait3A_1135] : memref<3x8x32x128xf32, #tpu.memory_space<vmem>> -> memref<1x1x32x128xf32, #tpu.memory_space<vmem>>
    %dma_wait3A_1137 = tpu.memref_squeeze %dma_wait3A_1136 : memref<1x1x32x128xf32, #tpu.memory_space<vmem>> -> memref<32x128xf32, #tpu.memory_space<vmem>>
    %dma_wait3A_1138 = arith.constant 0 : i32
    %dma_wait3A_1139 = tpu.memref_slice %arg3[%dma_wait3A_1138, %multiple_of3A_326] : memref<32x100000xf32, #tpu.memory_space<hbm>> -> memref<32x128xf32, #tpu.memory_space<hbm>>
    tpu.wait_dma2 semaphore(%arg8 : memref<!tpu.dma_semaphore, #tpu.memory_space<semaphore_mem>>) src(%dma_wait3A_1139 : memref<32x128xf32, #tpu.memory_space<hbm>>) dst(%dma_wait3A_1137 : memref<32x128xf32, #tpu.memory_space<vmem>>)
    %slice3A_1140 = vector.extract_strided_slice %get3A_6 {offsets = [0], sizes = [1], strides = [1]} : vector<16xi32> to vector<1xi32>
    %squeeze3A_1141 = vector.extract %slice3A_1140[0] : i32 from vector<1xi32>
    %jit3A_1142 = arith.constant 128 : i32
    %eq3A = arith.constant 0 : i32
    %eq3A_1143 = arith.cmpi eq, %jit3A_1142, %eq3A : i32
    %jit3A_1144 = arith.constant 1 : i32
    %select_n3A_1145 = arith.select %eq3A_1143, %jit3A_1144, %jit3A_1142 : i32
    %rem3A_1146 = arith.remsi %squeeze3A_1141, %select_n3A_1145 : i32
    %ne3A_1147 = arith.constant 0 : i32
    %ne3A_1148 = arith.cmpi ne, %rem3A_1146, %ne3A_1147 : i32
    %lt3A = arith.constant 0 : i32
    %lt3A_1149 = arith.cmpi slt, %rem3A_1146, %lt3A : i32
    %lt3A_1150 = arith.constant 0 : i32
    %lt3A_1151 = arith.cmpi slt, %select_n3A_1145, %lt3A_1150 : i32
    %ne3A_1152 = arith.xori %lt3A_1149, %lt3A_1151 : i1
    %and3A_1153 = arith.andi %ne3A_1152, %ne3A_1148 : i1
    %add3A_1154 = arith.addi %rem3A_1146, %select_n3A_1145 : i32
    %select_n3A_1155 = arith.select %and3A_1153, %add3A_1154, %rem3A_1146 : i32
    %broadcast_in_dim3A = vector.broadcast %select_n3A_1155 : i32 to vector<16xi32>
    %gather3A = arith.constant 0 : i32
    %gather3A_1156 = arith.constant 0 : i32
    %gather3A_1157 = arith.constant 0 : i32
    %gather3A_1158 = arith.constant 0 : i32
    %gather3A_1159 = tpu.memref_slice %arg6[%gather3A, %gather3A_1156, %gather3A_1157, %gather3A_1158] : memref<3x8x32x128xf32, #tpu.memory_space<vmem>> -> memref<1x1x32x128xf32, #tpu.memory_space<vmem>>
    %gather3A_1160 = tpu.memref_squeeze %gather3A_1159 : memref<1x1x32x128xf32, #tpu.memory_space<vmem>> -> memref<32x128xf32, #tpu.memory_space<vmem>>
    %gather3A_1161 = tpu.vector_load_idx %gather3A_1160[%iota3A, %broadcast_in_dim3A] : memref<32x128xf32, #tpu.memory_space<vmem>>[vector<16xi32>, vector<16xi32>], vector<16xf32>,
    %swap3A = arith.constant 0 : i32
    %swap3A_1162 = arith.index_cast %swap3A : i32 to index
    %swap3A_1163 = arith.constant 0 : index
    %swap3A_1164 = tpu.vector_load %arg7[%swap3A_1162, %swap3A_1163] {strides = array<i32>} : memref<32x32xf32, #tpu.memory_space<vmem>>, vector<16xf32>,
    tpu.vector_store %arg7[%swap3A_1162, %swap3A_1163], %gather3A_1161 {strides = array<i32>} : memref<32x32xf32, #tpu.memory_space<vmem>>, vector<16xf32>,
    %gather3A_1165 = arith.constant 0 : i32
    %gather3A_1166 = arith.constant 0 : i32
    %gather3A_1167 = arith.constant 0 : i32
    %gather3A_1168 = arith.constant 0 : i32
    %gather3A_1169 = tpu.memref_slice %arg6[%gather3A_1165, %gather3A_1166, %gather3A_1167, %gather3A_1168] : memref<3x8x32x128xf32, #tpu.memory_space<vmem>> -> memref<1x1x32x128xf32, #tpu.memory_space<vmem>>
    %gather3A_1170 = tpu.memref_squeeze %gather3A_1169 : memref<1x1x32x128xf32, #tpu.memory_space<vmem>> -> memref<32x128xf32, #tpu.memory_space<vmem>>
    %gather3A_1171 = tpu.vector_load_idx %gather3A_1170[%add3A_5, %broadcast_in_dim3A] : memref<32x128xf32, #tpu.memory_space<vmem>>[vector<16xi32>, vector<16xi32>], vector<16xf32>,
    %swap3A_1172 = arith.constant 0 : i32
    %swap3A_1173 = arith.index_cast %swap3A_1172 : i32 to index
    %swap3A_1174 = arith.constant 16 : index
    %swap3A_1175 = tpu.vector_load %arg7[%swap3A_1173, %swap3A_1174] {strides = array<i32>} : memref<32x32xf32, #tpu.memory_space<vmem>>, vector<16xf32>,
    tpu.vector_store %arg7[%swap3A_1173, %swap3A_1174], %gather3A_1171 {strides = array<i32>} : memref<32x32xf32, #tpu.memory_space<vmem>>, vector<16xf32>,
    %slice3A_1176 = vector.extract_strided_slice %get3A_6 {offsets = [1], sizes = [1], strides = [1]} : vector<16xi32> to vector<1xi32>
    %squeeze3A_1177 = vector.extract %slice3A_1176[0] : i32 from vector<1xi32>
    %jit3A_1178 = arith.constant 128 : i32
    %eq3A_1179 = arith.constant 0 : i32
    %eq3A_1180 = arith.cmpi eq, %jit3A_1178, %eq3A_1179 : i32
    %jit3A_1181 = arith.constant 1 : i32
    %select_n3A_1182 = arith.select %eq3A_1180, %jit3A_1181, %jit3A_1178 : i32
    %rem3A_1183 = arith.remsi %squeeze3A_1177, %select_n3A_1182 : i32
    %ne3A_1184 = arith.constant 0 : i32
    %ne3A_1185 = arith.cmpi ne, %rem3A_1183, %ne3A_1184 : i32
    %lt3A_1186 = arith.constant 0 : i32
    %lt3A_1187 = arith.cmpi slt, %rem3A_1183, %lt3A_1186 : i32
    %lt3A_1188 = arith.constant 0 : i32
    %lt3A_1189 = arith.cmpi slt, %select_n3A_1182, %lt3A_1188 : i32
    %ne3A_1190 = arith.xori %lt3A_1187, %lt3A_1189 : i1
    %and3A_1191 = arith.andi %ne3A_1190, %ne3A_1185 : i1
    %add3A_1192 = arith.addi %rem3A_1183, %select_n3A_1182 : i32
    %select_n3A_1193 = arith.select %and3A_1191, %add3A_1192, %rem3A_1183 : i32
    %broadcast_in_dim3A_1194 = vector.broadcast %select_n3A_1193 : i32 to vector<16xi32>
    %gather3A_1195 = arith.constant 0 : i32
    %gather3A_1196 = arith.constant 1 : i32
    %gather3A_1197 = arith.constant 0 : i32
    %gather3A_1198 = arith.constant 0 : i32
    %gather3A_1199 = tpu.memref_slice %arg6[%gather3A_1195, %gather3A_1196, %gather3A_1197, %gather3A_1198] : memref<3x8x32x128xf32, #tpu.memory_space<vmem>> -> memref<1x1x32x128xf32, #tpu.memory_space<vmem>>
    %gather3A_1200 = tpu.memref_squeeze %gather3A_1199 : memref<1x1x32x128xf32, #tpu.memory_space<vmem>> -> memref<32x128xf32, #tpu.memory_space<vmem>>
    %gather3A_1201 = tpu.vector_load_idx %gather3A_1200[%iota3A, %broadcast_in_dim3A_1194] : memref<32x128xf32, #tpu.memory_space<vmem>>[vector<16xi32>, vector<16xi32>], vector<16xf32>,
    %swap3A_1202 = arith.constant 1 : i32
    %swap3A_1203 = arith.index_cast %swap3A_1202 : i32 to index
    %swap3A_1204 = arith.constant 0 : index
    %swap3A_1205 = tpu.vector_load %arg7[%swap3A_1203, %swap3A_1204] {strides = array<i32>} : memref<32x32xf32, #tpu.memory_space<vmem>>, vector<16xf32>,
    tpu.vector_store %arg7[%swap3A_1203, %swap3A_1204], %gather3A_1201 {strides = array<i32>} : memref<32x32xf32, #tpu.memory_space<vmem>>, vector<16xf32>,
    %gather3A_1206 = arith.constant 0 : i32
    %gather3A_1207 = arith.constant 1 : i32
    %gather3A_1208 = arith.constant 0 : i32
    %gather3A_1209 = arith.constant 0 : i32
    %gather3A_1210 = tpu.memref_slice %arg6[%gather3A_1206, %gather3A_1207, %gather3A_1208, %gather3A_1209] : memref<3x8x32x128xf32, #tpu.memory_space<vmem>> -> memref<1x1x32x128xf32, #tpu.memory_space<vmem>>
    %gather3A_1211 = tpu.memref_squeeze %gather3A_1210 : memref<1x1x32x128xf32, #tpu.memory_space<vmem>> -> memref<32x128xf32, #tpu.memory_space<vmem>>
    %gather3A_1212 = tpu.vector_load_idx %gather3A_1211[%add3A_5, %broadcast_in_dim3A_1194] : memref<32x128xf32, #tpu.memory_space<vmem>>[vector<16xi32>, vector<16xi32>], vector<16xf32>,
    %swap3A_1213 = arith.constant 1 : i32
    %swap3A_1214 = arith.index_cast %swap3A_1213 : i32 to index
    %swap3A_1215 = arith.constant 16 : index
    %swap3A_1216 = tpu.vector_load %arg7[%swap3A_1214, %swap3A_1215] {strides = array<i32>} : memref<32x32xf32, #tpu.memory_space<vmem>>, vector<16xf32>,
    tpu.vector_store %arg7[%swap3A_1214, %swap3A_1215], %gather3A_1212 {strides = array<i32>} : memref<32x32xf32, #tpu.memory_space<vmem>>, vector<16xf32>,
    %slice3A_1217 = vector.extract_strided_slice %get3A_6 {offsets = [2], sizes = [1], strides = [1]} : vector<16xi32> to vector<1xi32>
    %squeeze3A_1218 = vector.extract %slice3A_1217[0] : i32 from vector<1xi32>
    %jit3A_1219 = arith.constant 128 : i32
    %eq3A_1220 = arith.constant 0 : i32
    %eq3A_1221 = arith.cmpi eq, %jit3A_1219, %eq3A_1220 : i32
    %jit3A_1222 = arith.constant 1 : i32
    %select_n3A_1223 = arith.select %eq3A_1221, %jit3A_1222, %jit3A_1219 : i32
    %rem3A_1224 = arith.remsi %squeeze3A_1218, %select_n3A_1223 : i32
    %ne3A_1225 = arith.constant 0 : i32
    %ne3A_1226 = arith.cmpi ne, %rem3A_1224, %ne3A_1225 : i32
    %lt3A_1227 = arith.constant 0 : i32
    %lt3A_1228 = arith.cmpi slt, %rem3A_1224, %lt3A_1227 : i32
    %lt3A_1229 = arith.constant 0 : i32
    %lt3A_1230 = arith.cmpi slt, %select_n3A_1223, %lt3A_1229 : i32
    %ne3A_1231 = arith.xori %lt3A_1228, %lt3A_1230 : i1
    %and3A_1232 = arith.andi %ne3A_1231, %ne3A_1226 : i1
    %add3A_1233 = arith.addi %rem3A_1224, %select_n3A_1223 : i32
    %select_n3A_1234 = arith.select %and3A_1232, %add3A_1233, %rem3A_1224 : i32
    %broadcast_in_dim3A_1235 = vector.broadcast %select_n3A_1234 : i32 to vector<16xi32>
    %gather3A_1236 = arith.constant 0 : i32
    %gather3A_1237 = arith.constant 2 : i32
    %gather3A_1238 = arith.constant 0 : i32
    %gather3A_1239 = arith.constant 0 : i32
    %gather3A_1240 = tpu.memref_slice %arg6[%gather3A_1236, %gather3A_1237, %gather3A_1238, %gather3A_1239] : memref<3x8x32x128xf32, #tpu.memory_space<vmem>> -> memref<1x1x32x128xf32, #tpu.memory_space<vmem>>
    %gather3A_1241 = tpu.memref_squeeze %gather3A_1240 : memref<1x1x32x128xf32, #tpu.memory_space<vmem>> -> memref<32x128xf32, #tpu.memory_space<vmem>>
    %gather3A_1242 = tpu.vector_load_idx %gather3A_1241[%iota3A, %broadcast_in_dim3A_1235] : memref<32x128xf32, #tpu.memory_space<vmem>>[vector<16xi32>, vector<16xi32>], vector<16xf32>,
    %swap3A_1243 = arith.constant 2 : i32
    %swap3A_1244 = arith.index_cast %swap3A_1243 : i32 to index
    %swap3A_1245 = arith.constant 0 : index
    %swap3A_1246 = tpu.vector_load %arg7[%swap3A_1244, %swap3A_1245] {strides = array<i32>} : memref<32x32xf32, #tpu.memory_space<vmem>>, vector<16xf32>,
    tpu.vector_store %arg7[%swap3A_1244, %swap3A_1245], %gather3A_1242 {strides = array<i32>} : memref<32x32xf32, #tpu.memory_space<vmem>>, vector<16xf32>,
    %gather3A_1247 = arith.constant 0 : i32
    %gather3A_1248 = arith.constant 2 : i32
    %gather3A_1249 = arith.constant 0 : i32
    %gather3A_1250 = arith.constant 0 : i32
    %gather3A_1251 = tpu.memref_slice %arg6[%gather3A_1247, %gather3A_1248, %gather3A_1249, %gather3A_1250] : memref<3x8x32x128xf32, #tpu.memory_space<vmem>> -> memref<1x1x32x128xf32, #tpu.memory_space<vmem>>
    %gather3A_1252 = tpu.memref_squeeze %gather3A_1251 : memref<1x1x32x128xf32, #tpu.memory_space<vmem>> -> memref<32x128xf32, #tpu.memory_space<vmem>>
    %gather3A_1253 = tpu.vector_load_idx %gather3A_1252[%add3A_5, %broadcast_in_dim3A_1235] : memref<32x128xf32, #tpu.memory_space<vmem>>[vector<16xi32>, vector<16xi32>], vector<16xf32>,
    %swap3A_1254 = arith.constant 2 : i32
    %swap3A_1255 = arith.index_cast %swap3A_1254 : i32 to index
    %swap3A_1256 = arith.constant 16 : index
    %swap3A_1257 = tpu.vector_load %arg7[%swap3A_1255, %swap3A_1256] {strides = array<i32>} : memref<32x32xf32, #tpu.memory_space<vmem>>, vector<16xf32>,
    tpu.vector_store %arg7[%swap3A_1255, %swap3A_1256], %gather3A_1253 {strides = array<i32>} : memref<32x32xf32, #tpu.memory_space<vmem>>, vector<16xf32>,
    %slice3A_1258 = vector.extract_strided_slice %get3A_6 {offsets = [3], sizes = [1], strides = [1]} : vector<16xi32> to vector<1xi32>
    %squeeze3A_1259 = vector.extract %slice3A_1258[0] : i32 from vector<1xi32>
    %jit3A_1260 = arith.constant 128 : i32
    %eq3A_1261 = arith.constant 0 : i32
    %eq3A_1262 = arith.cmpi eq, %jit3A_1260, %eq3A_1261 : i32
    %jit3A_1263 = arith.constant 1 : i32
    %select_n3A_1264 = arith.select %eq3A_1262, %jit3A_1263, %jit3A_1260 : i32
    %rem3A_1265 = arith.remsi %squeeze3A_1259, %select_n3A_1264 : i32
    %ne3A_1266 = arith.constant 0 : i32
    %ne3A_1267 = arith.cmpi ne, %rem3A_1265, %ne3A_1266 : i32
    %lt3A_1268 = arith.constant 0 : i32
    %lt3A_1269 = arith.cmpi slt, %rem3A_1265, %lt3A_1268 : i32
    %lt3A_1270 = arith.constant 0 : i32
    %lt3A_1271 = arith.cmpi slt, %select_n3A_1264, %lt3A_1270 : i32
    %ne3A_1272 = arith.xori %lt3A_1269, %lt3A_1271 : i1
    %and3A_1273 = arith.andi %ne3A_1272, %ne3A_1267 : i1
    %add3A_1274 = arith.addi %rem3A_1265, %select_n3A_1264 : i32
    %select_n3A_1275 = arith.select %and3A_1273, %add3A_1274, %rem3A_1265 : i32
    %broadcast_in_dim3A_1276 = vector.broadcast %select_n3A_1275 : i32 to vector<16xi32>
    %gather3A_1277 = arith.constant 0 : i32
    %gather3A_1278 = arith.constant 3 : i32
    %gather3A_1279 = arith.constant 0 : i32
    %gather3A_1280 = arith.constant 0 : i32
    %gather3A_1281 = tpu.memref_slice %arg6[%gather3A_1277, %gather3A_1278, %gather3A_1279, %gather3A_1280] : memref<3x8x32x128xf32, #tpu.memory_space<vmem>> -> memref<1x1x32x128xf32, #tpu.memory_space<vmem>>
    %gather3A_1282 = tpu.memref_squeeze %gather3A_1281 : memref<1x1x32x128xf32, #tpu.memory_space<vmem>> -> memref<32x128xf32, #tpu.memory_space<vmem>>
    %gather3A_1283 = tpu.vector_load_idx %gather3A_1282[%iota3A, %broadcast_in_dim3A_1276] : memref<32x128xf32, #tpu.memory_space<vmem>>[vector<16xi32>, vector<16xi32>], vector<16xf32>,
    %swap3A_1284 = arith.constant 3 : i32
    %swap3A_1285 = arith.index_cast %swap3A_1284 : i32 to index
    %swap3A_1286 = arith.constant 0 : index
    %swap3A_1287 = tpu.vector_load %arg7[%swap3A_1285, %swap3A_1286] {strides = array<i32>} : memref<32x32xf32, #tpu.memory_space<vmem>>, vector<16xf32>,
    tpu.vector_store %arg7[%swap3A_1285, %swap3A_1286], %gather3A_1283 {strides = array<i32>} : memref<32x32xf32, #tpu.memory_space<vmem>>, vector<16xf32>,
    %gather3A_1288 = arith.constant 0 : i32
    %gather3A_1289 = arith.constant 3 : i32
    %gather3A_1290 = arith.constant 0 : i32
    %gather3A_1291 = arith.constant 0 : i32
    %gather3A_1292 = tpu.memref_slice %arg6[%gather3A_1288, %gather3A_1289, %gather3A_1290, %gather3A_1291] : memref<3x8x32x128xf32, #tpu.memory_space<vmem>> -> memref<1x1x32x128xf32, #tpu.memory_space<vmem>>
    %gather3A_1293 = tpu.memref_squeeze %gather3A_1292 : memref<1x1x32x128xf32, #tpu.memory_space<vmem>> -> memref<32x128xf32, #tpu.memory_space<vmem>>
    %gather3A_1294 = tpu.vector_load_idx %gather3A_1293[%add3A_5, %broadcast_in_dim3A_1276] : memref<32x128xf32, #tpu.memory_space<vmem>>[vector<16xi32>, vector<16xi32>], vector<16xf32>,
    %swap3A_1295 = arith.constant 3 : i32
    %swap3A_1296 = arith.index_cast %swap3A_1295 : i32 to index
    %swap3A_1297 = arith.constant 16 : index
    %swap3A_1298 = tpu.vector_load %arg7[%swap3A_1296, %swap3A_1297] {strides = array<i32>} : memref<32x32xf32, #tpu.memory_space<vmem>>, vector<16xf32>,
    tpu.vector_store %arg7[%swap3A_1296, %swap3A_1297], %gather3A_1294 {strides = array<i32>} : memref<32x32xf32, #tpu.memory_space<vmem>>, vector<16xf32>,
    %slice3A_1299 = vector.extract_strided_slice %get3A_6 {offsets = [4], sizes = [1], strides = [1]} : vector<16xi32> to vector<1xi32>
    %squeeze3A_1300 = vector.extract %slice3A_1299[0] : i32 from vector<1xi32>
    %jit3A_1301 = arith.constant 128 : i32
    %eq3A_1302 = arith.constant 0 : i32
    %eq3A_1303 = arith.cmpi eq, %jit3A_1301, %eq3A_1302 : i32
    %jit3A_1304 = arith.constant 1 : i32
    %select_n3A_1305 = arith.select %eq3A_1303, %jit3A_1304, %jit3A_1301 : i32
    %rem3A_1306 = arith.remsi %squeeze3A_1300, %select_n3A_1305 : i32
    %ne3A_1307 = arith.constant 0 : i32
    %ne3A_1308 = arith.cmpi ne, %rem3A_1306, %ne3A_1307 : i32
    %lt3A_1309 = arith.constant 0 : i32
    %lt3A_1310 = arith.cmpi slt, %rem3A_1306, %lt3A_1309 : i32
    %lt3A_1311 = arith.constant 0 : i32
    %lt3A_1312 = arith.cmpi slt, %select_n3A_1305, %lt3A_1311 : i32
    %ne3A_1313 = arith.xori %lt3A_1310, %lt3A_1312 : i1
    %and3A_1314 = arith.andi %ne3A_1313, %ne3A_1308 : i1
    %add3A_1315 = arith.addi %rem3A_1306, %select_n3A_1305 : i32
    %select_n3A_1316 = arith.select %and3A_1314, %add3A_1315, %rem3A_1306 : i32
    %broadcast_in_dim3A_1317 = vector.broadcast %select_n3A_1316 : i32 to vector<16xi32>
    %gather3A_1318 = arith.constant 0 : i32
    %gather3A_1319 = arith.constant 4 : i32
    %gather3A_1320 = arith.constant 0 : i32
    %gather3A_1321 = arith.constant 0 : i32
    %gather3A_1322 = tpu.memref_slice %arg6[%gather3A_1318, %gather3A_1319, %gather3A_1320, %gather3A_1321] : memref<3x8x32x128xf32, #tpu.memory_space<vmem>> -> memref<1x1x32x128xf32, #tpu.memory_space<vmem>>
    %gather3A_1323 = tpu.memref_squeeze %gather3A_1322 : memref<1x1x32x128xf32, #tpu.memory_space<vmem>> -> memref<32x128xf32, #tpu.memory_space<vmem>>
    %gather3A_1324 = tpu.vector_load_idx %gather3A_1323[%iota3A, %broadcast_in_dim3A_1317] : memref<32x128xf32, #tpu.memory_space<vmem>>[vector<16xi32>, vector<16xi32>], vector<16xf32>,
    %swap3A_1325 = arith.constant 4 : i32
    %swap3A_1326 = arith.index_cast %swap3A_1325 : i32 to index
    %swap3A_1327 = arith.constant 0 : index
    %swap3A_1328 = tpu.vector_load %arg7[%swap3A_1326, %swap3A_1327] {strides = array<i32>} : memref<32x32xf32, #tpu.memory_space<vmem>>, vector<16xf32>,
    tpu.vector_store %arg7[%swap3A_1326, %swap3A_1327], %gather3A_1324 {strides = array<i32>} : memref<32x32xf32, #tpu.memory_space<vmem>>, vector<16xf32>,
    %gather3A_1329 = arith.constant 0 : i32
    %gather3A_1330 = arith.constant 4 : i32
    %gather3A_1331 = arith.constant 0 : i32
    %gather3A_1332 = arith.constant 0 : i32
    %gather3A_1333 = tpu.memref_slice %arg6[%gather3A_1329, %gather3A_1330, %gather3A_1331, %gather3A_1332] : memref<3x8x32x128xf32, #tpu.memory_space<vmem>> -> memref<1x1x32x128xf32, #tpu.memory_space<vmem>>
    %gather3A_1334 = tpu.memref_squeeze %gather3A_1333 : memref<1x1x32x128xf32, #tpu.memory_space<vmem>> -> memref<32x128xf32, #tpu.memory_space<vmem>>
    %gather3A_1335 = tpu.vector_load_idx %gather3A_1334[%add3A_5, %broadcast_in_dim3A_1317] : memref<32x128xf32, #tpu.memory_space<vmem>>[vector<16xi32>, vector<16xi32>], vector<16xf32>,
    %swap3A_1336 = arith.constant 4 : i32
    %swap3A_1337 = arith.index_cast %swap3A_1336 : i32 to index
    %swap3A_1338 = arith.constant 16 : index
    %swap3A_1339 = tpu.vector_load %arg7[%swap3A_1337, %swap3A_1338] {strides = array<i32>} : memref<32x32xf32, #tpu.memory_space<vmem>>, vector<16xf32>,
    tpu.vector_store %arg7[%swap3A_1337, %swap3A_1338], %gather3A_1335 {strides = array<i32>} : memref<32x32xf32, #tpu.memory_space<vmem>>, vector<16xf32>,
    %slice3A_1340 = vector.extract_strided_slice %get3A_6 {offsets = [5], sizes = [1], strides = [1]} : vector<16xi32> to vector<1xi32>
    %squeeze3A_1341 = vector.extract %slice3A_1340[0] : i32 from vector<1xi32>
    %jit3A_1342 = arith.constant 128 : i32
    %eq3A_1343 = arith.constant 0 : i32
    %eq3A_1344 = arith.cmpi eq, %jit3A_1342, %eq3A_1343 : i32
    %jit3A_1345 = arith.constant 1 : i32
    %select_n3A_1346 = arith.select %eq3A_1344, %jit3A_1345, %jit3A_1342 : i32
    %rem3A_1347 = arith.remsi %squeeze3A_1341, %select_n3A_1346 : i32
    %ne3A_1348 = arith.constant 0 : i32
    %ne3A_1349 = arith.cmpi ne, %rem3A_1347, %ne3A_1348 : i32
    %lt3A_1350 = arith.constant 0 : i32
    %lt3A_1351 = arith.cmpi slt, %rem3A_1347, %lt3A_1350 : i32
    %lt3A_1352 = arith.constant 0 : i32
    %lt3A_1353 = arith.cmpi slt, %select_n3A_1346, %lt3A_1352 : i32
    %ne3A_1354 = arith.xori %lt3A_1351, %lt3A_1353 : i1
    %and3A_1355 = arith.andi %ne3A_1354, %ne3A_1349 : i1
    %add3A_1356 = arith.addi %rem3A_1347, %select_n3A_1346 : i32
    %select_n3A_1357 = arith.select %and3A_1355, %add3A_1356, %rem3A_1347 : i32
    %broadcast_in_dim3A_1358 = vector.broadcast %select_n3A_1357 : i32 to vector<16xi32>
    %gather3A_1359 = arith.constant 0 : i32
    %gather3A_1360 = arith.constant 5 : i32
    %gather3A_1361 = arith.constant 0 : i32
    %gather3A_1362 = arith.constant 0 : i32
    %gather3A_1363 = tpu.memref_slice %arg6[%gather3A_1359, %gather3A_1360, %gather3A_1361, %gather3A_1362] : memref<3x8x32x128xf32, #tpu.memory_space<vmem>> -> memref<1x1x32x128xf32, #tpu.memory_space<vmem>>
    %gather3A_1364 = tpu.memref_squeeze %gather3A_1363 : memref<1x1x32x128xf32, #tpu.memory_space<vmem>> -> memref<32x128xf32, #tpu.memory_space<vmem>>
    %gather3A_1365 = tpu.vector_load_idx %gather3A_1364[%iota3A, %broadcast_in_dim3A_1358] : memref<32x128xf32, #tpu.memory_space<vmem>>[vector<16xi32>, vector<16xi32>], vector<16xf32>,
    %swap3A_1366 = arith.constant 5 : i32
    %swap3A_1367 = arith.index_cast %swap3A_1366 : i32 to index
    %swap3A_1368 = arith.constant 0 : index
    %swap3A_1369 = tpu.vector_load %arg7[%swap3A_1367, %swap3A_1368] {strides = array<i32>} : memref<32x32xf32, #tpu.memory_space<vmem>>, vector<16xf32>,
    tpu.vector_store %arg7[%swap3A_1367, %swap3A_1368], %gather3A_1365 {strides = array<i32>} : memref<32x32xf32, #tpu.memory_space<vmem>>, vector<16xf32>,
    %gather3A_1370 = arith.constant 0 : i32
    %gather3A_1371 = arith.constant 5 : i32
    %gather3A_1372 = arith.constant 0 : i32
    %gather3A_1373 = arith.constant 0 : i32
    %gather3A_1374 = tpu.memref_slice %arg6[%gather3A_1370, %gather3A_1371, %gather3A_1372, %gather3A_1373] : memref<3x8x32x128xf32, #tpu.memory_space<vmem>> -> memref<1x1x32x128xf32, #tpu.memory_space<vmem>>
    %gather3A_1375 = tpu.memref_squeeze %gather3A_1374 : memref<1x1x32x128xf32, #tpu.memory_space<vmem>> -> memref<32x128xf32, #tpu.memory_space<vmem>>
    %gather3A_1376 = tpu.vector_load_idx %gather3A_1375[%add3A_5, %broadcast_in_dim3A_1358] : memref<32x128xf32, #tpu.memory_space<vmem>>[vector<16xi32>, vector<16xi32>], vector<16xf32>,
    %swap3A_1377 = arith.constant 5 : i32
    %swap3A_1378 = arith.index_cast %swap3A_1377 : i32 to index
    %swap3A_1379 = arith.constant 16 : index
    %swap3A_1380 = tpu.vector_load %arg7[%swap3A_1378, %swap3A_1379] {strides = array<i32>} : memref<32x32xf32, #tpu.memory_space<vmem>>, vector<16xf32>,
    tpu.vector_store %arg7[%swap3A_1378, %swap3A_1379], %gather3A_1376 {strides = array<i32>} : memref<32x32xf32, #tpu.memory_space<vmem>>, vector<16xf32>,
    %slice3A_1381 = vector.extract_strided_slice %get3A_6 {offsets = [6], sizes = [1], strides = [1]} : vector<16xi32> to vector<1xi32>
    %squeeze3A_1382 = vector.extract %slice3A_1381[0] : i32 from vector<1xi32>
    %jit3A_1383 = arith.constant 128 : i32
    %eq3A_1384 = arith.constant 0 : i32
    %eq3A_1385 = arith.cmpi eq, %jit3A_1383, %eq3A_1384 : i32
    %jit3A_1386 = arith.constant 1 : i32
    %select_n3A_1387 = arith.select %eq3A_1385, %jit3A_1386, %jit3A_1383 : i32
    %rem3A_1388 = arith.remsi %squeeze3A_1382, %select_n3A_1387 : i32
    %ne3A_1389 = arith.constant 0 : i32
    %ne3A_1390 = arith.cmpi ne, %rem3A_1388, %ne3A_1389 : i32
    %lt3A_1391 = arith.constant 0 : i32
    %lt3A_1392 = arith.cmpi slt, %rem3A_1388, %lt3A_1391 : i32
    %lt3A_1393 = arith.constant 0 : i32
    %lt3A_1394 = arith.cmpi slt, %select_n3A_1387, %lt3A_1393 : i32
    %ne3A_1395 = arith.xori %lt3A_1392, %lt3A_1394 : i1
    %and3A_1396 = arith.andi %ne3A_1395, %ne3A_1390 : i1
    %add3A_1397 = arith.addi %rem3A_1388, %select_n3A_1387 : i32
    %select_n3A_1398 = arith.select %and3A_1396, %add3A_1397, %rem3A_1388 : i32
    %broadcast_in_dim3A_1399 = vector.broadcast %select_n3A_1398 : i32 to vector<16xi32>
    %gather3A_1400 = arith.constant 0 : i32
    %gather3A_1401 = arith.constant 6 : i32
    %gather3A_1402 = arith.constant 0 : i32
    %gather3A_1403 = arith.constant 0 : i32
    %gather3A_1404 = tpu.memref_slice %arg6[%gather3A_1400, %gather3A_1401, %gather3A_1402, %gather3A_1403] : memref<3x8x32x128xf32, #tpu.memory_space<vmem>> -> memref<1x1x32x128xf32, #tpu.memory_space<vmem>>
    %gather3A_1405 = tpu.memref_squeeze %gather3A_1404 : memref<1x1x32x128xf32, #tpu.memory_space<vmem>> -> memref<32x128xf32, #tpu.memory_space<vmem>>
    %gather3A_1406 = tpu.vector_load_idx %gather3A_1405[%iota3A, %broadcast_in_dim3A_1399] : memref<32x128xf32, #tpu.memory_space<vmem>>[vector<16xi32>, vector<16xi32>], vector<16xf32>,
    %swap3A_1407 = arith.constant 6 : i32
    %swap3A_1408 = arith.index_cast %swap3A_1407 : i32 to index
    %swap3A_1409 = arith.constant 0 : index
    %swap3A_1410 = tpu.vector_load %arg7[%swap3A_1408, %swap3A_1409] {strides = array<i32>} : memref<32x32xf32, #tpu.memory_space<vmem>>, vector<16xf32>,
    tpu.vector_store %arg7[%swap3A_1408, %swap3A_1409], %gather3A_1406 {strides = array<i32>} : memref<32x32xf32, #tpu.memory_space<vmem>>, vector<16xf32>,
    %gather3A_1411 = arith.constant 0 : i32
    %gather3A_1412 = arith.constant 6 : i32
    %gather3A_1413 = arith.constant 0 : i32
    %gather3A_1414 = arith.constant 0 : i32
    %gather3A_1415 = tpu.memref_slice %arg6[%gather3A_1411, %gather3A_1412, %gather3A_1413, %gather3A_1414] : memref<3x8x32x128xf32, #tpu.memory_space<vmem>> -> memref<1x1x32x128xf32, #tpu.memory_space<vmem>>
    %gather3A_1416 = tpu.memref_squeeze %gather3A_1415 : memref<1x1x32x128xf32, #tpu.memory_space<vmem>> -> memref<32x128xf32, #tpu.memory_space<vmem>>
    %gather3A_1417 = tpu.vector_load_idx %gather3A_1416[%add3A_5, %broadcast_in_dim3A_1399] : memref<32x128xf32, #tpu.memory_space<vmem>>[vector<16xi32>, vector<16xi32>], vector<16xf32>,
    %swap3A_1418 = arith.constant 6 : i32
    %swap3A_1419 = arith.index_cast %swap3A_1418 : i32 to index
    %swap3A_1420 = arith.constant 16 : index
    %swap3A_1421 = tpu.vector_load %arg7[%swap3A_1419, %swap3A_1420] {strides = array<i32>} : memref<32x32xf32, #tpu.memory_space<vmem>>, vector<16xf32>,
    tpu.vector_store %arg7[%swap3A_1419, %swap3A_1420], %gather3A_1417 {strides = array<i32>} : memref<32x32xf32, #tpu.memory_space<vmem>>, vector<16xf32>,
    %slice3A_1422 = vector.extract_strided_slice %get3A_6 {offsets = [7], sizes = [1], strides = [1]} : vector<16xi32> to vector<1xi32>
    %squeeze3A_1423 = vector.extract %slice3A_1422[0] : i32 from vector<1xi32>
    %jit3A_1424 = arith.constant 128 : i32
    %eq3A_1425 = arith.constant 0 : i32
    %eq3A_1426 = arith.cmpi eq, %jit3A_1424, %eq3A_1425 : i32
    %jit3A_1427 = arith.constant 1 : i32
    %select_n3A_1428 = arith.select %eq3A_1426, %jit3A_1427, %jit3A_1424 : i32
    %rem3A_1429 = arith.remsi %squeeze3A_1423, %select_n3A_1428 : i32
    %ne3A_1430 = arith.constant 0 : i32
    %ne3A_1431 = arith.cmpi ne, %rem3A_1429, %ne3A_1430 : i32
    %lt3A_1432 = arith.constant 0 : i32
    %lt3A_1433 = arith.cmpi slt, %rem3A_1429, %lt3A_1432 : i32
    %lt3A_1434 = arith.constant 0 : i32
    %lt3A_1435 = arith.cmpi slt, %select_n3A_1428, %lt3A_1434 : i32
    %ne3A_1436 = arith.xori %lt3A_1433, %lt3A_1435 : i1
    %and3A_1437 = arith.andi %ne3A_1436, %ne3A_1431 : i1
    %add3A_1438 = arith.addi %rem3A_1429, %select_n3A_1428 : i32
    %select_n3A_1439 = arith.select %and3A_1437, %add3A_1438, %rem3A_1429 : i32
    %broadcast_in_dim3A_1440 = vector.broadcast %select_n3A_1439 : i32 to vector<16xi32>
    %gather3A_1441 = arith.constant 0 : i32
    %gather3A_1442 = arith.constant 7 : i32
    %gather3A_1443 = arith.constant 0 : i32
    %gather3A_1444 = arith.constant 0 : i32
    %gather3A_1445 = tpu.memref_slice %arg6[%gather3A_1441, %gather3A_1442, %gather3A_1443, %gather3A_1444] : memref<3x8x32x128xf32, #tpu.memory_space<vmem>> -> memref<1x1x32x128xf32, #tpu.memory_space<vmem>>
    %gather3A_1446 = tpu.memref_squeeze %gather3A_1445 : memref<1x1x32x128xf32, #tpu.memory_space<vmem>> -> memref<32x128xf32, #tpu.memory_space<vmem>>
    %gather3A_1447 = tpu.vector_load_idx %gather3A_1446[%iota3A, %broadcast_in_dim3A_1440] : memref<32x128xf32, #tpu.memory_space<vmem>>[vector<16xi32>, vector<16xi32>], vector<16xf32>,
    %swap3A_1448 = arith.constant 7 : i32
    %swap3A_1449 = arith.index_cast %swap3A_1448 : i32 to index
    %swap3A_1450 = arith.constant 0 : index
    %swap3A_1451 = tpu.vector_load %arg7[%swap3A_1449, %swap3A_1450] {strides = array<i32>} : memref<32x32xf32, #tpu.memory_space<vmem>>, vector<16xf32>,
    tpu.vector_store %arg7[%swap3A_1449, %swap3A_1450], %gather3A_1447 {strides = array<i32>} : memref<32x32xf32, #tpu.memory_space<vmem>>, vector<16xf32>,
    %gather3A_1452 = arith.constant 0 : i32
    %gather3A_1453 = arith.constant 7 : i32
    %gather3A_1454 = arith.constant 0 : i32
    %gather3A_1455 = arith.constant 0 : i32
    %gather3A_1456 = tpu.memref_slice %arg6[%gather3A_1452, %gather3A_1453, %gather3A_1454, %gather3A_1455] : memref<3x8x32x128xf32, #tpu.memory_space<vmem>> -> memref<1x1x32x128xf32, #tpu.memory_space<vmem>>
    %gather3A_1457 = tpu.memref_squeeze %gather3A_1456 : memref<1x1x32x128xf32, #tpu.memory_space<vmem>> -> memref<32x128xf32, #tpu.memory_space<vmem>>
    %gather3A_1458 = tpu.vector_load_idx %gather3A_1457[%add3A_5, %broadcast_in_dim3A_1440] : memref<32x128xf32, #tpu.memory_space<vmem>>[vector<16xi32>, vector<16xi32>], vector<16xf32>,
    %swap3A_1459 = arith.constant 7 : i32
    %swap3A_1460 = arith.index_cast %swap3A_1459 : i32 to index
    %swap3A_1461 = arith.constant 16 : index
    %swap3A_1462 = tpu.vector_load %arg7[%swap3A_1460, %swap3A_1461] {strides = array<i32>} : memref<32x32xf32, #tpu.memory_space<vmem>>, vector<16xf32>,
    tpu.vector_store %arg7[%swap3A_1460, %swap3A_1461], %gather3A_1458 {strides = array<i32>} : memref<32x32xf32, #tpu.memory_space<vmem>>, vector<16xf32>,
    %slice3A_1463 = vector.extract_strided_slice %get3A_8 {offsets = [8], sizes = [1], strides = [1]} : vector<16xi32> to vector<1xi32>
    %squeeze3A_1464 = vector.extract %slice3A_1463[0] : i32 from vector<1xi32>
    %jit3A_1465 = arith.constant 128 : i32
    %div3A_1466 = arith.divsi %squeeze3A_1464, %jit3A_1465 : i32
    %sign3A_1467 = arith.constant 0 : i32
    %sign3A_1468 = arith.cmpi sgt, %squeeze3A_1464, %sign3A_1467 : i32
    %sign3A_1469 = arith.extui %sign3A_1468 : i1 to i32
    %sign3A_1470 = arith.constant 0 : i32
    %sign3A_1471 = arith.cmpi slt, %squeeze3A_1464, %sign3A_1470 : i32
    %sign3A_1472 = arith.extui %sign3A_1471 : i1 to i32
    %sign3A_1473 = arith.subi %sign3A_1469, %sign3A_1472 : i32
    %sign3A_1474 = arith.constant 0 : i32
    %sign3A_1475 = arith.cmpi sgt, %jit3A_1465, %sign3A_1474 : i32
    %sign3A_1476 = arith.extui %sign3A_1475 : i1 to i32
    %sign3A_1477 = arith.constant 0 : i32
    %sign3A_1478 = arith.cmpi slt, %jit3A_1465, %sign3A_1477 : i32
    %sign3A_1479 = arith.extui %sign3A_1478 : i1 to i32
    %sign3A_1480 = arith.subi %sign3A_1476, %sign3A_1479 : i32
    %ne3A_1481 = arith.cmpi ne, %sign3A_1473, %sign3A_1480 : i32
    %rem3A_1482 = arith.remsi %squeeze3A_1464, %jit3A_1465 : i32
    %ne3A_1483 = arith.constant 0 : i32
    %ne3A_1484 = arith.cmpi ne, %rem3A_1482, %ne3A_1483 : i32
    %and3A_1485 = arith.andi %ne3A_1481, %ne3A_1484 : i1
    %sub3A_1486 = arith.constant 1 : i32
    %sub3A_1487 = arith.subi %div3A_1466, %sub3A_1486 : i32
    %select_n3A_1488 = arith.select %and3A_1485, %sub3A_1487, %div3A_1466 : i32
    %mul3A_1489 = arith.constant 128 : i32
    %mul3A_1490 = arith.muli %select_n3A_1488, %mul3A_1489 : i32
    %multiple_of3A_1491 = tpu.assume_multiple %mul3A_1490, 128 : i32
    %dma_start3A_1492 = arith.constant 0 : i32
    %dma_start3A_1493 = arith.constant 0 : i32
    %dma_start3A_1494 = arith.constant 0 : i32
    %dma_start3A_1495 = arith.constant 0 : i32
    %dma_start3A_1496 = tpu.memref_slice %arg6[%dma_start3A_1492, %dma_start3A_1493, %dma_start3A_1494, %dma_start3A_1495] : memref<3x8x32x128xf32, #tpu.memory_space<vmem>> -> memref<1x1x32x128xf32, #tpu.memory_space<vmem>>
    %dma_start3A_1497 = tpu.memref_squeeze %dma_start3A_1496 : memref<1x1x32x128xf32, #tpu.memory_space<vmem>> -> memref<32x128xf32, #tpu.memory_space<vmem>>
    %dma_start3A_1498 = arith.constant 0 : i32
    %dma_start3A_1499 = tpu.memref_slice %arg3[%dma_start3A_1498, %multiple_of3A_1491] : memref<32x100000xf32, #tpu.memory_space<hbm>> -> memref<32x128xf32, #tpu.memory_space<hbm>>
    %dma_start3A_1500 = arith.constant 0 : i32
    %dma_start3A_1501 = arith.constant 0 : i32
    %dma_start3A_1502 = tpu.memref_slice %arg6[%dma_start3A_1492, %dma_start3A_1493, %dma_start3A_1500, %dma_start3A_1501] : memref<3x8x32x128xf32, #tpu.memory_space<vmem>> -> memref<1x1x32x128xf32, #tpu.memory_space<vmem>>
    %dma_start3A_1503 = tpu.memref_squeeze %dma_start3A_1502 : memref<1x1x32x128xf32, #tpu.memory_space<vmem>> -> memref<32x128xf32, #tpu.memory_space<vmem>>
    %dma_start3A_1504 = arith.constant 0 : i32
    %dma_start3A_1505 = tpu.memref_slice %arg3[%dma_start3A_1504, %multiple_of3A_1491] : memref<32x100000xf32, #tpu.memory_space<hbm>> -> memref<32x128xf32, #tpu.memory_space<hbm>>
    tpu.enqueue_dma source(%dma_start3A_1505 : memref<32x128xf32, #tpu.memory_space<hbm>>) target(%dma_start3A_1503 : memref<32x128xf32, #tpu.memory_space<vmem>>) target_semaphore(%arg8 : memref<!tpu.dma_semaphore, #tpu.memory_space<semaphore_mem>>)
    %slice3A_1506 = vector.extract_strided_slice %get3A_8 {offsets = [9], sizes = [1], strides = [1]} : vector<16xi32> to vector<1xi32>
    %squeeze3A_1507 = vector.extract %slice3A_1506[0] : i32 from vector<1xi32>
    %jit3A_1508 = arith.constant 128 : i32
    %div3A_1509 = arith.divsi %squeeze3A_1507, %jit3A_1508 : i32
    %sign3A_1510 = arith.constant 0 : i32
    %sign3A_1511 = arith.cmpi sgt, %squeeze3A_1507, %sign3A_1510 : i32
    %sign3A_1512 = arith.extui %sign3A_1511 : i1 to i32
    %sign3A_1513 = arith.constant 0 : i32
    %sign3A_1514 = arith.cmpi slt, %squeeze3A_1507, %sign3A_1513 : i32
    %sign3A_1515 = arith.extui %sign3A_1514 : i1 to i32
    %sign3A_1516 = arith.subi %sign3A_1512, %sign3A_1515 : i32
    %sign3A_1517 = arith.constant 0 : i32
    %sign3A_1518 = arith.cmpi sgt, %jit3A_1508, %sign3A_1517 : i32
    %sign3A_1519 = arith.extui %sign3A_1518 : i1 to i32
    %sign3A_1520 = arith.constant 0 : i32
    %sign3A_1521 = arith.cmpi slt, %jit3A_1508, %sign3A_1520 : i32
    %sign3A_1522 = arith.extui %sign3A_1521 : i1 to i32
    %sign3A_1523 = arith.subi %sign3A_1519, %sign3A_1522 : i32
    %ne3A_1524 = arith.cmpi ne, %sign3A_1516, %sign3A_1523 : i32
    %rem3A_1525 = arith.remsi %squeeze3A_1507, %jit3A_1508 : i32
    %ne3A_1526 = arith.constant 0 : i32
    %ne3A_1527 = arith.cmpi ne, %rem3A_1525, %ne3A_1526 : i32
    %and3A_1528 = arith.andi %ne3A_1524, %ne3A_1527 : i1
    %sub3A_1529 = arith.constant 1 : i32
    %sub3A_1530 = arith.subi %div3A_1509, %sub3A_1529 : i32
    %select_n3A_1531 = arith.select %and3A_1528, %sub3A_1530, %div3A_1509 : i32
    %mul3A_1532 = arith.constant 128 : i32
    %mul3A_1533 = arith.muli %select_n3A_1531, %mul3A_1532 : i32
    %multiple_of3A_1534 = tpu.assume_multiple %mul3A_1533, 128 : i32
    %dma_start3A_1535 = arith.constant 0 : i32
    %dma_start3A_1536 = arith.constant 1 : i32
    %dma_start3A_1537 = arith.constant 0 : i32
    %dma_start3A_1538 = arith.constant 0 : i32
    %dma_start3A_1539 = tpu.memref_slice %arg6[%dma_start3A_1535, %dma_start3A_1536, %dma_start3A_1537, %dma_start3A_1538] : memref<3x8x32x128xf32, #tpu.memory_space<vmem>> -> memref<1x1x32x128xf32, #tpu.memory_space<vmem>>
    %dma_start3A_1540 = tpu.memref_squeeze %dma_start3A_1539 : memref<1x1x32x128xf32, #tpu.memory_space<vmem>> -> memref<32x128xf32, #tpu.memory_space<vmem>>
    %dma_start3A_1541 = arith.constant 0 : i32
    %dma_start3A_1542 = tpu.memref_slice %arg3[%dma_start3A_1541, %multiple_of3A_1534] : memref<32x100000xf32, #tpu.memory_space<hbm>> -> memref<32x128xf32, #tpu.memory_space<hbm>>
    %dma_start3A_1543 = arith.constant 0 : i32
    %dma_start3A_1544 = arith.constant 0 : i32
    %dma_start3A_1545 = tpu.memref_slice %arg6[%dma_start3A_1535, %dma_start3A_1536, %dma_start3A_1543, %dma_start3A_1544] : memref<3x8x32x128xf32, #tpu.memory_space<vmem>> -> memref<1x1x32x128xf32, #tpu.memory_space<vmem>>
    %dma_start3A_1546 = tpu.memref_squeeze %dma_start3A_1545 : memref<1x1x32x128xf32, #tpu.memory_space<vmem>> -> memref<32x128xf32, #tpu.memory_space<vmem>>
    %dma_start3A_1547 = arith.constant 0 : i32
    %dma_start3A_1548 = tpu.memref_slice %arg3[%dma_start3A_1547, %multiple_of3A_1534] : memref<32x100000xf32, #tpu.memory_space<hbm>> -> memref<32x128xf32, #tpu.memory_space<hbm>>
    tpu.enqueue_dma source(%dma_start3A_1548 : memref<32x128xf32, #tpu.memory_space<hbm>>) target(%dma_start3A_1546 : memref<32x128xf32, #tpu.memory_space<vmem>>) target_semaphore(%arg8 : memref<!tpu.dma_semaphore, #tpu.memory_space<semaphore_mem>>)
    %slice3A_1549 = vector.extract_strided_slice %get3A_8 {offsets = [10], sizes = [1], strides = [1]} : vector<16xi32> to vector<1xi32>
    %squeeze3A_1550 = vector.extract %slice3A_1549[0] : i32 from vector<1xi32>
    %jit3A_1551 = arith.constant 128 : i32
    %div3A_1552 = arith.divsi %squeeze3A_1550, %jit3A_1551 : i32
    %sign3A_1553 = arith.constant 0 : i32
    %sign3A_1554 = arith.cmpi sgt, %squeeze3A_1550, %sign3A_1553 : i32
    %sign3A_1555 = arith.extui %sign3A_1554 : i1 to i32
    %sign3A_1556 = arith.constant 0 : i32
    %sign3A_1557 = arith.cmpi slt, %squeeze3A_1550, %sign3A_1556 : i32
    %sign3A_1558 = arith.extui %sign3A_1557 : i1 to i32
    %sign3A_1559 = arith.subi %sign3A_1555, %sign3A_1558 : i32
    %sign3A_1560 = arith.constant 0 : i32
    %sign3A_1561 = arith.cmpi sgt, %jit3A_1551, %sign3A_1560 : i32
    %sign3A_1562 = arith.extui %sign3A_1561 : i1 to i32
    %sign3A_1563 = arith.constant 0 : i32
    %sign3A_1564 = arith.cmpi slt, %jit3A_1551, %sign3A_1563 : i32
    %sign3A_1565 = arith.extui %sign3A_1564 : i1 to i32
    %sign3A_1566 = arith.subi %sign3A_1562, %sign3A_1565 : i32
    %ne3A_1567 = arith.cmpi ne, %sign3A_1559, %sign3A_1566 : i32
    %rem3A_1568 = arith.remsi %squeeze3A_1550, %jit3A_1551 : i32
    %ne3A_1569 = arith.constant 0 : i32
    %ne3A_1570 = arith.cmpi ne, %rem3A_1568, %ne3A_1569 : i32
    %and3A_1571 = arith.andi %ne3A_1567, %ne3A_1570 : i1
    %sub3A_1572 = arith.constant 1 : i32
    %sub3A_1573 = arith.subi %div3A_1552, %sub3A_1572 : i32
    %select_n3A_1574 = arith.select %and3A_1571, %sub3A_1573, %div3A_1552 : i32
    %mul3A_1575 = arith.constant 128 : i32
    %mul3A_1576 = arith.muli %select_n3A_1574, %mul3A_1575 : i32
    %multiple_of3A_1577 = tpu.assume_multiple %mul3A_1576, 128 : i32
    %dma_start3A_1578 = arith.constant 0 : i32
    %dma_start3A_1579 = arith.constant 2 : i32
    %dma_start3A_1580 = arith.constant 0 : i32
    %dma_start3A_1581 = arith.constant 0 : i32
    %dma_start3A_1582 = tpu.memref_slice %arg6[%dma_start3A_1578, %dma_start3A_1579, %dma_start3A_1580, %dma_start3A_1581] : memref<3x8x32x128xf32, #tpu.memory_space<vmem>> -> memref<1x1x32x128xf32, #tpu.memory_space<vmem>>
    %dma_start3A_1583 = tpu.memref_squeeze %dma_start3A_1582 : memref<1x1x32x128xf32, #tpu.memory_space<vmem>> -> memref<32x128xf32, #tpu.memory_space<vmem>>
    %dma_start3A_1584 = arith.constant 0 : i32
    %dma_start3A_1585 = tpu.memref_slice %arg3[%dma_start3A_1584, %multiple_of3A_1577] : memref<32x100000xf32, #tpu.memory_space<hbm>> -> memref<32x128xf32, #tpu.memory_space<hbm>>
    %dma_start3A_1586 = arith.constant 0 : i32
    %dma_start3A_1587 = arith.constant 0 : i32
    %dma_start3A_1588 = tpu.memref_slice %arg6[%dma_start3A_1578, %dma_start3A_1579, %dma_start3A_1586, %dma_start3A_1587] : memref<3x8x32x128xf32, #tpu.memory_space<vmem>> -> memref<1x1x32x128xf32, #tpu.memory_space<vmem>>
    %dma_start3A_1589 = tpu.memref_squeeze %dma_start3A_1588 : memref<1x1x32x128xf32, #tpu.memory_space<vmem>> -> memref<32x128xf32, #tpu.memory_space<vmem>>
    %dma_start3A_1590 = arith.constant 0 : i32
    %dma_start3A_1591 = tpu.memref_slice %arg3[%dma_start3A_1590, %multiple_of3A_1577] : memref<32x100000xf32, #tpu.memory_space<hbm>> -> memref<32x128xf32, #tpu.memory_space<hbm>>
    tpu.enqueue_dma source(%dma_start3A_1591 : memref<32x128xf32, #tpu.memory_space<hbm>>) target(%dma_start3A_1589 : memref<32x128xf32, #tpu.memory_space<vmem>>) target_semaphore(%arg8 : memref<!tpu.dma_semaphore, #tpu.memory_space<semaphore_mem>>)
    %slice3A_1592 = vector.extract_strided_slice %get3A_8 {offsets = [11], sizes = [1], strides = [1]} : vector<16xi32> to vector<1xi32>
    %squeeze3A_1593 = vector.extract %slice3A_1592[0] : i32 from vector<1xi32>
    %jit3A_1594 = arith.constant 128 : i32
    %div3A_1595 = arith.divsi %squeeze3A_1593, %jit3A_1594 : i32
    %sign3A_1596 = arith.constant 0 : i32
    %sign3A_1597 = arith.cmpi sgt, %squeeze3A_1593, %sign3A_1596 : i32
    %sign3A_1598 = arith.extui %sign3A_1597 : i1 to i32
    %sign3A_1599 = arith.constant 0 : i32
    %sign3A_1600 = arith.cmpi slt, %squeeze3A_1593, %sign3A_1599 : i32
    %sign3A_1601 = arith.extui %sign3A_1600 : i1 to i32
    %sign3A_1602 = arith.subi %sign3A_1598, %sign3A_1601 : i32
    %sign3A_1603 = arith.constant 0 : i32
    %sign3A_1604 = arith.cmpi sgt, %jit3A_1594, %sign3A_1603 : i32
    %sign3A_1605 = arith.extui %sign3A_1604 : i1 to i32
    %sign3A_1606 = arith.constant 0 : i32
    %sign3A_1607 = arith.cmpi slt, %jit3A_1594, %sign3A_1606 : i32
    %sign3A_1608 = arith.extui %sign3A_1607 : i1 to i32
    %sign3A_1609 = arith.subi %sign3A_1605, %sign3A_1608 : i32
    %ne3A_1610 = arith.cmpi ne, %sign3A_1602, %sign3A_1609 : i32
    %rem3A_1611 = arith.remsi %squeeze3A_1593, %jit3A_1594 : i32
    %ne3A_1612 = arith.constant 0 : i32
    %ne3A_1613 = arith.cmpi ne, %rem3A_1611, %ne3A_1612 : i32
    %and3A_1614 = arith.andi %ne3A_1610, %ne3A_1613 : i1
    %sub3A_1615 = arith.constant 1 : i32
    %sub3A_1616 = arith.subi %div3A_1595, %sub3A_1615 : i32
    %select_n3A_1617 = arith.select %and3A_1614, %sub3A_1616, %div3A_1595 : i32
    %mul3A_1618 = arith.constant 128 : i32
    %mul3A_1619 = arith.muli %select_n3A_1617, %mul3A_1618 : i32
    %multiple_of3A_1620 = tpu.assume_multiple %mul3A_1619, 128 : i32
    %dma_start3A_1621 = arith.constant 0 : i32
    %dma_start3A_1622 = arith.constant 3 : i32
    %dma_start3A_1623 = arith.constant 0 : i32
    %dma_start3A_1624 = arith.constant 0 : i32
    %dma_start3A_1625 = tpu.memref_slice %arg6[%dma_start3A_1621, %dma_start3A_1622, %dma_start3A_1623, %dma_start3A_1624] : memref<3x8x32x128xf32, #tpu.memory_space<vmem>> -> memref<1x1x32x128xf32, #tpu.memory_space<vmem>>
    %dma_start3A_1626 = tpu.memref_squeeze %dma_start3A_1625 : memref<1x1x32x128xf32, #tpu.memory_space<vmem>> -> memref<32x128xf32, #tpu.memory_space<vmem>>
    %dma_start3A_1627 = arith.constant 0 : i32
    %dma_start3A_1628 = tpu.memref_slice %arg3[%dma_start3A_1627, %multiple_of3A_1620] : memref<32x100000xf32, #tpu.memory_space<hbm>> -> memref<32x128xf32, #tpu.memory_space<hbm>>
    %dma_start3A_1629 = arith.constant 0 : i32
    %dma_start3A_1630 = arith.constant 0 : i32
    %dma_start3A_1631 = tpu.memref_slice %arg6[%dma_start3A_1621, %dma_start3A_1622, %dma_start3A_1629, %dma_start3A_1630] : memref<3x8x32x128xf32, #tpu.memory_space<vmem>> -> memref<1x1x32x128xf32, #tpu.memory_space<vmem>>
    %dma_start3A_1632 = tpu.memref_squeeze %dma_start3A_1631 : memref<1x1x32x128xf32, #tpu.memory_space<vmem>> -> memref<32x128xf32, #tpu.memory_space<vmem>>
    %dma_start3A_1633 = arith.constant 0 : i32
    %dma_start3A_1634 = tpu.memref_slice %arg3[%dma_start3A_1633, %multiple_of3A_1620] : memref<32x100000xf32, #tpu.memory_space<hbm>> -> memref<32x128xf32, #tpu.memory_space<hbm>>
    tpu.enqueue_dma source(%dma_start3A_1634 : memref<32x128xf32, #tpu.memory_space<hbm>>) target(%dma_start3A_1632 : memref<32x128xf32, #tpu.memory_space<vmem>>) target_semaphore(%arg8 : memref<!tpu.dma_semaphore, #tpu.memory_space<semaphore_mem>>)
    %slice3A_1635 = vector.extract_strided_slice %get3A_8 {offsets = [12], sizes = [1], strides = [1]} : vector<16xi32> to vector<1xi32>
    %squeeze3A_1636 = vector.extract %slice3A_1635[0] : i32 from vector<1xi32>
    %jit3A_1637 = arith.constant 128 : i32
    %div3A_1638 = arith.divsi %squeeze3A_1636, %jit3A_1637 : i32
    %sign3A_1639 = arith.constant 0 : i32
    %sign3A_1640 = arith.cmpi sgt, %squeeze3A_1636, %sign3A_1639 : i32
    %sign3A_1641 = arith.extui %sign3A_1640 : i1 to i32
    %sign3A_1642 = arith.constant 0 : i32
    %sign3A_1643 = arith.cmpi slt, %squeeze3A_1636, %sign3A_1642 : i32
    %sign3A_1644 = arith.extui %sign3A_1643 : i1 to i32
    %sign3A_1645 = arith.subi %sign3A_1641, %sign3A_1644 : i32
    %sign3A_1646 = arith.constant 0 : i32
    %sign3A_1647 = arith.cmpi sgt, %jit3A_1637, %sign3A_1646 : i32
    %sign3A_1648 = arith.extui %sign3A_1647 : i1 to i32
    %sign3A_1649 = arith.constant 0 : i32
    %sign3A_1650 = arith.cmpi slt, %jit3A_1637, %sign3A_1649 : i32
    %sign3A_1651 = arith.extui %sign3A_1650 : i1 to i32
    %sign3A_1652 = arith.subi %sign3A_1648, %sign3A_1651 : i32
    %ne3A_1653 = arith.cmpi ne, %sign3A_1645, %sign3A_1652 : i32
    %rem3A_1654 = arith.remsi %squeeze3A_1636, %jit3A_1637 : i32
    %ne3A_1655 = arith.constant 0 : i32
    %ne3A_1656 = arith.cmpi ne, %rem3A_1654, %ne3A_1655 : i32
    %and3A_1657 = arith.andi %ne3A_1653, %ne3A_1656 : i1
    %sub3A_1658 = arith.constant 1 : i32
    %sub3A_1659 = arith.subi %div3A_1638, %sub3A_1658 : i32
    %select_n3A_1660 = arith.select %and3A_1657, %sub3A_1659, %div3A_1638 : i32
    %mul3A_1661 = arith.constant 128 : i32
    %mul3A_1662 = arith.muli %select_n3A_1660, %mul3A_1661 : i32
    %multiple_of3A_1663 = tpu.assume_multiple %mul3A_1662, 128 : i32
    %dma_start3A_1664 = arith.constant 0 : i32
    %dma_start3A_1665 = arith.constant 4 : i32
    %dma_start3A_1666 = arith.constant 0 : i32
    %dma_start3A_1667 = arith.constant 0 : i32
    %dma_start3A_1668 = tpu.memref_slice %arg6[%dma_start3A_1664, %dma_start3A_1665, %dma_start3A_1666, %dma_start3A_1667] : memref<3x8x32x128xf32, #tpu.memory_space<vmem>> -> memref<1x1x32x128xf32, #tpu.memory_space<vmem>>
    %dma_start3A_1669 = tpu.memref_squeeze %dma_start3A_1668 : memref<1x1x32x128xf32, #tpu.memory_space<vmem>> -> memref<32x128xf32, #tpu.memory_space<vmem>>
    %dma_start3A_1670 = arith.constant 0 : i32
    %dma_start3A_1671 = tpu.memref_slice %arg3[%dma_start3A_1670, %multiple_of3A_1663] : memref<32x100000xf32, #tpu.memory_space<hbm>> -> memref<32x128xf32, #tpu.memory_space<hbm>>
    %dma_start3A_1672 = arith.constant 0 : i32
    %dma_start3A_1673 = arith.constant 0 : i32
    %dma_start3A_1674 = tpu.memref_slice %arg6[%dma_start3A_1664, %dma_start3A_1665, %dma_start3A_1672, %dma_start3A_1673] : memref<3x8x32x128xf32, #tpu.memory_space<vmem>> -> memref<1x1x32x128xf32, #tpu.memory_space<vmem>>
    %dma_start3A_1675 = tpu.memref_squeeze %dma_start3A_1674 : memref<1x1x32x128xf32, #tpu.memory_space<vmem>> -> memref<32x128xf32, #tpu.memory_space<vmem>>
    %dma_start3A_1676 = arith.constant 0 : i32
    %dma_start3A_1677 = tpu.memref_slice %arg3[%dma_start3A_1676, %multiple_of3A_1663] : memref<32x100000xf32, #tpu.memory_space<hbm>> -> memref<32x128xf32, #tpu.memory_space<hbm>>
    tpu.enqueue_dma source(%dma_start3A_1677 : memref<32x128xf32, #tpu.memory_space<hbm>>) target(%dma_start3A_1675 : memref<32x128xf32, #tpu.memory_space<vmem>>) target_semaphore(%arg8 : memref<!tpu.dma_semaphore, #tpu.memory_space<semaphore_mem>>)
    %slice3A_1678 = vector.extract_strided_slice %get3A_8 {offsets = [13], sizes = [1], strides = [1]} : vector<16xi32> to vector<1xi32>
    %squeeze3A_1679 = vector.extract %slice3A_1678[0] : i32 from vector<1xi32>
    %jit3A_1680 = arith.constant 128 : i32
    %div3A_1681 = arith.divsi %squeeze3A_1679, %jit3A_1680 : i32
    %sign3A_1682 = arith.constant 0 : i32
    %sign3A_1683 = arith.cmpi sgt, %squeeze3A_1679, %sign3A_1682 : i32
    %sign3A_1684 = arith.extui %sign3A_1683 : i1 to i32
    %sign3A_1685 = arith.constant 0 : i32
    %sign3A_1686 = arith.cmpi slt, %squeeze3A_1679, %sign3A_1685 : i32
    %sign3A_1687 = arith.extui %sign3A_1686 : i1 to i32
    %sign3A_1688 = arith.subi %sign3A_1684, %sign3A_1687 : i32
    %sign3A_1689 = arith.constant 0 : i32
    %sign3A_1690 = arith.cmpi sgt, %jit3A_1680, %sign3A_1689 : i32
    %sign3A_1691 = arith.extui %sign3A_1690 : i1 to i32
    %sign3A_1692 = arith.constant 0 : i32
    %sign3A_1693 = arith.cmpi slt, %jit3A_1680, %sign3A_1692 : i32
    %sign3A_1694 = arith.extui %sign3A_1693 : i1 to i32
    %sign3A_1695 = arith.subi %sign3A_1691, %sign3A_1694 : i32
    %ne3A_1696 = arith.cmpi ne, %sign3A_1688, %sign3A_1695 : i32
    %rem3A_1697 = arith.remsi %squeeze3A_1679, %jit3A_1680 : i32
    %ne3A_1698 = arith.constant 0 : i32
    %ne3A_1699 = arith.cmpi ne, %rem3A_1697, %ne3A_1698 : i32
    %and3A_1700 = arith.andi %ne3A_1696, %ne3A_1699 : i1
    %sub3A_1701 = arith.constant 1 : i32
    %sub3A_1702 = arith.subi %div3A_1681, %sub3A_1701 : i32
    %select_n3A_1703 = arith.select %and3A_1700, %sub3A_1702, %div3A_1681 : i32
    %mul3A_1704 = arith.constant 128 : i32
    %mul3A_1705 = arith.muli %select_n3A_1703, %mul3A_1704 : i32
    %multiple_of3A_1706 = tpu.assume_multiple %mul3A_1705, 128 : i32
    %dma_start3A_1707 = arith.constant 0 : i32
    %dma_start3A_1708 = arith.constant 5 : i32
    %dma_start3A_1709 = arith.constant 0 : i32
    %dma_start3A_1710 = arith.constant 0 : i32
    %dma_start3A_1711 = tpu.memref_slice %arg6[%dma_start3A_1707, %dma_start3A_1708, %dma_start3A_1709, %dma_start3A_1710] : memref<3x8x32x128xf32, #tpu.memory_space<vmem>> -> memref<1x1x32x128xf32, #tpu.memory_space<vmem>>
    %dma_start3A_1712 = tpu.memref_squeeze %dma_start3A_1711 : memref<1x1x32x128xf32, #tpu.memory_space<vmem>> -> memref<32x128xf32, #tpu.memory_space<vmem>>
    %dma_start3A_1713 = arith.constant 0 : i32
    %dma_start3A_1714 = tpu.memref_slice %arg3[%dma_start3A_1713, %multiple_of3A_1706] : memref<32x100000xf32, #tpu.memory_space<hbm>> -> memref<32x128xf32, #tpu.memory_space<hbm>>
    %dma_start3A_1715 = arith.constant 0 : i32
    %dma_start3A_1716 = arith.constant 0 : i32
    %dma_start3A_1717 = tpu.memref_slice %arg6[%dma_start3A_1707, %dma_start3A_1708, %dma_start3A_1715, %dma_start3A_1716] : memref<3x8x32x128xf32, #tpu.memory_space<vmem>> -> memref<1x1x32x128xf32, #tpu.memory_space<vmem>>
    %dma_start3A_1718 = tpu.memref_squeeze %dma_start3A_1717 : memref<1x1x32x128xf32, #tpu.memory_space<vmem>> -> memref<32x128xf32, #tpu.memory_space<vmem>>
    %dma_start3A_1719 = arith.constant 0 : i32
    %dma_start3A_1720 = tpu.memref_slice %arg3[%dma_start3A_1719, %multiple_of3A_1706] : memref<32x100000xf32, #tpu.memory_space<hbm>> -> memref<32x128xf32, #tpu.memory_space<hbm>>
    tpu.enqueue_dma source(%dma_start3A_1720 : memref<32x128xf32, #tpu.memory_space<hbm>>) target(%dma_start3A_1718 : memref<32x128xf32, #tpu.memory_space<vmem>>) target_semaphore(%arg8 : memref<!tpu.dma_semaphore, #tpu.memory_space<semaphore_mem>>)
    %slice3A_1721 = vector.extract_strided_slice %get3A_8 {offsets = [14], sizes = [1], strides = [1]} : vector<16xi32> to vector<1xi32>
    %squeeze3A_1722 = vector.extract %slice3A_1721[0] : i32 from vector<1xi32>
    %jit3A_1723 = arith.constant 128 : i32
    %div3A_1724 = arith.divsi %squeeze3A_1722, %jit3A_1723 : i32
    %sign3A_1725 = arith.constant 0 : i32
    %sign3A_1726 = arith.cmpi sgt, %squeeze3A_1722, %sign3A_1725 : i32
    %sign3A_1727 = arith.extui %sign3A_1726 : i1 to i32
    %sign3A_1728 = arith.constant 0 : i32
    %sign3A_1729 = arith.cmpi slt, %squeeze3A_1722, %sign3A_1728 : i32
    %sign3A_1730 = arith.extui %sign3A_1729 : i1 to i32
    %sign3A_1731 = arith.subi %sign3A_1727, %sign3A_1730 : i32
    %sign3A_1732 = arith.constant 0 : i32
    %sign3A_1733 = arith.cmpi sgt, %jit3A_1723, %sign3A_1732 : i32
    %sign3A_1734 = arith.extui %sign3A_1733 : i1 to i32
    %sign3A_1735 = arith.constant 0 : i32
    %sign3A_1736 = arith.cmpi slt, %jit3A_1723, %sign3A_1735 : i32
    %sign3A_1737 = arith.extui %sign3A_1736 : i1 to i32
    %sign3A_1738 = arith.subi %sign3A_1734, %sign3A_1737 : i32
    %ne3A_1739 = arith.cmpi ne, %sign3A_1731, %sign3A_1738 : i32
    %rem3A_1740 = arith.remsi %squeeze3A_1722, %jit3A_1723 : i32
    %ne3A_1741 = arith.constant 0 : i32
    %ne3A_1742 = arith.cmpi ne, %rem3A_1740, %ne3A_1741 : i32
    %and3A_1743 = arith.andi %ne3A_1739, %ne3A_1742 : i1
    %sub3A_1744 = arith.constant 1 : i32
    %sub3A_1745 = arith.subi %div3A_1724, %sub3A_1744 : i32
    %select_n3A_1746 = arith.select %and3A_1743, %sub3A_1745, %div3A_1724 : i32
    %mul3A_1747 = arith.constant 128 : i32
    %mul3A_1748 = arith.muli %select_n3A_1746, %mul3A_1747 : i32
    %multiple_of3A_1749 = tpu.assume_multiple %mul3A_1748, 128 : i32
    %dma_start3A_1750 = arith.constant 0 : i32
    %dma_start3A_1751 = arith.constant 6 : i32
    %dma_start3A_1752 = arith.constant 0 : i32
    %dma_start3A_1753 = arith.constant 0 : i32
    %dma_start3A_1754 = tpu.memref_slice %arg6[%dma_start3A_1750, %dma_start3A_1751, %dma_start3A_1752, %dma_start3A_1753] : memref<3x8x32x128xf32, #tpu.memory_space<vmem>> -> memref<1x1x32x128xf32, #tpu.memory_space<vmem>>
    %dma_start3A_1755 = tpu.memref_squeeze %dma_start3A_1754 : memref<1x1x32x128xf32, #tpu.memory_space<vmem>> -> memref<32x128xf32, #tpu.memory_space<vmem>>
    %dma_start3A_1756 = arith.constant 0 : i32
    %dma_start3A_1757 = tpu.memref_slice %arg3[%dma_start3A_1756, %multiple_of3A_1749] : memref<32x100000xf32, #tpu.memory_space<hbm>> -> memref<32x128xf32, #tpu.memory_space<hbm>>
    %dma_start3A_1758 = arith.constant 0 : i32
    %dma_start3A_1759 = arith.constant 0 : i32
    %dma_start3A_1760 = tpu.memref_slice %arg6[%dma_start3A_1750, %dma_start3A_1751, %dma_start3A_1758, %dma_start3A_1759] : memref<3x8x32x128xf32, #tpu.memory_space<vmem>> -> memref<1x1x32x128xf32, #tpu.memory_space<vmem>>
    %dma_start3A_1761 = tpu.memref_squeeze %dma_start3A_1760 : memref<1x1x32x128xf32, #tpu.memory_space<vmem>> -> memref<32x128xf32, #tpu.memory_space<vmem>>
    %dma_start3A_1762 = arith.constant 0 : i32
    %dma_start3A_1763 = tpu.memref_slice %arg3[%dma_start3A_1762, %multiple_of3A_1749] : memref<32x100000xf32, #tpu.memory_space<hbm>> -> memref<32x128xf32, #tpu.memory_space<hbm>>
    tpu.enqueue_dma source(%dma_start3A_1763 : memref<32x128xf32, #tpu.memory_space<hbm>>) target(%dma_start3A_1761 : memref<32x128xf32, #tpu.memory_space<vmem>>) target_semaphore(%arg8 : memref<!tpu.dma_semaphore, #tpu.memory_space<semaphore_mem>>)
    %slice3A_1764 = vector.extract_strided_slice %get3A_8 {offsets = [15], sizes = [1], strides = [1]} : vector<16xi32> to vector<1xi32>
    %squeeze3A_1765 = vector.extract %slice3A_1764[0] : i32 from vector<1xi32>
    %jit3A_1766 = arith.constant 128 : i32
    %div3A_1767 = arith.divsi %squeeze3A_1765, %jit3A_1766 : i32
    %sign3A_1768 = arith.constant 0 : i32
    %sign3A_1769 = arith.cmpi sgt, %squeeze3A_1765, %sign3A_1768 : i32
    %sign3A_1770 = arith.extui %sign3A_1769 : i1 to i32
    %sign3A_1771 = arith.constant 0 : i32
    %sign3A_1772 = arith.cmpi slt, %squeeze3A_1765, %sign3A_1771 : i32
    %sign3A_1773 = arith.extui %sign3A_1772 : i1 to i32
    %sign3A_1774 = arith.subi %sign3A_1770, %sign3A_1773 : i32
    %sign3A_1775 = arith.constant 0 : i32
    %sign3A_1776 = arith.cmpi sgt, %jit3A_1766, %sign3A_1775 : i32
    %sign3A_1777 = arith.extui %sign3A_1776 : i1 to i32
    %sign3A_1778 = arith.constant 0 : i32
    %sign3A_1779 = arith.cmpi slt, %jit3A_1766, %sign3A_1778 : i32
    %sign3A_1780 = arith.extui %sign3A_1779 : i1 to i32
    %sign3A_1781 = arith.subi %sign3A_1777, %sign3A_1780 : i32
    %ne3A_1782 = arith.cmpi ne, %sign3A_1774, %sign3A_1781 : i32
    %rem3A_1783 = arith.remsi %squeeze3A_1765, %jit3A_1766 : i32
    %ne3A_1784 = arith.constant 0 : i32
    %ne3A_1785 = arith.cmpi ne, %rem3A_1783, %ne3A_1784 : i32
    %and3A_1786 = arith.andi %ne3A_1782, %ne3A_1785 : i1
    %sub3A_1787 = arith.constant 1 : i32
    %sub3A_1788 = arith.subi %div3A_1767, %sub3A_1787 : i32
    %select_n3A_1789 = arith.select %and3A_1786, %sub3A_1788, %div3A_1767 : i32
    %mul3A_1790 = arith.constant 128 : i32
    %mul3A_1791 = arith.muli %select_n3A_1789, %mul3A_1790 : i32
    %multiple_of3A_1792 = tpu.assume_multiple %mul3A_1791, 128 : i32
    %dma_start3A_1793 = arith.constant 0 : i32
    %dma_start3A_1794 = arith.constant 7 : i32
    %dma_start3A_1795 = arith.constant 0 : i32
    %dma_start3A_1796 = arith.constant 0 : i32
    %dma_start3A_1797 = tpu.memref_slice %arg6[%dma_start3A_1793, %dma_start3A_1794, %dma_start3A_1795, %dma_start3A_1796] : memref<3x8x32x128xf32, #tpu.memory_space<vmem>> -> memref<1x1x32x128xf32, #tpu.memory_space<vmem>>
    %dma_start3A_1798 = tpu.memref_squeeze %dma_start3A_1797 : memref<1x1x32x128xf32, #tpu.memory_space<vmem>> -> memref<32x128xf32, #tpu.memory_space<vmem>>
    %dma_start3A_1799 = arith.constant 0 : i32
    %dma_start3A_1800 = tpu.memref_slice %arg3[%dma_start3A_1799, %multiple_of3A_1792] : memref<32x100000xf32, #tpu.memory_space<hbm>> -> memref<32x128xf32, #tpu.memory_space<hbm>>
    %dma_start3A_1801 = arith.constant 0 : i32
    %dma_start3A_1802 = arith.constant 0 : i32
    %dma_start3A_1803 = tpu.memref_slice %arg6[%dma_start3A_1793, %dma_start3A_1794, %dma_start3A_1801, %dma_start3A_1802] : memref<3x8x32x128xf32, #tpu.memory_space<vmem>> -> memref<1x1x32x128xf32, #tpu.memory_space<vmem>>
    %dma_start3A_1804 = tpu.memref_squeeze %dma_start3A_1803 : memref<1x1x32x128xf32, #tpu.memory_space<vmem>> -> memref<32x128xf32, #tpu.memory_space<vmem>>
    %dma_start3A_1805 = arith.constant 0 : i32
    %dma_start3A_1806 = tpu.memref_slice %arg3[%dma_start3A_1805, %multiple_of3A_1792] : memref<32x100000xf32, #tpu.memory_space<hbm>> -> memref<32x128xf32, #tpu.memory_space<hbm>>
    tpu.enqueue_dma source(%dma_start3A_1806 : memref<32x128xf32, #tpu.memory_space<hbm>>) target(%dma_start3A_1804 : memref<32x128xf32, #tpu.memory_space<vmem>>) target_semaphore(%arg8 : memref<!tpu.dma_semaphore, #tpu.memory_space<semaphore_mem>>)
    %dma_wait3A_1807 = arith.constant 1 : i32
    %dma_wait3A_1808 = arith.constant 0 : i32
    %dma_wait3A_1809 = arith.constant 0 : i32
    %dma_wait3A_1810 = arith.constant 0 : i32
    %dma_wait3A_1811 = tpu.memref_slice %arg6[%dma_wait3A_1807, %dma_wait3A_1808, %dma_wait3A_1809, %dma_wait3A_1810] : memref<3x8x32x128xf32, #tpu.memory_space<vmem>> -> memref<1x1x32x128xf32, #tpu.memory_space<vmem>>
    %dma_wait3A_1812 = tpu.memref_squeeze %dma_wait3A_1811 : memref<1x1x32x128xf32, #tpu.memory_space<vmem>> -> memref<32x128xf32, #tpu.memory_space<vmem>>
    %dma_wait3A_1813 = arith.constant 0 : i32
    %dma_wait3A_1814 = tpu.memref_slice %arg3[%dma_wait3A_1813, %multiple_of3A_369] : memref<32x100000xf32, #tpu.memory_space<hbm>> -> memref<32x128xf32, #tpu.memory_space<hbm>>
    %dma_wait3A_1815 = arith.constant 0 : i32
    %dma_wait3A_1816 = arith.constant 0 : i32
    %dma_wait3A_1817 = tpu.memref_slice %arg6[%dma_wait3A_1807, %dma_wait3A_1808, %dma_wait3A_1815, %dma_wait3A_1816] : memref<3x8x32x128xf32, #tpu.memory_space<vmem>> -> memref<1x1x32x128xf32, #tpu.memory_space<vmem>>
    %dma_wait3A_1818 = tpu.memref_squeeze %dma_wait3A_1817 : memref<1x1x32x128xf32, #tpu.memory_space<vmem>> -> memref<32x128xf32, #tpu.memory_space<vmem>>
    %dma_wait3A_1819 = arith.constant 0 : i32
    %dma_wait3A_1820 = tpu.memref_slice %arg3[%dma_wait3A_1819, %multiple_of3A_369] : memref<32x100000xf32, #tpu.memory_space<hbm>> -> memref<32x128xf32, #tpu.memory_space<hbm>>
    tpu.wait_dma2 semaphore(%arg9 : memref<!tpu.dma_semaphore, #tpu.memory_space<semaphore_mem>>) src(%dma_wait3A_1820 : memref<32x128xf32, #tpu.memory_space<hbm>>) dst(%dma_wait3A_1818 : memref<32x128xf32, #tpu.memory_space<vmem>>)
    %dma_wait3A_1821 = arith.constant 1 : i32
    %dma_wait3A_1822 = arith.constant 1 : i32
    %dma_wait3A_1823 = arith.constant 0 : i32
    %dma_wait3A_1824 = arith.constant 0 : i32
    %dma_wait3A_1825 = tpu.memref_slice %arg6[%dma_wait3A_1821, %dma_wait3A_1822, %dma_wait3A_1823, %dma_wait3A_1824] : memref<3x8x32x128xf32, #tpu.memory_space<vmem>> -> memref<1x1x32x128xf32, #tpu.memory_space<vmem>>
    %dma_wait3A_1826 = tpu.memref_squeeze %dma_wait3A_1825 : memref<1x1x32x128xf32, #tpu.memory_space<vmem>> -> memref<32x128xf32, #tpu.memory_space<vmem>>
    %dma_wait3A_1827 = arith.constant 0 : i32
    %dma_wait3A_1828 = tpu.memref_slice %arg3[%dma_wait3A_1827, %multiple_of3A_412] : memref<32x100000xf32, #tpu.memory_space<hbm>> -> memref<32x128xf32, #tpu.memory_space<hbm>>
    %dma_wait3A_1829 = arith.constant 0 : i32
    %dma_wait3A_1830 = arith.constant 0 : i32
    %dma_wait3A_1831 = tpu.memref_slice %arg6[%dma_wait3A_1821, %dma_wait3A_1822, %dma_wait3A_1829, %dma_wait3A_1830] : memref<3x8x32x128xf32, #tpu.memory_space<vmem>> -> memref<1x1x32x128xf32, #tpu.memory_space<vmem>>
    %dma_wait3A_1832 = tpu.memref_squeeze %dma_wait3A_1831 : memref<1x1x32x128xf32, #tpu.memory_space<vmem>> -> memref<32x128xf32, #tpu.memory_space<vmem>>
    %dma_wait3A_1833 = arith.constant 0 : i32
    %dma_wait3A_1834 = tpu.memref_slice %arg3[%dma_wait3A_1833, %multiple_of3A_412] : memref<32x100000xf32, #tpu.memory_space<hbm>> -> memref<32x128xf32, #tpu.memory_space<hbm>>
    tpu.wait_dma2 semaphore(%arg9 : memref<!tpu.dma_semaphore, #tpu.memory_space<semaphore_mem>>) src(%dma_wait3A_1834 : memref<32x128xf32, #tpu.memory_space<hbm>>) dst(%dma_wait3A_1832 : memref<32x128xf32, #tpu.memory_space<vmem>>)
    %dma_wait3A_1835 = arith.constant 1 : i32
    %dma_wait3A_1836 = arith.constant 2 : i32
    %dma_wait3A_1837 = arith.constant 0 : i32
    %dma_wait3A_1838 = arith.constant 0 : i32
    %dma_wait3A_1839 = tpu.memref_slice %arg6[%dma_wait3A_1835, %dma_wait3A_1836, %dma_wait3A_1837, %dma_wait3A_1838] : memref<3x8x32x128xf32, #tpu.memory_space<vmem>> -> memref<1x1x32x128xf32, #tpu.memory_space<vmem>>
    %dma_wait3A_1840 = tpu.memref_squeeze %dma_wait3A_1839 : memref<1x1x32x128xf32, #tpu.memory_space<vmem>> -> memref<32x128xf32, #tpu.memory_space<vmem>>
    %dma_wait3A_1841 = arith.constant 0 : i32
    %dma_wait3A_1842 = tpu.memref_slice %arg3[%dma_wait3A_1841, %multiple_of3A_455] : memref<32x100000xf32, #tpu.memory_space<hbm>> -> memref<32x128xf32, #tpu.memory_space<hbm>>
    %dma_wait3A_1843 = arith.constant 0 : i32
    %dma_wait3A_1844 = arith.constant 0 : i32
    %dma_wait3A_1845 = tpu.memref_slice %arg6[%dma_wait3A_1835, %dma_wait3A_1836, %dma_wait3A_1843, %dma_wait3A_1844] : memref<3x8x32x128xf32, #tpu.memory_space<vmem>> -> memref<1x1x32x128xf32, #tpu.memory_space<vmem>>
    %dma_wait3A_1846 = tpu.memref_squeeze %dma_wait3A_1845 : memref<1x1x32x128xf32, #tpu.memory_space<vmem>> -> memref<32x128xf32, #tpu.memory_space<vmem>>
    %dma_wait3A_1847 = arith.constant 0 : i32
    %dma_wait3A_1848 = tpu.memref_slice %arg3[%dma_wait3A_1847, %multiple_of3A_455] : memref<32x100000xf32, #tpu.memory_space<hbm>> -> memref<32x128xf32, #tpu.memory_space<hbm>>
    tpu.wait_dma2 semaphore(%arg9 : memref<!tpu.dma_semaphore, #tpu.memory_space<semaphore_mem>>) src(%dma_wait3A_1848 : memref<32x128xf32, #tpu.memory_space<hbm>>) dst(%dma_wait3A_1846 : memref<32x128xf32, #tpu.memory_space<vmem>>)
    %dma_wait3A_1849 = arith.constant 1 : i32
    %dma_wait3A_1850 = arith.constant 3 : i32
    %dma_wait3A_1851 = arith.constant 0 : i32
    %dma_wait3A_1852 = arith.constant 0 : i32
    %dma_wait3A_1853 = tpu.memref_slice %arg6[%dma_wait3A_1849, %dma_wait3A_1850, %dma_wait3A_1851, %dma_wait3A_1852] : memref<3x8x32x128xf32, #tpu.memory_space<vmem>> -> memref<1x1x32x128xf32, #tpu.memory_space<vmem>>
    %dma_wait3A_1854 = tpu.memref_squeeze %dma_wait3A_1853 : memref<1x1x32x128xf32, #tpu.memory_space<vmem>> -> memref<32x128xf32, #tpu.memory_space<vmem>>
    %dma_wait3A_1855 = arith.constant 0 : i32
    %dma_wait3A_1856 = tpu.memref_slice %arg3[%dma_wait3A_1855, %multiple_of3A_498] : memref<32x100000xf32, #tpu.memory_space<hbm>> -> memref<32x128xf32, #tpu.memory_space<hbm>>
    %dma_wait3A_1857 = arith.constant 0 : i32
    %dma_wait3A_1858 = arith.constant 0 : i32
    %dma_wait3A_1859 = tpu.memref_slice %arg6[%dma_wait3A_1849, %dma_wait3A_1850, %dma_wait3A_1857, %dma_wait3A_1858] : memref<3x8x32x128xf32, #tpu.memory_space<vmem>> -> memref<1x1x32x128xf32, #tpu.memory_space<vmem>>
    %dma_wait3A_1860 = tpu.memref_squeeze %dma_wait3A_1859 : memref<1x1x32x128xf32, #tpu.memory_space<vmem>> -> memref<32x128xf32, #tpu.memory_space<vmem>>
    %dma_wait3A_1861 = arith.constant 0 : i32
    %dma_wait3A_1862 = tpu.memref_slice %arg3[%dma_wait3A_1861, %multiple_of3A_498] : memref<32x100000xf32, #tpu.memory_space<hbm>> -> memref<32x128xf32, #tpu.memory_space<hbm>>
    tpu.wait_dma2 semaphore(%arg9 : memref<!tpu.dma_semaphore, #tpu.memory_space<semaphore_mem>>) src(%dma_wait3A_1862 : memref<32x128xf32, #tpu.memory_space<hbm>>) dst(%dma_wait3A_1860 : memref<32x128xf32, #tpu.memory_space<vmem>>)
    %dma_wait3A_1863 = arith.constant 1 : i32
    %dma_wait3A_1864 = arith.constant 4 : i32
    %dma_wait3A_1865 = arith.constant 0 : i32
    %dma_wait3A_1866 = arith.constant 0 : i32
    %dma_wait3A_1867 = tpu.memref_slice %arg6[%dma_wait3A_1863, %dma_wait3A_1864, %dma_wait3A_1865, %dma_wait3A_1866] : memref<3x8x32x128xf32, #tpu.memory_space<vmem>> -> memref<1x1x32x128xf32, #tpu.memory_space<vmem>>
    %dma_wait3A_1868 = tpu.memref_squeeze %dma_wait3A_1867 : memref<1x1x32x128xf32, #tpu.memory_space<vmem>> -> memref<32x128xf32, #tpu.memory_space<vmem>>
    %dma_wait3A_1869 = arith.constant 0 : i32
    %dma_wait3A_1870 = tpu.memref_slice %arg3[%dma_wait3A_1869, %multiple_of3A_541] : memref<32x100000xf32, #tpu.memory_space<hbm>> -> memref<32x128xf32, #tpu.memory_space<hbm>>
    %dma_wait3A_1871 = arith.constant 0 : i32
    %dma_wait3A_1872 = arith.constant 0 : i32
    %dma_wait3A_1873 = tpu.memref_slice %arg6[%dma_wait3A_1863, %dma_wait3A_1864, %dma_wait3A_1871, %dma_wait3A_1872] : memref<3x8x32x128xf32, #tpu.memory_space<vmem>> -> memref<1x1x32x128xf32, #tpu.memory_space<vmem>>
    %dma_wait3A_1874 = tpu.memref_squeeze %dma_wait3A_1873 : memref<1x1x32x128xf32, #tpu.memory_space<vmem>> -> memref<32x128xf32, #tpu.memory_space<vmem>>
    %dma_wait3A_1875 = arith.constant 0 : i32
    %dma_wait3A_1876 = tpu.memref_slice %arg3[%dma_wait3A_1875, %multiple_of3A_541] : memref<32x100000xf32, #tpu.memory_space<hbm>> -> memref<32x128xf32, #tpu.memory_space<hbm>>
    tpu.wait_dma2 semaphore(%arg9 : memref<!tpu.dma_semaphore, #tpu.memory_space<semaphore_mem>>) src(%dma_wait3A_1876 : memref<32x128xf32, #tpu.memory_space<hbm>>) dst(%dma_wait3A_1874 : memref<32x128xf32, #tpu.memory_space<vmem>>)
    %dma_wait3A_1877 = arith.constant 1 : i32
    %dma_wait3A_1878 = arith.constant 5 : i32
    %dma_wait3A_1879 = arith.constant 0 : i32
    %dma_wait3A_1880 = arith.constant 0 : i32
    %dma_wait3A_1881 = tpu.memref_slice %arg6[%dma_wait3A_1877, %dma_wait3A_1878, %dma_wait3A_1879, %dma_wait3A_1880] : memref<3x8x32x128xf32, #tpu.memory_space<vmem>> -> memref<1x1x32x128xf32, #tpu.memory_space<vmem>>
    %dma_wait3A_1882 = tpu.memref_squeeze %dma_wait3A_1881 : memref<1x1x32x128xf32, #tpu.memory_space<vmem>> -> memref<32x128xf32, #tpu.memory_space<vmem>>
    %dma_wait3A_1883 = arith.constant 0 : i32
    %dma_wait3A_1884 = tpu.memref_slice %arg3[%dma_wait3A_1883, %multiple_of3A_584] : memref<32x100000xf32, #tpu.memory_space<hbm>> -> memref<32x128xf32, #tpu.memory_space<hbm>>
    %dma_wait3A_1885 = arith.constant 0 : i32
    %dma_wait3A_1886 = arith.constant 0 : i32
    %dma_wait3A_1887 = tpu.memref_slice %arg6[%dma_wait3A_1877, %dma_wait3A_1878, %dma_wait3A_1885, %dma_wait3A_1886] : memref<3x8x32x128xf32, #tpu.memory_space<vmem>> -> memref<1x1x32x128xf32, #tpu.memory_space<vmem>>
    %dma_wait3A_1888 = tpu.memref_squeeze %dma_wait3A_1887 : memref<1x1x32x128xf32, #tpu.memory_space<vmem>> -> memref<32x128xf32, #tpu.memory_space<vmem>>
    %dma_wait3A_1889 = arith.constant 0 : i32
    %dma_wait3A_1890 = tpu.memref_slice %arg3[%dma_wait3A_1889, %multiple_of3A_584] : memref<32x100000xf32, #tpu.memory_space<hbm>> -> memref<32x128xf32, #tpu.memory_space<hbm>>
    tpu.wait_dma2 semaphore(%arg9 : memref<!tpu.dma_semaphore, #tpu.memory_space<semaphore_mem>>) src(%dma_wait3A_1890 : memref<32x128xf32, #tpu.memory_space<hbm>>) dst(%dma_wait3A_1888 : memref<32x128xf32, #tpu.memory_space<vmem>>)
    %dma_wait3A_1891 = arith.constant 1 : i32
    %dma_wait3A_1892 = arith.constant 6 : i32
    %dma_wait3A_1893 = arith.constant 0 : i32
    %dma_wait3A_1894 = arith.constant 0 : i32
    %dma_wait3A_1895 = tpu.memref_slice %arg6[%dma_wait3A_1891, %dma_wait3A_1892, %dma_wait3A_1893, %dma_wait3A_1894] : memref<3x8x32x128xf32, #tpu.memory_space<vmem>> -> memref<1x1x32x128xf32, #tpu.memory_space<vmem>>
    %dma_wait3A_1896 = tpu.memref_squeeze %dma_wait3A_1895 : memref<1x1x32x128xf32, #tpu.memory_space<vmem>> -> memref<32x128xf32, #tpu.memory_space<vmem>>
    %dma_wait3A_1897 = arith.constant 0 : i32
    %dma_wait3A_1898 = tpu.memref_slice %arg3[%dma_wait3A_1897, %multiple_of3A_627] : memref<32x100000xf32, #tpu.memory_space<hbm>> -> memref<32x128xf32, #tpu.memory_space<hbm>>
    %dma_wait3A_1899 = arith.constant 0 : i32
    %dma_wait3A_1900 = arith.constant 0 : i32
    %dma_wait3A_1901 = tpu.memref_slice %arg6[%dma_wait3A_1891, %dma_wait3A_1892, %dma_wait3A_1899, %dma_wait3A_1900] : memref<3x8x32x128xf32, #tpu.memory_space<vmem>> -> memref<1x1x32x128xf32, #tpu.memory_space<vmem>>
    %dma_wait3A_1902 = tpu.memref_squeeze %dma_wait3A_1901 : memref<1x1x32x128xf32, #tpu.memory_space<vmem>> -> memref<32x128xf32, #tpu.memory_space<vmem>>
    %dma_wait3A_1903 = arith.constant 0 : i32
    %dma_wait3A_1904 = tpu.memref_slice %arg3[%dma_wait3A_1903, %multiple_of3A_627] : memref<32x100000xf32, #tpu.memory_space<hbm>> -> memref<32x128xf32, #tpu.memory_space<hbm>>
    tpu.wait_dma2 semaphore(%arg9 : memref<!tpu.dma_semaphore, #tpu.memory_space<semaphore_mem>>) src(%dma_wait3A_1904 : memref<32x128xf32, #tpu.memory_space<hbm>>) dst(%dma_wait3A_1902 : memref<32x128xf32, #tpu.memory_space<vmem>>)
    %dma_wait3A_1905 = arith.constant 1 : i32
    %dma_wait3A_1906 = arith.constant 7 : i32
    %dma_wait3A_1907 = arith.constant 0 : i32
    %dma_wait3A_1908 = arith.constant 0 : i32
    %dma_wait3A_1909 = tpu.memref_slice %arg6[%dma_wait3A_1905, %dma_wait3A_1906, %dma_wait3A_1907, %dma_wait3A_1908] : memref<3x8x32x128xf32, #tpu.memory_space<vmem>> -> memref<1x1x32x128xf32, #tpu.memory_space<vmem>>
    %dma_wait3A_1910 = tpu.memref_squeeze %dma_wait3A_1909 : memref<1x1x32x128xf32, #tpu.memory_space<vmem>> -> memref<32x128xf32, #tpu.memory_space<vmem>>
    %dma_wait3A_1911 = arith.constant 0 : i32
    %dma_wait3A_1912 = tpu.memref_slice %arg3[%dma_wait3A_1911, %multiple_of3A_670] : memref<32x100000xf32, #tpu.memory_space<hbm>> -> memref<32x128xf32, #tpu.memory_space<hbm>>
    %dma_wait3A_1913 = arith.constant 0 : i32
    %dma_wait3A_1914 = arith.constant 0 : i32
    %dma_wait3A_1915 = tpu.memref_slice %arg6[%dma_wait3A_1905, %dma_wait3A_1906, %dma_wait3A_1913, %dma_wait3A_1914] : memref<3x8x32x128xf32, #tpu.memory_space<vmem>> -> memref<1x1x32x128xf32, #tpu.memory_space<vmem>>
    %dma_wait3A_1916 = tpu.memref_squeeze %dma_wait3A_1915 : memref<1x1x32x128xf32, #tpu.memory_space<vmem>> -> memref<32x128xf32, #tpu.memory_space<vmem>>
    %dma_wait3A_1917 = arith.constant 0 : i32
    %dma_wait3A_1918 = tpu.memref_slice %arg3[%dma_wait3A_1917, %multiple_of3A_670] : memref<32x100000xf32, #tpu.memory_space<hbm>> -> memref<32x128xf32, #tpu.memory_space<hbm>>
    tpu.wait_dma2 semaphore(%arg9 : memref<!tpu.dma_semaphore, #tpu.memory_space<semaphore_mem>>) src(%dma_wait3A_1918 : memref<32x128xf32, #tpu.memory_space<hbm>>) dst(%dma_wait3A_1916 : memref<32x128xf32, #tpu.memory_space<vmem>>)
    %slice3A_1919 = vector.extract_strided_slice %get3A_6 {offsets = [8], sizes = [1], strides = [1]} : vector<16xi32> to vector<1xi32>
    %squeeze3A_1920 = vector.extract %slice3A_1919[0] : i32 from vector<1xi32>
    %jit3A_1921 = arith.constant 128 : i32
    %eq3A_1922 = arith.constant 0 : i32
    %eq3A_1923 = arith.cmpi eq, %jit3A_1921, %eq3A_1922 : i32
    %jit3A_1924 = arith.constant 1 : i32
    %select_n3A_1925 = arith.select %eq3A_1923, %jit3A_1924, %jit3A_1921 : i32
    %rem3A_1926 = arith.remsi %squeeze3A_1920, %select_n3A_1925 : i32
    %ne3A_1927 = arith.constant 0 : i32
    %ne3A_1928 = arith.cmpi ne, %rem3A_1926, %ne3A_1927 : i32
    %lt3A_1929 = arith.constant 0 : i32
    %lt3A_1930 = arith.cmpi slt, %rem3A_1926, %lt3A_1929 : i32
    %lt3A_1931 = arith.constant 0 : i32
    %lt3A_1932 = arith.cmpi slt, %select_n3A_1925, %lt3A_1931 : i32
    %ne3A_1933 = arith.xori %lt3A_1930, %lt3A_1932 : i1
    %and3A_1934 = arith.andi %ne3A_1933, %ne3A_1928 : i1
    %add3A_1935 = arith.addi %rem3A_1926, %select_n3A_1925 : i32
    %select_n3A_1936 = arith.select %and3A_1934, %add3A_1935, %rem3A_1926 : i32
    %broadcast_in_dim3A_1937 = vector.broadcast %select_n3A_1936 : i32 to vector<16xi32>
    %gather3A_1938 = arith.constant 1 : i32
    %gather3A_1939 = arith.constant 0 : i32
    %gather3A_1940 = arith.constant 0 : i32
    %gather3A_1941 = arith.constant 0 : i32
    %gather3A_1942 = tpu.memref_slice %arg6[%gather3A_1938, %gather3A_1939, %gather3A_1940, %gather3A_1941] : memref<3x8x32x128xf32, #tpu.memory_space<vmem>> -> memref<1x1x32x128xf32, #tpu.memory_space<vmem>>
    %gather3A_1943 = tpu.memref_squeeze %gather3A_1942 : memref<1x1x32x128xf32, #tpu.memory_space<vmem>> -> memref<32x128xf32, #tpu.memory_space<vmem>>
    %gather3A_1944 = tpu.vector_load_idx %gather3A_1943[%iota3A, %broadcast_in_dim3A_1937] : memref<32x128xf32, #tpu.memory_space<vmem>>[vector<16xi32>, vector<16xi32>], vector<16xf32>,
    %swap3A_1945 = arith.constant 8 : i32
    %swap3A_1946 = arith.index_cast %swap3A_1945 : i32 to index
    %swap3A_1947 = arith.constant 0 : index
    %swap3A_1948 = tpu.vector_load %arg7[%swap3A_1946, %swap3A_1947] {strides = array<i32>} : memref<32x32xf32, #tpu.memory_space<vmem>>, vector<16xf32>,
    tpu.vector_store %arg7[%swap3A_1946, %swap3A_1947], %gather3A_1944 {strides = array<i32>} : memref<32x32xf32, #tpu.memory_space<vmem>>, vector<16xf32>,
    %gather3A_1949 = arith.constant 1 : i32
    %gather3A_1950 = arith.constant 0 : i32
    %gather3A_1951 = arith.constant 0 : i32
    %gather3A_1952 = arith.constant 0 : i32
    %gather3A_1953 = tpu.memref_slice %arg6[%gather3A_1949, %gather3A_1950, %gather3A_1951, %gather3A_1952] : memref<3x8x32x128xf32, #tpu.memory_space<vmem>> -> memref<1x1x32x128xf32, #tpu.memory_space<vmem>>
    %gather3A_1954 = tpu.memref_squeeze %gather3A_1953 : memref<1x1x32x128xf32, #tpu.memory_space<vmem>> -> memref<32x128xf32, #tpu.memory_space<vmem>>
    %gather3A_1955 = tpu.vector_load_idx %gather3A_1954[%add3A_5, %broadcast_in_dim3A_1937] : memref<32x128xf32, #tpu.memory_space<vmem>>[vector<16xi32>, vector<16xi32>], vector<16xf32>,
    %swap3A_1956 = arith.constant 8 : i32
    %swap3A_1957 = arith.index_cast %swap3A_1956 : i32 to index
    %swap3A_1958 = arith.constant 16 : index
    %swap3A_1959 = tpu.vector_load %arg7[%swap3A_1957, %swap3A_1958] {strides = array<i32>} : memref<32x32xf32, #tpu.memory_space<vmem>>, vector<16xf32>,
    tpu.vector_store %arg7[%swap3A_1957, %swap3A_1958], %gather3A_1955 {strides = array<i32>} : memref<32x32xf32, #tpu.memory_space<vmem>>, vector<16xf32>,
    %slice3A_1960 = vector.extract_strided_slice %get3A_6 {offsets = [9], sizes = [1], strides = [1]} : vector<16xi32> to vector<1xi32>
    %squeeze3A_1961 = vector.extract %slice3A_1960[0] : i32 from vector<1xi32>
    %jit3A_1962 = arith.constant 128 : i32
    %eq3A_1963 = arith.constant 0 : i32
    %eq3A_1964 = arith.cmpi eq, %jit3A_1962, %eq3A_1963 : i32
    %jit3A_1965 = arith.constant 1 : i32
    %select_n3A_1966 = arith.select %eq3A_1964, %jit3A_1965, %jit3A_1962 : i32
    %rem3A_1967 = arith.remsi %squeeze3A_1961, %select_n3A_1966 : i32
    %ne3A_1968 = arith.constant 0 : i32
    %ne3A_1969 = arith.cmpi ne, %rem3A_1967, %ne3A_1968 : i32
    %lt3A_1970 = arith.constant 0 : i32
    %lt3A_1971 = arith.cmpi slt, %rem3A_1967, %lt3A_1970 : i32
    %lt3A_1972 = arith.constant 0 : i32
    %lt3A_1973 = arith.cmpi slt, %select_n3A_1966, %lt3A_1972 : i32
    %ne3A_1974 = arith.xori %lt3A_1971, %lt3A_1973 : i1
    %and3A_1975 = arith.andi %ne3A_1974, %ne3A_1969 : i1
    %add3A_1976 = arith.addi %rem3A_1967, %select_n3A_1966 : i32
    %select_n3A_1977 = arith.select %and3A_1975, %add3A_1976, %rem3A_1967 : i32
    %broadcast_in_dim3A_1978 = vector.broadcast %select_n3A_1977 : i32 to vector<16xi32>
    %gather3A_1979 = arith.constant 1 : i32
    %gather3A_1980 = arith.constant 1 : i32
    %gather3A_1981 = arith.constant 0 : i32
    %gather3A_1982 = arith.constant 0 : i32
    %gather3A_1983 = tpu.memref_slice %arg6[%gather3A_1979, %gather3A_1980, %gather3A_1981, %gather3A_1982] : memref<3x8x32x128xf32, #tpu.memory_space<vmem>> -> memref<1x1x32x128xf32, #tpu.memory_space<vmem>>
    %gather3A_1984 = tpu.memref_squeeze %gather3A_1983 : memref<1x1x32x128xf32, #tpu.memory_space<vmem>> -> memref<32x128xf32, #tpu.memory_space<vmem>>
    %gather3A_1985 = tpu.vector_load_idx %gather3A_1984[%iota3A, %broadcast_in_dim3A_1978] : memref<32x128xf32, #tpu.memory_space<vmem>>[vector<16xi32>, vector<16xi32>], vector<16xf32>,
    %swap3A_1986 = arith.constant 9 : i32
    %swap3A_1987 = arith.index_cast %swap3A_1986 : i32 to index
    %swap3A_1988 = arith.constant 0 : index
    %swap3A_1989 = tpu.vector_load %arg7[%swap3A_1987, %swap3A_1988] {strides = array<i32>} : memref<32x32xf32, #tpu.memory_space<vmem>>, vector<16xf32>,
    tpu.vector_store %arg7[%swap3A_1987, %swap3A_1988], %gather3A_1985 {strides = array<i32>} : memref<32x32xf32, #tpu.memory_space<vmem>>, vector<16xf32>,
    %gather3A_1990 = arith.constant 1 : i32
    %gather3A_1991 = arith.constant 1 : i32
    %gather3A_1992 = arith.constant 0 : i32
    %gather3A_1993 = arith.constant 0 : i32
    %gather3A_1994 = tpu.memref_slice %arg6[%gather3A_1990, %gather3A_1991, %gather3A_1992, %gather3A_1993] : memref<3x8x32x128xf32, #tpu.memory_space<vmem>> -> memref<1x1x32x128xf32, #tpu.memory_space<vmem>>
    %gather3A_1995 = tpu.memref_squeeze %gather3A_1994 : memref<1x1x32x128xf32, #tpu.memory_space<vmem>> -> memref<32x128xf32, #tpu.memory_space<vmem>>
    %gather3A_1996 = tpu.vector_load_idx %gather3A_1995[%add3A_5, %broadcast_in_dim3A_1978] : memref<32x128xf32, #tpu.memory_space<vmem>>[vector<16xi32>, vector<16xi32>], vector<16xf32>,
    %swap3A_1997 = arith.constant 9 : i32
    %swap3A_1998 = arith.index_cast %swap3A_1997 : i32 to index
    %swap3A_1999 = arith.constant 16 : index
    %swap3A_2000 = tpu.vector_load %arg7[%swap3A_1998, %swap3A_1999] {strides = array<i32>} : memref<32x32xf32, #tpu.memory_space<vmem>>, vector<16xf32>,
    tpu.vector_store %arg7[%swap3A_1998, %swap3A_1999], %gather3A_1996 {strides = array<i32>} : memref<32x32xf32, #tpu.memory_space<vmem>>, vector<16xf32>,
    %slice3A_2001 = vector.extract_strided_slice %get3A_6 {offsets = [10], sizes = [1], strides = [1]} : vector<16xi32> to vector<1xi32>
    %squeeze3A_2002 = vector.extract %slice3A_2001[0] : i32 from vector<1xi32>
    %jit3A_2003 = arith.constant 128 : i32
    %eq3A_2004 = arith.constant 0 : i32
    %eq3A_2005 = arith.cmpi eq, %jit3A_2003, %eq3A_2004 : i32
    %jit3A_2006 = arith.constant 1 : i32
    %select_n3A_2007 = arith.select %eq3A_2005, %jit3A_2006, %jit3A_2003 : i32
    %rem3A_2008 = arith.remsi %squeeze3A_2002, %select_n3A_2007 : i32
    %ne3A_2009 = arith.constant 0 : i32
    %ne3A_2010 = arith.cmpi ne, %rem3A_2008, %ne3A_2009 : i32
    %lt3A_2011 = arith.constant 0 : i32
    %lt3A_2012 = arith.cmpi slt, %rem3A_2008, %lt3A_2011 : i32
    %lt3A_2013 = arith.constant 0 : i32
    %lt3A_2014 = arith.cmpi slt, %select_n3A_2007, %lt3A_2013 : i32
    %ne3A_2015 = arith.xori %lt3A_2012, %lt3A_2014 : i1
    %and3A_2016 = arith.andi %ne3A_2015, %ne3A_2010 : i1
    %add3A_2017 = arith.addi %rem3A_2008, %select_n3A_2007 : i32
    %select_n3A_2018 = arith.select %and3A_2016, %add3A_2017, %rem3A_2008 : i32
    %broadcast_in_dim3A_2019 = vector.broadcast %select_n3A_2018 : i32 to vector<16xi32>
    %gather3A_2020 = arith.constant 1 : i32
    %gather3A_2021 = arith.constant 2 : i32
    %gather3A_2022 = arith.constant 0 : i32
    %gather3A_2023 = arith.constant 0 : i32
    %gather3A_2024 = tpu.memref_slice %arg6[%gather3A_2020, %gather3A_2021, %gather3A_2022, %gather3A_2023] : memref<3x8x32x128xf32, #tpu.memory_space<vmem>> -> memref<1x1x32x128xf32, #tpu.memory_space<vmem>>
    %gather3A_2025 = tpu.memref_squeeze %gather3A_2024 : memref<1x1x32x128xf32, #tpu.memory_space<vmem>> -> memref<32x128xf32, #tpu.memory_space<vmem>>
    %gather3A_2026 = tpu.vector_load_idx %gather3A_2025[%iota3A, %broadcast_in_dim3A_2019] : memref<32x128xf32, #tpu.memory_space<vmem>>[vector<16xi32>, vector<16xi32>], vector<16xf32>,
    %swap3A_2027 = arith.constant 10 : i32
    %swap3A_2028 = arith.index_cast %swap3A_2027 : i32 to index
    %swap3A_2029 = arith.constant 0 : index
    %swap3A_2030 = tpu.vector_load %arg7[%swap3A_2028, %swap3A_2029] {strides = array<i32>} : memref<32x32xf32, #tpu.memory_space<vmem>>, vector<16xf32>,
    tpu.vector_store %arg7[%swap3A_2028, %swap3A_2029], %gather3A_2026 {strides = array<i32>} : memref<32x32xf32, #tpu.memory_space<vmem>>, vector<16xf32>,
    %gather3A_2031 = arith.constant 1 : i32
    %gather3A_2032 = arith.constant 2 : i32
    %gather3A_2033 = arith.constant 0 : i32
    %gather3A_2034 = arith.constant 0 : i32
    %gather3A_2035 = tpu.memref_slice %arg6[%gather3A_2031, %gather3A_2032, %gather3A_2033, %gather3A_2034] : memref<3x8x32x128xf32, #tpu.memory_space<vmem>> -> memref<1x1x32x128xf32, #tpu.memory_space<vmem>>
    %gather3A_2036 = tpu.memref_squeeze %gather3A_2035 : memref<1x1x32x128xf32, #tpu.memory_space<vmem>> -> memref<32x128xf32, #tpu.memory_space<vmem>>
    %gather3A_2037 = tpu.vector_load_idx %gather3A_2036[%add3A_5, %broadcast_in_dim3A_2019] : memref<32x128xf32, #tpu.memory_space<vmem>>[vector<16xi32>, vector<16xi32>], vector<16xf32>,
    %swap3A_2038 = arith.constant 10 : i32
    %swap3A_2039 = arith.index_cast %swap3A_2038 : i32 to index
    %swap3A_2040 = arith.constant 16 : index
    %swap3A_2041 = tpu.vector_load %arg7[%swap3A_2039, %swap3A_2040] {strides = array<i32>} : memref<32x32xf32, #tpu.memory_space<vmem>>, vector<16xf32>,
    tpu.vector_store %arg7[%swap3A_2039, %swap3A_2040], %gather3A_2037 {strides = array<i32>} : memref<32x32xf32, #tpu.memory_space<vmem>>, vector<16xf32>,
    %slice3A_2042 = vector.extract_strided_slice %get3A_6 {offsets = [11], sizes = [1], strides = [1]} : vector<16xi32> to vector<1xi32>
    %squeeze3A_2043 = vector.extract %slice3A_2042[0] : i32 from vector<1xi32>
    %jit3A_2044 = arith.constant 128 : i32
    %eq3A_2045 = arith.constant 0 : i32
    %eq3A_2046 = arith.cmpi eq, %jit3A_2044, %eq3A_2045 : i32
    %jit3A_2047 = arith.constant 1 : i32
    %select_n3A_2048 = arith.select %eq3A_2046, %jit3A_2047, %jit3A_2044 : i32
    %rem3A_2049 = arith.remsi %squeeze3A_2043, %select_n3A_2048 : i32
    %ne3A_2050 = arith.constant 0 : i32
    %ne3A_2051 = arith.cmpi ne, %rem3A_2049, %ne3A_2050 : i32
    %lt3A_2052 = arith.constant 0 : i32
    %lt3A_2053 = arith.cmpi slt, %rem3A_2049, %lt3A_2052 : i32
    %lt3A_2054 = arith.constant 0 : i32
    %lt3A_2055 = arith.cmpi slt, %select_n3A_2048, %lt3A_2054 : i32
    %ne3A_2056 = arith.xori %lt3A_2053, %lt3A_2055 : i1
    %and3A_2057 = arith.andi %ne3A_2056, %ne3A_2051 : i1
    %add3A_2058 = arith.addi %rem3A_2049, %select_n3A_2048 : i32
    %select_n3A_2059 = arith.select %and3A_2057, %add3A_2058, %rem3A_2049 : i32
    %broadcast_in_dim3A_2060 = vector.broadcast %select_n3A_2059 : i32 to vector<16xi32>
    %gather3A_2061 = arith.constant 1 : i32
    %gather3A_2062 = arith.constant 3 : i32
    %gather3A_2063 = arith.constant 0 : i32
    %gather3A_2064 = arith.constant 0 : i32
    %gather3A_2065 = tpu.memref_slice %arg6[%gather3A_2061, %gather3A_2062, %gather3A_2063, %gather3A_2064] : memref<3x8x32x128xf32, #tpu.memory_space<vmem>> -> memref<1x1x32x128xf32, #tpu.memory_space<vmem>>
    %gather3A_2066 = tpu.memref_squeeze %gather3A_2065 : memref<1x1x32x128xf32, #tpu.memory_space<vmem>> -> memref<32x128xf32, #tpu.memory_space<vmem>>
    %gather3A_2067 = tpu.vector_load_idx %gather3A_2066[%iota3A, %broadcast_in_dim3A_2060] : memref<32x128xf32, #tpu.memory_space<vmem>>[vector<16xi32>, vector<16xi32>], vector<16xf32>,
    %swap3A_2068 = arith.constant 11 : i32
    %swap3A_2069 = arith.index_cast %swap3A_2068 : i32 to index
    %swap3A_2070 = arith.constant 0 : index
    %swap3A_2071 = tpu.vector_load %arg7[%swap3A_2069, %swap3A_2070] {strides = array<i32>} : memref<32x32xf32, #tpu.memory_space<vmem>>, vector<16xf32>,
    tpu.vector_store %arg7[%swap3A_2069, %swap3A_2070], %gather3A_2067 {strides = array<i32>} : memref<32x32xf32, #tpu.memory_space<vmem>>, vector<16xf32>,
    %gather3A_2072 = arith.constant 1 : i32
    %gather3A_2073 = arith.constant 3 : i32
    %gather3A_2074 = arith.constant 0 : i32
    %gather3A_2075 = arith.constant 0 : i32
    %gather3A_2076 = tpu.memref_slice %arg6[%gather3A_2072, %gather3A_2073, %gather3A_2074, %gather3A_2075] : memref<3x8x32x128xf32, #tpu.memory_space<vmem>> -> memref<1x1x32x128xf32, #tpu.memory_space<vmem>>
    %gather3A_2077 = tpu.memref_squeeze %gather3A_2076 : memref<1x1x32x128xf32, #tpu.memory_space<vmem>> -> memref<32x128xf32, #tpu.memory_space<vmem>>
    %gather3A_2078 = tpu.vector_load_idx %gather3A_2077[%add3A_5, %broadcast_in_dim3A_2060] : memref<32x128xf32, #tpu.memory_space<vmem>>[vector<16xi32>, vector<16xi32>], vector<16xf32>,
    %swap3A_2079 = arith.constant 11 : i32
    %swap3A_2080 = arith.index_cast %swap3A_2079 : i32 to index
    %swap3A_2081 = arith.constant 16 : index
    %swap3A_2082 = tpu.vector_load %arg7[%swap3A_2080, %swap3A_2081] {strides = array<i32>} : memref<32x32xf32, #tpu.memory_space<vmem>>, vector<16xf32>,
    tpu.vector_store %arg7[%swap3A_2080, %swap3A_2081], %gather3A_2078 {strides = array<i32>} : memref<32x32xf32, #tpu.memory_space<vmem>>, vector<16xf32>,
    %slice3A_2083 = vector.extract_strided_slice %get3A_6 {offsets = [12], sizes = [1], strides = [1]} : vector<16xi32> to vector<1xi32>
    %squeeze3A_2084 = vector.extract %slice3A_2083[0] : i32 from vector<1xi32>
    %jit3A_2085 = arith.constant 128 : i32
    %eq3A_2086 = arith.constant 0 : i32
    %eq3A_2087 = arith.cmpi eq, %jit3A_2085, %eq3A_2086 : i32
    %jit3A_2088 = arith.constant 1 : i32
    %select_n3A_2089 = arith.select %eq3A_2087, %jit3A_2088, %jit3A_2085 : i32
    %rem3A_2090 = arith.remsi %squeeze3A_2084, %select_n3A_2089 : i32
    %ne3A_2091 = arith.constant 0 : i32
    %ne3A_2092 = arith.cmpi ne, %rem3A_2090, %ne3A_2091 : i32
    %lt3A_2093 = arith.constant 0 : i32
    %lt3A_2094 = arith.cmpi slt, %rem3A_2090, %lt3A_2093 : i32
    %lt3A_2095 = arith.constant 0 : i32
    %lt3A_2096 = arith.cmpi slt, %select_n3A_2089, %lt3A_2095 : i32
    %ne3A_2097 = arith.xori %lt3A_2094, %lt3A_2096 : i1
    %and3A_2098 = arith.andi %ne3A_2097, %ne3A_2092 : i1
    %add3A_2099 = arith.addi %rem3A_2090, %select_n3A_2089 : i32
    %select_n3A_2100 = arith.select %and3A_2098, %add3A_2099, %rem3A_2090 : i32
    %broadcast_in_dim3A_2101 = vector.broadcast %select_n3A_2100 : i32 to vector<16xi32>
    %gather3A_2102 = arith.constant 1 : i32
    %gather3A_2103 = arith.constant 4 : i32
    %gather3A_2104 = arith.constant 0 : i32
    %gather3A_2105 = arith.constant 0 : i32
    %gather3A_2106 = tpu.memref_slice %arg6[%gather3A_2102, %gather3A_2103, %gather3A_2104, %gather3A_2105] : memref<3x8x32x128xf32, #tpu.memory_space<vmem>> -> memref<1x1x32x128xf32, #tpu.memory_space<vmem>>
    %gather3A_2107 = tpu.memref_squeeze %gather3A_2106 : memref<1x1x32x128xf32, #tpu.memory_space<vmem>> -> memref<32x128xf32, #tpu.memory_space<vmem>>
    %gather3A_2108 = tpu.vector_load_idx %gather3A_2107[%iota3A, %broadcast_in_dim3A_2101] : memref<32x128xf32, #tpu.memory_space<vmem>>[vector<16xi32>, vector<16xi32>], vector<16xf32>,
    %swap3A_2109 = arith.constant 12 : i32
    %swap3A_2110 = arith.index_cast %swap3A_2109 : i32 to index
    %swap3A_2111 = arith.constant 0 : index
    %swap3A_2112 = tpu.vector_load %arg7[%swap3A_2110, %swap3A_2111] {strides = array<i32>} : memref<32x32xf32, #tpu.memory_space<vmem>>, vector<16xf32>,
    tpu.vector_store %arg7[%swap3A_2110, %swap3A_2111], %gather3A_2108 {strides = array<i32>} : memref<32x32xf32, #tpu.memory_space<vmem>>, vector<16xf32>,
    %gather3A_2113 = arith.constant 1 : i32
    %gather3A_2114 = arith.constant 4 : i32
    %gather3A_2115 = arith.constant 0 : i32
    %gather3A_2116 = arith.constant 0 : i32
    %gather3A_2117 = tpu.memref_slice %arg6[%gather3A_2113, %gather3A_2114, %gather3A_2115, %gather3A_2116] : memref<3x8x32x128xf32, #tpu.memory_space<vmem>> -> memref<1x1x32x128xf32, #tpu.memory_space<vmem>>
    %gather3A_2118 = tpu.memref_squeeze %gather3A_2117 : memref<1x1x32x128xf32, #tpu.memory_space<vmem>> -> memref<32x128xf32, #tpu.memory_space<vmem>>
    %gather3A_2119 = tpu.vector_load_idx %gather3A_2118[%add3A_5, %broadcast_in_dim3A_2101] : memref<32x128xf32, #tpu.memory_space<vmem>>[vector<16xi32>, vector<16xi32>], vector<16xf32>,
    %swap3A_2120 = arith.constant 12 : i32
    %swap3A_2121 = arith.index_cast %swap3A_2120 : i32 to index
    %swap3A_2122 = arith.constant 16 : index
    %swap3A_2123 = tpu.vector_load %arg7[%swap3A_2121, %swap3A_2122] {strides = array<i32>} : memref<32x32xf32, #tpu.memory_space<vmem>>, vector<16xf32>,
    tpu.vector_store %arg7[%swap3A_2121, %swap3A_2122], %gather3A_2119 {strides = array<i32>} : memref<32x32xf32, #tpu.memory_space<vmem>>, vector<16xf32>,
    %slice3A_2124 = vector.extract_strided_slice %get3A_6 {offsets = [13], sizes = [1], strides = [1]} : vector<16xi32> to vector<1xi32>
    %squeeze3A_2125 = vector.extract %slice3A_2124[0] : i32 from vector<1xi32>
    %jit3A_2126 = arith.constant 128 : i32
    %eq3A_2127 = arith.constant 0 : i32
    %eq3A_2128 = arith.cmpi eq, %jit3A_2126, %eq3A_2127 : i32
    %jit3A_2129 = arith.constant 1 : i32
    %select_n3A_2130 = arith.select %eq3A_2128, %jit3A_2129, %jit3A_2126 : i32
    %rem3A_2131 = arith.remsi %squeeze3A_2125, %select_n3A_2130 : i32
    %ne3A_2132 = arith.constant 0 : i32
    %ne3A_2133 = arith.cmpi ne, %rem3A_2131, %ne3A_2132 : i32
    %lt3A_2134 = arith.constant 0 : i32
    %lt3A_2135 = arith.cmpi slt, %rem3A_2131, %lt3A_2134 : i32
    %lt3A_2136 = arith.constant 0 : i32
    %lt3A_2137 = arith.cmpi slt, %select_n3A_2130, %lt3A_2136 : i32
    %ne3A_2138 = arith.xori %lt3A_2135, %lt3A_2137 : i1
    %and3A_2139 = arith.andi %ne3A_2138, %ne3A_2133 : i1
    %add3A_2140 = arith.addi %rem3A_2131, %select_n3A_2130 : i32
    %select_n3A_2141 = arith.select %and3A_2139, %add3A_2140, %rem3A_2131 : i32
    %broadcast_in_dim3A_2142 = vector.broadcast %select_n3A_2141 : i32 to vector<16xi32>
    %gather3A_2143 = arith.constant 1 : i32
    %gather3A_2144 = arith.constant 5 : i32
    %gather3A_2145 = arith.constant 0 : i32
    %gather3A_2146 = arith.constant 0 : i32
    %gather3A_2147 = tpu.memref_slice %arg6[%gather3A_2143, %gather3A_2144, %gather3A_2145, %gather3A_2146] : memref<3x8x32x128xf32, #tpu.memory_space<vmem>> -> memref<1x1x32x128xf32, #tpu.memory_space<vmem>>
    %gather3A_2148 = tpu.memref_squeeze %gather3A_2147 : memref<1x1x32x128xf32, #tpu.memory_space<vmem>> -> memref<32x128xf32, #tpu.memory_space<vmem>>
    %gather3A_2149 = tpu.vector_load_idx %gather3A_2148[%iota3A, %broadcast_in_dim3A_2142] : memref<32x128xf32, #tpu.memory_space<vmem>>[vector<16xi32>, vector<16xi32>], vector<16xf32>,
    %swap3A_2150 = arith.constant 13 : i32
    %swap3A_2151 = arith.index_cast %swap3A_2150 : i32 to index
    %swap3A_2152 = arith.constant 0 : index
    %swap3A_2153 = tpu.vector_load %arg7[%swap3A_2151, %swap3A_2152] {strides = array<i32>} : memref<32x32xf32, #tpu.memory_space<vmem>>, vector<16xf32>,
    tpu.vector_store %arg7[%swap3A_2151, %swap3A_2152], %gather3A_2149 {strides = array<i32>} : memref<32x32xf32, #tpu.memory_space<vmem>>, vector<16xf32>,
    %gather3A_2154 = arith.constant 1 : i32
    %gather3A_2155 = arith.constant 5 : i32
    %gather3A_2156 = arith.constant 0 : i32
    %gather3A_2157 = arith.constant 0 : i32
    %gather3A_2158 = tpu.memref_slice %arg6[%gather3A_2154, %gather3A_2155, %gather3A_2156, %gather3A_2157] : memref<3x8x32x128xf32, #tpu.memory_space<vmem>> -> memref<1x1x32x128xf32, #tpu.memory_space<vmem>>
    %gather3A_2159 = tpu.memref_squeeze %gather3A_2158 : memref<1x1x32x128xf32, #tpu.memory_space<vmem>> -> memref<32x128xf32, #tpu.memory_space<vmem>>
    %gather3A_2160 = tpu.vector_load_idx %gather3A_2159[%add3A_5, %broadcast_in_dim3A_2142] : memref<32x128xf32, #tpu.memory_space<vmem>>[vector<16xi32>, vector<16xi32>], vector<16xf32>,
    %swap3A_2161 = arith.constant 13 : i32
    %swap3A_2162 = arith.index_cast %swap3A_2161 : i32 to index
    %swap3A_2163 = arith.constant 16 : index
    %swap3A_2164 = tpu.vector_load %arg7[%swap3A_2162, %swap3A_2163] {strides = array<i32>} : memref<32x32xf32, #tpu.memory_space<vmem>>, vector<16xf32>,
    tpu.vector_store %arg7[%swap3A_2162, %swap3A_2163], %gather3A_2160 {strides = array<i32>} : memref<32x32xf32, #tpu.memory_space<vmem>>, vector<16xf32>,
    %slice3A_2165 = vector.extract_strided_slice %get3A_6 {offsets = [14], sizes = [1], strides = [1]} : vector<16xi32> to vector<1xi32>
    %squeeze3A_2166 = vector.extract %slice3A_2165[0] : i32 from vector<1xi32>
    %jit3A_2167 = arith.constant 128 : i32
    %eq3A_2168 = arith.constant 0 : i32
    %eq3A_2169 = arith.cmpi eq, %jit3A_2167, %eq3A_2168 : i32
    %jit3A_2170 = arith.constant 1 : i32
    %select_n3A_2171 = arith.select %eq3A_2169, %jit3A_2170, %jit3A_2167 : i32
    %rem3A_2172 = arith.remsi %squeeze3A_2166, %select_n3A_2171 : i32
    %ne3A_2173 = arith.constant 0 : i32
    %ne3A_2174 = arith.cmpi ne, %rem3A_2172, %ne3A_2173 : i32
    %lt3A_2175 = arith.constant 0 : i32
    %lt3A_2176 = arith.cmpi slt, %rem3A_2172, %lt3A_2175 : i32
    %lt3A_2177 = arith.constant 0 : i32
    %lt3A_2178 = arith.cmpi slt, %select_n3A_2171, %lt3A_2177 : i32
    %ne3A_2179 = arith.xori %lt3A_2176, %lt3A_2178 : i1
    %and3A_2180 = arith.andi %ne3A_2179, %ne3A_2174 : i1
    %add3A_2181 = arith.addi %rem3A_2172, %select_n3A_2171 : i32
    %select_n3A_2182 = arith.select %and3A_2180, %add3A_2181, %rem3A_2172 : i32
    %broadcast_in_dim3A_2183 = vector.broadcast %select_n3A_2182 : i32 to vector<16xi32>
    %gather3A_2184 = arith.constant 1 : i32
    %gather3A_2185 = arith.constant 6 : i32
    %gather3A_2186 = arith.constant 0 : i32
    %gather3A_2187 = arith.constant 0 : i32
    %gather3A_2188 = tpu.memref_slice %arg6[%gather3A_2184, %gather3A_2185, %gather3A_2186, %gather3A_2187] : memref<3x8x32x128xf32, #tpu.memory_space<vmem>> -> memref<1x1x32x128xf32, #tpu.memory_space<vmem>>
    %gather3A_2189 = tpu.memref_squeeze %gather3A_2188 : memref<1x1x32x128xf32, #tpu.memory_space<vmem>> -> memref<32x128xf32, #tpu.memory_space<vmem>>
    %gather3A_2190 = tpu.vector_load_idx %gather3A_2189[%iota3A, %broadcast_in_dim3A_2183] : memref<32x128xf32, #tpu.memory_space<vmem>>[vector<16xi32>, vector<16xi32>], vector<16xf32>,
    %swap3A_2191 = arith.constant 14 : i32
    %swap3A_2192 = arith.index_cast %swap3A_2191 : i32 to index
    %swap3A_2193 = arith.constant 0 : index
    %swap3A_2194 = tpu.vector_load %arg7[%swap3A_2192, %swap3A_2193] {strides = array<i32>} : memref<32x32xf32, #tpu.memory_space<vmem>>, vector<16xf32>,
    tpu.vector_store %arg7[%swap3A_2192, %swap3A_2193], %gather3A_2190 {strides = array<i32>} : memref<32x32xf32, #tpu.memory_space<vmem>>, vector<16xf32>,
    %gather3A_2195 = arith.constant 1 : i32
    %gather3A_2196 = arith.constant 6 : i32
    %gather3A_2197 = arith.constant 0 : i32
    %gather3A_2198 = arith.constant 0 : i32
    %gather3A_2199 = tpu.memref_slice %arg6[%gather3A_2195, %gather3A_2196, %gather3A_2197, %gather3A_2198] : memref<3x8x32x128xf32, #tpu.memory_space<vmem>> -> memref<1x1x32x128xf32, #tpu.memory_space<vmem>>
    %gather3A_2200 = tpu.memref_squeeze %gather3A_2199 : memref<1x1x32x128xf32, #tpu.memory_space<vmem>> -> memref<32x128xf32, #tpu.memory_space<vmem>>
    %gather3A_2201 = tpu.vector_load_idx %gather3A_2200[%add3A_5, %broadcast_in_dim3A_2183] : memref<32x128xf32, #tpu.memory_space<vmem>>[vector<16xi32>, vector<16xi32>], vector<16xf32>,
    %swap3A_2202 = arith.constant 14 : i32
    %swap3A_2203 = arith.index_cast %swap3A_2202 : i32 to index
    %swap3A_2204 = arith.constant 16 : index
    %swap3A_2205 = tpu.vector_load %arg7[%swap3A_2203, %swap3A_2204] {strides = array<i32>} : memref<32x32xf32, #tpu.memory_space<vmem>>, vector<16xf32>,
    tpu.vector_store %arg7[%swap3A_2203, %swap3A_2204], %gather3A_2201 {strides = array<i32>} : memref<32x32xf32, #tpu.memory_space<vmem>>, vector<16xf32>,
    %slice3A_2206 = vector.extract_strided_slice %get3A_6 {offsets = [15], sizes = [1], strides = [1]} : vector<16xi32> to vector<1xi32>
    %squeeze3A_2207 = vector.extract %slice3A_2206[0] : i32 from vector<1xi32>
    %jit3A_2208 = arith.constant 128 : i32
    %eq3A_2209 = arith.constant 0 : i32
    %eq3A_2210 = arith.cmpi eq, %jit3A_2208, %eq3A_2209 : i32
    %jit3A_2211 = arith.constant 1 : i32
    %select_n3A_2212 = arith.select %eq3A_2210, %jit3A_2211, %jit3A_2208 : i32
    %rem3A_2213 = arith.remsi %squeeze3A_2207, %select_n3A_2212 : i32
    %ne3A_2214 = arith.constant 0 : i32
    %ne3A_2215 = arith.cmpi ne, %rem3A_2213, %ne3A_2214 : i32
    %lt3A_2216 = arith.constant 0 : i32
    %lt3A_2217 = arith.cmpi slt, %rem3A_2213, %lt3A_2216 : i32
    %lt3A_2218 = arith.constant 0 : i32
    %lt3A_2219 = arith.cmpi slt, %select_n3A_2212, %lt3A_2218 : i32
    %ne3A_2220 = arith.xori %lt3A_2217, %lt3A_2219 : i1
    %and3A_2221 = arith.andi %ne3A_2220, %ne3A_2215 : i1
    %add3A_2222 = arith.addi %rem3A_2213, %select_n3A_2212 : i32
    %select_n3A_2223 = arith.select %and3A_2221, %add3A_2222, %rem3A_2213 : i32
    %broadcast_in_dim3A_2224 = vector.broadcast %select_n3A_2223 : i32 to vector<16xi32>
    %gather3A_2225 = arith.constant 1 : i32
    %gather3A_2226 = arith.constant 7 : i32
    %gather3A_2227 = arith.constant 0 : i32
    %gather3A_2228 = arith.constant 0 : i32
    %gather3A_2229 = tpu.memref_slice %arg6[%gather3A_2225, %gather3A_2226, %gather3A_2227, %gather3A_2228] : memref<3x8x32x128xf32, #tpu.memory_space<vmem>> -> memref<1x1x32x128xf32, #tpu.memory_space<vmem>>
    %gather3A_2230 = tpu.memref_squeeze %gather3A_2229 : memref<1x1x32x128xf32, #tpu.memory_space<vmem>> -> memref<32x128xf32, #tpu.memory_space<vmem>>
    %gather3A_2231 = tpu.vector_load_idx %gather3A_2230[%iota3A, %broadcast_in_dim3A_2224] : memref<32x128xf32, #tpu.memory_space<vmem>>[vector<16xi32>, vector<16xi32>], vector<16xf32>,
    %swap3A_2232 = arith.constant 15 : i32
    %swap3A_2233 = arith.index_cast %swap3A_2232 : i32 to index
    %swap3A_2234 = arith.constant 0 : index
    %swap3A_2235 = tpu.vector_load %arg7[%swap3A_2233, %swap3A_2234] {strides = array<i32>} : memref<32x32xf32, #tpu.memory_space<vmem>>, vector<16xf32>,
    tpu.vector_store %arg7[%swap3A_2233, %swap3A_2234], %gather3A_2231 {strides = array<i32>} : memref<32x32xf32, #tpu.memory_space<vmem>>, vector<16xf32>,
    %gather3A_2236 = arith.constant 1 : i32
    %gather3A_2237 = arith.constant 7 : i32
    %gather3A_2238 = arith.constant 0 : i32
    %gather3A_2239 = arith.constant 0 : i32
    %gather3A_2240 = tpu.memref_slice %arg6[%gather3A_2236, %gather3A_2237, %gather3A_2238, %gather3A_2239] : memref<3x8x32x128xf32, #tpu.memory_space<vmem>> -> memref<1x1x32x128xf32, #tpu.memory_space<vmem>>
    %gather3A_2241 = tpu.memref_squeeze %gather3A_2240 : memref<1x1x32x128xf32, #tpu.memory_space<vmem>> -> memref<32x128xf32, #tpu.memory_space<vmem>>
    %gather3A_2242 = tpu.vector_load_idx %gather3A_2241[%add3A_5, %broadcast_in_dim3A_2224] : memref<32x128xf32, #tpu.memory_space<vmem>>[vector<16xi32>, vector<16xi32>], vector<16xf32>,
    %swap3A_2243 = arith.constant 15 : i32
    %swap3A_2244 = arith.index_cast %swap3A_2243 : i32 to index
    %swap3A_2245 = arith.constant 16 : index
    %swap3A_2246 = tpu.vector_load %arg7[%swap3A_2244, %swap3A_2245] {strides = array<i32>} : memref<32x32xf32, #tpu.memory_space<vmem>>, vector<16xf32>,
    tpu.vector_store %arg7[%swap3A_2244, %swap3A_2245], %gather3A_2242 {strides = array<i32>} : memref<32x32xf32, #tpu.memory_space<vmem>>, vector<16xf32>,
    %dma_wait3A_2247 = arith.constant 2 : i32
    %dma_wait3A_2248 = arith.constant 0 : i32
    %dma_wait3A_2249 = arith.constant 0 : i32
    %dma_wait3A_2250 = arith.constant 0 : i32
    %dma_wait3A_2251 = tpu.memref_slice %arg6[%dma_wait3A_2247, %dma_wait3A_2248, %dma_wait3A_2249, %dma_wait3A_2250] : memref<3x8x32x128xf32, #tpu.memory_space<vmem>> -> memref<1x1x32x128xf32, #tpu.memory_space<vmem>>
    %dma_wait3A_2252 = tpu.memref_squeeze %dma_wait3A_2251 : memref<1x1x32x128xf32, #tpu.memory_space<vmem>> -> memref<32x128xf32, #tpu.memory_space<vmem>>
    %dma_wait3A_2253 = arith.constant 0 : i32
    %dma_wait3A_2254 = tpu.memref_slice %arg3[%dma_wait3A_2253, %multiple_of3A_713] : memref<32x100000xf32, #tpu.memory_space<hbm>> -> memref<32x128xf32, #tpu.memory_space<hbm>>
    %dma_wait3A_2255 = arith.constant 0 : i32
    %dma_wait3A_2256 = arith.constant 0 : i32
    %dma_wait3A_2257 = tpu.memref_slice %arg6[%dma_wait3A_2247, %dma_wait3A_2248, %dma_wait3A_2255, %dma_wait3A_2256] : memref<3x8x32x128xf32, #tpu.memory_space<vmem>> -> memref<1x1x32x128xf32, #tpu.memory_space<vmem>>
    %dma_wait3A_2258 = tpu.memref_squeeze %dma_wait3A_2257 : memref<1x1x32x128xf32, #tpu.memory_space<vmem>> -> memref<32x128xf32, #tpu.memory_space<vmem>>
    %dma_wait3A_2259 = arith.constant 0 : i32
    %dma_wait3A_2260 = tpu.memref_slice %arg3[%dma_wait3A_2259, %multiple_of3A_713] : memref<32x100000xf32, #tpu.memory_space<hbm>> -> memref<32x128xf32, #tpu.memory_space<hbm>>
    tpu.wait_dma2 semaphore(%arg10 : memref<!tpu.dma_semaphore, #tpu.memory_space<semaphore_mem>>) src(%dma_wait3A_2260 : memref<32x128xf32, #tpu.memory_space<hbm>>) dst(%dma_wait3A_2258 : memref<32x128xf32, #tpu.memory_space<vmem>>)
    %dma_wait3A_2261 = arith.constant 2 : i32
    %dma_wait3A_2262 = arith.constant 1 : i32
    %dma_wait3A_2263 = arith.constant 0 : i32
    %dma_wait3A_2264 = arith.constant 0 : i32
    %dma_wait3A_2265 = tpu.memref_slice %arg6[%dma_wait3A_2261, %dma_wait3A_2262, %dma_wait3A_2263, %dma_wait3A_2264] : memref<3x8x32x128xf32, #tpu.memory_space<vmem>> -> memref<1x1x32x128xf32, #tpu.memory_space<vmem>>
    %dma_wait3A_2266 = tpu.memref_squeeze %dma_wait3A_2265 : memref<1x1x32x128xf32, #tpu.memory_space<vmem>> -> memref<32x128xf32, #tpu.memory_space<vmem>>
    %dma_wait3A_2267 = arith.constant 0 : i32
    %dma_wait3A_2268 = tpu.memref_slice %arg3[%dma_wait3A_2267, %multiple_of3A_756] : memref<32x100000xf32, #tpu.memory_space<hbm>> -> memref<32x128xf32, #tpu.memory_space<hbm>>
    %dma_wait3A_2269 = arith.constant 0 : i32
    %dma_wait3A_2270 = arith.constant 0 : i32
    %dma_wait3A_2271 = tpu.memref_slice %arg6[%dma_wait3A_2261, %dma_wait3A_2262, %dma_wait3A_2269, %dma_wait3A_2270] : memref<3x8x32x128xf32, #tpu.memory_space<vmem>> -> memref<1x1x32x128xf32, #tpu.memory_space<vmem>>
    %dma_wait3A_2272 = tpu.memref_squeeze %dma_wait3A_2271 : memref<1x1x32x128xf32, #tpu.memory_space<vmem>> -> memref<32x128xf32, #tpu.memory_space<vmem>>
    %dma_wait3A_2273 = arith.constant 0 : i32
    %dma_wait3A_2274 = tpu.memref_slice %arg3[%dma_wait3A_2273, %multiple_of3A_756] : memref<32x100000xf32, #tpu.memory_space<hbm>> -> memref<32x128xf32, #tpu.memory_space<hbm>>
    tpu.wait_dma2 semaphore(%arg10 : memref<!tpu.dma_semaphore, #tpu.memory_space<semaphore_mem>>) src(%dma_wait3A_2274 : memref<32x128xf32, #tpu.memory_space<hbm>>) dst(%dma_wait3A_2272 : memref<32x128xf32, #tpu.memory_space<vmem>>)
    %dma_wait3A_2275 = arith.constant 2 : i32
    %dma_wait3A_2276 = arith.constant 2 : i32
    %dma_wait3A_2277 = arith.constant 0 : i32
    %dma_wait3A_2278 = arith.constant 0 : i32
    %dma_wait3A_2279 = tpu.memref_slice %arg6[%dma_wait3A_2275, %dma_wait3A_2276, %dma_wait3A_2277, %dma_wait3A_2278] : memref<3x8x32x128xf32, #tpu.memory_space<vmem>> -> memref<1x1x32x128xf32, #tpu.memory_space<vmem>>
    %dma_wait3A_2280 = tpu.memref_squeeze %dma_wait3A_2279 : memref<1x1x32x128xf32, #tpu.memory_space<vmem>> -> memref<32x128xf32, #tpu.memory_space<vmem>>
    %dma_wait3A_2281 = arith.constant 0 : i32
    %dma_wait3A_2282 = tpu.memref_slice %arg3[%dma_wait3A_2281, %multiple_of3A_799] : memref<32x100000xf32, #tpu.memory_space<hbm>> -> memref<32x128xf32, #tpu.memory_space<hbm>>
    %dma_wait3A_2283 = arith.constant 0 : i32
    %dma_wait3A_2284 = arith.constant 0 : i32
    %dma_wait3A_2285 = tpu.memref_slice %arg6[%dma_wait3A_2275, %dma_wait3A_2276, %dma_wait3A_2283, %dma_wait3A_2284] : memref<3x8x32x128xf32, #tpu.memory_space<vmem>> -> memref<1x1x32x128xf32, #tpu.memory_space<vmem>>
    %dma_wait3A_2286 = tpu.memref_squeeze %dma_wait3A_2285 : memref<1x1x32x128xf32, #tpu.memory_space<vmem>> -> memref<32x128xf32, #tpu.memory_space<vmem>>
    %dma_wait3A_2287 = arith.constant 0 : i32
    %dma_wait3A_2288 = tpu.memref_slice %arg3[%dma_wait3A_2287, %multiple_of3A_799] : memref<32x100000xf32, #tpu.memory_space<hbm>> -> memref<32x128xf32, #tpu.memory_space<hbm>>
    tpu.wait_dma2 semaphore(%arg10 : memref<!tpu.dma_semaphore, #tpu.memory_space<semaphore_mem>>) src(%dma_wait3A_2288 : memref<32x128xf32, #tpu.memory_space<hbm>>) dst(%dma_wait3A_2286 : memref<32x128xf32, #tpu.memory_space<vmem>>)
    %dma_wait3A_2289 = arith.constant 2 : i32
    %dma_wait3A_2290 = arith.constant 3 : i32
    %dma_wait3A_2291 = arith.constant 0 : i32
    %dma_wait3A_2292 = arith.constant 0 : i32
    %dma_wait3A_2293 = tpu.memref_slice %arg6[%dma_wait3A_2289, %dma_wait3A_2290, %dma_wait3A_2291, %dma_wait3A_2292] : memref<3x8x32x128xf32, #tpu.memory_space<vmem>> -> memref<1x1x32x128xf32, #tpu.memory_space<vmem>>
    %dma_wait3A_2294 = tpu.memref_squeeze %dma_wait3A_2293 : memref<1x1x32x128xf32, #tpu.memory_space<vmem>> -> memref<32x128xf32, #tpu.memory_space<vmem>>
    %dma_wait3A_2295 = arith.constant 0 : i32
    %dma_wait3A_2296 = tpu.memref_slice %arg3[%dma_wait3A_2295, %multiple_of3A_842] : memref<32x100000xf32, #tpu.memory_space<hbm>> -> memref<32x128xf32, #tpu.memory_space<hbm>>
    %dma_wait3A_2297 = arith.constant 0 : i32
    %dma_wait3A_2298 = arith.constant 0 : i32
    %dma_wait3A_2299 = tpu.memref_slice %arg6[%dma_wait3A_2289, %dma_wait3A_2290, %dma_wait3A_2297, %dma_wait3A_2298] : memref<3x8x32x128xf32, #tpu.memory_space<vmem>> -> memref<1x1x32x128xf32, #tpu.memory_space<vmem>>
    %dma_wait3A_2300 = tpu.memref_squeeze %dma_wait3A_2299 : memref<1x1x32x128xf32, #tpu.memory_space<vmem>> -> memref<32x128xf32, #tpu.memory_space<vmem>>
    %dma_wait3A_2301 = arith.constant 0 : i32
    %dma_wait3A_2302 = tpu.memref_slice %arg3[%dma_wait3A_2301, %multiple_of3A_842] : memref<32x100000xf32, #tpu.memory_space<hbm>> -> memref<32x128xf32, #tpu.memory_space<hbm>>
    tpu.wait_dma2 semaphore(%arg10 : memref<!tpu.dma_semaphore, #tpu.memory_space<semaphore_mem>>) src(%dma_wait3A_2302 : memref<32x128xf32, #tpu.memory_space<hbm>>) dst(%dma_wait3A_2300 : memref<32x128xf32, #tpu.memory_space<vmem>>)
    %dma_wait3A_2303 = arith.constant 2 : i32
    %dma_wait3A_2304 = arith.constant 4 : i32
    %dma_wait3A_2305 = arith.constant 0 : i32
    %dma_wait3A_2306 = arith.constant 0 : i32
    %dma_wait3A_2307 = tpu.memref_slice %arg6[%dma_wait3A_2303, %dma_wait3A_2304, %dma_wait3A_2305, %dma_wait3A_2306] : memref<3x8x32x128xf32, #tpu.memory_space<vmem>> -> memref<1x1x32x128xf32, #tpu.memory_space<vmem>>
    %dma_wait3A_2308 = tpu.memref_squeeze %dma_wait3A_2307 : memref<1x1x32x128xf32, #tpu.memory_space<vmem>> -> memref<32x128xf32, #tpu.memory_space<vmem>>
    %dma_wait3A_2309 = arith.constant 0 : i32
    %dma_wait3A_2310 = tpu.memref_slice %arg3[%dma_wait3A_2309, %multiple_of3A_885] : memref<32x100000xf32, #tpu.memory_space<hbm>> -> memref<32x128xf32, #tpu.memory_space<hbm>>
    %dma_wait3A_2311 = arith.constant 0 : i32
    %dma_wait3A_2312 = arith.constant 0 : i32
    %dma_wait3A_2313 = tpu.memref_slice %arg6[%dma_wait3A_2303, %dma_wait3A_2304, %dma_wait3A_2311, %dma_wait3A_2312] : memref<3x8x32x128xf32, #tpu.memory_space<vmem>> -> memref<1x1x32x128xf32, #tpu.memory_space<vmem>>
    %dma_wait3A_2314 = tpu.memref_squeeze %dma_wait3A_2313 : memref<1x1x32x128xf32, #tpu.memory_space<vmem>> -> memref<32x128xf32, #tpu.memory_space<vmem>>
    %dma_wait3A_2315 = arith.constant 0 : i32
    %dma_wait3A_2316 = tpu.memref_slice %arg3[%dma_wait3A_2315, %multiple_of3A_885] : memref<32x100000xf32, #tpu.memory_space<hbm>> -> memref<32x128xf32, #tpu.memory_space<hbm>>
    tpu.wait_dma2 semaphore(%arg10 : memref<!tpu.dma_semaphore, #tpu.memory_space<semaphore_mem>>) src(%dma_wait3A_2316 : memref<32x128xf32, #tpu.memory_space<hbm>>) dst(%dma_wait3A_2314 : memref<32x128xf32, #tpu.memory_space<vmem>>)
    %dma_wait3A_2317 = arith.constant 2 : i32
    %dma_wait3A_2318 = arith.constant 5 : i32
    %dma_wait3A_2319 = arith.constant 0 : i32
    %dma_wait3A_2320 = arith.constant 0 : i32
    %dma_wait3A_2321 = tpu.memref_slice %arg6[%dma_wait3A_2317, %dma_wait3A_2318, %dma_wait3A_2319, %dma_wait3A_2320] : memref<3x8x32x128xf32, #tpu.memory_space<vmem>> -> memref<1x1x32x128xf32, #tpu.memory_space<vmem>>
    %dma_wait3A_2322 = tpu.memref_squeeze %dma_wait3A_2321 : memref<1x1x32x128xf32, #tpu.memory_space<vmem>> -> memref<32x128xf32, #tpu.memory_space<vmem>>
    %dma_wait3A_2323 = arith.constant 0 : i32
    %dma_wait3A_2324 = tpu.memref_slice %arg3[%dma_wait3A_2323, %multiple_of3A_928] : memref<32x100000xf32, #tpu.memory_space<hbm>> -> memref<32x128xf32, #tpu.memory_space<hbm>>
    %dma_wait3A_2325 = arith.constant 0 : i32
    %dma_wait3A_2326 = arith.constant 0 : i32
    %dma_wait3A_2327 = tpu.memref_slice %arg6[%dma_wait3A_2317, %dma_wait3A_2318, %dma_wait3A_2325, %dma_wait3A_2326] : memref<3x8x32x128xf32, #tpu.memory_space<vmem>> -> memref<1x1x32x128xf32, #tpu.memory_space<vmem>>
    %dma_wait3A_2328 = tpu.memref_squeeze %dma_wait3A_2327 : memref<1x1x32x128xf32, #tpu.memory_space<vmem>> -> memref<32x128xf32, #tpu.memory_space<vmem>>
    %dma_wait3A_2329 = arith.constant 0 : i32
    %dma_wait3A_2330 = tpu.memref_slice %arg3[%dma_wait3A_2329, %multiple_of3A_928] : memref<32x100000xf32, #tpu.memory_space<hbm>> -> memref<32x128xf32, #tpu.memory_space<hbm>>
    tpu.wait_dma2 semaphore(%arg10 : memref<!tpu.dma_semaphore, #tpu.memory_space<semaphore_mem>>) src(%dma_wait3A_2330 : memref<32x128xf32, #tpu.memory_space<hbm>>) dst(%dma_wait3A_2328 : memref<32x128xf32, #tpu.memory_space<vmem>>)
    %dma_wait3A_2331 = arith.constant 2 : i32
    %dma_wait3A_2332 = arith.constant 6 : i32
    %dma_wait3A_2333 = arith.constant 0 : i32
    %dma_wait3A_2334 = arith.constant 0 : i32
    %dma_wait3A_2335 = tpu.memref_slice %arg6[%dma_wait3A_2331, %dma_wait3A_2332, %dma_wait3A_2333, %dma_wait3A_2334] : memref<3x8x32x128xf32, #tpu.memory_space<vmem>> -> memref<1x1x32x128xf32, #tpu.memory_space<vmem>>
    %dma_wait3A_2336 = tpu.memref_squeeze %dma_wait3A_2335 : memref<1x1x32x128xf32, #tpu.memory_space<vmem>> -> memref<32x128xf32, #tpu.memory_space<vmem>>
    %dma_wait3A_2337 = arith.constant 0 : i32
    %dma_wait3A_2338 = tpu.memref_slice %arg3[%dma_wait3A_2337, %multiple_of3A_971] : memref<32x100000xf32, #tpu.memory_space<hbm>> -> memref<32x128xf32, #tpu.memory_space<hbm>>
    %dma_wait3A_2339 = arith.constant 0 : i32
    %dma_wait3A_2340 = arith.constant 0 : i32
    %dma_wait3A_2341 = tpu.memref_slice %arg6[%dma_wait3A_2331, %dma_wait3A_2332, %dma_wait3A_2339, %dma_wait3A_2340] : memref<3x8x32x128xf32, #tpu.memory_space<vmem>> -> memref<1x1x32x128xf32, #tpu.memory_space<vmem>>
    %dma_wait3A_2342 = tpu.memref_squeeze %dma_wait3A_2341 : memref<1x1x32x128xf32, #tpu.memory_space<vmem>> -> memref<32x128xf32, #tpu.memory_space<vmem>>
    %dma_wait3A_2343 = arith.constant 0 : i32
    %dma_wait3A_2344 = tpu.memref_slice %arg3[%dma_wait3A_2343, %multiple_of3A_971] : memref<32x100000xf32, #tpu.memory_space<hbm>> -> memref<32x128xf32, #tpu.memory_space<hbm>>
    tpu.wait_dma2 semaphore(%arg10 : memref<!tpu.dma_semaphore, #tpu.memory_space<semaphore_mem>>) src(%dma_wait3A_2344 : memref<32x128xf32, #tpu.memory_space<hbm>>) dst(%dma_wait3A_2342 : memref<32x128xf32, #tpu.memory_space<vmem>>)
    %dma_wait3A_2345 = arith.constant 2 : i32
    %dma_wait3A_2346 = arith.constant 7 : i32
    %dma_wait3A_2347 = arith.constant 0 : i32
    %dma_wait3A_2348 = arith.constant 0 : i32
    %dma_wait3A_2349 = tpu.memref_slice %arg6[%dma_wait3A_2345, %dma_wait3A_2346, %dma_wait3A_2347, %dma_wait3A_2348] : memref<3x8x32x128xf32, #tpu.memory_space<vmem>> -> memref<1x1x32x128xf32, #tpu.memory_space<vmem>>
    %dma_wait3A_2350 = tpu.memref_squeeze %dma_wait3A_2349 : memref<1x1x32x128xf32, #tpu.memory_space<vmem>> -> memref<32x128xf32, #tpu.memory_space<vmem>>
    %dma_wait3A_2351 = arith.constant 0 : i32
    %dma_wait3A_2352 = tpu.memref_slice %arg3[%dma_wait3A_2351, %multiple_of3A_1014] : memref<32x100000xf32, #tpu.memory_space<hbm>> -> memref<32x128xf32, #tpu.memory_space<hbm>>
    %dma_wait3A_2353 = arith.constant 0 : i32
    %dma_wait3A_2354 = arith.constant 0 : i32
    %dma_wait3A_2355 = tpu.memref_slice %arg6[%dma_wait3A_2345, %dma_wait3A_2346, %dma_wait3A_2353, %dma_wait3A_2354] : memref<3x8x32x128xf32, #tpu.memory_space<vmem>> -> memref<1x1x32x128xf32, #tpu.memory_space<vmem>>
    %dma_wait3A_2356 = tpu.memref_squeeze %dma_wait3A_2355 : memref<1x1x32x128xf32, #tpu.memory_space<vmem>> -> memref<32x128xf32, #tpu.memory_space<vmem>>
    %dma_wait3A_2357 = arith.constant 0 : i32
    %dma_wait3A_2358 = tpu.memref_slice %arg3[%dma_wait3A_2357, %multiple_of3A_1014] : memref<32x100000xf32, #tpu.memory_space<hbm>> -> memref<32x128xf32, #tpu.memory_space<hbm>>
    tpu.wait_dma2 semaphore(%arg10 : memref<!tpu.dma_semaphore, #tpu.memory_space<semaphore_mem>>) src(%dma_wait3A_2358 : memref<32x128xf32, #tpu.memory_space<hbm>>) dst(%dma_wait3A_2356 : memref<32x128xf32, #tpu.memory_space<vmem>>)
    %slice3A_2359 = vector.extract_strided_slice %get3A_8 {offsets = [0], sizes = [1], strides = [1]} : vector<16xi32> to vector<1xi32>
    %squeeze3A_2360 = vector.extract %slice3A_2359[0] : i32 from vector<1xi32>
    %jit3A_2361 = arith.constant 128 : i32
    %eq3A_2362 = arith.constant 0 : i32
    %eq3A_2363 = arith.cmpi eq, %jit3A_2361, %eq3A_2362 : i32
    %jit3A_2364 = arith.constant 1 : i32
    %select_n3A_2365 = arith.select %eq3A_2363, %jit3A_2364, %jit3A_2361 : i32
    %rem3A_2366 = arith.remsi %squeeze3A_2360, %select_n3A_2365 : i32
    %ne3A_2367 = arith.constant 0 : i32
    %ne3A_2368 = arith.cmpi ne, %rem3A_2366, %ne3A_2367 : i32
    %lt3A_2369 = arith.constant 0 : i32
    %lt3A_2370 = arith.cmpi slt, %rem3A_2366, %lt3A_2369 : i32
    %lt3A_2371 = arith.constant 0 : i32
    %lt3A_2372 = arith.cmpi slt, %select_n3A_2365, %lt3A_2371 : i32
    %ne3A_2373 = arith.xori %lt3A_2370, %lt3A_2372 : i1
    %and3A_2374 = arith.andi %ne3A_2373, %ne3A_2368 : i1
    %add3A_2375 = arith.addi %rem3A_2366, %select_n3A_2365 : i32
    %select_n3A_2376 = arith.select %and3A_2374, %add3A_2375, %rem3A_2366 : i32
    %broadcast_in_dim3A_2377 = vector.broadcast %select_n3A_2376 : i32 to vector<16xi32>
    %gather3A_2378 = arith.constant 2 : i32
    %gather3A_2379 = arith.constant 0 : i32
    %gather3A_2380 = arith.constant 0 : i32
    %gather3A_2381 = arith.constant 0 : i32
    %gather3A_2382 = tpu.memref_slice %arg6[%gather3A_2378, %gather3A_2379, %gather3A_2380, %gather3A_2381] : memref<3x8x32x128xf32, #tpu.memory_space<vmem>> -> memref<1x1x32x128xf32, #tpu.memory_space<vmem>>
    %gather3A_2383 = tpu.memref_squeeze %gather3A_2382 : memref<1x1x32x128xf32, #tpu.memory_space<vmem>> -> memref<32x128xf32, #tpu.memory_space<vmem>>
    %gather3A_2384 = tpu.vector_load_idx %gather3A_2383[%iota3A, %broadcast_in_dim3A_2377] : memref<32x128xf32, #tpu.memory_space<vmem>>[vector<16xi32>, vector<16xi32>], vector<16xf32>,
    %swap3A_2385 = arith.constant 16 : i32
    %swap3A_2386 = arith.index_cast %swap3A_2385 : i32 to index
    %swap3A_2387 = arith.constant 0 : index
    %swap3A_2388 = tpu.vector_load %arg7[%swap3A_2386, %swap3A_2387] {strides = array<i32>} : memref<32x32xf32, #tpu.memory_space<vmem>>, vector<16xf32>,
    tpu.vector_store %arg7[%swap3A_2386, %swap3A_2387], %gather3A_2384 {strides = array<i32>} : memref<32x32xf32, #tpu.memory_space<vmem>>, vector<16xf32>,
    %gather3A_2389 = arith.constant 2 : i32
    %gather3A_2390 = arith.constant 0 : i32
    %gather3A_2391 = arith.constant 0 : i32
    %gather3A_2392 = arith.constant 0 : i32
    %gather3A_2393 = tpu.memref_slice %arg6[%gather3A_2389, %gather3A_2390, %gather3A_2391, %gather3A_2392] : memref<3x8x32x128xf32, #tpu.memory_space<vmem>> -> memref<1x1x32x128xf32, #tpu.memory_space<vmem>>
    %gather3A_2394 = tpu.memref_squeeze %gather3A_2393 : memref<1x1x32x128xf32, #tpu.memory_space<vmem>> -> memref<32x128xf32, #tpu.memory_space<vmem>>
    %gather3A_2395 = tpu.vector_load_idx %gather3A_2394[%add3A_5, %broadcast_in_dim3A_2377] : memref<32x128xf32, #tpu.memory_space<vmem>>[vector<16xi32>, vector<16xi32>], vector<16xf32>,
    %swap3A_2396 = arith.constant 16 : i32
    %swap3A_2397 = arith.index_cast %swap3A_2396 : i32 to index
    %swap3A_2398 = arith.constant 16 : index
    %swap3A_2399 = tpu.vector_load %arg7[%swap3A_2397, %swap3A_2398] {strides = array<i32>} : memref<32x32xf32, #tpu.memory_space<vmem>>, vector<16xf32>,
    tpu.vector_store %arg7[%swap3A_2397, %swap3A_2398], %gather3A_2395 {strides = array<i32>} : memref<32x32xf32, #tpu.memory_space<vmem>>, vector<16xf32>,
    %slice3A_2400 = vector.extract_strided_slice %get3A_8 {offsets = [1], sizes = [1], strides = [1]} : vector<16xi32> to vector<1xi32>
    %squeeze3A_2401 = vector.extract %slice3A_2400[0] : i32 from vector<1xi32>
    %jit3A_2402 = arith.constant 128 : i32
    %eq3A_2403 = arith.constant 0 : i32
    %eq3A_2404 = arith.cmpi eq, %jit3A_2402, %eq3A_2403 : i32
    %jit3A_2405 = arith.constant 1 : i32
    %select_n3A_2406 = arith.select %eq3A_2404, %jit3A_2405, %jit3A_2402 : i32
    %rem3A_2407 = arith.remsi %squeeze3A_2401, %select_n3A_2406 : i32
    %ne3A_2408 = arith.constant 0 : i32
    %ne3A_2409 = arith.cmpi ne, %rem3A_2407, %ne3A_2408 : i32
    %lt3A_2410 = arith.constant 0 : i32
    %lt3A_2411 = arith.cmpi slt, %rem3A_2407, %lt3A_2410 : i32
    %lt3A_2412 = arith.constant 0 : i32
    %lt3A_2413 = arith.cmpi slt, %select_n3A_2406, %lt3A_2412 : i32
    %ne3A_2414 = arith.xori %lt3A_2411, %lt3A_2413 : i1
    %and3A_2415 = arith.andi %ne3A_2414, %ne3A_2409 : i1
    %add3A_2416 = arith.addi %rem3A_2407, %select_n3A_2406 : i32
    %select_n3A_2417 = arith.select %and3A_2415, %add3A_2416, %rem3A_2407 : i32
    %broadcast_in_dim3A_2418 = vector.broadcast %select_n3A_2417 : i32 to vector<16xi32>
    %gather3A_2419 = arith.constant 2 : i32
    %gather3A_2420 = arith.constant 1 : i32
    %gather3A_2421 = arith.constant 0 : i32
    %gather3A_2422 = arith.constant 0 : i32
    %gather3A_2423 = tpu.memref_slice %arg6[%gather3A_2419, %gather3A_2420, %gather3A_2421, %gather3A_2422] : memref<3x8x32x128xf32, #tpu.memory_space<vmem>> -> memref<1x1x32x128xf32, #tpu.memory_space<vmem>>
    %gather3A_2424 = tpu.memref_squeeze %gather3A_2423 : memref<1x1x32x128xf32, #tpu.memory_space<vmem>> -> memref<32x128xf32, #tpu.memory_space<vmem>>
    %gather3A_2425 = tpu.vector_load_idx %gather3A_2424[%iota3A, %broadcast_in_dim3A_2418] : memref<32x128xf32, #tpu.memory_space<vmem>>[vector<16xi32>, vector<16xi32>], vector<16xf32>,
    %swap3A_2426 = arith.constant 17 : i32
    %swap3A_2427 = arith.index_cast %swap3A_2426 : i32 to index
    %swap3A_2428 = arith.constant 0 : index
    %swap3A_2429 = tpu.vector_load %arg7[%swap3A_2427, %swap3A_2428] {strides = array<i32>} : memref<32x32xf32, #tpu.memory_space<vmem>>, vector<16xf32>,
    tpu.vector_store %arg7[%swap3A_2427, %swap3A_2428], %gather3A_2425 {strides = array<i32>} : memref<32x32xf32, #tpu.memory_space<vmem>>, vector<16xf32>,
    %gather3A_2430 = arith.constant 2 : i32
    %gather3A_2431 = arith.constant 1 : i32
    %gather3A_2432 = arith.constant 0 : i32
    %gather3A_2433 = arith.constant 0 : i32
    %gather3A_2434 = tpu.memref_slice %arg6[%gather3A_2430, %gather3A_2431, %gather3A_2432, %gather3A_2433] : memref<3x8x32x128xf32, #tpu.memory_space<vmem>> -> memref<1x1x32x128xf32, #tpu.memory_space<vmem>>
    %gather3A_2435 = tpu.memref_squeeze %gather3A_2434 : memref<1x1x32x128xf32, #tpu.memory_space<vmem>> -> memref<32x128xf32, #tpu.memory_space<vmem>>
    %gather3A_2436 = tpu.vector_load_idx %gather3A_2435[%add3A_5, %broadcast_in_dim3A_2418] : memref<32x128xf32, #tpu.memory_space<vmem>>[vector<16xi32>, vector<16xi32>], vector<16xf32>,
    %swap3A_2437 = arith.constant 17 : i32
    %swap3A_2438 = arith.index_cast %swap3A_2437 : i32 to index
    %swap3A_2439 = arith.constant 16 : index
    %swap3A_2440 = tpu.vector_load %arg7[%swap3A_2438, %swap3A_2439] {strides = array<i32>} : memref<32x32xf32, #tpu.memory_space<vmem>>, vector<16xf32>,
    tpu.vector_store %arg7[%swap3A_2438, %swap3A_2439], %gather3A_2436 {strides = array<i32>} : memref<32x32xf32, #tpu.memory_space<vmem>>, vector<16xf32>,
    %slice3A_2441 = vector.extract_strided_slice %get3A_8 {offsets = [2], sizes = [1], strides = [1]} : vector<16xi32> to vector<1xi32>
    %squeeze3A_2442 = vector.extract %slice3A_2441[0] : i32 from vector<1xi32>
    %jit3A_2443 = arith.constant 128 : i32
    %eq3A_2444 = arith.constant 0 : i32
    %eq3A_2445 = arith.cmpi eq, %jit3A_2443, %eq3A_2444 : i32
    %jit3A_2446 = arith.constant 1 : i32
    %select_n3A_2447 = arith.select %eq3A_2445, %jit3A_2446, %jit3A_2443 : i32
    %rem3A_2448 = arith.remsi %squeeze3A_2442, %select_n3A_2447 : i32
    %ne3A_2449 = arith.constant 0 : i32
    %ne3A_2450 = arith.cmpi ne, %rem3A_2448, %ne3A_2449 : i32
    %lt3A_2451 = arith.constant 0 : i32
    %lt3A_2452 = arith.cmpi slt, %rem3A_2448, %lt3A_2451 : i32
    %lt3A_2453 = arith.constant 0 : i32
    %lt3A_2454 = arith.cmpi slt, %select_n3A_2447, %lt3A_2453 : i32
    %ne3A_2455 = arith.xori %lt3A_2452, %lt3A_2454 : i1
    %and3A_2456 = arith.andi %ne3A_2455, %ne3A_2450 : i1
    %add3A_2457 = arith.addi %rem3A_2448, %select_n3A_2447 : i32
    %select_n3A_2458 = arith.select %and3A_2456, %add3A_2457, %rem3A_2448 : i32
    %broadcast_in_dim3A_2459 = vector.broadcast %select_n3A_2458 : i32 to vector<16xi32>
    %gather3A_2460 = arith.constant 2 : i32
    %gather3A_2461 = arith.constant 2 : i32
    %gather3A_2462 = arith.constant 0 : i32
    %gather3A_2463 = arith.constant 0 : i32
    %gather3A_2464 = tpu.memref_slice %arg6[%gather3A_2460, %gather3A_2461, %gather3A_2462, %gather3A_2463] : memref<3x8x32x128xf32, #tpu.memory_space<vmem>> -> memref<1x1x32x128xf32, #tpu.memory_space<vmem>>
    %gather3A_2465 = tpu.memref_squeeze %gather3A_2464 : memref<1x1x32x128xf32, #tpu.memory_space<vmem>> -> memref<32x128xf32, #tpu.memory_space<vmem>>
    %gather3A_2466 = tpu.vector_load_idx %gather3A_2465[%iota3A, %broadcast_in_dim3A_2459] : memref<32x128xf32, #tpu.memory_space<vmem>>[vector<16xi32>, vector<16xi32>], vector<16xf32>,
    %swap3A_2467 = arith.constant 18 : i32
    %swap3A_2468 = arith.index_cast %swap3A_2467 : i32 to index
    %swap3A_2469 = arith.constant 0 : index
    %swap3A_2470 = tpu.vector_load %arg7[%swap3A_2468, %swap3A_2469] {strides = array<i32>} : memref<32x32xf32, #tpu.memory_space<vmem>>, vector<16xf32>,
    tpu.vector_store %arg7[%swap3A_2468, %swap3A_2469], %gather3A_2466 {strides = array<i32>} : memref<32x32xf32, #tpu.memory_space<vmem>>, vector<16xf32>,
    %gather3A_2471 = arith.constant 2 : i32
    %gather3A_2472 = arith.constant 2 : i32
    %gather3A_2473 = arith.constant 0 : i32
    %gather3A_2474 = arith.constant 0 : i32
    %gather3A_2475 = tpu.memref_slice %arg6[%gather3A_2471, %gather3A_2472, %gather3A_2473, %gather3A_2474] : memref<3x8x32x128xf32, #tpu.memory_space<vmem>> -> memref<1x1x32x128xf32, #tpu.memory_space<vmem>>
    %gather3A_2476 = tpu.memref_squeeze %gather3A_2475 : memref<1x1x32x128xf32, #tpu.memory_space<vmem>> -> memref<32x128xf32, #tpu.memory_space<vmem>>
    %gather3A_2477 = tpu.vector_load_idx %gather3A_2476[%add3A_5, %broadcast_in_dim3A_2459] : memref<32x128xf32, #tpu.memory_space<vmem>>[vector<16xi32>, vector<16xi32>], vector<16xf32>,
    %swap3A_2478 = arith.constant 18 : i32
    %swap3A_2479 = arith.index_cast %swap3A_2478 : i32 to index
    %swap3A_2480 = arith.constant 16 : index
    %swap3A_2481 = tpu.vector_load %arg7[%swap3A_2479, %swap3A_2480] {strides = array<i32>} : memref<32x32xf32, #tpu.memory_space<vmem>>, vector<16xf32>,
    tpu.vector_store %arg7[%swap3A_2479, %swap3A_2480], %gather3A_2477 {strides = array<i32>} : memref<32x32xf32, #tpu.memory_space<vmem>>, vector<16xf32>,
    %slice3A_2482 = vector.extract_strided_slice %get3A_8 {offsets = [3], sizes = [1], strides = [1]} : vector<16xi32> to vector<1xi32>
    %squeeze3A_2483 = vector.extract %slice3A_2482[0] : i32 from vector<1xi32>
    %jit3A_2484 = arith.constant 128 : i32
    %eq3A_2485 = arith.constant 0 : i32
    %eq3A_2486 = arith.cmpi eq, %jit3A_2484, %eq3A_2485 : i32
    %jit3A_2487 = arith.constant 1 : i32
    %select_n3A_2488 = arith.select %eq3A_2486, %jit3A_2487, %jit3A_2484 : i32
    %rem3A_2489 = arith.remsi %squeeze3A_2483, %select_n3A_2488 : i32
    %ne3A_2490 = arith.constant 0 : i32
    %ne3A_2491 = arith.cmpi ne, %rem3A_2489, %ne3A_2490 : i32
    %lt3A_2492 = arith.constant 0 : i32
    %lt3A_2493 = arith.cmpi slt, %rem3A_2489, %lt3A_2492 : i32
    %lt3A_2494 = arith.constant 0 : i32
    %lt3A_2495 = arith.cmpi slt, %select_n3A_2488, %lt3A_2494 : i32
    %ne3A_2496 = arith.xori %lt3A_2493, %lt3A_2495 : i1
    %and3A_2497 = arith.andi %ne3A_2496, %ne3A_2491 : i1
    %add3A_2498 = arith.addi %rem3A_2489, %select_n3A_2488 : i32
    %select_n3A_2499 = arith.select %and3A_2497, %add3A_2498, %rem3A_2489 : i32
    %broadcast_in_dim3A_2500 = vector.broadcast %select_n3A_2499 : i32 to vector<16xi32>
    %gather3A_2501 = arith.constant 2 : i32
    %gather3A_2502 = arith.constant 3 : i32
    %gather3A_2503 = arith.constant 0 : i32
    %gather3A_2504 = arith.constant 0 : i32
    %gather3A_2505 = tpu.memref_slice %arg6[%gather3A_2501, %gather3A_2502, %gather3A_2503, %gather3A_2504] : memref<3x8x32x128xf32, #tpu.memory_space<vmem>> -> memref<1x1x32x128xf32, #tpu.memory_space<vmem>>
    %gather3A_2506 = tpu.memref_squeeze %gather3A_2505 : memref<1x1x32x128xf32, #tpu.memory_space<vmem>> -> memref<32x128xf32, #tpu.memory_space<vmem>>
    %gather3A_2507 = tpu.vector_load_idx %gather3A_2506[%iota3A, %broadcast_in_dim3A_2500] : memref<32x128xf32, #tpu.memory_space<vmem>>[vector<16xi32>, vector<16xi32>], vector<16xf32>,
    %swap3A_2508 = arith.constant 19 : i32
    %swap3A_2509 = arith.index_cast %swap3A_2508 : i32 to index
    %swap3A_2510 = arith.constant 0 : index
    %swap3A_2511 = tpu.vector_load %arg7[%swap3A_2509, %swap3A_2510] {strides = array<i32>} : memref<32x32xf32, #tpu.memory_space<vmem>>, vector<16xf32>,
    tpu.vector_store %arg7[%swap3A_2509, %swap3A_2510], %gather3A_2507 {strides = array<i32>} : memref<32x32xf32, #tpu.memory_space<vmem>>, vector<16xf32>,
    %gather3A_2512 = arith.constant 2 : i32
    %gather3A_2513 = arith.constant 3 : i32
    %gather3A_2514 = arith.constant 0 : i32
    %gather3A_2515 = arith.constant 0 : i32
    %gather3A_2516 = tpu.memref_slice %arg6[%gather3A_2512, %gather3A_2513, %gather3A_2514, %gather3A_2515] : memref<3x8x32x128xf32, #tpu.memory_space<vmem>> -> memref<1x1x32x128xf32, #tpu.memory_space<vmem>>
    %gather3A_2517 = tpu.memref_squeeze %gather3A_2516 : memref<1x1x32x128xf32, #tpu.memory_space<vmem>> -> memref<32x128xf32, #tpu.memory_space<vmem>>
    %gather3A_2518 = tpu.vector_load_idx %gather3A_2517[%add3A_5, %broadcast_in_dim3A_2500] : memref<32x128xf32, #tpu.memory_space<vmem>>[vector<16xi32>, vector<16xi32>], vector<16xf32>,
    %swap3A_2519 = arith.constant 19 : i32
    %swap3A_2520 = arith.index_cast %swap3A_2519 : i32 to index
    %swap3A_2521 = arith.constant 16 : index
    %swap3A_2522 = tpu.vector_load %arg7[%swap3A_2520, %swap3A_2521] {strides = array<i32>} : memref<32x32xf32, #tpu.memory_space<vmem>>, vector<16xf32>,
    tpu.vector_store %arg7[%swap3A_2520, %swap3A_2521], %gather3A_2518 {strides = array<i32>} : memref<32x32xf32, #tpu.memory_space<vmem>>, vector<16xf32>,
    %slice3A_2523 = vector.extract_strided_slice %get3A_8 {offsets = [4], sizes = [1], strides = [1]} : vector<16xi32> to vector<1xi32>
    %squeeze3A_2524 = vector.extract %slice3A_2523[0] : i32 from vector<1xi32>
    %jit3A_2525 = arith.constant 128 : i32
    %eq3A_2526 = arith.constant 0 : i32
    %eq3A_2527 = arith.cmpi eq, %jit3A_2525, %eq3A_2526 : i32
    %jit3A_2528 = arith.constant 1 : i32
    %select_n3A_2529 = arith.select %eq3A_2527, %jit3A_2528, %jit3A_2525 : i32
    %rem3A_2530 = arith.remsi %squeeze3A_2524, %select_n3A_2529 : i32
    %ne3A_2531 = arith.constant 0 : i32
    %ne3A_2532 = arith.cmpi ne, %rem3A_2530, %ne3A_2531 : i32
    %lt3A_2533 = arith.constant 0 : i32
    %lt3A_2534 = arith.cmpi slt, %rem3A_2530, %lt3A_2533 : i32
    %lt3A_2535 = arith.constant 0 : i32
    %lt3A_2536 = arith.cmpi slt, %select_n3A_2529, %lt3A_2535 : i32
    %ne3A_2537 = arith.xori %lt3A_2534, %lt3A_2536 : i1
    %and3A_2538 = arith.andi %ne3A_2537, %ne3A_2532 : i1
    %add3A_2539 = arith.addi %rem3A_2530, %select_n3A_2529 : i32
    %select_n3A_2540 = arith.select %and3A_2538, %add3A_2539, %rem3A_2530 : i32
    %broadcast_in_dim3A_2541 = vector.broadcast %select_n3A_2540 : i32 to vector<16xi32>
    %gather3A_2542 = arith.constant 2 : i32
    %gather3A_2543 = arith.constant 4 : i32
    %gather3A_2544 = arith.constant 0 : i32
    %gather3A_2545 = arith.constant 0 : i32
    %gather3A_2546 = tpu.memref_slice %arg6[%gather3A_2542, %gather3A_2543, %gather3A_2544, %gather3A_2545] : memref<3x8x32x128xf32, #tpu.memory_space<vmem>> -> memref<1x1x32x128xf32, #tpu.memory_space<vmem>>
    %gather3A_2547 = tpu.memref_squeeze %gather3A_2546 : memref<1x1x32x128xf32, #tpu.memory_space<vmem>> -> memref<32x128xf32, #tpu.memory_space<vmem>>
    %gather3A_2548 = tpu.vector_load_idx %gather3A_2547[%iota3A, %broadcast_in_dim3A_2541] : memref<32x128xf32, #tpu.memory_space<vmem>>[vector<16xi32>, vector<16xi32>], vector<16xf32>,
    %swap3A_2549 = arith.constant 20 : i32
    %swap3A_2550 = arith.index_cast %swap3A_2549 : i32 to index
    %swap3A_2551 = arith.constant 0 : index
    %swap3A_2552 = tpu.vector_load %arg7[%swap3A_2550, %swap3A_2551] {strides = array<i32>} : memref<32x32xf32, #tpu.memory_space<vmem>>, vector<16xf32>,
    tpu.vector_store %arg7[%swap3A_2550, %swap3A_2551], %gather3A_2548 {strides = array<i32>} : memref<32x32xf32, #tpu.memory_space<vmem>>, vector<16xf32>,
    %gather3A_2553 = arith.constant 2 : i32
    %gather3A_2554 = arith.constant 4 : i32
    %gather3A_2555 = arith.constant 0 : i32
    %gather3A_2556 = arith.constant 0 : i32
    %gather3A_2557 = tpu.memref_slice %arg6[%gather3A_2553, %gather3A_2554, %gather3A_2555, %gather3A_2556] : memref<3x8x32x128xf32, #tpu.memory_space<vmem>> -> memref<1x1x32x128xf32, #tpu.memory_space<vmem>>
    %gather3A_2558 = tpu.memref_squeeze %gather3A_2557 : memref<1x1x32x128xf32, #tpu.memory_space<vmem>> -> memref<32x128xf32, #tpu.memory_space<vmem>>
    %gather3A_2559 = tpu.vector_load_idx %gather3A_2558[%add3A_5, %broadcast_in_dim3A_2541] : memref<32x128xf32, #tpu.memory_space<vmem>>[vector<16xi32>, vector<16xi32>], vector<16xf32>,
    %swap3A_2560 = arith.constant 20 : i32
    %swap3A_2561 = arith.index_cast %swap3A_2560 : i32 to index
    %swap3A_2562 = arith.constant 16 : index
    %swap3A_2563 = tpu.vector_load %arg7[%swap3A_2561, %swap3A_2562] {strides = array<i32>} : memref<32x32xf32, #tpu.memory_space<vmem>>, vector<16xf32>,
    tpu.vector_store %arg7[%swap3A_2561, %swap3A_2562], %gather3A_2559 {strides = array<i32>} : memref<32x32xf32, #tpu.memory_space<vmem>>, vector<16xf32>,
    %slice3A_2564 = vector.extract_strided_slice %get3A_8 {offsets = [5], sizes = [1], strides = [1]} : vector<16xi32> to vector<1xi32>
    %squeeze3A_2565 = vector.extract %slice3A_2564[0] : i32 from vector<1xi32>
    %jit3A_2566 = arith.constant 128 : i32
    %eq3A_2567 = arith.constant 0 : i32
    %eq3A_2568 = arith.cmpi eq, %jit3A_2566, %eq3A_2567 : i32
    %jit3A_2569 = arith.constant 1 : i32
    %select_n3A_2570 = arith.select %eq3A_2568, %jit3A_2569, %jit3A_2566 : i32
    %rem3A_2571 = arith.remsi %squeeze3A_2565, %select_n3A_2570 : i32
    %ne3A_2572 = arith.constant 0 : i32
    %ne3A_2573 = arith.cmpi ne, %rem3A_2571, %ne3A_2572 : i32
    %lt3A_2574 = arith.constant 0 : i32
    %lt3A_2575 = arith.cmpi slt, %rem3A_2571, %lt3A_2574 : i32
    %lt3A_2576 = arith.constant 0 : i32
    %lt3A_2577 = arith.cmpi slt, %select_n3A_2570, %lt3A_2576 : i32
    %ne3A_2578 = arith.xori %lt3A_2575, %lt3A_2577 : i1
    %and3A_2579 = arith.andi %ne3A_2578, %ne3A_2573 : i1
    %add3A_2580 = arith.addi %rem3A_2571, %select_n3A_2570 : i32
    %select_n3A_2581 = arith.select %and3A_2579, %add3A_2580, %rem3A_2571 : i32
    %broadcast_in_dim3A_2582 = vector.broadcast %select_n3A_2581 : i32 to vector<16xi32>
    %gather3A_2583 = arith.constant 2 : i32
    %gather3A_2584 = arith.constant 5 : i32
    %gather3A_2585 = arith.constant 0 : i32
    %gather3A_2586 = arith.constant 0 : i32
    %gather3A_2587 = tpu.memref_slice %arg6[%gather3A_2583, %gather3A_2584, %gather3A_2585, %gather3A_2586] : memref<3x8x32x128xf32, #tpu.memory_space<vmem>> -> memref<1x1x32x128xf32, #tpu.memory_space<vmem>>
    %gather3A_2588 = tpu.memref_squeeze %gather3A_2587 : memref<1x1x32x128xf32, #tpu.memory_space<vmem>> -> memref<32x128xf32, #tpu.memory_space<vmem>>
    %gather3A_2589 = tpu.vector_load_idx %gather3A_2588[%iota3A, %broadcast_in_dim3A_2582] : memref<32x128xf32, #tpu.memory_space<vmem>>[vector<16xi32>, vector<16xi32>], vector<16xf32>,
    %swap3A_2590 = arith.constant 21 : i32
    %swap3A_2591 = arith.index_cast %swap3A_2590 : i32 to index
    %swap3A_2592 = arith.constant 0 : index
    %swap3A_2593 = tpu.vector_load %arg7[%swap3A_2591, %swap3A_2592] {strides = array<i32>} : memref<32x32xf32, #tpu.memory_space<vmem>>, vector<16xf32>,
    tpu.vector_store %arg7[%swap3A_2591, %swap3A_2592], %gather3A_2589 {strides = array<i32>} : memref<32x32xf32, #tpu.memory_space<vmem>>, vector<16xf32>,
    %gather3A_2594 = arith.constant 2 : i32
    %gather3A_2595 = arith.constant 5 : i32
    %gather3A_2596 = arith.constant 0 : i32
    %gather3A_2597 = arith.constant 0 : i32
    %gather3A_2598 = tpu.memref_slice %arg6[%gather3A_2594, %gather3A_2595, %gather3A_2596, %gather3A_2597] : memref<3x8x32x128xf32, #tpu.memory_space<vmem>> -> memref<1x1x32x128xf32, #tpu.memory_space<vmem>>
    %gather3A_2599 = tpu.memref_squeeze %gather3A_2598 : memref<1x1x32x128xf32, #tpu.memory_space<vmem>> -> memref<32x128xf32, #tpu.memory_space<vmem>>
    %gather3A_2600 = tpu.vector_load_idx %gather3A_2599[%add3A_5, %broadcast_in_dim3A_2582] : memref<32x128xf32, #tpu.memory_space<vmem>>[vector<16xi32>, vector<16xi32>], vector<16xf32>,
    %swap3A_2601 = arith.constant 21 : i32
    %swap3A_2602 = arith.index_cast %swap3A_2601 : i32 to index
    %swap3A_2603 = arith.constant 16 : index
    %swap3A_2604 = tpu.vector_load %arg7[%swap3A_2602, %swap3A_2603] {strides = array<i32>} : memref<32x32xf32, #tpu.memory_space<vmem>>, vector<16xf32>,
    tpu.vector_store %arg7[%swap3A_2602, %swap3A_2603], %gather3A_2600 {strides = array<i32>} : memref<32x32xf32, #tpu.memory_space<vmem>>, vector<16xf32>,
    %slice3A_2605 = vector.extract_strided_slice %get3A_8 {offsets = [6], sizes = [1], strides = [1]} : vector<16xi32> to vector<1xi32>
    %squeeze3A_2606 = vector.extract %slice3A_2605[0] : i32 from vector<1xi32>
    %jit3A_2607 = arith.constant 128 : i32
    %eq3A_2608 = arith.constant 0 : i32
    %eq3A_2609 = arith.cmpi eq, %jit3A_2607, %eq3A_2608 : i32
    %jit3A_2610 = arith.constant 1 : i32
    %select_n3A_2611 = arith.select %eq3A_2609, %jit3A_2610, %jit3A_2607 : i32
    %rem3A_2612 = arith.remsi %squeeze3A_2606, %select_n3A_2611 : i32
    %ne3A_2613 = arith.constant 0 : i32
    %ne3A_2614 = arith.cmpi ne, %rem3A_2612, %ne3A_2613 : i32
    %lt3A_2615 = arith.constant 0 : i32
    %lt3A_2616 = arith.cmpi slt, %rem3A_2612, %lt3A_2615 : i32
    %lt3A_2617 = arith.constant 0 : i32
    %lt3A_2618 = arith.cmpi slt, %select_n3A_2611, %lt3A_2617 : i32
    %ne3A_2619 = arith.xori %lt3A_2616, %lt3A_2618 : i1
    %and3A_2620 = arith.andi %ne3A_2619, %ne3A_2614 : i1
    %add3A_2621 = arith.addi %rem3A_2612, %select_n3A_2611 : i32
    %select_n3A_2622 = arith.select %and3A_2620, %add3A_2621, %rem3A_2612 : i32
    %broadcast_in_dim3A_2623 = vector.broadcast %select_n3A_2622 : i32 to vector<16xi32>
    %gather3A_2624 = arith.constant 2 : i32
    %gather3A_2625 = arith.constant 6 : i32
    %gather3A_2626 = arith.constant 0 : i32
    %gather3A_2627 = arith.constant 0 : i32
    %gather3A_2628 = tpu.memref_slice %arg6[%gather3A_2624, %gather3A_2625, %gather3A_2626, %gather3A_2627] : memref<3x8x32x128xf32, #tpu.memory_space<vmem>> -> memref<1x1x32x128xf32, #tpu.memory_space<vmem>>
    %gather3A_2629 = tpu.memref_squeeze %gather3A_2628 : memref<1x1x32x128xf32, #tpu.memory_space<vmem>> -> memref<32x128xf32, #tpu.memory_space<vmem>>
    %gather3A_2630 = tpu.vector_load_idx %gather3A_2629[%iota3A, %broadcast_in_dim3A_2623] : memref<32x128xf32, #tpu.memory_space<vmem>>[vector<16xi32>, vector<16xi32>], vector<16xf32>,
    %swap3A_2631 = arith.constant 22 : i32
    %swap3A_2632 = arith.index_cast %swap3A_2631 : i32 to index
    %swap3A_2633 = arith.constant 0 : index
    %swap3A_2634 = tpu.vector_load %arg7[%swap3A_2632, %swap3A_2633] {strides = array<i32>} : memref<32x32xf32, #tpu.memory_space<vmem>>, vector<16xf32>,
    tpu.vector_store %arg7[%swap3A_2632, %swap3A_2633], %gather3A_2630 {strides = array<i32>} : memref<32x32xf32, #tpu.memory_space<vmem>>, vector<16xf32>,
    %gather3A_2635 = arith.constant 2 : i32
    %gather3A_2636 = arith.constant 6 : i32
    %gather3A_2637 = arith.constant 0 : i32
    %gather3A_2638 = arith.constant 0 : i32
    %gather3A_2639 = tpu.memref_slice %arg6[%gather3A_2635, %gather3A_2636, %gather3A_2637, %gather3A_2638] : memref<3x8x32x128xf32, #tpu.memory_space<vmem>> -> memref<1x1x32x128xf32, #tpu.memory_space<vmem>>
    %gather3A_2640 = tpu.memref_squeeze %gather3A_2639 : memref<1x1x32x128xf32, #tpu.memory_space<vmem>> -> memref<32x128xf32, #tpu.memory_space<vmem>>
    %gather3A_2641 = tpu.vector_load_idx %gather3A_2640[%add3A_5, %broadcast_in_dim3A_2623] : memref<32x128xf32, #tpu.memory_space<vmem>>[vector<16xi32>, vector<16xi32>], vector<16xf32>,
    %swap3A_2642 = arith.constant 22 : i32
    %swap3A_2643 = arith.index_cast %swap3A_2642 : i32 to index
    %swap3A_2644 = arith.constant 16 : index
    %swap3A_2645 = tpu.vector_load %arg7[%swap3A_2643, %swap3A_2644] {strides = array<i32>} : memref<32x32xf32, #tpu.memory_space<vmem>>, vector<16xf32>,
    tpu.vector_store %arg7[%swap3A_2643, %swap3A_2644], %gather3A_2641 {strides = array<i32>} : memref<32x32xf32, #tpu.memory_space<vmem>>, vector<16xf32>,
    %slice3A_2646 = vector.extract_strided_slice %get3A_8 {offsets = [7], sizes = [1], strides = [1]} : vector<16xi32> to vector<1xi32>
    %squeeze3A_2647 = vector.extract %slice3A_2646[0] : i32 from vector<1xi32>
    %jit3A_2648 = arith.constant 128 : i32
    %eq3A_2649 = arith.constant 0 : i32
    %eq3A_2650 = arith.cmpi eq, %jit3A_2648, %eq3A_2649 : i32
    %jit3A_2651 = arith.constant 1 : i32
    %select_n3A_2652 = arith.select %eq3A_2650, %jit3A_2651, %jit3A_2648 : i32
    %rem3A_2653 = arith.remsi %squeeze3A_2647, %select_n3A_2652 : i32
    %ne3A_2654 = arith.constant 0 : i32
    %ne3A_2655 = arith.cmpi ne, %rem3A_2653, %ne3A_2654 : i32
    %lt3A_2656 = arith.constant 0 : i32
    %lt3A_2657 = arith.cmpi slt, %rem3A_2653, %lt3A_2656 : i32
    %lt3A_2658 = arith.constant 0 : i32
    %lt3A_2659 = arith.cmpi slt, %select_n3A_2652, %lt3A_2658 : i32
    %ne3A_2660 = arith.xori %lt3A_2657, %lt3A_2659 : i1
    %and3A_2661 = arith.andi %ne3A_2660, %ne3A_2655 : i1
    %add3A_2662 = arith.addi %rem3A_2653, %select_n3A_2652 : i32
    %select_n3A_2663 = arith.select %and3A_2661, %add3A_2662, %rem3A_2653 : i32
    %broadcast_in_dim3A_2664 = vector.broadcast %select_n3A_2663 : i32 to vector<16xi32>
    %gather3A_2665 = arith.constant 2 : i32
    %gather3A_2666 = arith.constant 7 : i32
    %gather3A_2667 = arith.constant 0 : i32
    %gather3A_2668 = arith.constant 0 : i32
    %gather3A_2669 = tpu.memref_slice %arg6[%gather3A_2665, %gather3A_2666, %gather3A_2667, %gather3A_2668] : memref<3x8x32x128xf32, #tpu.memory_space<vmem>> -> memref<1x1x32x128xf32, #tpu.memory_space<vmem>>
    %gather3A_2670 = tpu.memref_squeeze %gather3A_2669 : memref<1x1x32x128xf32, #tpu.memory_space<vmem>> -> memref<32x128xf32, #tpu.memory_space<vmem>>
    %gather3A_2671 = tpu.vector_load_idx %gather3A_2670[%iota3A, %broadcast_in_dim3A_2664] : memref<32x128xf32, #tpu.memory_space<vmem>>[vector<16xi32>, vector<16xi32>], vector<16xf32>,
    %swap3A_2672 = arith.constant 23 : i32
    %swap3A_2673 = arith.index_cast %swap3A_2672 : i32 to index
    %swap3A_2674 = arith.constant 0 : index
    %swap3A_2675 = tpu.vector_load %arg7[%swap3A_2673, %swap3A_2674] {strides = array<i32>} : memref<32x32xf32, #tpu.memory_space<vmem>>, vector<16xf32>,
    tpu.vector_store %arg7[%swap3A_2673, %swap3A_2674], %gather3A_2671 {strides = array<i32>} : memref<32x32xf32, #tpu.memory_space<vmem>>, vector<16xf32>,
    %gather3A_2676 = arith.constant 2 : i32
    %gather3A_2677 = arith.constant 7 : i32
    %gather3A_2678 = arith.constant 0 : i32
    %gather3A_2679 = arith.constant 0 : i32
    %gather3A_2680 = tpu.memref_slice %arg6[%gather3A_2676, %gather3A_2677, %gather3A_2678, %gather3A_2679] : memref<3x8x32x128xf32, #tpu.memory_space<vmem>> -> memref<1x1x32x128xf32, #tpu.memory_space<vmem>>
    %gather3A_2681 = tpu.memref_squeeze %gather3A_2680 : memref<1x1x32x128xf32, #tpu.memory_space<vmem>> -> memref<32x128xf32, #tpu.memory_space<vmem>>
    %gather3A_2682 = tpu.vector_load_idx %gather3A_2681[%add3A_5, %broadcast_in_dim3A_2664] : memref<32x128xf32, #tpu.memory_space<vmem>>[vector<16xi32>, vector<16xi32>], vector<16xf32>,
    %swap3A_2683 = arith.constant 23 : i32
    %swap3A_2684 = arith.index_cast %swap3A_2683 : i32 to index
    %swap3A_2685 = arith.constant 16 : index
    %swap3A_2686 = tpu.vector_load %arg7[%swap3A_2684, %swap3A_2685] {strides = array<i32>} : memref<32x32xf32, #tpu.memory_space<vmem>>, vector<16xf32>,
    tpu.vector_store %arg7[%swap3A_2684, %swap3A_2685], %gather3A_2682 {strides = array<i32>} : memref<32x32xf32, #tpu.memory_space<vmem>>, vector<16xf32>,
    %dma_wait3A_2687 = arith.constant 0 : i32
    %dma_wait3A_2688 = arith.constant 0 : i32
    %dma_wait3A_2689 = arith.constant 0 : i32
    %dma_wait3A_2690 = arith.constant 0 : i32
    %dma_wait3A_2691 = tpu.memref_slice %arg6[%dma_wait3A_2687, %dma_wait3A_2688, %dma_wait3A_2689, %dma_wait3A_2690] : memref<3x8x32x128xf32, #tpu.memory_space<vmem>> -> memref<1x1x32x128xf32, #tpu.memory_space<vmem>>
    %dma_wait3A_2692 = tpu.memref_squeeze %dma_wait3A_2691 : memref<1x1x32x128xf32, #tpu.memory_space<vmem>> -> memref<32x128xf32, #tpu.memory_space<vmem>>
    %dma_wait3A_2693 = arith.constant 0 : i32
    %dma_wait3A_2694 = tpu.memref_slice %arg3[%dma_wait3A_2693, %multiple_of3A_1491] : memref<32x100000xf32, #tpu.memory_space<hbm>> -> memref<32x128xf32, #tpu.memory_space<hbm>>
    %dma_wait3A_2695 = arith.constant 0 : i32
    %dma_wait3A_2696 = arith.constant 0 : i32
    %dma_wait3A_2697 = tpu.memref_slice %arg6[%dma_wait3A_2687, %dma_wait3A_2688, %dma_wait3A_2695, %dma_wait3A_2696] : memref<3x8x32x128xf32, #tpu.memory_space<vmem>> -> memref<1x1x32x128xf32, #tpu.memory_space<vmem>>
    %dma_wait3A_2698 = tpu.memref_squeeze %dma_wait3A_2697 : memref<1x1x32x128xf32, #tpu.memory_space<vmem>> -> memref<32x128xf32, #tpu.memory_space<vmem>>
    %dma_wait3A_2699 = arith.constant 0 : i32
    %dma_wait3A_2700 = tpu.memref_slice %arg3[%dma_wait3A_2699, %multiple_of3A_1491] : memref<32x100000xf32, #tpu.memory_space<hbm>> -> memref<32x128xf32, #tpu.memory_space<hbm>>
    tpu.wait_dma2 semaphore(%arg8 : memref<!tpu.dma_semaphore, #tpu.memory_space<semaphore_mem>>) src(%dma_wait3A_2700 : memref<32x128xf32, #tpu.memory_space<hbm>>) dst(%dma_wait3A_2698 : memref<32x128xf32, #tpu.memory_space<vmem>>)
    %dma_wait3A_2701 = arith.constant 0 : i32
    %dma_wait3A_2702 = arith.constant 1 : i32
    %dma_wait3A_2703 = arith.constant 0 : i32
    %dma_wait3A_2704 = arith.constant 0 : i32
    %dma_wait3A_2705 = tpu.memref_slice %arg6[%dma_wait3A_2701, %dma_wait3A_2702, %dma_wait3A_2703, %dma_wait3A_2704] : memref<3x8x32x128xf32, #tpu.memory_space<vmem>> -> memref<1x1x32x128xf32, #tpu.memory_space<vmem>>
    %dma_wait3A_2706 = tpu.memref_squeeze %dma_wait3A_2705 : memref<1x1x32x128xf32, #tpu.memory_space<vmem>> -> memref<32x128xf32, #tpu.memory_space<vmem>>
    %dma_wait3A_2707 = arith.constant 0 : i32
    %dma_wait3A_2708 = tpu.memref_slice %arg3[%dma_wait3A_2707, %multiple_of3A_1534] : memref<32x100000xf32, #tpu.memory_space<hbm>> -> memref<32x128xf32, #tpu.memory_space<hbm>>
    %dma_wait3A_2709 = arith.constant 0 : i32
    %dma_wait3A_2710 = arith.constant 0 : i32
    %dma_wait3A_2711 = tpu.memref_slice %arg6[%dma_wait3A_2701, %dma_wait3A_2702, %dma_wait3A_2709, %dma_wait3A_2710] : memref<3x8x32x128xf32, #tpu.memory_space<vmem>> -> memref<1x1x32x128xf32, #tpu.memory_space<vmem>>
    %dma_wait3A_2712 = tpu.memref_squeeze %dma_wait3A_2711 : memref<1x1x32x128xf32, #tpu.memory_space<vmem>> -> memref<32x128xf32, #tpu.memory_space<vmem>>
    %dma_wait3A_2713 = arith.constant 0 : i32
    %dma_wait3A_2714 = tpu.memref_slice %arg3[%dma_wait3A_2713, %multiple_of3A_1534] : memref<32x100000xf32, #tpu.memory_space<hbm>> -> memref<32x128xf32, #tpu.memory_space<hbm>>
    tpu.wait_dma2 semaphore(%arg8 : memref<!tpu.dma_semaphore, #tpu.memory_space<semaphore_mem>>) src(%dma_wait3A_2714 : memref<32x128xf32, #tpu.memory_space<hbm>>) dst(%dma_wait3A_2712 : memref<32x128xf32, #tpu.memory_space<vmem>>)
    %dma_wait3A_2715 = arith.constant 0 : i32
    %dma_wait3A_2716 = arith.constant 2 : i32
    %dma_wait3A_2717 = arith.constant 0 : i32
    %dma_wait3A_2718 = arith.constant 0 : i32
    %dma_wait3A_2719 = tpu.memref_slice %arg6[%dma_wait3A_2715, %dma_wait3A_2716, %dma_wait3A_2717, %dma_wait3A_2718] : memref<3x8x32x128xf32, #tpu.memory_space<vmem>> -> memref<1x1x32x128xf32, #tpu.memory_space<vmem>>
    %dma_wait3A_2720 = tpu.memref_squeeze %dma_wait3A_2719 : memref<1x1x32x128xf32, #tpu.memory_space<vmem>> -> memref<32x128xf32, #tpu.memory_space<vmem>>
    %dma_wait3A_2721 = arith.constant 0 : i32
    %dma_wait3A_2722 = tpu.memref_slice %arg3[%dma_wait3A_2721, %multiple_of3A_1577] : memref<32x100000xf32, #tpu.memory_space<hbm>> -> memref<32x128xf32, #tpu.memory_space<hbm>>
    %dma_wait3A_2723 = arith.constant 0 : i32
    %dma_wait3A_2724 = arith.constant 0 : i32
    %dma_wait3A_2725 = tpu.memref_slice %arg6[%dma_wait3A_2715, %dma_wait3A_2716, %dma_wait3A_2723, %dma_wait3A_2724] : memref<3x8x32x128xf32, #tpu.memory_space<vmem>> -> memref<1x1x32x128xf32, #tpu.memory_space<vmem>>
    %dma_wait3A_2726 = tpu.memref_squeeze %dma_wait3A_2725 : memref<1x1x32x128xf32, #tpu.memory_space<vmem>> -> memref<32x128xf32, #tpu.memory_space<vmem>>
    %dma_wait3A_2727 = arith.constant 0 : i32
    %dma_wait3A_2728 = tpu.memref_slice %arg3[%dma_wait3A_2727, %multiple_of3A_1577] : memref<32x100000xf32, #tpu.memory_space<hbm>> -> memref<32x128xf32, #tpu.memory_space<hbm>>
    tpu.wait_dma2 semaphore(%arg8 : memref<!tpu.dma_semaphore, #tpu.memory_space<semaphore_mem>>) src(%dma_wait3A_2728 : memref<32x128xf32, #tpu.memory_space<hbm>>) dst(%dma_wait3A_2726 : memref<32x128xf32, #tpu.memory_space<vmem>>)
    %dma_wait3A_2729 = arith.constant 0 : i32
    %dma_wait3A_2730 = arith.constant 3 : i32
    %dma_wait3A_2731 = arith.constant 0 : i32
    %dma_wait3A_2732 = arith.constant 0 : i32
    %dma_wait3A_2733 = tpu.memref_slice %arg6[%dma_wait3A_2729, %dma_wait3A_2730, %dma_wait3A_2731, %dma_wait3A_2732] : memref<3x8x32x128xf32, #tpu.memory_space<vmem>> -> memref<1x1x32x128xf32, #tpu.memory_space<vmem>>
    %dma_wait3A_2734 = tpu.memref_squeeze %dma_wait3A_2733 : memref<1x1x32x128xf32, #tpu.memory_space<vmem>> -> memref<32x128xf32, #tpu.memory_space<vmem>>
    %dma_wait3A_2735 = arith.constant 0 : i32
    %dma_wait3A_2736 = tpu.memref_slice %arg3[%dma_wait3A_2735, %multiple_of3A_1620] : memref<32x100000xf32, #tpu.memory_space<hbm>> -> memref<32x128xf32, #tpu.memory_space<hbm>>
    %dma_wait3A_2737 = arith.constant 0 : i32
    %dma_wait3A_2738 = arith.constant 0 : i32
    %dma_wait3A_2739 = tpu.memref_slice %arg6[%dma_wait3A_2729, %dma_wait3A_2730, %dma_wait3A_2737, %dma_wait3A_2738] : memref<3x8x32x128xf32, #tpu.memory_space<vmem>> -> memref<1x1x32x128xf32, #tpu.memory_space<vmem>>
    %dma_wait3A_2740 = tpu.memref_squeeze %dma_wait3A_2739 : memref<1x1x32x128xf32, #tpu.memory_space<vmem>> -> memref<32x128xf32, #tpu.memory_space<vmem>>
    %dma_wait3A_2741 = arith.constant 0 : i32
    %dma_wait3A_2742 = tpu.memref_slice %arg3[%dma_wait3A_2741, %multiple_of3A_1620] : memref<32x100000xf32, #tpu.memory_space<hbm>> -> memref<32x128xf32, #tpu.memory_space<hbm>>
    tpu.wait_dma2 semaphore(%arg8 : memref<!tpu.dma_semaphore, #tpu.memory_space<semaphore_mem>>) src(%dma_wait3A_2742 : memref<32x128xf32, #tpu.memory_space<hbm>>) dst(%dma_wait3A_2740 : memref<32x128xf32, #tpu.memory_space<vmem>>)
    %dma_wait3A_2743 = arith.constant 0 : i32
    %dma_wait3A_2744 = arith.constant 4 : i32
    %dma_wait3A_2745 = arith.constant 0 : i32
    %dma_wait3A_2746 = arith.constant 0 : i32
    %dma_wait3A_2747 = tpu.memref_slice %arg6[%dma_wait3A_2743, %dma_wait3A_2744, %dma_wait3A_2745, %dma_wait3A_2746] : memref<3x8x32x128xf32, #tpu.memory_space<vmem>> -> memref<1x1x32x128xf32, #tpu.memory_space<vmem>>
    %dma_wait3A_2748 = tpu.memref_squeeze %dma_wait3A_2747 : memref<1x1x32x128xf32, #tpu.memory_space<vmem>> -> memref<32x128xf32, #tpu.memory_space<vmem>>
    %dma_wait3A_2749 = arith.constant 0 : i32
    %dma_wait3A_2750 = tpu.memref_slice %arg3[%dma_wait3A_2749, %multiple_of3A_1663] : memref<32x100000xf32, #tpu.memory_space<hbm>> -> memref<32x128xf32, #tpu.memory_space<hbm>>
    %dma_wait3A_2751 = arith.constant 0 : i32
    %dma_wait3A_2752 = arith.constant 0 : i32
    %dma_wait3A_2753 = tpu.memref_slice %arg6[%dma_wait3A_2743, %dma_wait3A_2744, %dma_wait3A_2751, %dma_wait3A_2752] : memref<3x8x32x128xf32, #tpu.memory_space<vmem>> -> memref<1x1x32x128xf32, #tpu.memory_space<vmem>>
    %dma_wait3A_2754 = tpu.memref_squeeze %dma_wait3A_2753 : memref<1x1x32x128xf32, #tpu.memory_space<vmem>> -> memref<32x128xf32, #tpu.memory_space<vmem>>
    %dma_wait3A_2755 = arith.constant 0 : i32
    %dma_wait3A_2756 = tpu.memref_slice %arg3[%dma_wait3A_2755, %multiple_of3A_1663] : memref<32x100000xf32, #tpu.memory_space<hbm>> -> memref<32x128xf32, #tpu.memory_space<hbm>>
    tpu.wait_dma2 semaphore(%arg8 : memref<!tpu.dma_semaphore, #tpu.memory_space<semaphore_mem>>) src(%dma_wait3A_2756 : memref<32x128xf32, #tpu.memory_space<hbm>>) dst(%dma_wait3A_2754 : memref<32x128xf32, #tpu.memory_space<vmem>>)
    %dma_wait3A_2757 = arith.constant 0 : i32
    %dma_wait3A_2758 = arith.constant 5 : i32
    %dma_wait3A_2759 = arith.constant 0 : i32
    %dma_wait3A_2760 = arith.constant 0 : i32
    %dma_wait3A_2761 = tpu.memref_slice %arg6[%dma_wait3A_2757, %dma_wait3A_2758, %dma_wait3A_2759, %dma_wait3A_2760] : memref<3x8x32x128xf32, #tpu.memory_space<vmem>> -> memref<1x1x32x128xf32, #tpu.memory_space<vmem>>
    %dma_wait3A_2762 = tpu.memref_squeeze %dma_wait3A_2761 : memref<1x1x32x128xf32, #tpu.memory_space<vmem>> -> memref<32x128xf32, #tpu.memory_space<vmem>>
    %dma_wait3A_2763 = arith.constant 0 : i32
    %dma_wait3A_2764 = tpu.memref_slice %arg3[%dma_wait3A_2763, %multiple_of3A_1706] : memref<32x100000xf32, #tpu.memory_space<hbm>> -> memref<32x128xf32, #tpu.memory_space<hbm>>
    %dma_wait3A_2765 = arith.constant 0 : i32
    %dma_wait3A_2766 = arith.constant 0 : i32
    %dma_wait3A_2767 = tpu.memref_slice %arg6[%dma_wait3A_2757, %dma_wait3A_2758, %dma_wait3A_2765, %dma_wait3A_2766] : memref<3x8x32x128xf32, #tpu.memory_space<vmem>> -> memref<1x1x32x128xf32, #tpu.memory_space<vmem>>
    %dma_wait3A_2768 = tpu.memref_squeeze %dma_wait3A_2767 : memref<1x1x32x128xf32, #tpu.memory_space<vmem>> -> memref<32x128xf32, #tpu.memory_space<vmem>>
    %dma_wait3A_2769 = arith.constant 0 : i32
    %dma_wait3A_2770 = tpu.memref_slice %arg3[%dma_wait3A_2769, %multiple_of3A_1706] : memref<32x100000xf32, #tpu.memory_space<hbm>> -> memref<32x128xf32, #tpu.memory_space<hbm>>
    tpu.wait_dma2 semaphore(%arg8 : memref<!tpu.dma_semaphore, #tpu.memory_space<semaphore_mem>>) src(%dma_wait3A_2770 : memref<32x128xf32, #tpu.memory_space<hbm>>) dst(%dma_wait3A_2768 : memref<32x128xf32, #tpu.memory_space<vmem>>)
    %dma_wait3A_2771 = arith.constant 0 : i32
    %dma_wait3A_2772 = arith.constant 6 : i32
    %dma_wait3A_2773 = arith.constant 0 : i32
    %dma_wait3A_2774 = arith.constant 0 : i32
    %dma_wait3A_2775 = tpu.memref_slice %arg6[%dma_wait3A_2771, %dma_wait3A_2772, %dma_wait3A_2773, %dma_wait3A_2774] : memref<3x8x32x128xf32, #tpu.memory_space<vmem>> -> memref<1x1x32x128xf32, #tpu.memory_space<vmem>>
    %dma_wait3A_2776 = tpu.memref_squeeze %dma_wait3A_2775 : memref<1x1x32x128xf32, #tpu.memory_space<vmem>> -> memref<32x128xf32, #tpu.memory_space<vmem>>
    %dma_wait3A_2777 = arith.constant 0 : i32
    %dma_wait3A_2778 = tpu.memref_slice %arg3[%dma_wait3A_2777, %multiple_of3A_1749] : memref<32x100000xf32, #tpu.memory_space<hbm>> -> memref<32x128xf32, #tpu.memory_space<hbm>>
    %dma_wait3A_2779 = arith.constant 0 : i32
    %dma_wait3A_2780 = arith.constant 0 : i32
    %dma_wait3A_2781 = tpu.memref_slice %arg6[%dma_wait3A_2771, %dma_wait3A_2772, %dma_wait3A_2779, %dma_wait3A_2780] : memref<3x8x32x128xf32, #tpu.memory_space<vmem>> -> memref<1x1x32x128xf32, #tpu.memory_space<vmem>>
    %dma_wait3A_2782 = tpu.memref_squeeze %dma_wait3A_2781 : memref<1x1x32x128xf32, #tpu.memory_space<vmem>> -> memref<32x128xf32, #tpu.memory_space<vmem>>
    %dma_wait3A_2783 = arith.constant 0 : i32
    %dma_wait3A_2784 = tpu.memref_slice %arg3[%dma_wait3A_2783, %multiple_of3A_1749] : memref<32x100000xf32, #tpu.memory_space<hbm>> -> memref<32x128xf32, #tpu.memory_space<hbm>>
    tpu.wait_dma2 semaphore(%arg8 : memref<!tpu.dma_semaphore, #tpu.memory_space<semaphore_mem>>) src(%dma_wait3A_2784 : memref<32x128xf32, #tpu.memory_space<hbm>>) dst(%dma_wait3A_2782 : memref<32x128xf32, #tpu.memory_space<vmem>>)
    %dma_wait3A_2785 = arith.constant 0 : i32
    %dma_wait3A_2786 = arith.constant 7 : i32
    %dma_wait3A_2787 = arith.constant 0 : i32
    %dma_wait3A_2788 = arith.constant 0 : i32
    %dma_wait3A_2789 = tpu.memref_slice %arg6[%dma_wait3A_2785, %dma_wait3A_2786, %dma_wait3A_2787, %dma_wait3A_2788] : memref<3x8x32x128xf32, #tpu.memory_space<vmem>> -> memref<1x1x32x128xf32, #tpu.memory_space<vmem>>
    %dma_wait3A_2790 = tpu.memref_squeeze %dma_wait3A_2789 : memref<1x1x32x128xf32, #tpu.memory_space<vmem>> -> memref<32x128xf32, #tpu.memory_space<vmem>>
    %dma_wait3A_2791 = arith.constant 0 : i32
    %dma_wait3A_2792 = tpu.memref_slice %arg3[%dma_wait3A_2791, %multiple_of3A_1792] : memref<32x100000xf32, #tpu.memory_space<hbm>> -> memref<32x128xf32, #tpu.memory_space<hbm>>
    %dma_wait3A_2793 = arith.constant 0 : i32
    %dma_wait3A_2794 = arith.constant 0 : i32
    %dma_wait3A_2795 = tpu.memref_slice %arg6[%dma_wait3A_2785, %dma_wait3A_2786, %dma_wait3A_2793, %dma_wait3A_2794] : memref<3x8x32x128xf32, #tpu.memory_space<vmem>> -> memref<1x1x32x128xf32, #tpu.memory_space<vmem>>
    %dma_wait3A_2796 = tpu.memref_squeeze %dma_wait3A_2795 : memref<1x1x32x128xf32, #tpu.memory_space<vmem>> -> memref<32x128xf32, #tpu.memory_space<vmem>>
    %dma_wait3A_2797 = arith.constant 0 : i32
    %dma_wait3A_2798 = tpu.memref_slice %arg3[%dma_wait3A_2797, %multiple_of3A_1792] : memref<32x100000xf32, #tpu.memory_space<hbm>> -> memref<32x128xf32, #tpu.memory_space<hbm>>
    tpu.wait_dma2 semaphore(%arg8 : memref<!tpu.dma_semaphore, #tpu.memory_space<semaphore_mem>>) src(%dma_wait3A_2798 : memref<32x128xf32, #tpu.memory_space<hbm>>) dst(%dma_wait3A_2796 : memref<32x128xf32, #tpu.memory_space<vmem>>)
    %slice3A_2799 = vector.extract_strided_slice %get3A_8 {offsets = [8], sizes = [1], strides = [1]} : vector<16xi32> to vector<1xi32>
    %squeeze3A_2800 = vector.extract %slice3A_2799[0] : i32 from vector<1xi32>
    %jit3A_2801 = arith.constant 128 : i32
    %eq3A_2802 = arith.constant 0 : i32
    %eq3A_2803 = arith.cmpi eq, %jit3A_2801, %eq3A_2802 : i32
    %jit3A_2804 = arith.constant 1 : i32
    %select_n3A_2805 = arith.select %eq3A_2803, %jit3A_2804, %jit3A_2801 : i32
    %rem3A_2806 = arith.remsi %squeeze3A_2800, %select_n3A_2805 : i32
    %ne3A_2807 = arith.constant 0 : i32
    %ne3A_2808 = arith.cmpi ne, %rem3A_2806, %ne3A_2807 : i32
    %lt3A_2809 = arith.constant 0 : i32
    %lt3A_2810 = arith.cmpi slt, %rem3A_2806, %lt3A_2809 : i32
    %lt3A_2811 = arith.constant 0 : i32
    %lt3A_2812 = arith.cmpi slt, %select_n3A_2805, %lt3A_2811 : i32
    %ne3A_2813 = arith.xori %lt3A_2810, %lt3A_2812 : i1
    %and3A_2814 = arith.andi %ne3A_2813, %ne3A_2808 : i1
    %add3A_2815 = arith.addi %rem3A_2806, %select_n3A_2805 : i32
    %select_n3A_2816 = arith.select %and3A_2814, %add3A_2815, %rem3A_2806 : i32
    %broadcast_in_dim3A_2817 = vector.broadcast %select_n3A_2816 : i32 to vector<16xi32>
    %gather3A_2818 = arith.constant 0 : i32
    %gather3A_2819 = arith.constant 0 : i32
    %gather3A_2820 = arith.constant 0 : i32
    %gather3A_2821 = arith.constant 0 : i32
    %gather3A_2822 = tpu.memref_slice %arg6[%gather3A_2818, %gather3A_2819, %gather3A_2820, %gather3A_2821] : memref<3x8x32x128xf32, #tpu.memory_space<vmem>> -> memref<1x1x32x128xf32, #tpu.memory_space<vmem>>
    %gather3A_2823 = tpu.memref_squeeze %gather3A_2822 : memref<1x1x32x128xf32, #tpu.memory_space<vmem>> -> memref<32x128xf32, #tpu.memory_space<vmem>>
    %gather3A_2824 = tpu.vector_load_idx %gather3A_2823[%iota3A, %broadcast_in_dim3A_2817] : memref<32x128xf32, #tpu.memory_space<vmem>>[vector<16xi32>, vector<16xi32>], vector<16xf32>,
    %swap3A_2825 = arith.constant 24 : i32
    %swap3A_2826 = arith.index_cast %swap3A_2825 : i32 to index
    %swap3A_2827 = arith.constant 0 : index
    %swap3A_2828 = tpu.vector_load %arg7[%swap3A_2826, %swap3A_2827] {strides = array<i32>} : memref<32x32xf32, #tpu.memory_space<vmem>>, vector<16xf32>,
    tpu.vector_store %arg7[%swap3A_2826, %swap3A_2827], %gather3A_2824 {strides = array<i32>} : memref<32x32xf32, #tpu.memory_space<vmem>>, vector<16xf32>,
    %gather3A_2829 = arith.constant 0 : i32
    %gather3A_2830 = arith.constant 0 : i32
    %gather3A_2831 = arith.constant 0 : i32
    %gather3A_2832 = arith.constant 0 : i32
    %gather3A_2833 = tpu.memref_slice %arg6[%gather3A_2829, %gather3A_2830, %gather3A_2831, %gather3A_2832] : memref<3x8x32x128xf32, #tpu.memory_space<vmem>> -> memref<1x1x32x128xf32, #tpu.memory_space<vmem>>
    %gather3A_2834 = tpu.memref_squeeze %gather3A_2833 : memref<1x1x32x128xf32, #tpu.memory_space<vmem>> -> memref<32x128xf32, #tpu.memory_space<vmem>>
    %gather3A_2835 = tpu.vector_load_idx %gather3A_2834[%add3A_5, %broadcast_in_dim3A_2817] : memref<32x128xf32, #tpu.memory_space<vmem>>[vector<16xi32>, vector<16xi32>], vector<16xf32>,
    %swap3A_2836 = arith.constant 24 : i32
    %swap3A_2837 = arith.index_cast %swap3A_2836 : i32 to index
    %swap3A_2838 = arith.constant 16 : index
    %swap3A_2839 = tpu.vector_load %arg7[%swap3A_2837, %swap3A_2838] {strides = array<i32>} : memref<32x32xf32, #tpu.memory_space<vmem>>, vector<16xf32>,
    tpu.vector_store %arg7[%swap3A_2837, %swap3A_2838], %gather3A_2835 {strides = array<i32>} : memref<32x32xf32, #tpu.memory_space<vmem>>, vector<16xf32>,
    %slice3A_2840 = vector.extract_strided_slice %get3A_8 {offsets = [9], sizes = [1], strides = [1]} : vector<16xi32> to vector<1xi32>
    %squeeze3A_2841 = vector.extract %slice3A_2840[0] : i32 from vector<1xi32>
    %jit3A_2842 = arith.constant 128 : i32
    %eq3A_2843 = arith.constant 0 : i32
    %eq3A_2844 = arith.cmpi eq, %jit3A_2842, %eq3A_2843 : i32
    %jit3A_2845 = arith.constant 1 : i32
    %select_n3A_2846 = arith.select %eq3A_2844, %jit3A_2845, %jit3A_2842 : i32
    %rem3A_2847 = arith.remsi %squeeze3A_2841, %select_n3A_2846 : i32
    %ne3A_2848 = arith.constant 0 : i32
    %ne3A_2849 = arith.cmpi ne, %rem3A_2847, %ne3A_2848 : i32
    %lt3A_2850 = arith.constant 0 : i32
    %lt3A_2851 = arith.cmpi slt, %rem3A_2847, %lt3A_2850 : i32
    %lt3A_2852 = arith.constant 0 : i32
    %lt3A_2853 = arith.cmpi slt, %select_n3A_2846, %lt3A_2852 : i32
    %ne3A_2854 = arith.xori %lt3A_2851, %lt3A_2853 : i1
    %and3A_2855 = arith.andi %ne3A_2854, %ne3A_2849 : i1
    %add3A_2856 = arith.addi %rem3A_2847, %select_n3A_2846 : i32
    %select_n3A_2857 = arith.select %and3A_2855, %add3A_2856, %rem3A_2847 : i32
    %broadcast_in_dim3A_2858 = vector.broadcast %select_n3A_2857 : i32 to vector<16xi32>
    %gather3A_2859 = arith.constant 0 : i32
    %gather3A_2860 = arith.constant 1 : i32
    %gather3A_2861 = arith.constant 0 : i32
    %gather3A_2862 = arith.constant 0 : i32
    %gather3A_2863 = tpu.memref_slice %arg6[%gather3A_2859, %gather3A_2860, %gather3A_2861, %gather3A_2862] : memref<3x8x32x128xf32, #tpu.memory_space<vmem>> -> memref<1x1x32x128xf32, #tpu.memory_space<vmem>>
    %gather3A_2864 = tpu.memref_squeeze %gather3A_2863 : memref<1x1x32x128xf32, #tpu.memory_space<vmem>> -> memref<32x128xf32, #tpu.memory_space<vmem>>
    %gather3A_2865 = tpu.vector_load_idx %gather3A_2864[%iota3A, %broadcast_in_dim3A_2858] : memref<32x128xf32, #tpu.memory_space<vmem>>[vector<16xi32>, vector<16xi32>], vector<16xf32>,
    %swap3A_2866 = arith.constant 25 : i32
    %swap3A_2867 = arith.index_cast %swap3A_2866 : i32 to index
    %swap3A_2868 = arith.constant 0 : index
    %swap3A_2869 = tpu.vector_load %arg7[%swap3A_2867, %swap3A_2868] {strides = array<i32>} : memref<32x32xf32, #tpu.memory_space<vmem>>, vector<16xf32>,
    tpu.vector_store %arg7[%swap3A_2867, %swap3A_2868], %gather3A_2865 {strides = array<i32>} : memref<32x32xf32, #tpu.memory_space<vmem>>, vector<16xf32>,
    %gather3A_2870 = arith.constant 0 : i32
    %gather3A_2871 = arith.constant 1 : i32
    %gather3A_2872 = arith.constant 0 : i32
    %gather3A_2873 = arith.constant 0 : i32
    %gather3A_2874 = tpu.memref_slice %arg6[%gather3A_2870, %gather3A_2871, %gather3A_2872, %gather3A_2873] : memref<3x8x32x128xf32, #tpu.memory_space<vmem>> -> memref<1x1x32x128xf32, #tpu.memory_space<vmem>>
    %gather3A_2875 = tpu.memref_squeeze %gather3A_2874 : memref<1x1x32x128xf32, #tpu.memory_space<vmem>> -> memref<32x128xf32, #tpu.memory_space<vmem>>
    %gather3A_2876 = tpu.vector_load_idx %gather3A_2875[%add3A_5, %broadcast_in_dim3A_2858] : memref<32x128xf32, #tpu.memory_space<vmem>>[vector<16xi32>, vector<16xi32>], vector<16xf32>,
    %swap3A_2877 = arith.constant 25 : i32
    %swap3A_2878 = arith.index_cast %swap3A_2877 : i32 to index
    %swap3A_2879 = arith.constant 16 : index
    %swap3A_2880 = tpu.vector_load %arg7[%swap3A_2878, %swap3A_2879] {strides = array<i32>} : memref<32x32xf32, #tpu.memory_space<vmem>>, vector<16xf32>,
    tpu.vector_store %arg7[%swap3A_2878, %swap3A_2879], %gather3A_2876 {strides = array<i32>} : memref<32x32xf32, #tpu.memory_space<vmem>>, vector<16xf32>,
    %slice3A_2881 = vector.extract_strided_slice %get3A_8 {offsets = [10], sizes = [1], strides = [1]} : vector<16xi32> to vector<1xi32>
    %squeeze3A_2882 = vector.extract %slice3A_2881[0] : i32 from vector<1xi32>
    %jit3A_2883 = arith.constant 128 : i32
    %eq3A_2884 = arith.constant 0 : i32
    %eq3A_2885 = arith.cmpi eq, %jit3A_2883, %eq3A_2884 : i32
    %jit3A_2886 = arith.constant 1 : i32
    %select_n3A_2887 = arith.select %eq3A_2885, %jit3A_2886, %jit3A_2883 : i32
    %rem3A_2888 = arith.remsi %squeeze3A_2882, %select_n3A_2887 : i32
    %ne3A_2889 = arith.constant 0 : i32
    %ne3A_2890 = arith.cmpi ne, %rem3A_2888, %ne3A_2889 : i32
    %lt3A_2891 = arith.constant 0 : i32
    %lt3A_2892 = arith.cmpi slt, %rem3A_2888, %lt3A_2891 : i32
    %lt3A_2893 = arith.constant 0 : i32
    %lt3A_2894 = arith.cmpi slt, %select_n3A_2887, %lt3A_2893 : i32
    %ne3A_2895 = arith.xori %lt3A_2892, %lt3A_2894 : i1
    %and3A_2896 = arith.andi %ne3A_2895, %ne3A_2890 : i1
    %add3A_2897 = arith.addi %rem3A_2888, %select_n3A_2887 : i32
    %select_n3A_2898 = arith.select %and3A_2896, %add3A_2897, %rem3A_2888 : i32
    %broadcast_in_dim3A_2899 = vector.broadcast %select_n3A_2898 : i32 to vector<16xi32>
    %gather3A_2900 = arith.constant 0 : i32
    %gather3A_2901 = arith.constant 2 : i32
    %gather3A_2902 = arith.constant 0 : i32
    %gather3A_2903 = arith.constant 0 : i32
    %gather3A_2904 = tpu.memref_slice %arg6[%gather3A_2900, %gather3A_2901, %gather3A_2902, %gather3A_2903] : memref<3x8x32x128xf32, #tpu.memory_space<vmem>> -> memref<1x1x32x128xf32, #tpu.memory_space<vmem>>
    %gather3A_2905 = tpu.memref_squeeze %gather3A_2904 : memref<1x1x32x128xf32, #tpu.memory_space<vmem>> -> memref<32x128xf32, #tpu.memory_space<vmem>>
    %gather3A_2906 = tpu.vector_load_idx %gather3A_2905[%iota3A, %broadcast_in_dim3A_2899] : memref<32x128xf32, #tpu.memory_space<vmem>>[vector<16xi32>, vector<16xi32>], vector<16xf32>,
    %swap3A_2907 = arith.constant 26 : i32
    %swap3A_2908 = arith.index_cast %swap3A_2907 : i32 to index
    %swap3A_2909 = arith.constant 0 : index
    %swap3A_2910 = tpu.vector_load %arg7[%swap3A_2908, %swap3A_2909] {strides = array<i32>} : memref<32x32xf32, #tpu.memory_space<vmem>>, vector<16xf32>,
    tpu.vector_store %arg7[%swap3A_2908, %swap3A_2909], %gather3A_2906 {strides = array<i32>} : memref<32x32xf32, #tpu.memory_space<vmem>>, vector<16xf32>,
    %gather3A_2911 = arith.constant 0 : i32
    %gather3A_2912 = arith.constant 2 : i32
    %gather3A_2913 = arith.constant 0 : i32
    %gather3A_2914 = arith.constant 0 : i32
    %gather3A_2915 = tpu.memref_slice %arg6[%gather3A_2911, %gather3A_2912, %gather3A_2913, %gather3A_2914] : memref<3x8x32x128xf32, #tpu.memory_space<vmem>> -> memref<1x1x32x128xf32, #tpu.memory_space<vmem>>
    %gather3A_2916 = tpu.memref_squeeze %gather3A_2915 : memref<1x1x32x128xf32, #tpu.memory_space<vmem>> -> memref<32x128xf32, #tpu.memory_space<vmem>>
    %gather3A_2917 = tpu.vector_load_idx %gather3A_2916[%add3A_5, %broadcast_in_dim3A_2899] : memref<32x128xf32, #tpu.memory_space<vmem>>[vector<16xi32>, vector<16xi32>], vector<16xf32>,
    %swap3A_2918 = arith.constant 26 : i32
    %swap3A_2919 = arith.index_cast %swap3A_2918 : i32 to index
    %swap3A_2920 = arith.constant 16 : index
    %swap3A_2921 = tpu.vector_load %arg7[%swap3A_2919, %swap3A_2920] {strides = array<i32>} : memref<32x32xf32, #tpu.memory_space<vmem>>, vector<16xf32>,
    tpu.vector_store %arg7[%swap3A_2919, %swap3A_2920], %gather3A_2917 {strides = array<i32>} : memref<32x32xf32, #tpu.memory_space<vmem>>, vector<16xf32>,
    %slice3A_2922 = vector.extract_strided_slice %get3A_8 {offsets = [11], sizes = [1], strides = [1]} : vector<16xi32> to vector<1xi32>
    %squeeze3A_2923 = vector.extract %slice3A_2922[0] : i32 from vector<1xi32>
    %jit3A_2924 = arith.constant 128 : i32
    %eq3A_2925 = arith.constant 0 : i32
    %eq3A_2926 = arith.cmpi eq, %jit3A_2924, %eq3A_2925 : i32
    %jit3A_2927 = arith.constant 1 : i32
    %select_n3A_2928 = arith.select %eq3A_2926, %jit3A_2927, %jit3A_2924 : i32
    %rem3A_2929 = arith.remsi %squeeze3A_2923, %select_n3A_2928 : i32
    %ne3A_2930 = arith.constant 0 : i32
    %ne3A_2931 = arith.cmpi ne, %rem3A_2929, %ne3A_2930 : i32
    %lt3A_2932 = arith.constant 0 : i32
    %lt3A_2933 = arith.cmpi slt, %rem3A_2929, %lt3A_2932 : i32
    %lt3A_2934 = arith.constant 0 : i32
    %lt3A_2935 = arith.cmpi slt, %select_n3A_2928, %lt3A_2934 : i32
    %ne3A_2936 = arith.xori %lt3A_2933, %lt3A_2935 : i1
    %and3A_2937 = arith.andi %ne3A_2936, %ne3A_2931 : i1
    %add3A_2938 = arith.addi %rem3A_2929, %select_n3A_2928 : i32
    %select_n3A_2939 = arith.select %and3A_2937, %add3A_2938, %rem3A_2929 : i32
    %broadcast_in_dim3A_2940 = vector.broadcast %select_n3A_2939 : i32 to vector<16xi32>
    %gather3A_2941 = arith.constant 0 : i32
    %gather3A_2942 = arith.constant 3 : i32
    %gather3A_2943 = arith.constant 0 : i32
    %gather3A_2944 = arith.constant 0 : i32
    %gather3A_2945 = tpu.memref_slice %arg6[%gather3A_2941, %gather3A_2942, %gather3A_2943, %gather3A_2944] : memref<3x8x32x128xf32, #tpu.memory_space<vmem>> -> memref<1x1x32x128xf32, #tpu.memory_space<vmem>>
    %gather3A_2946 = tpu.memref_squeeze %gather3A_2945 : memref<1x1x32x128xf32, #tpu.memory_space<vmem>> -> memref<32x128xf32, #tpu.memory_space<vmem>>
    %gather3A_2947 = tpu.vector_load_idx %gather3A_2946[%iota3A, %broadcast_in_dim3A_2940] : memref<32x128xf32, #tpu.memory_space<vmem>>[vector<16xi32>, vector<16xi32>], vector<16xf32>,
    %swap3A_2948 = arith.constant 27 : i32
    %swap3A_2949 = arith.index_cast %swap3A_2948 : i32 to index
    %swap3A_2950 = arith.constant 0 : index
    %swap3A_2951 = tpu.vector_load %arg7[%swap3A_2949, %swap3A_2950] {strides = array<i32>} : memref<32x32xf32, #tpu.memory_space<vmem>>, vector<16xf32>,
    tpu.vector_store %arg7[%swap3A_2949, %swap3A_2950], %gather3A_2947 {strides = array<i32>} : memref<32x32xf32, #tpu.memory_space<vmem>>, vector<16xf32>,
    %gather3A_2952 = arith.constant 0 : i32
    %gather3A_2953 = arith.constant 3 : i32
    %gather3A_2954 = arith.constant 0 : i32
    %gather3A_2955 = arith.constant 0 : i32
    %gather3A_2956 = tpu.memref_slice %arg6[%gather3A_2952, %gather3A_2953, %gather3A_2954, %gather3A_2955] : memref<3x8x32x128xf32, #tpu.memory_space<vmem>> -> memref<1x1x32x128xf32, #tpu.memory_space<vmem>>
    %gather3A_2957 = tpu.memref_squeeze %gather3A_2956 : memref<1x1x32x128xf32, #tpu.memory_space<vmem>> -> memref<32x128xf32, #tpu.memory_space<vmem>>
    %gather3A_2958 = tpu.vector_load_idx %gather3A_2957[%add3A_5, %broadcast_in_dim3A_2940] : memref<32x128xf32, #tpu.memory_space<vmem>>[vector<16xi32>, vector<16xi32>], vector<16xf32>,
    %swap3A_2959 = arith.constant 27 : i32
    %swap3A_2960 = arith.index_cast %swap3A_2959 : i32 to index
    %swap3A_2961 = arith.constant 16 : index
    %swap3A_2962 = tpu.vector_load %arg7[%swap3A_2960, %swap3A_2961] {strides = array<i32>} : memref<32x32xf32, #tpu.memory_space<vmem>>, vector<16xf32>,
    tpu.vector_store %arg7[%swap3A_2960, %swap3A_2961], %gather3A_2958 {strides = array<i32>} : memref<32x32xf32, #tpu.memory_space<vmem>>, vector<16xf32>,
    %slice3A_2963 = vector.extract_strided_slice %get3A_8 {offsets = [12], sizes = [1], strides = [1]} : vector<16xi32> to vector<1xi32>
    %squeeze3A_2964 = vector.extract %slice3A_2963[0] : i32 from vector<1xi32>
    %jit3A_2965 = arith.constant 128 : i32
    %eq3A_2966 = arith.constant 0 : i32
    %eq3A_2967 = arith.cmpi eq, %jit3A_2965, %eq3A_2966 : i32
    %jit3A_2968 = arith.constant 1 : i32
    %select_n3A_2969 = arith.select %eq3A_2967, %jit3A_2968, %jit3A_2965 : i32
    %rem3A_2970 = arith.remsi %squeeze3A_2964, %select_n3A_2969 : i32
    %ne3A_2971 = arith.constant 0 : i32
    %ne3A_2972 = arith.cmpi ne, %rem3A_2970, %ne3A_2971 : i32
    %lt3A_2973 = arith.constant 0 : i32
    %lt3A_2974 = arith.cmpi slt, %rem3A_2970, %lt3A_2973 : i32
    %lt3A_2975 = arith.constant 0 : i32
    %lt3A_2976 = arith.cmpi slt, %select_n3A_2969, %lt3A_2975 : i32
    %ne3A_2977 = arith.xori %lt3A_2974, %lt3A_2976 : i1
    %and3A_2978 = arith.andi %ne3A_2977, %ne3A_2972 : i1
    %add3A_2979 = arith.addi %rem3A_2970, %select_n3A_2969 : i32
    %select_n3A_2980 = arith.select %and3A_2978, %add3A_2979, %rem3A_2970 : i32
    %broadcast_in_dim3A_2981 = vector.broadcast %select_n3A_2980 : i32 to vector<16xi32>
    %gather3A_2982 = arith.constant 0 : i32
    %gather3A_2983 = arith.constant 4 : i32
    %gather3A_2984 = arith.constant 0 : i32
    %gather3A_2985 = arith.constant 0 : i32
    %gather3A_2986 = tpu.memref_slice %arg6[%gather3A_2982, %gather3A_2983, %gather3A_2984, %gather3A_2985] : memref<3x8x32x128xf32, #tpu.memory_space<vmem>> -> memref<1x1x32x128xf32, #tpu.memory_space<vmem>>
    %gather3A_2987 = tpu.memref_squeeze %gather3A_2986 : memref<1x1x32x128xf32, #tpu.memory_space<vmem>> -> memref<32x128xf32, #tpu.memory_space<vmem>>
    %gather3A_2988 = tpu.vector_load_idx %gather3A_2987[%iota3A, %broadcast_in_dim3A_2981] : memref<32x128xf32, #tpu.memory_space<vmem>>[vector<16xi32>, vector<16xi32>], vector<16xf32>,
    %swap3A_2989 = arith.constant 28 : i32
    %swap3A_2990 = arith.index_cast %swap3A_2989 : i32 to index
    %swap3A_2991 = arith.constant 0 : index
    %swap3A_2992 = tpu.vector_load %arg7[%swap3A_2990, %swap3A_2991] {strides = array<i32>} : memref<32x32xf32, #tpu.memory_space<vmem>>, vector<16xf32>,
    tpu.vector_store %arg7[%swap3A_2990, %swap3A_2991], %gather3A_2988 {strides = array<i32>} : memref<32x32xf32, #tpu.memory_space<vmem>>, vector<16xf32>,
    %gather3A_2993 = arith.constant 0 : i32
    %gather3A_2994 = arith.constant 4 : i32
    %gather3A_2995 = arith.constant 0 : i32
    %gather3A_2996 = arith.constant 0 : i32
    %gather3A_2997 = tpu.memref_slice %arg6[%gather3A_2993, %gather3A_2994, %gather3A_2995, %gather3A_2996] : memref<3x8x32x128xf32, #tpu.memory_space<vmem>> -> memref<1x1x32x128xf32, #tpu.memory_space<vmem>>
    %gather3A_2998 = tpu.memref_squeeze %gather3A_2997 : memref<1x1x32x128xf32, #tpu.memory_space<vmem>> -> memref<32x128xf32, #tpu.memory_space<vmem>>
    %gather3A_2999 = tpu.vector_load_idx %gather3A_2998[%add3A_5, %broadcast_in_dim3A_2981] : memref<32x128xf32, #tpu.memory_space<vmem>>[vector<16xi32>, vector<16xi32>], vector<16xf32>,
    %swap3A_3000 = arith.constant 28 : i32
    %swap3A_3001 = arith.index_cast %swap3A_3000 : i32 to index
    %swap3A_3002 = arith.constant 16 : index
    %swap3A_3003 = tpu.vector_load %arg7[%swap3A_3001, %swap3A_3002] {strides = array<i32>} : memref<32x32xf32, #tpu.memory_space<vmem>>, vector<16xf32>,
    tpu.vector_store %arg7[%swap3A_3001, %swap3A_3002], %gather3A_2999 {strides = array<i32>} : memref<32x32xf32, #tpu.memory_space<vmem>>, vector<16xf32>,
    %slice3A_3004 = vector.extract_strided_slice %get3A_8 {offsets = [13], sizes = [1], strides = [1]} : vector<16xi32> to vector<1xi32>
    %squeeze3A_3005 = vector.extract %slice3A_3004[0] : i32 from vector<1xi32>
    %jit3A_3006 = arith.constant 128 : i32
    %eq3A_3007 = arith.constant 0 : i32
    %eq3A_3008 = arith.cmpi eq, %jit3A_3006, %eq3A_3007 : i32
    %jit3A_3009 = arith.constant 1 : i32
    %select_n3A_3010 = arith.select %eq3A_3008, %jit3A_3009, %jit3A_3006 : i32
    %rem3A_3011 = arith.remsi %squeeze3A_3005, %select_n3A_3010 : i32
    %ne3A_3012 = arith.constant 0 : i32
    %ne3A_3013 = arith.cmpi ne, %rem3A_3011, %ne3A_3012 : i32
    %lt3A_3014 = arith.constant 0 : i32
    %lt3A_3015 = arith.cmpi slt, %rem3A_3011, %lt3A_3014 : i32
    %lt3A_3016 = arith.constant 0 : i32
    %lt3A_3017 = arith.cmpi slt, %select_n3A_3010, %lt3A_3016 : i32
    %ne3A_3018 = arith.xori %lt3A_3015, %lt3A_3017 : i1
    %and3A_3019 = arith.andi %ne3A_3018, %ne3A_3013 : i1
    %add3A_3020 = arith.addi %rem3A_3011, %select_n3A_3010 : i32
    %select_n3A_3021 = arith.select %and3A_3019, %add3A_3020, %rem3A_3011 : i32
    %broadcast_in_dim3A_3022 = vector.broadcast %select_n3A_3021 : i32 to vector<16xi32>
    %gather3A_3023 = arith.constant 0 : i32
    %gather3A_3024 = arith.constant 5 : i32
    %gather3A_3025 = arith.constant 0 : i32
    %gather3A_3026 = arith.constant 0 : i32
    %gather3A_3027 = tpu.memref_slice %arg6[%gather3A_3023, %gather3A_3024, %gather3A_3025, %gather3A_3026] : memref<3x8x32x128xf32, #tpu.memory_space<vmem>> -> memref<1x1x32x128xf32, #tpu.memory_space<vmem>>
    %gather3A_3028 = tpu.memref_squeeze %gather3A_3027 : memref<1x1x32x128xf32, #tpu.memory_space<vmem>> -> memref<32x128xf32, #tpu.memory_space<vmem>>
    %gather3A_3029 = tpu.vector_load_idx %gather3A_3028[%iota3A, %broadcast_in_dim3A_3022] : memref<32x128xf32, #tpu.memory_space<vmem>>[vector<16xi32>, vector<16xi32>], vector<16xf32>,
    %swap3A_3030 = arith.constant 29 : i32
    %swap3A_3031 = arith.index_cast %swap3A_3030 : i32 to index
    %swap3A_3032 = arith.constant 0 : index
    %swap3A_3033 = tpu.vector_load %arg7[%swap3A_3031, %swap3A_3032] {strides = array<i32>} : memref<32x32xf32, #tpu.memory_space<vmem>>, vector<16xf32>,
    tpu.vector_store %arg7[%swap3A_3031, %swap3A_3032], %gather3A_3029 {strides = array<i32>} : memref<32x32xf32, #tpu.memory_space<vmem>>, vector<16xf32>,
    %gather3A_3034 = arith.constant 0 : i32
    %gather3A_3035 = arith.constant 5 : i32
    %gather3A_3036 = arith.constant 0 : i32
    %gather3A_3037 = arith.constant 0 : i32
    %gather3A_3038 = tpu.memref_slice %arg6[%gather3A_3034, %gather3A_3035, %gather3A_3036, %gather3A_3037] : memref<3x8x32x128xf32, #tpu.memory_space<vmem>> -> memref<1x1x32x128xf32, #tpu.memory_space<vmem>>
    %gather3A_3039 = tpu.memref_squeeze %gather3A_3038 : memref<1x1x32x128xf32, #tpu.memory_space<vmem>> -> memref<32x128xf32, #tpu.memory_space<vmem>>
    %gather3A_3040 = tpu.vector_load_idx %gather3A_3039[%add3A_5, %broadcast_in_dim3A_3022] : memref<32x128xf32, #tpu.memory_space<vmem>>[vector<16xi32>, vector<16xi32>], vector<16xf32>,
    %swap3A_3041 = arith.constant 29 : i32
    %swap3A_3042 = arith.index_cast %swap3A_3041 : i32 to index
    %swap3A_3043 = arith.constant 16 : index
    %swap3A_3044 = tpu.vector_load %arg7[%swap3A_3042, %swap3A_3043] {strides = array<i32>} : memref<32x32xf32, #tpu.memory_space<vmem>>, vector<16xf32>,
    tpu.vector_store %arg7[%swap3A_3042, %swap3A_3043], %gather3A_3040 {strides = array<i32>} : memref<32x32xf32, #tpu.memory_space<vmem>>, vector<16xf32>,
    %slice3A_3045 = vector.extract_strided_slice %get3A_8 {offsets = [14], sizes = [1], strides = [1]} : vector<16xi32> to vector<1xi32>
    %squeeze3A_3046 = vector.extract %slice3A_3045[0] : i32 from vector<1xi32>
    %jit3A_3047 = arith.constant 128 : i32
    %eq3A_3048 = arith.constant 0 : i32
    %eq3A_3049 = arith.cmpi eq, %jit3A_3047, %eq3A_3048 : i32
    %jit3A_3050 = arith.constant 1 : i32
    %select_n3A_3051 = arith.select %eq3A_3049, %jit3A_3050, %jit3A_3047 : i32
    %rem3A_3052 = arith.remsi %squeeze3A_3046, %select_n3A_3051 : i32
    %ne3A_3053 = arith.constant 0 : i32
    %ne3A_3054 = arith.cmpi ne, %rem3A_3052, %ne3A_3053 : i32
    %lt3A_3055 = arith.constant 0 : i32
    %lt3A_3056 = arith.cmpi slt, %rem3A_3052, %lt3A_3055 : i32
    %lt3A_3057 = arith.constant 0 : i32
    %lt3A_3058 = arith.cmpi slt, %select_n3A_3051, %lt3A_3057 : i32
    %ne3A_3059 = arith.xori %lt3A_3056, %lt3A_3058 : i1
    %and3A_3060 = arith.andi %ne3A_3059, %ne3A_3054 : i1
    %add3A_3061 = arith.addi %rem3A_3052, %select_n3A_3051 : i32
    %select_n3A_3062 = arith.select %and3A_3060, %add3A_3061, %rem3A_3052 : i32
    %broadcast_in_dim3A_3063 = vector.broadcast %select_n3A_3062 : i32 to vector<16xi32>
    %gather3A_3064 = arith.constant 0 : i32
    %gather3A_3065 = arith.constant 6 : i32
    %gather3A_3066 = arith.constant 0 : i32
    %gather3A_3067 = arith.constant 0 : i32
    %gather3A_3068 = tpu.memref_slice %arg6[%gather3A_3064, %gather3A_3065, %gather3A_3066, %gather3A_3067] : memref<3x8x32x128xf32, #tpu.memory_space<vmem>> -> memref<1x1x32x128xf32, #tpu.memory_space<vmem>>
    %gather3A_3069 = tpu.memref_squeeze %gather3A_3068 : memref<1x1x32x128xf32, #tpu.memory_space<vmem>> -> memref<32x128xf32, #tpu.memory_space<vmem>>
    %gather3A_3070 = tpu.vector_load_idx %gather3A_3069[%iota3A, %broadcast_in_dim3A_3063] : memref<32x128xf32, #tpu.memory_space<vmem>>[vector<16xi32>, vector<16xi32>], vector<16xf32>,
    %swap3A_3071 = arith.constant 30 : i32
    %swap3A_3072 = arith.index_cast %swap3A_3071 : i32 to index
    %swap3A_3073 = arith.constant 0 : index
    %swap3A_3074 = tpu.vector_load %arg7[%swap3A_3072, %swap3A_3073] {strides = array<i32>} : memref<32x32xf32, #tpu.memory_space<vmem>>, vector<16xf32>,
    tpu.vector_store %arg7[%swap3A_3072, %swap3A_3073], %gather3A_3070 {strides = array<i32>} : memref<32x32xf32, #tpu.memory_space<vmem>>, vector<16xf32>,
    %gather3A_3075 = arith.constant 0 : i32
    %gather3A_3076 = arith.constant 6 : i32
    %gather3A_3077 = arith.constant 0 : i32
    %gather3A_3078 = arith.constant 0 : i32
    %gather3A_3079 = tpu.memref_slice %arg6[%gather3A_3075, %gather3A_3076, %gather3A_3077, %gather3A_3078] : memref<3x8x32x128xf32, #tpu.memory_space<vmem>> -> memref<1x1x32x128xf32, #tpu.memory_space<vmem>>
    %gather3A_3080 = tpu.memref_squeeze %gather3A_3079 : memref<1x1x32x128xf32, #tpu.memory_space<vmem>> -> memref<32x128xf32, #tpu.memory_space<vmem>>
    %gather3A_3081 = tpu.vector_load_idx %gather3A_3080[%add3A_5, %broadcast_in_dim3A_3063] : memref<32x128xf32, #tpu.memory_space<vmem>>[vector<16xi32>, vector<16xi32>], vector<16xf32>,
    %swap3A_3082 = arith.constant 30 : i32
    %swap3A_3083 = arith.index_cast %swap3A_3082 : i32 to index
    %swap3A_3084 = arith.constant 16 : index
    %swap3A_3085 = tpu.vector_load %arg7[%swap3A_3083, %swap3A_3084] {strides = array<i32>} : memref<32x32xf32, #tpu.memory_space<vmem>>, vector<16xf32>,
    tpu.vector_store %arg7[%swap3A_3083, %swap3A_3084], %gather3A_3081 {strides = array<i32>} : memref<32x32xf32, #tpu.memory_space<vmem>>, vector<16xf32>,
    %slice3A_3086 = vector.extract_strided_slice %get3A_8 {offsets = [15], sizes = [1], strides = [1]} : vector<16xi32> to vector<1xi32>
    %squeeze3A_3087 = vector.extract %slice3A_3086[0] : i32 from vector<1xi32>
    %jit3A_3088 = arith.constant 128 : i32
    %eq3A_3089 = arith.constant 0 : i32
    %eq3A_3090 = arith.cmpi eq, %jit3A_3088, %eq3A_3089 : i32
    %jit3A_3091 = arith.constant 1 : i32
    %select_n3A_3092 = arith.select %eq3A_3090, %jit3A_3091, %jit3A_3088 : i32
    %rem3A_3093 = arith.remsi %squeeze3A_3087, %select_n3A_3092 : i32
    %ne3A_3094 = arith.constant 0 : i32
    %ne3A_3095 = arith.cmpi ne, %rem3A_3093, %ne3A_3094 : i32
    %lt3A_3096 = arith.constant 0 : i32
    %lt3A_3097 = arith.cmpi slt, %rem3A_3093, %lt3A_3096 : i32
    %lt3A_3098 = arith.constant 0 : i32
    %lt3A_3099 = arith.cmpi slt, %select_n3A_3092, %lt3A_3098 : i32
    %ne3A_3100 = arith.xori %lt3A_3097, %lt3A_3099 : i1
    %and3A_3101 = arith.andi %ne3A_3100, %ne3A_3095 : i1
    %add3A_3102 = arith.addi %rem3A_3093, %select_n3A_3092 : i32
    %select_n3A_3103 = arith.select %and3A_3101, %add3A_3102, %rem3A_3093 : i32
    %broadcast_in_dim3A_3104 = vector.broadcast %select_n3A_3103 : i32 to vector<16xi32>
    %gather3A_3105 = arith.constant 0 : i32
    %gather3A_3106 = arith.constant 7 : i32
    %gather3A_3107 = arith.constant 0 : i32
    %gather3A_3108 = arith.constant 0 : i32
    %gather3A_3109 = tpu.memref_slice %arg6[%gather3A_3105, %gather3A_3106, %gather3A_3107, %gather3A_3108] : memref<3x8x32x128xf32, #tpu.memory_space<vmem>> -> memref<1x1x32x128xf32, #tpu.memory_space<vmem>>
    %gather3A_3110 = tpu.memref_squeeze %gather3A_3109 : memref<1x1x32x128xf32, #tpu.memory_space<vmem>> -> memref<32x128xf32, #tpu.memory_space<vmem>>
    %gather3A_3111 = tpu.vector_load_idx %gather3A_3110[%iota3A, %broadcast_in_dim3A_3104] : memref<32x128xf32, #tpu.memory_space<vmem>>[vector<16xi32>, vector<16xi32>], vector<16xf32>,
    %swap3A_3112 = arith.constant 31 : i32
    %swap3A_3113 = arith.index_cast %swap3A_3112 : i32 to index
    %swap3A_3114 = arith.constant 0 : index
    %swap3A_3115 = tpu.vector_load %arg7[%swap3A_3113, %swap3A_3114] {strides = array<i32>} : memref<32x32xf32, #tpu.memory_space<vmem>>, vector<16xf32>,
    tpu.vector_store %arg7[%swap3A_3113, %swap3A_3114], %gather3A_3111 {strides = array<i32>} : memref<32x32xf32, #tpu.memory_space<vmem>>, vector<16xf32>,
    %gather3A_3116 = arith.constant 0 : i32
    %gather3A_3117 = arith.constant 7 : i32
    %gather3A_3118 = arith.constant 0 : i32
    %gather3A_3119 = arith.constant 0 : i32
    %gather3A_3120 = tpu.memref_slice %arg6[%gather3A_3116, %gather3A_3117, %gather3A_3118, %gather3A_3119] : memref<3x8x32x128xf32, #tpu.memory_space<vmem>> -> memref<1x1x32x128xf32, #tpu.memory_space<vmem>>
    %gather3A_3121 = tpu.memref_squeeze %gather3A_3120 : memref<1x1x32x128xf32, #tpu.memory_space<vmem>> -> memref<32x128xf32, #tpu.memory_space<vmem>>
    %gather3A_3122 = tpu.vector_load_idx %gather3A_3121[%add3A_5, %broadcast_in_dim3A_3104] : memref<32x128xf32, #tpu.memory_space<vmem>>[vector<16xi32>, vector<16xi32>], vector<16xf32>,
    %swap3A_3123 = arith.constant 31 : i32
    %swap3A_3124 = arith.index_cast %swap3A_3123 : i32 to index
    %swap3A_3125 = arith.constant 16 : index
    %swap3A_3126 = tpu.vector_load %arg7[%swap3A_3124, %swap3A_3125] {strides = array<i32>} : memref<32x32xf32, #tpu.memory_space<vmem>>, vector<16xf32>,
    tpu.vector_store %arg7[%swap3A_3124, %swap3A_3125], %gather3A_3122 {strides = array<i32>} : memref<32x32xf32, #tpu.memory_space<vmem>>, vector<16xf32>,
    "tpu.region"() ({
      %run_scoped3A = tpu.sem_alloc : memref<!tpu.dma_semaphore, #tpu.memory_space<semaphore_mem>>
      %dma_start3A_3127 = arith.constant 0 : i32
      %dma_start3A_3128 = tpu.memref_slice %arg4[%mul3A_2, %dma_start3A_3127] : memref<1024x32xf32, #tpu.memory_space<hbm>> -> memref<32x32xf32, #tpu.memory_space<hbm>>
      %dma_start3A_3129 = arith.constant 0 : i32
      %dma_start3A_3130 = tpu.memref_slice %arg4[%mul3A_2, %dma_start3A_3129] : memref<1024x32xf32, #tpu.memory_space<hbm>> -> memref<32x32xf32, #tpu.memory_space<hbm>>
      tpu.enqueue_dma source(%arg7 : memref<32x32xf32, #tpu.memory_space<vmem>>) target(%dma_start3A_3130 : memref<32x32xf32, #tpu.memory_space<hbm>>) target_semaphore(%run_scoped3A : memref<!tpu.dma_semaphore, #tpu.memory_space<semaphore_mem>>)
      %dma_wait3A_3131 = arith.constant 0 : i32
      %dma_wait3A_3132 = tpu.memref_slice %arg4[%mul3A_2, %dma_wait3A_3131] : memref<1024x32xf32, #tpu.memory_space<hbm>> -> memref<32x32xf32, #tpu.memory_space<hbm>>
      %dma_wait3A_3133 = arith.constant 0 : i32
      %dma_wait3A_3134 = tpu.memref_slice %arg4[%mul3A_2, %dma_wait3A_3133] : memref<1024x32xf32, #tpu.memory_space<hbm>> -> memref<32x32xf32, #tpu.memory_space<hbm>>
      tpu.wait_dma2 semaphore(%run_scoped3A : memref<!tpu.dma_semaphore, #tpu.memory_space<semaphore_mem>>) src(%arg7 : memref<32x32xf32, #tpu.memory_space<vmem>>) dst(%dma_wait3A_3134 : memref<32x32xf32, #tpu.memory_space<hbm>>)
      tpu.yield
    }) : () -> ()
    return
  }
}

module attributes {stable_mosaic.version = 14 : i64} {
  func.func @_score_body(%arg0: i32, %arg1: memref<1x1xf32, #tpu.memory_space<vmem>>, %arg2: memref<1x1xf32, #tpu.memory_space<vmem>>, %arg3: memref<8x128xi32, #tpu.memory_space<vmem>>, %arg4: memref<32x1000xf32, #tpu.memory_space<vmem>>, %arg5: memref<1024x32xf32, #tpu.memory_space<vmem>>, %arg6: memref<128x16x1024xf32, #tpu.memory_space<vmem>>, %arg7: memref<16x1024xf32, #tpu.memory_space<vmem>>, %arg8: memref<1x1024xf32, #tpu.memory_space<vmem>>) attributes {dimension_semantics = [#tpu.dimension_semantics<arbitrary>], iteration_bounds = array<i64: 8>, scalar_prefetch = 0 : i64, scratch_operands = 2 : i64, tpu.core_type = #tpu.core_type<tc>, window_params = [{pipeline_mode = #tpu.pipeline_mode<synchronous>, transform_indices = @transform_0, window_bounds = array<i64: 1, 1>}, {pipeline_mode = #tpu.pipeline_mode<synchronous>, transform_indices = @transform_1, window_bounds = array<i64: 1, 1>}, {pipeline_mode = #tpu.pipeline_mode<synchronous>, transform_indices = @transform_2, window_bounds = array<i64: 8, 128>}, {pipeline_mode = #tpu.pipeline_mode<synchronous>, transform_indices = @transform_3, window_bounds = array<i64: 32, 1000>}, {pipeline_mode = #tpu.pipeline_mode<synchronous>, transform_indices = @transform_4, window_bounds = array<i64: 1024, 32>}, {transform_indices = @transform_5, window_bounds = array<i64: 128, 16, 1024>}]} {
    %get3A = arith.constant 0 : index
    %get3A_0 = arith.constant 0 : index
    %get3A_1 = vector.load %arg1[%get3A, %get3A_0] : memref<1x1xf32, #tpu.memory_space<vmem>>, vector<1x1xf32>
    %get3A_2 = vector.extract %get3A_1[0, 0] : f32 from vector<1x1xf32>
    %get3A_3 = arith.constant 0 : index
    %get3A_4 = arith.constant 0 : index
    %get3A_5 = vector.load %arg2[%get3A_3, %get3A_4] : memref<1x1xf32, #tpu.memory_space<vmem>>, vector<1x1xf32>
    %get3A_6 = vector.extract %get3A_5[0, 0] : f32 from vector<1x1xf32>
    %eq3A = arith.constant 0 : i32
    %eq3A_7 = arith.cmpi eq, %arg0, %eq3A : i32
    %convert_element_type3A = arith.extui %eq3A_7 : i1 to i32
    %cond3A = arith.constant 0 : i32
    %cond3A_8 = arith.cmpi ne, %convert_element_type3A, %cond3A : i32
    scf.if %cond3A_8 {
      %get3A_1293 = arith.constant 0 : index
      %get3A_1294 = arith.constant 0 : index
      %get3A_1295 = vector.load %arg3[%get3A_1293, %get3A_1294] : memref<8x128xi32, #tpu.memory_space<vmem>>, vector<1x128xi32>
      %get3A_1296 = arith.constant 1 : index
      %get3A_1297 = arith.constant 0 : index
      %get3A_1298 = vector.load %arg3[%get3A_1296, %get3A_1297] : memref<8x128xi32, #tpu.memory_space<vmem>>, vector<1x128xi32>
      %get3A_1299 = arith.constant 2 : index
      %get3A_1300 = arith.constant 0 : index
      %get3A_1301 = vector.load %arg3[%get3A_1299, %get3A_1300] : memref<8x128xi32, #tpu.memory_space<vmem>>, vector<1x128xi32>
      %get3A_1302 = arith.constant 3 : index
      %get3A_1303 = arith.constant 0 : index
      %get3A_1304 = vector.load %arg3[%get3A_1302, %get3A_1303] : memref<8x128xi32, #tpu.memory_space<vmem>>, vector<1x128xi32>
      %get3A_1305 = arith.constant 4 : index
      %get3A_1306 = arith.constant 0 : index
      %get3A_1307 = vector.load %arg3[%get3A_1305, %get3A_1306] : memref<8x128xi32, #tpu.memory_space<vmem>>, vector<1x128xi32>
      %get3A_1308 = arith.constant 5 : index
      %get3A_1309 = arith.constant 0 : index
      %get3A_1310 = vector.load %arg3[%get3A_1308, %get3A_1309] : memref<8x128xi32, #tpu.memory_space<vmem>>, vector<1x128xi32>
      %get3A_1311 = arith.constant 6 : index
      %get3A_1312 = arith.constant 0 : index
      %get3A_1313 = vector.load %arg3[%get3A_1311, %get3A_1312] : memref<8x128xi32, #tpu.memory_space<vmem>>, vector<1x128xi32>
      %get3A_1314 = arith.constant 7 : index
      %get3A_1315 = arith.constant 0 : index
      %get3A_1316 = vector.load %arg3[%get3A_1314, %get3A_1315] : memref<8x128xi32, #tpu.memory_space<vmem>>, vector<1x128xi32>
      %concatenate3A = tpu.concatenate %get3A_1295, %get3A_1298, %get3A_1301, %get3A_1304, %get3A_1307, %get3A_1310, %get3A_1313, %get3A_1316 in 1 : vector<1x128xi32>, vector<1x128xi32>, vector<1x128xi32>, vector<1x128xi32>, vector<1x128xi32>, vector<1x128xi32>, vector<1x128xi32>, vector<1x128xi32> -> vector<1x1024xi32>
      %iota3A = tpu.iota {dimensions = array<i32: 0>} : vector<1000x1024xi32>
      %eq3A_1317 = vector.broadcast %concatenate3A : vector<1x1024xi32> to vector<1000x1024xi32>
      %eq3A_1318 = arith.cmpi eq, %iota3A, %eq3A_1317 : vector<1000x1024xi32>
      %jit3A = arith.constant 1.000000e+00 : f32
      %jit3A_1319 = arith.constant 0.000000e+00 : f32
      %broadcast_in_dim3A = vector.broadcast %jit3A : f32 to vector<1000x1024xf32>
      %broadcast_in_dim3A_1320 = vector.broadcast %jit3A_1319 : f32 to vector<1000x1024xf32>
      %select_n3A = arith.select %eq3A_1318, %broadcast_in_dim3A, %broadcast_in_dim3A_1320 : vector<1000x1024xi1>, vector<1000x1024xf32>
      %get3A_1321 = arith.constant 0 : index
      %get3A_1322 = arith.constant 0 : index
      %get3A_1323 = vector.load %arg4[%get3A_1321, %get3A_1322] : memref<32x1000xf32, #tpu.memory_space<vmem>>, vector<32x1000xf32>
      %dot_general3A = arith.constant dense<0.000000e+00> : vector<32x1024xf32>
      %dot_general3A_1324 = tpu.matmul %get3A_1323, %select_n3A, %dot_general3A {dimension_numbers = #tpu.dot_dimension_numbers<[1], [0], [0], [1], [0, 0, 1, 1], [], []>, transpose_lhs_hint = false} : vector<32x1000xf32>, vector<1000x1024xf32>, vector<32x1024xf32> -> vector<32x1024xf32>
      %mul3A_1325 = arith.constant 9.13917827 : f32
      %mul3A_1326 = vector.broadcast %mul3A_1325 : f32 to vector<32x1024xf32>
      %mul3A_1327 = arith.mulf %dot_general3A_1324, %mul3A_1326 : vector<32x1024xf32>
      %get3A_1328 = arith.constant 0 : index
      %get3A_1329 = arith.constant 0 : index
      %get3A_1330 = vector.load %arg5[%get3A_1328, %get3A_1329] : memref<1024x32xf32, #tpu.memory_space<vmem>>, vector<1024x32xf32>
      %transpose3A = tpu.transpose %get3A_1330, [1, 0] : vector<1024x32xf32> -> vector<32x1024xf32>
      %mul3A_1331 = arith.constant 9.13917827 : f32
      %mul3A_1332 = vector.broadcast %mul3A_1331 : f32 to vector<32x1024xf32>
      %mul3A_1333 = arith.mulf %transpose3A, %mul3A_1332 : vector<32x1024xf32>
      %slice3A_1334 = vector.extract_strided_slice %mul3A_1333 {offsets = [0, 0], sizes = [16, 1024], strides = [1, 1]} : vector<32x1024xf32> to vector<16x1024xf32>
      %slice3A_1335 = vector.extract_strided_slice %mul3A_1327 {offsets = [0, 0], sizes = [16, 1024], strides = [1, 1]} : vector<32x1024xf32> to vector<16x1024xf32>
      %sub3A = arith.subf %slice3A_1334, %slice3A_1335 : vector<16x1024xf32>
      %slice3A_1336 = vector.extract_strided_slice %mul3A_1333 {offsets = [16, 0], sizes = [16, 1024], strides = [1, 1]} : vector<32x1024xf32> to vector<16x1024xf32>
      %slice3A_1337 = vector.extract_strided_slice %mul3A_1327 {offsets = [16, 0], sizes = [16, 1024], strides = [1, 1]} : vector<32x1024xf32> to vector<16x1024xf32>
      %sub3A_1338 = arith.subf %slice3A_1336, %slice3A_1337 : vector<16x1024xf32>
      %mul3A_1339 = arith.mulf %sub3A, %sub3A : vector<16x1024xf32>
      %mul3A_1340 = arith.mulf %sub3A_1338, %sub3A_1338 : vector<16x1024xf32>
      %add3A_1341 = arith.addf %mul3A_1339, %mul3A_1340 : vector<16x1024xf32>
      %sqrt3A = math.sqrt %add3A_1341 : vector<16x1024xf32>
      %mul3A_1342 = vector.broadcast %get3A_2 : f32 to vector<16x1024xf32>
      %mul3A_1343 = arith.mulf %sqrt3A, %mul3A_1342 : vector<16x1024xf32>
      %swap3A_1344 = arith.constant 0 : index
      %swap3A_1345 = arith.constant 0 : index
      %swap3A_1346 = vector.load %arg7[%swap3A_1344, %swap3A_1345] : memref<16x1024xf32, #tpu.memory_space<vmem>>, vector<16x1024xf32>
      tpu.vector_store %arg7[%swap3A_1344, %swap3A_1345], %mul3A_1343 {strides = array<i32>} : memref<16x1024xf32, #tpu.memory_space<vmem>>, vector<16x1024xf32>,
      %cos3A = math.cos %sub3A : vector<16x1024xf32>
      %cos3A_1347 = math.cos %sub3A_1338 : vector<16x1024xf32>
      %mul3A_1348 = arith.mulf %cos3A, %cos3A_1347 : vector<16x1024xf32>
      %reduce_sum3A = arith.constant dense<0.000000e+00> : vector<1024xf32>
      %reduce_sum3A_1349 = vector.multi_reduction <add>, %mul3A_1348, %reduce_sum3A [0] : vector<16x1024xf32> to vector<1024xf32>
      %broadcast_in_dim3A_1350 = vector.shape_cast %reduce_sum3A_1349 : vector<1024xf32> to vector<1x1024xf32>
      %mul3A_1351 = vector.broadcast %get3A_6 : f32 to vector<1x1024xf32>
      %mul3A_1352 = arith.mulf %broadcast_in_dim3A_1350, %mul3A_1351 : vector<1x1024xf32>
      %sub3A_1353 = arith.constant 9.000000e+00 : f32
      %sub3A_1354 = vector.broadcast %sub3A_1353 : f32 to vector<1x1024xf32>
      %sub3A_1355 = arith.subf %mul3A_1352, %sub3A_1354 : vector<1x1024xf32>
      %swap3A_1356 = arith.constant 0 : index
      %swap3A_1357 = arith.constant 0 : index
      %swap3A_1358 = vector.load %arg8[%swap3A_1356, %swap3A_1357] : memref<1x1024xf32, #tpu.memory_space<vmem>>, vector<1x1024xf32>
      tpu.vector_store %arg8[%swap3A_1356, %swap3A_1357], %sub3A_1355 {strides = array<i32>} : memref<1x1024xf32, #tpu.memory_space<vmem>>, vector<1x1024xf32>,
    } else {
    }
    %mul3A = arith.constant 128 : i32
    %mul3A_9 = arith.muli %arg0, %mul3A : i32
    %get3A_10 = arith.constant 0 : index
    %get3A_11 = arith.index_cast %mul3A_9 : i32 to index
    %get3A_12 = vector.load %arg7[%get3A_10, %get3A_11] : memref<16x1024xf32, #tpu.memory_space<vmem>>, vector<16x128xf32>
    %get3A_13 = arith.constant 0 : index
    %get3A_14 = arith.constant 0 : index
    %get3A_15 = vector.load %arg8[%get3A_13, %get3A_14] : memref<1x1024xf32, #tpu.memory_space<vmem>>, vector<1x1024xf32>
    %slice3A = vector.extract_strided_slice %get3A_12 {offsets = [0, 0], sizes = [16, 1], strides = [1, 1]} : vector<16x128xf32> to vector<16x1xf32>
    %add3A = vector.broadcast %slice3A : vector<16x1xf32> to vector<16x1024xf32>
    %add3A_16 = vector.broadcast %get3A_15 : vector<1x1024xf32> to vector<16x1024xf32>
    %add3A_17 = arith.addf %add3A, %add3A_16 : vector<16x1024xf32>
    %swap3A = arith.constant 0 : index
    %swap3A_18 = arith.constant 0 : index
    %swap3A_19 = arith.constant 0 : index
    %swap3A_20 = vector.load %arg6[%swap3A, %swap3A_18, %swap3A_19] : memref<128x16x1024xf32, #tpu.memory_space<vmem>>, vector<1x16x1024xf32>
    %swap3A_21 = vector.shape_cast %swap3A_20 : vector<1x16x1024xf32> to vector<16x1024xf32>
    %swap3A_22 = vector.shape_cast %add3A_17 : vector<16x1024xf32> to vector<1x16x1024xf32>
    tpu.vector_store %arg6[%swap3A, %swap3A_18, %swap3A_19], %swap3A_22 {strides = array<i32>} : memref<128x16x1024xf32, #tpu.memory_space<vmem>>, vector<1x16x1024xf32>,
    %slice3A_23 = vector.extract_strided_slice %get3A_12 {offsets = [0, 1], sizes = [16, 1], strides = [1, 1]} : vector<16x128xf32> to vector<16x1xf32>
    %add3A_24 = vector.broadcast %slice3A_23 : vector<16x1xf32> to vector<16x1024xf32>
    %add3A_25 = vector.broadcast %get3A_15 : vector<1x1024xf32> to vector<16x1024xf32>
    %add3A_26 = arith.addf %add3A_24, %add3A_25 : vector<16x1024xf32>
    %swap3A_27 = arith.constant 1 : index
    %swap3A_28 = arith.constant 0 : index
    %swap3A_29 = arith.constant 0 : index
    %swap3A_30 = vector.load %arg6[%swap3A_27, %swap3A_28, %swap3A_29] : memref<128x16x1024xf32, #tpu.memory_space<vmem>>, vector<1x16x1024xf32>
    %swap3A_31 = vector.shape_cast %swap3A_30 : vector<1x16x1024xf32> to vector<16x1024xf32>
    %swap3A_32 = vector.shape_cast %add3A_26 : vector<16x1024xf32> to vector<1x16x1024xf32>
    tpu.vector_store %arg6[%swap3A_27, %swap3A_28, %swap3A_29], %swap3A_32 {strides = array<i32>} : memref<128x16x1024xf32, #tpu.memory_space<vmem>>, vector<1x16x1024xf32>,
    %slice3A_33 = vector.extract_strided_slice %get3A_12 {offsets = [0, 2], sizes = [16, 1], strides = [1, 1]} : vector<16x128xf32> to vector<16x1xf32>
    %add3A_34 = vector.broadcast %slice3A_33 : vector<16x1xf32> to vector<16x1024xf32>
    %add3A_35 = vector.broadcast %get3A_15 : vector<1x1024xf32> to vector<16x1024xf32>
    %add3A_36 = arith.addf %add3A_34, %add3A_35 : vector<16x1024xf32>
    %swap3A_37 = arith.constant 2 : index
    %swap3A_38 = arith.constant 0 : index
    %swap3A_39 = arith.constant 0 : index
    %swap3A_40 = vector.load %arg6[%swap3A_37, %swap3A_38, %swap3A_39] : memref<128x16x1024xf32, #tpu.memory_space<vmem>>, vector<1x16x1024xf32>
    %swap3A_41 = vector.shape_cast %swap3A_40 : vector<1x16x1024xf32> to vector<16x1024xf32>
    %swap3A_42 = vector.shape_cast %add3A_36 : vector<16x1024xf32> to vector<1x16x1024xf32>
    tpu.vector_store %arg6[%swap3A_37, %swap3A_38, %swap3A_39], %swap3A_42 {strides = array<i32>} : memref<128x16x1024xf32, #tpu.memory_space<vmem>>, vector<1x16x1024xf32>,
    %slice3A_43 = vector.extract_strided_slice %get3A_12 {offsets = [0, 3], sizes = [16, 1], strides = [1, 1]} : vector<16x128xf32> to vector<16x1xf32>
    %add3A_44 = vector.broadcast %slice3A_43 : vector<16x1xf32> to vector<16x1024xf32>
    %add3A_45 = vector.broadcast %get3A_15 : vector<1x1024xf32> to vector<16x1024xf32>
    %add3A_46 = arith.addf %add3A_44, %add3A_45 : vector<16x1024xf32>
    %swap3A_47 = arith.constant 3 : index
    %swap3A_48 = arith.constant 0 : index
    %swap3A_49 = arith.constant 0 : index
    %swap3A_50 = vector.load %arg6[%swap3A_47, %swap3A_48, %swap3A_49] : memref<128x16x1024xf32, #tpu.memory_space<vmem>>, vector<1x16x1024xf32>
    %swap3A_51 = vector.shape_cast %swap3A_50 : vector<1x16x1024xf32> to vector<16x1024xf32>
    %swap3A_52 = vector.shape_cast %add3A_46 : vector<16x1024xf32> to vector<1x16x1024xf32>
    tpu.vector_store %arg6[%swap3A_47, %swap3A_48, %swap3A_49], %swap3A_52 {strides = array<i32>} : memref<128x16x1024xf32, #tpu.memory_space<vmem>>, vector<1x16x1024xf32>,
    %slice3A_53 = vector.extract_strided_slice %get3A_12 {offsets = [0, 4], sizes = [16, 1], strides = [1, 1]} : vector<16x128xf32> to vector<16x1xf32>
    %add3A_54 = vector.broadcast %slice3A_53 : vector<16x1xf32> to vector<16x1024xf32>
    %add3A_55 = vector.broadcast %get3A_15 : vector<1x1024xf32> to vector<16x1024xf32>
    %add3A_56 = arith.addf %add3A_54, %add3A_55 : vector<16x1024xf32>
    %swap3A_57 = arith.constant 4 : index
    %swap3A_58 = arith.constant 0 : index
    %swap3A_59 = arith.constant 0 : index
    %swap3A_60 = vector.load %arg6[%swap3A_57, %swap3A_58, %swap3A_59] : memref<128x16x1024xf32, #tpu.memory_space<vmem>>, vector<1x16x1024xf32>
    %swap3A_61 = vector.shape_cast %swap3A_60 : vector<1x16x1024xf32> to vector<16x1024xf32>
    %swap3A_62 = vector.shape_cast %add3A_56 : vector<16x1024xf32> to vector<1x16x1024xf32>
    tpu.vector_store %arg6[%swap3A_57, %swap3A_58, %swap3A_59], %swap3A_62 {strides = array<i32>} : memref<128x16x1024xf32, #tpu.memory_space<vmem>>, vector<1x16x1024xf32>,
    %slice3A_63 = vector.extract_strided_slice %get3A_12 {offsets = [0, 5], sizes = [16, 1], strides = [1, 1]} : vector<16x128xf32> to vector<16x1xf32>
    %add3A_64 = vector.broadcast %slice3A_63 : vector<16x1xf32> to vector<16x1024xf32>
    %add3A_65 = vector.broadcast %get3A_15 : vector<1x1024xf32> to vector<16x1024xf32>
    %add3A_66 = arith.addf %add3A_64, %add3A_65 : vector<16x1024xf32>
    %swap3A_67 = arith.constant 5 : index
    %swap3A_68 = arith.constant 0 : index
    %swap3A_69 = arith.constant 0 : index
    %swap3A_70 = vector.load %arg6[%swap3A_67, %swap3A_68, %swap3A_69] : memref<128x16x1024xf32, #tpu.memory_space<vmem>>, vector<1x16x1024xf32>
    %swap3A_71 = vector.shape_cast %swap3A_70 : vector<1x16x1024xf32> to vector<16x1024xf32>
    %swap3A_72 = vector.shape_cast %add3A_66 : vector<16x1024xf32> to vector<1x16x1024xf32>
    tpu.vector_store %arg6[%swap3A_67, %swap3A_68, %swap3A_69], %swap3A_72 {strides = array<i32>} : memref<128x16x1024xf32, #tpu.memory_space<vmem>>, vector<1x16x1024xf32>,
    %slice3A_73 = vector.extract_strided_slice %get3A_12 {offsets = [0, 6], sizes = [16, 1], strides = [1, 1]} : vector<16x128xf32> to vector<16x1xf32>
    %add3A_74 = vector.broadcast %slice3A_73 : vector<16x1xf32> to vector<16x1024xf32>
    %add3A_75 = vector.broadcast %get3A_15 : vector<1x1024xf32> to vector<16x1024xf32>
    %add3A_76 = arith.addf %add3A_74, %add3A_75 : vector<16x1024xf32>
    %swap3A_77 = arith.constant 6 : index
    %swap3A_78 = arith.constant 0 : index
    %swap3A_79 = arith.constant 0 : index
    %swap3A_80 = vector.load %arg6[%swap3A_77, %swap3A_78, %swap3A_79] : memref<128x16x1024xf32, #tpu.memory_space<vmem>>, vector<1x16x1024xf32>
    %swap3A_81 = vector.shape_cast %swap3A_80 : vector<1x16x1024xf32> to vector<16x1024xf32>
    %swap3A_82 = vector.shape_cast %add3A_76 : vector<16x1024xf32> to vector<1x16x1024xf32>
    tpu.vector_store %arg6[%swap3A_77, %swap3A_78, %swap3A_79], %swap3A_82 {strides = array<i32>} : memref<128x16x1024xf32, #tpu.memory_space<vmem>>, vector<1x16x1024xf32>,
    %slice3A_83 = vector.extract_strided_slice %get3A_12 {offsets = [0, 7], sizes = [16, 1], strides = [1, 1]} : vector<16x128xf32> to vector<16x1xf32>
    %add3A_84 = vector.broadcast %slice3A_83 : vector<16x1xf32> to vector<16x1024xf32>
    %add3A_85 = vector.broadcast %get3A_15 : vector<1x1024xf32> to vector<16x1024xf32>
    %add3A_86 = arith.addf %add3A_84, %add3A_85 : vector<16x1024xf32>
    %swap3A_87 = arith.constant 7 : index
    %swap3A_88 = arith.constant 0 : index
    %swap3A_89 = arith.constant 0 : index
    %swap3A_90 = vector.load %arg6[%swap3A_87, %swap3A_88, %swap3A_89] : memref<128x16x1024xf32, #tpu.memory_space<vmem>>, vector<1x16x1024xf32>
    %swap3A_91 = vector.shape_cast %swap3A_90 : vector<1x16x1024xf32> to vector<16x1024xf32>
    %swap3A_92 = vector.shape_cast %add3A_86 : vector<16x1024xf32> to vector<1x16x1024xf32>
    tpu.vector_store %arg6[%swap3A_87, %swap3A_88, %swap3A_89], %swap3A_92 {strides = array<i32>} : memref<128x16x1024xf32, #tpu.memory_space<vmem>>, vector<1x16x1024xf32>,
    %slice3A_93 = vector.extract_strided_slice %get3A_12 {offsets = [0, 8], sizes = [16, 1], strides = [1, 1]} : vector<16x128xf32> to vector<16x1xf32>
    %add3A_94 = vector.broadcast %slice3A_93 : vector<16x1xf32> to vector<16x1024xf32>
    %add3A_95 = vector.broadcast %get3A_15 : vector<1x1024xf32> to vector<16x1024xf32>
    %add3A_96 = arith.addf %add3A_94, %add3A_95 : vector<16x1024xf32>
    %swap3A_97 = arith.constant 8 : index
    %swap3A_98 = arith.constant 0 : index
    %swap3A_99 = arith.constant 0 : index
    %swap3A_100 = vector.load %arg6[%swap3A_97, %swap3A_98, %swap3A_99] : memref<128x16x1024xf32, #tpu.memory_space<vmem>>, vector<1x16x1024xf32>
    %swap3A_101 = vector.shape_cast %swap3A_100 : vector<1x16x1024xf32> to vector<16x1024xf32>
    %swap3A_102 = vector.shape_cast %add3A_96 : vector<16x1024xf32> to vector<1x16x1024xf32>
    tpu.vector_store %arg6[%swap3A_97, %swap3A_98, %swap3A_99], %swap3A_102 {strides = array<i32>} : memref<128x16x1024xf32, #tpu.memory_space<vmem>>, vector<1x16x1024xf32>,
    %slice3A_103 = vector.extract_strided_slice %get3A_12 {offsets = [0, 9], sizes = [16, 1], strides = [1, 1]} : vector<16x128xf32> to vector<16x1xf32>
    %add3A_104 = vector.broadcast %slice3A_103 : vector<16x1xf32> to vector<16x1024xf32>
    %add3A_105 = vector.broadcast %get3A_15 : vector<1x1024xf32> to vector<16x1024xf32>
    %add3A_106 = arith.addf %add3A_104, %add3A_105 : vector<16x1024xf32>
    %swap3A_107 = arith.constant 9 : index
    %swap3A_108 = arith.constant 0 : index
    %swap3A_109 = arith.constant 0 : index
    %swap3A_110 = vector.load %arg6[%swap3A_107, %swap3A_108, %swap3A_109] : memref<128x16x1024xf32, #tpu.memory_space<vmem>>, vector<1x16x1024xf32>
    %swap3A_111 = vector.shape_cast %swap3A_110 : vector<1x16x1024xf32> to vector<16x1024xf32>
    %swap3A_112 = vector.shape_cast %add3A_106 : vector<16x1024xf32> to vector<1x16x1024xf32>
    tpu.vector_store %arg6[%swap3A_107, %swap3A_108, %swap3A_109], %swap3A_112 {strides = array<i32>} : memref<128x16x1024xf32, #tpu.memory_space<vmem>>, vector<1x16x1024xf32>,
    %slice3A_113 = vector.extract_strided_slice %get3A_12 {offsets = [0, 10], sizes = [16, 1], strides = [1, 1]} : vector<16x128xf32> to vector<16x1xf32>
    %add3A_114 = vector.broadcast %slice3A_113 : vector<16x1xf32> to vector<16x1024xf32>
    %add3A_115 = vector.broadcast %get3A_15 : vector<1x1024xf32> to vector<16x1024xf32>
    %add3A_116 = arith.addf %add3A_114, %add3A_115 : vector<16x1024xf32>
    %swap3A_117 = arith.constant 10 : index
    %swap3A_118 = arith.constant 0 : index
    %swap3A_119 = arith.constant 0 : index
    %swap3A_120 = vector.load %arg6[%swap3A_117, %swap3A_118, %swap3A_119] : memref<128x16x1024xf32, #tpu.memory_space<vmem>>, vector<1x16x1024xf32>
    %swap3A_121 = vector.shape_cast %swap3A_120 : vector<1x16x1024xf32> to vector<16x1024xf32>
    %swap3A_122 = vector.shape_cast %add3A_116 : vector<16x1024xf32> to vector<1x16x1024xf32>
    tpu.vector_store %arg6[%swap3A_117, %swap3A_118, %swap3A_119], %swap3A_122 {strides = array<i32>} : memref<128x16x1024xf32, #tpu.memory_space<vmem>>, vector<1x16x1024xf32>,
    %slice3A_123 = vector.extract_strided_slice %get3A_12 {offsets = [0, 11], sizes = [16, 1], strides = [1, 1]} : vector<16x128xf32> to vector<16x1xf32>
    %add3A_124 = vector.broadcast %slice3A_123 : vector<16x1xf32> to vector<16x1024xf32>
    %add3A_125 = vector.broadcast %get3A_15 : vector<1x1024xf32> to vector<16x1024xf32>
    %add3A_126 = arith.addf %add3A_124, %add3A_125 : vector<16x1024xf32>
    %swap3A_127 = arith.constant 11 : index
    %swap3A_128 = arith.constant 0 : index
    %swap3A_129 = arith.constant 0 : index
    %swap3A_130 = vector.load %arg6[%swap3A_127, %swap3A_128, %swap3A_129] : memref<128x16x1024xf32, #tpu.memory_space<vmem>>, vector<1x16x1024xf32>
    %swap3A_131 = vector.shape_cast %swap3A_130 : vector<1x16x1024xf32> to vector<16x1024xf32>
    %swap3A_132 = vector.shape_cast %add3A_126 : vector<16x1024xf32> to vector<1x16x1024xf32>
    tpu.vector_store %arg6[%swap3A_127, %swap3A_128, %swap3A_129], %swap3A_132 {strides = array<i32>} : memref<128x16x1024xf32, #tpu.memory_space<vmem>>, vector<1x16x1024xf32>,
    %slice3A_133 = vector.extract_strided_slice %get3A_12 {offsets = [0, 12], sizes = [16, 1], strides = [1, 1]} : vector<16x128xf32> to vector<16x1xf32>
    %add3A_134 = vector.broadcast %slice3A_133 : vector<16x1xf32> to vector<16x1024xf32>
    %add3A_135 = vector.broadcast %get3A_15 : vector<1x1024xf32> to vector<16x1024xf32>
    %add3A_136 = arith.addf %add3A_134, %add3A_135 : vector<16x1024xf32>
    %swap3A_137 = arith.constant 12 : index
    %swap3A_138 = arith.constant 0 : index
    %swap3A_139 = arith.constant 0 : index
    %swap3A_140 = vector.load %arg6[%swap3A_137, %swap3A_138, %swap3A_139] : memref<128x16x1024xf32, #tpu.memory_space<vmem>>, vector<1x16x1024xf32>
    %swap3A_141 = vector.shape_cast %swap3A_140 : vector<1x16x1024xf32> to vector<16x1024xf32>
    %swap3A_142 = vector.shape_cast %add3A_136 : vector<16x1024xf32> to vector<1x16x1024xf32>
    tpu.vector_store %arg6[%swap3A_137, %swap3A_138, %swap3A_139], %swap3A_142 {strides = array<i32>} : memref<128x16x1024xf32, #tpu.memory_space<vmem>>, vector<1x16x1024xf32>,
    %slice3A_143 = vector.extract_strided_slice %get3A_12 {offsets = [0, 13], sizes = [16, 1], strides = [1, 1]} : vector<16x128xf32> to vector<16x1xf32>
    %add3A_144 = vector.broadcast %slice3A_143 : vector<16x1xf32> to vector<16x1024xf32>
    %add3A_145 = vector.broadcast %get3A_15 : vector<1x1024xf32> to vector<16x1024xf32>
    %add3A_146 = arith.addf %add3A_144, %add3A_145 : vector<16x1024xf32>
    %swap3A_147 = arith.constant 13 : index
    %swap3A_148 = arith.constant 0 : index
    %swap3A_149 = arith.constant 0 : index
    %swap3A_150 = vector.load %arg6[%swap3A_147, %swap3A_148, %swap3A_149] : memref<128x16x1024xf32, #tpu.memory_space<vmem>>, vector<1x16x1024xf32>
    %swap3A_151 = vector.shape_cast %swap3A_150 : vector<1x16x1024xf32> to vector<16x1024xf32>
    %swap3A_152 = vector.shape_cast %add3A_146 : vector<16x1024xf32> to vector<1x16x1024xf32>
    tpu.vector_store %arg6[%swap3A_147, %swap3A_148, %swap3A_149], %swap3A_152 {strides = array<i32>} : memref<128x16x1024xf32, #tpu.memory_space<vmem>>, vector<1x16x1024xf32>,
    %slice3A_153 = vector.extract_strided_slice %get3A_12 {offsets = [0, 14], sizes = [16, 1], strides = [1, 1]} : vector<16x128xf32> to vector<16x1xf32>
    %add3A_154 = vector.broadcast %slice3A_153 : vector<16x1xf32> to vector<16x1024xf32>
    %add3A_155 = vector.broadcast %get3A_15 : vector<1x1024xf32> to vector<16x1024xf32>
    %add3A_156 = arith.addf %add3A_154, %add3A_155 : vector<16x1024xf32>
    %swap3A_157 = arith.constant 14 : index
    %swap3A_158 = arith.constant 0 : index
    %swap3A_159 = arith.constant 0 : index
    %swap3A_160 = vector.load %arg6[%swap3A_157, %swap3A_158, %swap3A_159] : memref<128x16x1024xf32, #tpu.memory_space<vmem>>, vector<1x16x1024xf32>
    %swap3A_161 = vector.shape_cast %swap3A_160 : vector<1x16x1024xf32> to vector<16x1024xf32>
    %swap3A_162 = vector.shape_cast %add3A_156 : vector<16x1024xf32> to vector<1x16x1024xf32>
    tpu.vector_store %arg6[%swap3A_157, %swap3A_158, %swap3A_159], %swap3A_162 {strides = array<i32>} : memref<128x16x1024xf32, #tpu.memory_space<vmem>>, vector<1x16x1024xf32>,
    %slice3A_163 = vector.extract_strided_slice %get3A_12 {offsets = [0, 15], sizes = [16, 1], strides = [1, 1]} : vector<16x128xf32> to vector<16x1xf32>
    %add3A_164 = vector.broadcast %slice3A_163 : vector<16x1xf32> to vector<16x1024xf32>
    %add3A_165 = vector.broadcast %get3A_15 : vector<1x1024xf32> to vector<16x1024xf32>
    %add3A_166 = arith.addf %add3A_164, %add3A_165 : vector<16x1024xf32>
    %swap3A_167 = arith.constant 15 : index
    %swap3A_168 = arith.constant 0 : index
    %swap3A_169 = arith.constant 0 : index
    %swap3A_170 = vector.load %arg6[%swap3A_167, %swap3A_168, %swap3A_169] : memref<128x16x1024xf32, #tpu.memory_space<vmem>>, vector<1x16x1024xf32>
    %swap3A_171 = vector.shape_cast %swap3A_170 : vector<1x16x1024xf32> to vector<16x1024xf32>
    %swap3A_172 = vector.shape_cast %add3A_166 : vector<16x1024xf32> to vector<1x16x1024xf32>
    tpu.vector_store %arg6[%swap3A_167, %swap3A_168, %swap3A_169], %swap3A_172 {strides = array<i32>} : memref<128x16x1024xf32, #tpu.memory_space<vmem>>, vector<1x16x1024xf32>,
    %slice3A_173 = vector.extract_strided_slice %get3A_12 {offsets = [0, 16], sizes = [16, 1], strides = [1, 1]} : vector<16x128xf32> to vector<16x1xf32>
    %add3A_174 = vector.broadcast %slice3A_173 : vector<16x1xf32> to vector<16x1024xf32>
    %add3A_175 = vector.broadcast %get3A_15 : vector<1x1024xf32> to vector<16x1024xf32>
    %add3A_176 = arith.addf %add3A_174, %add3A_175 : vector<16x1024xf32>
    %swap3A_177 = arith.constant 16 : index
    %swap3A_178 = arith.constant 0 : index
    %swap3A_179 = arith.constant 0 : index
    %swap3A_180 = vector.load %arg6[%swap3A_177, %swap3A_178, %swap3A_179] : memref<128x16x1024xf32, #tpu.memory_space<vmem>>, vector<1x16x1024xf32>
    %swap3A_181 = vector.shape_cast %swap3A_180 : vector<1x16x1024xf32> to vector<16x1024xf32>
    %swap3A_182 = vector.shape_cast %add3A_176 : vector<16x1024xf32> to vector<1x16x1024xf32>
    tpu.vector_store %arg6[%swap3A_177, %swap3A_178, %swap3A_179], %swap3A_182 {strides = array<i32>} : memref<128x16x1024xf32, #tpu.memory_space<vmem>>, vector<1x16x1024xf32>,
    %slice3A_183 = vector.extract_strided_slice %get3A_12 {offsets = [0, 17], sizes = [16, 1], strides = [1, 1]} : vector<16x128xf32> to vector<16x1xf32>
    %add3A_184 = vector.broadcast %slice3A_183 : vector<16x1xf32> to vector<16x1024xf32>
    %add3A_185 = vector.broadcast %get3A_15 : vector<1x1024xf32> to vector<16x1024xf32>
    %add3A_186 = arith.addf %add3A_184, %add3A_185 : vector<16x1024xf32>
    %swap3A_187 = arith.constant 17 : index
    %swap3A_188 = arith.constant 0 : index
    %swap3A_189 = arith.constant 0 : index
    %swap3A_190 = vector.load %arg6[%swap3A_187, %swap3A_188, %swap3A_189] : memref<128x16x1024xf32, #tpu.memory_space<vmem>>, vector<1x16x1024xf32>
    %swap3A_191 = vector.shape_cast %swap3A_190 : vector<1x16x1024xf32> to vector<16x1024xf32>
    %swap3A_192 = vector.shape_cast %add3A_186 : vector<16x1024xf32> to vector<1x16x1024xf32>
    tpu.vector_store %arg6[%swap3A_187, %swap3A_188, %swap3A_189], %swap3A_192 {strides = array<i32>} : memref<128x16x1024xf32, #tpu.memory_space<vmem>>, vector<1x16x1024xf32>,
    %slice3A_193 = vector.extract_strided_slice %get3A_12 {offsets = [0, 18], sizes = [16, 1], strides = [1, 1]} : vector<16x128xf32> to vector<16x1xf32>
    %add3A_194 = vector.broadcast %slice3A_193 : vector<16x1xf32> to vector<16x1024xf32>
    %add3A_195 = vector.broadcast %get3A_15 : vector<1x1024xf32> to vector<16x1024xf32>
    %add3A_196 = arith.addf %add3A_194, %add3A_195 : vector<16x1024xf32>
    %swap3A_197 = arith.constant 18 : index
    %swap3A_198 = arith.constant 0 : index
    %swap3A_199 = arith.constant 0 : index
    %swap3A_200 = vector.load %arg6[%swap3A_197, %swap3A_198, %swap3A_199] : memref<128x16x1024xf32, #tpu.memory_space<vmem>>, vector<1x16x1024xf32>
    %swap3A_201 = vector.shape_cast %swap3A_200 : vector<1x16x1024xf32> to vector<16x1024xf32>
    %swap3A_202 = vector.shape_cast %add3A_196 : vector<16x1024xf32> to vector<1x16x1024xf32>
    tpu.vector_store %arg6[%swap3A_197, %swap3A_198, %swap3A_199], %swap3A_202 {strides = array<i32>} : memref<128x16x1024xf32, #tpu.memory_space<vmem>>, vector<1x16x1024xf32>,
    %slice3A_203 = vector.extract_strided_slice %get3A_12 {offsets = [0, 19], sizes = [16, 1], strides = [1, 1]} : vector<16x128xf32> to vector<16x1xf32>
    %add3A_204 = vector.broadcast %slice3A_203 : vector<16x1xf32> to vector<16x1024xf32>
    %add3A_205 = vector.broadcast %get3A_15 : vector<1x1024xf32> to vector<16x1024xf32>
    %add3A_206 = arith.addf %add3A_204, %add3A_205 : vector<16x1024xf32>
    %swap3A_207 = arith.constant 19 : index
    %swap3A_208 = arith.constant 0 : index
    %swap3A_209 = arith.constant 0 : index
    %swap3A_210 = vector.load %arg6[%swap3A_207, %swap3A_208, %swap3A_209] : memref<128x16x1024xf32, #tpu.memory_space<vmem>>, vector<1x16x1024xf32>
    %swap3A_211 = vector.shape_cast %swap3A_210 : vector<1x16x1024xf32> to vector<16x1024xf32>
    %swap3A_212 = vector.shape_cast %add3A_206 : vector<16x1024xf32> to vector<1x16x1024xf32>
    tpu.vector_store %arg6[%swap3A_207, %swap3A_208, %swap3A_209], %swap3A_212 {strides = array<i32>} : memref<128x16x1024xf32, #tpu.memory_space<vmem>>, vector<1x16x1024xf32>,
    %slice3A_213 = vector.extract_strided_slice %get3A_12 {offsets = [0, 20], sizes = [16, 1], strides = [1, 1]} : vector<16x128xf32> to vector<16x1xf32>
    %add3A_214 = vector.broadcast %slice3A_213 : vector<16x1xf32> to vector<16x1024xf32>
    %add3A_215 = vector.broadcast %get3A_15 : vector<1x1024xf32> to vector<16x1024xf32>
    %add3A_216 = arith.addf %add3A_214, %add3A_215 : vector<16x1024xf32>
    %swap3A_217 = arith.constant 20 : index
    %swap3A_218 = arith.constant 0 : index
    %swap3A_219 = arith.constant 0 : index
    %swap3A_220 = vector.load %arg6[%swap3A_217, %swap3A_218, %swap3A_219] : memref<128x16x1024xf32, #tpu.memory_space<vmem>>, vector<1x16x1024xf32>
    %swap3A_221 = vector.shape_cast %swap3A_220 : vector<1x16x1024xf32> to vector<16x1024xf32>
    %swap3A_222 = vector.shape_cast %add3A_216 : vector<16x1024xf32> to vector<1x16x1024xf32>
    tpu.vector_store %arg6[%swap3A_217, %swap3A_218, %swap3A_219], %swap3A_222 {strides = array<i32>} : memref<128x16x1024xf32, #tpu.memory_space<vmem>>, vector<1x16x1024xf32>,
    %slice3A_223 = vector.extract_strided_slice %get3A_12 {offsets = [0, 21], sizes = [16, 1], strides = [1, 1]} : vector<16x128xf32> to vector<16x1xf32>
    %add3A_224 = vector.broadcast %slice3A_223 : vector<16x1xf32> to vector<16x1024xf32>
    %add3A_225 = vector.broadcast %get3A_15 : vector<1x1024xf32> to vector<16x1024xf32>
    %add3A_226 = arith.addf %add3A_224, %add3A_225 : vector<16x1024xf32>
    %swap3A_227 = arith.constant 21 : index
    %swap3A_228 = arith.constant 0 : index
    %swap3A_229 = arith.constant 0 : index
    %swap3A_230 = vector.load %arg6[%swap3A_227, %swap3A_228, %swap3A_229] : memref<128x16x1024xf32, #tpu.memory_space<vmem>>, vector<1x16x1024xf32>
    %swap3A_231 = vector.shape_cast %swap3A_230 : vector<1x16x1024xf32> to vector<16x1024xf32>
    %swap3A_232 = vector.shape_cast %add3A_226 : vector<16x1024xf32> to vector<1x16x1024xf32>
    tpu.vector_store %arg6[%swap3A_227, %swap3A_228, %swap3A_229], %swap3A_232 {strides = array<i32>} : memref<128x16x1024xf32, #tpu.memory_space<vmem>>, vector<1x16x1024xf32>,
    %slice3A_233 = vector.extract_strided_slice %get3A_12 {offsets = [0, 22], sizes = [16, 1], strides = [1, 1]} : vector<16x128xf32> to vector<16x1xf32>
    %add3A_234 = vector.broadcast %slice3A_233 : vector<16x1xf32> to vector<16x1024xf32>
    %add3A_235 = vector.broadcast %get3A_15 : vector<1x1024xf32> to vector<16x1024xf32>
    %add3A_236 = arith.addf %add3A_234, %add3A_235 : vector<16x1024xf32>
    %swap3A_237 = arith.constant 22 : index
    %swap3A_238 = arith.constant 0 : index
    %swap3A_239 = arith.constant 0 : index
    %swap3A_240 = vector.load %arg6[%swap3A_237, %swap3A_238, %swap3A_239] : memref<128x16x1024xf32, #tpu.memory_space<vmem>>, vector<1x16x1024xf32>
    %swap3A_241 = vector.shape_cast %swap3A_240 : vector<1x16x1024xf32> to vector<16x1024xf32>
    %swap3A_242 = vector.shape_cast %add3A_236 : vector<16x1024xf32> to vector<1x16x1024xf32>
    tpu.vector_store %arg6[%swap3A_237, %swap3A_238, %swap3A_239], %swap3A_242 {strides = array<i32>} : memref<128x16x1024xf32, #tpu.memory_space<vmem>>, vector<1x16x1024xf32>,
    %slice3A_243 = vector.extract_strided_slice %get3A_12 {offsets = [0, 23], sizes = [16, 1], strides = [1, 1]} : vector<16x128xf32> to vector<16x1xf32>
    %add3A_244 = vector.broadcast %slice3A_243 : vector<16x1xf32> to vector<16x1024xf32>
    %add3A_245 = vector.broadcast %get3A_15 : vector<1x1024xf32> to vector<16x1024xf32>
    %add3A_246 = arith.addf %add3A_244, %add3A_245 : vector<16x1024xf32>
    %swap3A_247 = arith.constant 23 : index
    %swap3A_248 = arith.constant 0 : index
    %swap3A_249 = arith.constant 0 : index
    %swap3A_250 = vector.load %arg6[%swap3A_247, %swap3A_248, %swap3A_249] : memref<128x16x1024xf32, #tpu.memory_space<vmem>>, vector<1x16x1024xf32>
    %swap3A_251 = vector.shape_cast %swap3A_250 : vector<1x16x1024xf32> to vector<16x1024xf32>
    %swap3A_252 = vector.shape_cast %add3A_246 : vector<16x1024xf32> to vector<1x16x1024xf32>
    tpu.vector_store %arg6[%swap3A_247, %swap3A_248, %swap3A_249], %swap3A_252 {strides = array<i32>} : memref<128x16x1024xf32, #tpu.memory_space<vmem>>, vector<1x16x1024xf32>,
    %slice3A_253 = vector.extract_strided_slice %get3A_12 {offsets = [0, 24], sizes = [16, 1], strides = [1, 1]} : vector<16x128xf32> to vector<16x1xf32>
    %add3A_254 = vector.broadcast %slice3A_253 : vector<16x1xf32> to vector<16x1024xf32>
    %add3A_255 = vector.broadcast %get3A_15 : vector<1x1024xf32> to vector<16x1024xf32>
    %add3A_256 = arith.addf %add3A_254, %add3A_255 : vector<16x1024xf32>
    %swap3A_257 = arith.constant 24 : index
    %swap3A_258 = arith.constant 0 : index
    %swap3A_259 = arith.constant 0 : index
    %swap3A_260 = vector.load %arg6[%swap3A_257, %swap3A_258, %swap3A_259] : memref<128x16x1024xf32, #tpu.memory_space<vmem>>, vector<1x16x1024xf32>
    %swap3A_261 = vector.shape_cast %swap3A_260 : vector<1x16x1024xf32> to vector<16x1024xf32>
    %swap3A_262 = vector.shape_cast %add3A_256 : vector<16x1024xf32> to vector<1x16x1024xf32>
    tpu.vector_store %arg6[%swap3A_257, %swap3A_258, %swap3A_259], %swap3A_262 {strides = array<i32>} : memref<128x16x1024xf32, #tpu.memory_space<vmem>>, vector<1x16x1024xf32>,
    %slice3A_263 = vector.extract_strided_slice %get3A_12 {offsets = [0, 25], sizes = [16, 1], strides = [1, 1]} : vector<16x128xf32> to vector<16x1xf32>
    %add3A_264 = vector.broadcast %slice3A_263 : vector<16x1xf32> to vector<16x1024xf32>
    %add3A_265 = vector.broadcast %get3A_15 : vector<1x1024xf32> to vector<16x1024xf32>
    %add3A_266 = arith.addf %add3A_264, %add3A_265 : vector<16x1024xf32>
    %swap3A_267 = arith.constant 25 : index
    %swap3A_268 = arith.constant 0 : index
    %swap3A_269 = arith.constant 0 : index
    %swap3A_270 = vector.load %arg6[%swap3A_267, %swap3A_268, %swap3A_269] : memref<128x16x1024xf32, #tpu.memory_space<vmem>>, vector<1x16x1024xf32>
    %swap3A_271 = vector.shape_cast %swap3A_270 : vector<1x16x1024xf32> to vector<16x1024xf32>
    %swap3A_272 = vector.shape_cast %add3A_266 : vector<16x1024xf32> to vector<1x16x1024xf32>
    tpu.vector_store %arg6[%swap3A_267, %swap3A_268, %swap3A_269], %swap3A_272 {strides = array<i32>} : memref<128x16x1024xf32, #tpu.memory_space<vmem>>, vector<1x16x1024xf32>,
    %slice3A_273 = vector.extract_strided_slice %get3A_12 {offsets = [0, 26], sizes = [16, 1], strides = [1, 1]} : vector<16x128xf32> to vector<16x1xf32>
    %add3A_274 = vector.broadcast %slice3A_273 : vector<16x1xf32> to vector<16x1024xf32>
    %add3A_275 = vector.broadcast %get3A_15 : vector<1x1024xf32> to vector<16x1024xf32>
    %add3A_276 = arith.addf %add3A_274, %add3A_275 : vector<16x1024xf32>
    %swap3A_277 = arith.constant 26 : index
    %swap3A_278 = arith.constant 0 : index
    %swap3A_279 = arith.constant 0 : index
    %swap3A_280 = vector.load %arg6[%swap3A_277, %swap3A_278, %swap3A_279] : memref<128x16x1024xf32, #tpu.memory_space<vmem>>, vector<1x16x1024xf32>
    %swap3A_281 = vector.shape_cast %swap3A_280 : vector<1x16x1024xf32> to vector<16x1024xf32>
    %swap3A_282 = vector.shape_cast %add3A_276 : vector<16x1024xf32> to vector<1x16x1024xf32>
    tpu.vector_store %arg6[%swap3A_277, %swap3A_278, %swap3A_279], %swap3A_282 {strides = array<i32>} : memref<128x16x1024xf32, #tpu.memory_space<vmem>>, vector<1x16x1024xf32>,
    %slice3A_283 = vector.extract_strided_slice %get3A_12 {offsets = [0, 27], sizes = [16, 1], strides = [1, 1]} : vector<16x128xf32> to vector<16x1xf32>
    %add3A_284 = vector.broadcast %slice3A_283 : vector<16x1xf32> to vector<16x1024xf32>
    %add3A_285 = vector.broadcast %get3A_15 : vector<1x1024xf32> to vector<16x1024xf32>
    %add3A_286 = arith.addf %add3A_284, %add3A_285 : vector<16x1024xf32>
    %swap3A_287 = arith.constant 27 : index
    %swap3A_288 = arith.constant 0 : index
    %swap3A_289 = arith.constant 0 : index
    %swap3A_290 = vector.load %arg6[%swap3A_287, %swap3A_288, %swap3A_289] : memref<128x16x1024xf32, #tpu.memory_space<vmem>>, vector<1x16x1024xf32>
    %swap3A_291 = vector.shape_cast %swap3A_290 : vector<1x16x1024xf32> to vector<16x1024xf32>
    %swap3A_292 = vector.shape_cast %add3A_286 : vector<16x1024xf32> to vector<1x16x1024xf32>
    tpu.vector_store %arg6[%swap3A_287, %swap3A_288, %swap3A_289], %swap3A_292 {strides = array<i32>} : memref<128x16x1024xf32, #tpu.memory_space<vmem>>, vector<1x16x1024xf32>,
    %slice3A_293 = vector.extract_strided_slice %get3A_12 {offsets = [0, 28], sizes = [16, 1], strides = [1, 1]} : vector<16x128xf32> to vector<16x1xf32>
    %add3A_294 = vector.broadcast %slice3A_293 : vector<16x1xf32> to vector<16x1024xf32>
    %add3A_295 = vector.broadcast %get3A_15 : vector<1x1024xf32> to vector<16x1024xf32>
    %add3A_296 = arith.addf %add3A_294, %add3A_295 : vector<16x1024xf32>
    %swap3A_297 = arith.constant 28 : index
    %swap3A_298 = arith.constant 0 : index
    %swap3A_299 = arith.constant 0 : index
    %swap3A_300 = vector.load %arg6[%swap3A_297, %swap3A_298, %swap3A_299] : memref<128x16x1024xf32, #tpu.memory_space<vmem>>, vector<1x16x1024xf32>
    %swap3A_301 = vector.shape_cast %swap3A_300 : vector<1x16x1024xf32> to vector<16x1024xf32>
    %swap3A_302 = vector.shape_cast %add3A_296 : vector<16x1024xf32> to vector<1x16x1024xf32>
    tpu.vector_store %arg6[%swap3A_297, %swap3A_298, %swap3A_299], %swap3A_302 {strides = array<i32>} : memref<128x16x1024xf32, #tpu.memory_space<vmem>>, vector<1x16x1024xf32>,
    %slice3A_303 = vector.extract_strided_slice %get3A_12 {offsets = [0, 29], sizes = [16, 1], strides = [1, 1]} : vector<16x128xf32> to vector<16x1xf32>
    %add3A_304 = vector.broadcast %slice3A_303 : vector<16x1xf32> to vector<16x1024xf32>
    %add3A_305 = vector.broadcast %get3A_15 : vector<1x1024xf32> to vector<16x1024xf32>
    %add3A_306 = arith.addf %add3A_304, %add3A_305 : vector<16x1024xf32>
    %swap3A_307 = arith.constant 29 : index
    %swap3A_308 = arith.constant 0 : index
    %swap3A_309 = arith.constant 0 : index
    %swap3A_310 = vector.load %arg6[%swap3A_307, %swap3A_308, %swap3A_309] : memref<128x16x1024xf32, #tpu.memory_space<vmem>>, vector<1x16x1024xf32>
    %swap3A_311 = vector.shape_cast %swap3A_310 : vector<1x16x1024xf32> to vector<16x1024xf32>
    %swap3A_312 = vector.shape_cast %add3A_306 : vector<16x1024xf32> to vector<1x16x1024xf32>
    tpu.vector_store %arg6[%swap3A_307, %swap3A_308, %swap3A_309], %swap3A_312 {strides = array<i32>} : memref<128x16x1024xf32, #tpu.memory_space<vmem>>, vector<1x16x1024xf32>,
    %slice3A_313 = vector.extract_strided_slice %get3A_12 {offsets = [0, 30], sizes = [16, 1], strides = [1, 1]} : vector<16x128xf32> to vector<16x1xf32>
    %add3A_314 = vector.broadcast %slice3A_313 : vector<16x1xf32> to vector<16x1024xf32>
    %add3A_315 = vector.broadcast %get3A_15 : vector<1x1024xf32> to vector<16x1024xf32>
    %add3A_316 = arith.addf %add3A_314, %add3A_315 : vector<16x1024xf32>
    %swap3A_317 = arith.constant 30 : index
    %swap3A_318 = arith.constant 0 : index
    %swap3A_319 = arith.constant 0 : index
    %swap3A_320 = vector.load %arg6[%swap3A_317, %swap3A_318, %swap3A_319] : memref<128x16x1024xf32, #tpu.memory_space<vmem>>, vector<1x16x1024xf32>
    %swap3A_321 = vector.shape_cast %swap3A_320 : vector<1x16x1024xf32> to vector<16x1024xf32>
    %swap3A_322 = vector.shape_cast %add3A_316 : vector<16x1024xf32> to vector<1x16x1024xf32>
    tpu.vector_store %arg6[%swap3A_317, %swap3A_318, %swap3A_319], %swap3A_322 {strides = array<i32>} : memref<128x16x1024xf32, #tpu.memory_space<vmem>>, vector<1x16x1024xf32>,
    %slice3A_323 = vector.extract_strided_slice %get3A_12 {offsets = [0, 31], sizes = [16, 1], strides = [1, 1]} : vector<16x128xf32> to vector<16x1xf32>
    %add3A_324 = vector.broadcast %slice3A_323 : vector<16x1xf32> to vector<16x1024xf32>
    %add3A_325 = vector.broadcast %get3A_15 : vector<1x1024xf32> to vector<16x1024xf32>
    %add3A_326 = arith.addf %add3A_324, %add3A_325 : vector<16x1024xf32>
    %swap3A_327 = arith.constant 31 : index
    %swap3A_328 = arith.constant 0 : index
    %swap3A_329 = arith.constant 0 : index
    %swap3A_330 = vector.load %arg6[%swap3A_327, %swap3A_328, %swap3A_329] : memref<128x16x1024xf32, #tpu.memory_space<vmem>>, vector<1x16x1024xf32>
    %swap3A_331 = vector.shape_cast %swap3A_330 : vector<1x16x1024xf32> to vector<16x1024xf32>
    %swap3A_332 = vector.shape_cast %add3A_326 : vector<16x1024xf32> to vector<1x16x1024xf32>
    tpu.vector_store %arg6[%swap3A_327, %swap3A_328, %swap3A_329], %swap3A_332 {strides = array<i32>} : memref<128x16x1024xf32, #tpu.memory_space<vmem>>, vector<1x16x1024xf32>,
    %slice3A_333 = vector.extract_strided_slice %get3A_12 {offsets = [0, 32], sizes = [16, 1], strides = [1, 1]} : vector<16x128xf32> to vector<16x1xf32>
    %add3A_334 = vector.broadcast %slice3A_333 : vector<16x1xf32> to vector<16x1024xf32>
    %add3A_335 = vector.broadcast %get3A_15 : vector<1x1024xf32> to vector<16x1024xf32>
    %add3A_336 = arith.addf %add3A_334, %add3A_335 : vector<16x1024xf32>
    %swap3A_337 = arith.constant 32 : index
    %swap3A_338 = arith.constant 0 : index
    %swap3A_339 = arith.constant 0 : index
    %swap3A_340 = vector.load %arg6[%swap3A_337, %swap3A_338, %swap3A_339] : memref<128x16x1024xf32, #tpu.memory_space<vmem>>, vector<1x16x1024xf32>
    %swap3A_341 = vector.shape_cast %swap3A_340 : vector<1x16x1024xf32> to vector<16x1024xf32>
    %swap3A_342 = vector.shape_cast %add3A_336 : vector<16x1024xf32> to vector<1x16x1024xf32>
    tpu.vector_store %arg6[%swap3A_337, %swap3A_338, %swap3A_339], %swap3A_342 {strides = array<i32>} : memref<128x16x1024xf32, #tpu.memory_space<vmem>>, vector<1x16x1024xf32>,
    %slice3A_343 = vector.extract_strided_slice %get3A_12 {offsets = [0, 33], sizes = [16, 1], strides = [1, 1]} : vector<16x128xf32> to vector<16x1xf32>
    %add3A_344 = vector.broadcast %slice3A_343 : vector<16x1xf32> to vector<16x1024xf32>
    %add3A_345 = vector.broadcast %get3A_15 : vector<1x1024xf32> to vector<16x1024xf32>
    %add3A_346 = arith.addf %add3A_344, %add3A_345 : vector<16x1024xf32>
    %swap3A_347 = arith.constant 33 : index
    %swap3A_348 = arith.constant 0 : index
    %swap3A_349 = arith.constant 0 : index
    %swap3A_350 = vector.load %arg6[%swap3A_347, %swap3A_348, %swap3A_349] : memref<128x16x1024xf32, #tpu.memory_space<vmem>>, vector<1x16x1024xf32>
    %swap3A_351 = vector.shape_cast %swap3A_350 : vector<1x16x1024xf32> to vector<16x1024xf32>
    %swap3A_352 = vector.shape_cast %add3A_346 : vector<16x1024xf32> to vector<1x16x1024xf32>
    tpu.vector_store %arg6[%swap3A_347, %swap3A_348, %swap3A_349], %swap3A_352 {strides = array<i32>} : memref<128x16x1024xf32, #tpu.memory_space<vmem>>, vector<1x16x1024xf32>,
    %slice3A_353 = vector.extract_strided_slice %get3A_12 {offsets = [0, 34], sizes = [16, 1], strides = [1, 1]} : vector<16x128xf32> to vector<16x1xf32>
    %add3A_354 = vector.broadcast %slice3A_353 : vector<16x1xf32> to vector<16x1024xf32>
    %add3A_355 = vector.broadcast %get3A_15 : vector<1x1024xf32> to vector<16x1024xf32>
    %add3A_356 = arith.addf %add3A_354, %add3A_355 : vector<16x1024xf32>
    %swap3A_357 = arith.constant 34 : index
    %swap3A_358 = arith.constant 0 : index
    %swap3A_359 = arith.constant 0 : index
    %swap3A_360 = vector.load %arg6[%swap3A_357, %swap3A_358, %swap3A_359] : memref<128x16x1024xf32, #tpu.memory_space<vmem>>, vector<1x16x1024xf32>
    %swap3A_361 = vector.shape_cast %swap3A_360 : vector<1x16x1024xf32> to vector<16x1024xf32>
    %swap3A_362 = vector.shape_cast %add3A_356 : vector<16x1024xf32> to vector<1x16x1024xf32>
    tpu.vector_store %arg6[%swap3A_357, %swap3A_358, %swap3A_359], %swap3A_362 {strides = array<i32>} : memref<128x16x1024xf32, #tpu.memory_space<vmem>>, vector<1x16x1024xf32>,
    %slice3A_363 = vector.extract_strided_slice %get3A_12 {offsets = [0, 35], sizes = [16, 1], strides = [1, 1]} : vector<16x128xf32> to vector<16x1xf32>
    %add3A_364 = vector.broadcast %slice3A_363 : vector<16x1xf32> to vector<16x1024xf32>
    %add3A_365 = vector.broadcast %get3A_15 : vector<1x1024xf32> to vector<16x1024xf32>
    %add3A_366 = arith.addf %add3A_364, %add3A_365 : vector<16x1024xf32>
    %swap3A_367 = arith.constant 35 : index
    %swap3A_368 = arith.constant 0 : index
    %swap3A_369 = arith.constant 0 : index
    %swap3A_370 = vector.load %arg6[%swap3A_367, %swap3A_368, %swap3A_369] : memref<128x16x1024xf32, #tpu.memory_space<vmem>>, vector<1x16x1024xf32>
    %swap3A_371 = vector.shape_cast %swap3A_370 : vector<1x16x1024xf32> to vector<16x1024xf32>
    %swap3A_372 = vector.shape_cast %add3A_366 : vector<16x1024xf32> to vector<1x16x1024xf32>
    tpu.vector_store %arg6[%swap3A_367, %swap3A_368, %swap3A_369], %swap3A_372 {strides = array<i32>} : memref<128x16x1024xf32, #tpu.memory_space<vmem>>, vector<1x16x1024xf32>,
    %slice3A_373 = vector.extract_strided_slice %get3A_12 {offsets = [0, 36], sizes = [16, 1], strides = [1, 1]} : vector<16x128xf32> to vector<16x1xf32>
    %add3A_374 = vector.broadcast %slice3A_373 : vector<16x1xf32> to vector<16x1024xf32>
    %add3A_375 = vector.broadcast %get3A_15 : vector<1x1024xf32> to vector<16x1024xf32>
    %add3A_376 = arith.addf %add3A_374, %add3A_375 : vector<16x1024xf32>
    %swap3A_377 = arith.constant 36 : index
    %swap3A_378 = arith.constant 0 : index
    %swap3A_379 = arith.constant 0 : index
    %swap3A_380 = vector.load %arg6[%swap3A_377, %swap3A_378, %swap3A_379] : memref<128x16x1024xf32, #tpu.memory_space<vmem>>, vector<1x16x1024xf32>
    %swap3A_381 = vector.shape_cast %swap3A_380 : vector<1x16x1024xf32> to vector<16x1024xf32>
    %swap3A_382 = vector.shape_cast %add3A_376 : vector<16x1024xf32> to vector<1x16x1024xf32>
    tpu.vector_store %arg6[%swap3A_377, %swap3A_378, %swap3A_379], %swap3A_382 {strides = array<i32>} : memref<128x16x1024xf32, #tpu.memory_space<vmem>>, vector<1x16x1024xf32>,
    %slice3A_383 = vector.extract_strided_slice %get3A_12 {offsets = [0, 37], sizes = [16, 1], strides = [1, 1]} : vector<16x128xf32> to vector<16x1xf32>
    %add3A_384 = vector.broadcast %slice3A_383 : vector<16x1xf32> to vector<16x1024xf32>
    %add3A_385 = vector.broadcast %get3A_15 : vector<1x1024xf32> to vector<16x1024xf32>
    %add3A_386 = arith.addf %add3A_384, %add3A_385 : vector<16x1024xf32>
    %swap3A_387 = arith.constant 37 : index
    %swap3A_388 = arith.constant 0 : index
    %swap3A_389 = arith.constant 0 : index
    %swap3A_390 = vector.load %arg6[%swap3A_387, %swap3A_388, %swap3A_389] : memref<128x16x1024xf32, #tpu.memory_space<vmem>>, vector<1x16x1024xf32>
    %swap3A_391 = vector.shape_cast %swap3A_390 : vector<1x16x1024xf32> to vector<16x1024xf32>
    %swap3A_392 = vector.shape_cast %add3A_386 : vector<16x1024xf32> to vector<1x16x1024xf32>
    tpu.vector_store %arg6[%swap3A_387, %swap3A_388, %swap3A_389], %swap3A_392 {strides = array<i32>} : memref<128x16x1024xf32, #tpu.memory_space<vmem>>, vector<1x16x1024xf32>,
    %slice3A_393 = vector.extract_strided_slice %get3A_12 {offsets = [0, 38], sizes = [16, 1], strides = [1, 1]} : vector<16x128xf32> to vector<16x1xf32>
    %add3A_394 = vector.broadcast %slice3A_393 : vector<16x1xf32> to vector<16x1024xf32>
    %add3A_395 = vector.broadcast %get3A_15 : vector<1x1024xf32> to vector<16x1024xf32>
    %add3A_396 = arith.addf %add3A_394, %add3A_395 : vector<16x1024xf32>
    %swap3A_397 = arith.constant 38 : index
    %swap3A_398 = arith.constant 0 : index
    %swap3A_399 = arith.constant 0 : index
    %swap3A_400 = vector.load %arg6[%swap3A_397, %swap3A_398, %swap3A_399] : memref<128x16x1024xf32, #tpu.memory_space<vmem>>, vector<1x16x1024xf32>
    %swap3A_401 = vector.shape_cast %swap3A_400 : vector<1x16x1024xf32> to vector<16x1024xf32>
    %swap3A_402 = vector.shape_cast %add3A_396 : vector<16x1024xf32> to vector<1x16x1024xf32>
    tpu.vector_store %arg6[%swap3A_397, %swap3A_398, %swap3A_399], %swap3A_402 {strides = array<i32>} : memref<128x16x1024xf32, #tpu.memory_space<vmem>>, vector<1x16x1024xf32>,
    %slice3A_403 = vector.extract_strided_slice %get3A_12 {offsets = [0, 39], sizes = [16, 1], strides = [1, 1]} : vector<16x128xf32> to vector<16x1xf32>
    %add3A_404 = vector.broadcast %slice3A_403 : vector<16x1xf32> to vector<16x1024xf32>
    %add3A_405 = vector.broadcast %get3A_15 : vector<1x1024xf32> to vector<16x1024xf32>
    %add3A_406 = arith.addf %add3A_404, %add3A_405 : vector<16x1024xf32>
    %swap3A_407 = arith.constant 39 : index
    %swap3A_408 = arith.constant 0 : index
    %swap3A_409 = arith.constant 0 : index
    %swap3A_410 = vector.load %arg6[%swap3A_407, %swap3A_408, %swap3A_409] : memref<128x16x1024xf32, #tpu.memory_space<vmem>>, vector<1x16x1024xf32>
    %swap3A_411 = vector.shape_cast %swap3A_410 : vector<1x16x1024xf32> to vector<16x1024xf32>
    %swap3A_412 = vector.shape_cast %add3A_406 : vector<16x1024xf32> to vector<1x16x1024xf32>
    tpu.vector_store %arg6[%swap3A_407, %swap3A_408, %swap3A_409], %swap3A_412 {strides = array<i32>} : memref<128x16x1024xf32, #tpu.memory_space<vmem>>, vector<1x16x1024xf32>,
    %slice3A_413 = vector.extract_strided_slice %get3A_12 {offsets = [0, 40], sizes = [16, 1], strides = [1, 1]} : vector<16x128xf32> to vector<16x1xf32>
    %add3A_414 = vector.broadcast %slice3A_413 : vector<16x1xf32> to vector<16x1024xf32>
    %add3A_415 = vector.broadcast %get3A_15 : vector<1x1024xf32> to vector<16x1024xf32>
    %add3A_416 = arith.addf %add3A_414, %add3A_415 : vector<16x1024xf32>
    %swap3A_417 = arith.constant 40 : index
    %swap3A_418 = arith.constant 0 : index
    %swap3A_419 = arith.constant 0 : index
    %swap3A_420 = vector.load %arg6[%swap3A_417, %swap3A_418, %swap3A_419] : memref<128x16x1024xf32, #tpu.memory_space<vmem>>, vector<1x16x1024xf32>
    %swap3A_421 = vector.shape_cast %swap3A_420 : vector<1x16x1024xf32> to vector<16x1024xf32>
    %swap3A_422 = vector.shape_cast %add3A_416 : vector<16x1024xf32> to vector<1x16x1024xf32>
    tpu.vector_store %arg6[%swap3A_417, %swap3A_418, %swap3A_419], %swap3A_422 {strides = array<i32>} : memref<128x16x1024xf32, #tpu.memory_space<vmem>>, vector<1x16x1024xf32>,
    %slice3A_423 = vector.extract_strided_slice %get3A_12 {offsets = [0, 41], sizes = [16, 1], strides = [1, 1]} : vector<16x128xf32> to vector<16x1xf32>
    %add3A_424 = vector.broadcast %slice3A_423 : vector<16x1xf32> to vector<16x1024xf32>
    %add3A_425 = vector.broadcast %get3A_15 : vector<1x1024xf32> to vector<16x1024xf32>
    %add3A_426 = arith.addf %add3A_424, %add3A_425 : vector<16x1024xf32>
    %swap3A_427 = arith.constant 41 : index
    %swap3A_428 = arith.constant 0 : index
    %swap3A_429 = arith.constant 0 : index
    %swap3A_430 = vector.load %arg6[%swap3A_427, %swap3A_428, %swap3A_429] : memref<128x16x1024xf32, #tpu.memory_space<vmem>>, vector<1x16x1024xf32>
    %swap3A_431 = vector.shape_cast %swap3A_430 : vector<1x16x1024xf32> to vector<16x1024xf32>
    %swap3A_432 = vector.shape_cast %add3A_426 : vector<16x1024xf32> to vector<1x16x1024xf32>
    tpu.vector_store %arg6[%swap3A_427, %swap3A_428, %swap3A_429], %swap3A_432 {strides = array<i32>} : memref<128x16x1024xf32, #tpu.memory_space<vmem>>, vector<1x16x1024xf32>,
    %slice3A_433 = vector.extract_strided_slice %get3A_12 {offsets = [0, 42], sizes = [16, 1], strides = [1, 1]} : vector<16x128xf32> to vector<16x1xf32>
    %add3A_434 = vector.broadcast %slice3A_433 : vector<16x1xf32> to vector<16x1024xf32>
    %add3A_435 = vector.broadcast %get3A_15 : vector<1x1024xf32> to vector<16x1024xf32>
    %add3A_436 = arith.addf %add3A_434, %add3A_435 : vector<16x1024xf32>
    %swap3A_437 = arith.constant 42 : index
    %swap3A_438 = arith.constant 0 : index
    %swap3A_439 = arith.constant 0 : index
    %swap3A_440 = vector.load %arg6[%swap3A_437, %swap3A_438, %swap3A_439] : memref<128x16x1024xf32, #tpu.memory_space<vmem>>, vector<1x16x1024xf32>
    %swap3A_441 = vector.shape_cast %swap3A_440 : vector<1x16x1024xf32> to vector<16x1024xf32>
    %swap3A_442 = vector.shape_cast %add3A_436 : vector<16x1024xf32> to vector<1x16x1024xf32>
    tpu.vector_store %arg6[%swap3A_437, %swap3A_438, %swap3A_439], %swap3A_442 {strides = array<i32>} : memref<128x16x1024xf32, #tpu.memory_space<vmem>>, vector<1x16x1024xf32>,
    %slice3A_443 = vector.extract_strided_slice %get3A_12 {offsets = [0, 43], sizes = [16, 1], strides = [1, 1]} : vector<16x128xf32> to vector<16x1xf32>
    %add3A_444 = vector.broadcast %slice3A_443 : vector<16x1xf32> to vector<16x1024xf32>
    %add3A_445 = vector.broadcast %get3A_15 : vector<1x1024xf32> to vector<16x1024xf32>
    %add3A_446 = arith.addf %add3A_444, %add3A_445 : vector<16x1024xf32>
    %swap3A_447 = arith.constant 43 : index
    %swap3A_448 = arith.constant 0 : index
    %swap3A_449 = arith.constant 0 : index
    %swap3A_450 = vector.load %arg6[%swap3A_447, %swap3A_448, %swap3A_449] : memref<128x16x1024xf32, #tpu.memory_space<vmem>>, vector<1x16x1024xf32>
    %swap3A_451 = vector.shape_cast %swap3A_450 : vector<1x16x1024xf32> to vector<16x1024xf32>
    %swap3A_452 = vector.shape_cast %add3A_446 : vector<16x1024xf32> to vector<1x16x1024xf32>
    tpu.vector_store %arg6[%swap3A_447, %swap3A_448, %swap3A_449], %swap3A_452 {strides = array<i32>} : memref<128x16x1024xf32, #tpu.memory_space<vmem>>, vector<1x16x1024xf32>,
    %slice3A_453 = vector.extract_strided_slice %get3A_12 {offsets = [0, 44], sizes = [16, 1], strides = [1, 1]} : vector<16x128xf32> to vector<16x1xf32>
    %add3A_454 = vector.broadcast %slice3A_453 : vector<16x1xf32> to vector<16x1024xf32>
    %add3A_455 = vector.broadcast %get3A_15 : vector<1x1024xf32> to vector<16x1024xf32>
    %add3A_456 = arith.addf %add3A_454, %add3A_455 : vector<16x1024xf32>
    %swap3A_457 = arith.constant 44 : index
    %swap3A_458 = arith.constant 0 : index
    %swap3A_459 = arith.constant 0 : index
    %swap3A_460 = vector.load %arg6[%swap3A_457, %swap3A_458, %swap3A_459] : memref<128x16x1024xf32, #tpu.memory_space<vmem>>, vector<1x16x1024xf32>
    %swap3A_461 = vector.shape_cast %swap3A_460 : vector<1x16x1024xf32> to vector<16x1024xf32>
    %swap3A_462 = vector.shape_cast %add3A_456 : vector<16x1024xf32> to vector<1x16x1024xf32>
    tpu.vector_store %arg6[%swap3A_457, %swap3A_458, %swap3A_459], %swap3A_462 {strides = array<i32>} : memref<128x16x1024xf32, #tpu.memory_space<vmem>>, vector<1x16x1024xf32>,
    %slice3A_463 = vector.extract_strided_slice %get3A_12 {offsets = [0, 45], sizes = [16, 1], strides = [1, 1]} : vector<16x128xf32> to vector<16x1xf32>
    %add3A_464 = vector.broadcast %slice3A_463 : vector<16x1xf32> to vector<16x1024xf32>
    %add3A_465 = vector.broadcast %get3A_15 : vector<1x1024xf32> to vector<16x1024xf32>
    %add3A_466 = arith.addf %add3A_464, %add3A_465 : vector<16x1024xf32>
    %swap3A_467 = arith.constant 45 : index
    %swap3A_468 = arith.constant 0 : index
    %swap3A_469 = arith.constant 0 : index
    %swap3A_470 = vector.load %arg6[%swap3A_467, %swap3A_468, %swap3A_469] : memref<128x16x1024xf32, #tpu.memory_space<vmem>>, vector<1x16x1024xf32>
    %swap3A_471 = vector.shape_cast %swap3A_470 : vector<1x16x1024xf32> to vector<16x1024xf32>
    %swap3A_472 = vector.shape_cast %add3A_466 : vector<16x1024xf32> to vector<1x16x1024xf32>
    tpu.vector_store %arg6[%swap3A_467, %swap3A_468, %swap3A_469], %swap3A_472 {strides = array<i32>} : memref<128x16x1024xf32, #tpu.memory_space<vmem>>, vector<1x16x1024xf32>,
    %slice3A_473 = vector.extract_strided_slice %get3A_12 {offsets = [0, 46], sizes = [16, 1], strides = [1, 1]} : vector<16x128xf32> to vector<16x1xf32>
    %add3A_474 = vector.broadcast %slice3A_473 : vector<16x1xf32> to vector<16x1024xf32>
    %add3A_475 = vector.broadcast %get3A_15 : vector<1x1024xf32> to vector<16x1024xf32>
    %add3A_476 = arith.addf %add3A_474, %add3A_475 : vector<16x1024xf32>
    %swap3A_477 = arith.constant 46 : index
    %swap3A_478 = arith.constant 0 : index
    %swap3A_479 = arith.constant 0 : index
    %swap3A_480 = vector.load %arg6[%swap3A_477, %swap3A_478, %swap3A_479] : memref<128x16x1024xf32, #tpu.memory_space<vmem>>, vector<1x16x1024xf32>
    %swap3A_481 = vector.shape_cast %swap3A_480 : vector<1x16x1024xf32> to vector<16x1024xf32>
    %swap3A_482 = vector.shape_cast %add3A_476 : vector<16x1024xf32> to vector<1x16x1024xf32>
    tpu.vector_store %arg6[%swap3A_477, %swap3A_478, %swap3A_479], %swap3A_482 {strides = array<i32>} : memref<128x16x1024xf32, #tpu.memory_space<vmem>>, vector<1x16x1024xf32>,
    %slice3A_483 = vector.extract_strided_slice %get3A_12 {offsets = [0, 47], sizes = [16, 1], strides = [1, 1]} : vector<16x128xf32> to vector<16x1xf32>
    %add3A_484 = vector.broadcast %slice3A_483 : vector<16x1xf32> to vector<16x1024xf32>
    %add3A_485 = vector.broadcast %get3A_15 : vector<1x1024xf32> to vector<16x1024xf32>
    %add3A_486 = arith.addf %add3A_484, %add3A_485 : vector<16x1024xf32>
    %swap3A_487 = arith.constant 47 : index
    %swap3A_488 = arith.constant 0 : index
    %swap3A_489 = arith.constant 0 : index
    %swap3A_490 = vector.load %arg6[%swap3A_487, %swap3A_488, %swap3A_489] : memref<128x16x1024xf32, #tpu.memory_space<vmem>>, vector<1x16x1024xf32>
    %swap3A_491 = vector.shape_cast %swap3A_490 : vector<1x16x1024xf32> to vector<16x1024xf32>
    %swap3A_492 = vector.shape_cast %add3A_486 : vector<16x1024xf32> to vector<1x16x1024xf32>
    tpu.vector_store %arg6[%swap3A_487, %swap3A_488, %swap3A_489], %swap3A_492 {strides = array<i32>} : memref<128x16x1024xf32, #tpu.memory_space<vmem>>, vector<1x16x1024xf32>,
    %slice3A_493 = vector.extract_strided_slice %get3A_12 {offsets = [0, 48], sizes = [16, 1], strides = [1, 1]} : vector<16x128xf32> to vector<16x1xf32>
    %add3A_494 = vector.broadcast %slice3A_493 : vector<16x1xf32> to vector<16x1024xf32>
    %add3A_495 = vector.broadcast %get3A_15 : vector<1x1024xf32> to vector<16x1024xf32>
    %add3A_496 = arith.addf %add3A_494, %add3A_495 : vector<16x1024xf32>
    %swap3A_497 = arith.constant 48 : index
    %swap3A_498 = arith.constant 0 : index
    %swap3A_499 = arith.constant 0 : index
    %swap3A_500 = vector.load %arg6[%swap3A_497, %swap3A_498, %swap3A_499] : memref<128x16x1024xf32, #tpu.memory_space<vmem>>, vector<1x16x1024xf32>
    %swap3A_501 = vector.shape_cast %swap3A_500 : vector<1x16x1024xf32> to vector<16x1024xf32>
    %swap3A_502 = vector.shape_cast %add3A_496 : vector<16x1024xf32> to vector<1x16x1024xf32>
    tpu.vector_store %arg6[%swap3A_497, %swap3A_498, %swap3A_499], %swap3A_502 {strides = array<i32>} : memref<128x16x1024xf32, #tpu.memory_space<vmem>>, vector<1x16x1024xf32>,
    %slice3A_503 = vector.extract_strided_slice %get3A_12 {offsets = [0, 49], sizes = [16, 1], strides = [1, 1]} : vector<16x128xf32> to vector<16x1xf32>
    %add3A_504 = vector.broadcast %slice3A_503 : vector<16x1xf32> to vector<16x1024xf32>
    %add3A_505 = vector.broadcast %get3A_15 : vector<1x1024xf32> to vector<16x1024xf32>
    %add3A_506 = arith.addf %add3A_504, %add3A_505 : vector<16x1024xf32>
    %swap3A_507 = arith.constant 49 : index
    %swap3A_508 = arith.constant 0 : index
    %swap3A_509 = arith.constant 0 : index
    %swap3A_510 = vector.load %arg6[%swap3A_507, %swap3A_508, %swap3A_509] : memref<128x16x1024xf32, #tpu.memory_space<vmem>>, vector<1x16x1024xf32>
    %swap3A_511 = vector.shape_cast %swap3A_510 : vector<1x16x1024xf32> to vector<16x1024xf32>
    %swap3A_512 = vector.shape_cast %add3A_506 : vector<16x1024xf32> to vector<1x16x1024xf32>
    tpu.vector_store %arg6[%swap3A_507, %swap3A_508, %swap3A_509], %swap3A_512 {strides = array<i32>} : memref<128x16x1024xf32, #tpu.memory_space<vmem>>, vector<1x16x1024xf32>,
    %slice3A_513 = vector.extract_strided_slice %get3A_12 {offsets = [0, 50], sizes = [16, 1], strides = [1, 1]} : vector<16x128xf32> to vector<16x1xf32>
    %add3A_514 = vector.broadcast %slice3A_513 : vector<16x1xf32> to vector<16x1024xf32>
    %add3A_515 = vector.broadcast %get3A_15 : vector<1x1024xf32> to vector<16x1024xf32>
    %add3A_516 = arith.addf %add3A_514, %add3A_515 : vector<16x1024xf32>
    %swap3A_517 = arith.constant 50 : index
    %swap3A_518 = arith.constant 0 : index
    %swap3A_519 = arith.constant 0 : index
    %swap3A_520 = vector.load %arg6[%swap3A_517, %swap3A_518, %swap3A_519] : memref<128x16x1024xf32, #tpu.memory_space<vmem>>, vector<1x16x1024xf32>
    %swap3A_521 = vector.shape_cast %swap3A_520 : vector<1x16x1024xf32> to vector<16x1024xf32>
    %swap3A_522 = vector.shape_cast %add3A_516 : vector<16x1024xf32> to vector<1x16x1024xf32>
    tpu.vector_store %arg6[%swap3A_517, %swap3A_518, %swap3A_519], %swap3A_522 {strides = array<i32>} : memref<128x16x1024xf32, #tpu.memory_space<vmem>>, vector<1x16x1024xf32>,
    %slice3A_523 = vector.extract_strided_slice %get3A_12 {offsets = [0, 51], sizes = [16, 1], strides = [1, 1]} : vector<16x128xf32> to vector<16x1xf32>
    %add3A_524 = vector.broadcast %slice3A_523 : vector<16x1xf32> to vector<16x1024xf32>
    %add3A_525 = vector.broadcast %get3A_15 : vector<1x1024xf32> to vector<16x1024xf32>
    %add3A_526 = arith.addf %add3A_524, %add3A_525 : vector<16x1024xf32>
    %swap3A_527 = arith.constant 51 : index
    %swap3A_528 = arith.constant 0 : index
    %swap3A_529 = arith.constant 0 : index
    %swap3A_530 = vector.load %arg6[%swap3A_527, %swap3A_528, %swap3A_529] : memref<128x16x1024xf32, #tpu.memory_space<vmem>>, vector<1x16x1024xf32>
    %swap3A_531 = vector.shape_cast %swap3A_530 : vector<1x16x1024xf32> to vector<16x1024xf32>
    %swap3A_532 = vector.shape_cast %add3A_526 : vector<16x1024xf32> to vector<1x16x1024xf32>
    tpu.vector_store %arg6[%swap3A_527, %swap3A_528, %swap3A_529], %swap3A_532 {strides = array<i32>} : memref<128x16x1024xf32, #tpu.memory_space<vmem>>, vector<1x16x1024xf32>,
    %slice3A_533 = vector.extract_strided_slice %get3A_12 {offsets = [0, 52], sizes = [16, 1], strides = [1, 1]} : vector<16x128xf32> to vector<16x1xf32>
    %add3A_534 = vector.broadcast %slice3A_533 : vector<16x1xf32> to vector<16x1024xf32>
    %add3A_535 = vector.broadcast %get3A_15 : vector<1x1024xf32> to vector<16x1024xf32>
    %add3A_536 = arith.addf %add3A_534, %add3A_535 : vector<16x1024xf32>
    %swap3A_537 = arith.constant 52 : index
    %swap3A_538 = arith.constant 0 : index
    %swap3A_539 = arith.constant 0 : index
    %swap3A_540 = vector.load %arg6[%swap3A_537, %swap3A_538, %swap3A_539] : memref<128x16x1024xf32, #tpu.memory_space<vmem>>, vector<1x16x1024xf32>
    %swap3A_541 = vector.shape_cast %swap3A_540 : vector<1x16x1024xf32> to vector<16x1024xf32>
    %swap3A_542 = vector.shape_cast %add3A_536 : vector<16x1024xf32> to vector<1x16x1024xf32>
    tpu.vector_store %arg6[%swap3A_537, %swap3A_538, %swap3A_539], %swap3A_542 {strides = array<i32>} : memref<128x16x1024xf32, #tpu.memory_space<vmem>>, vector<1x16x1024xf32>,
    %slice3A_543 = vector.extract_strided_slice %get3A_12 {offsets = [0, 53], sizes = [16, 1], strides = [1, 1]} : vector<16x128xf32> to vector<16x1xf32>
    %add3A_544 = vector.broadcast %slice3A_543 : vector<16x1xf32> to vector<16x1024xf32>
    %add3A_545 = vector.broadcast %get3A_15 : vector<1x1024xf32> to vector<16x1024xf32>
    %add3A_546 = arith.addf %add3A_544, %add3A_545 : vector<16x1024xf32>
    %swap3A_547 = arith.constant 53 : index
    %swap3A_548 = arith.constant 0 : index
    %swap3A_549 = arith.constant 0 : index
    %swap3A_550 = vector.load %arg6[%swap3A_547, %swap3A_548, %swap3A_549] : memref<128x16x1024xf32, #tpu.memory_space<vmem>>, vector<1x16x1024xf32>
    %swap3A_551 = vector.shape_cast %swap3A_550 : vector<1x16x1024xf32> to vector<16x1024xf32>
    %swap3A_552 = vector.shape_cast %add3A_546 : vector<16x1024xf32> to vector<1x16x1024xf32>
    tpu.vector_store %arg6[%swap3A_547, %swap3A_548, %swap3A_549], %swap3A_552 {strides = array<i32>} : memref<128x16x1024xf32, #tpu.memory_space<vmem>>, vector<1x16x1024xf32>,
    %slice3A_553 = vector.extract_strided_slice %get3A_12 {offsets = [0, 54], sizes = [16, 1], strides = [1, 1]} : vector<16x128xf32> to vector<16x1xf32>
    %add3A_554 = vector.broadcast %slice3A_553 : vector<16x1xf32> to vector<16x1024xf32>
    %add3A_555 = vector.broadcast %get3A_15 : vector<1x1024xf32> to vector<16x1024xf32>
    %add3A_556 = arith.addf %add3A_554, %add3A_555 : vector<16x1024xf32>
    %swap3A_557 = arith.constant 54 : index
    %swap3A_558 = arith.constant 0 : index
    %swap3A_559 = arith.constant 0 : index
    %swap3A_560 = vector.load %arg6[%swap3A_557, %swap3A_558, %swap3A_559] : memref<128x16x1024xf32, #tpu.memory_space<vmem>>, vector<1x16x1024xf32>
    %swap3A_561 = vector.shape_cast %swap3A_560 : vector<1x16x1024xf32> to vector<16x1024xf32>
    %swap3A_562 = vector.shape_cast %add3A_556 : vector<16x1024xf32> to vector<1x16x1024xf32>
    tpu.vector_store %arg6[%swap3A_557, %swap3A_558, %swap3A_559], %swap3A_562 {strides = array<i32>} : memref<128x16x1024xf32, #tpu.memory_space<vmem>>, vector<1x16x1024xf32>,
    %slice3A_563 = vector.extract_strided_slice %get3A_12 {offsets = [0, 55], sizes = [16, 1], strides = [1, 1]} : vector<16x128xf32> to vector<16x1xf32>
    %add3A_564 = vector.broadcast %slice3A_563 : vector<16x1xf32> to vector<16x1024xf32>
    %add3A_565 = vector.broadcast %get3A_15 : vector<1x1024xf32> to vector<16x1024xf32>
    %add3A_566 = arith.addf %add3A_564, %add3A_565 : vector<16x1024xf32>
    %swap3A_567 = arith.constant 55 : index
    %swap3A_568 = arith.constant 0 : index
    %swap3A_569 = arith.constant 0 : index
    %swap3A_570 = vector.load %arg6[%swap3A_567, %swap3A_568, %swap3A_569] : memref<128x16x1024xf32, #tpu.memory_space<vmem>>, vector<1x16x1024xf32>
    %swap3A_571 = vector.shape_cast %swap3A_570 : vector<1x16x1024xf32> to vector<16x1024xf32>
    %swap3A_572 = vector.shape_cast %add3A_566 : vector<16x1024xf32> to vector<1x16x1024xf32>
    tpu.vector_store %arg6[%swap3A_567, %swap3A_568, %swap3A_569], %swap3A_572 {strides = array<i32>} : memref<128x16x1024xf32, #tpu.memory_space<vmem>>, vector<1x16x1024xf32>,
    %slice3A_573 = vector.extract_strided_slice %get3A_12 {offsets = [0, 56], sizes = [16, 1], strides = [1, 1]} : vector<16x128xf32> to vector<16x1xf32>
    %add3A_574 = vector.broadcast %slice3A_573 : vector<16x1xf32> to vector<16x1024xf32>
    %add3A_575 = vector.broadcast %get3A_15 : vector<1x1024xf32> to vector<16x1024xf32>
    %add3A_576 = arith.addf %add3A_574, %add3A_575 : vector<16x1024xf32>
    %swap3A_577 = arith.constant 56 : index
    %swap3A_578 = arith.constant 0 : index
    %swap3A_579 = arith.constant 0 : index
    %swap3A_580 = vector.load %arg6[%swap3A_577, %swap3A_578, %swap3A_579] : memref<128x16x1024xf32, #tpu.memory_space<vmem>>, vector<1x16x1024xf32>
    %swap3A_581 = vector.shape_cast %swap3A_580 : vector<1x16x1024xf32> to vector<16x1024xf32>
    %swap3A_582 = vector.shape_cast %add3A_576 : vector<16x1024xf32> to vector<1x16x1024xf32>
    tpu.vector_store %arg6[%swap3A_577, %swap3A_578, %swap3A_579], %swap3A_582 {strides = array<i32>} : memref<128x16x1024xf32, #tpu.memory_space<vmem>>, vector<1x16x1024xf32>,
    %slice3A_583 = vector.extract_strided_slice %get3A_12 {offsets = [0, 57], sizes = [16, 1], strides = [1, 1]} : vector<16x128xf32> to vector<16x1xf32>
    %add3A_584 = vector.broadcast %slice3A_583 : vector<16x1xf32> to vector<16x1024xf32>
    %add3A_585 = vector.broadcast %get3A_15 : vector<1x1024xf32> to vector<16x1024xf32>
    %add3A_586 = arith.addf %add3A_584, %add3A_585 : vector<16x1024xf32>
    %swap3A_587 = arith.constant 57 : index
    %swap3A_588 = arith.constant 0 : index
    %swap3A_589 = arith.constant 0 : index
    %swap3A_590 = vector.load %arg6[%swap3A_587, %swap3A_588, %swap3A_589] : memref<128x16x1024xf32, #tpu.memory_space<vmem>>, vector<1x16x1024xf32>
    %swap3A_591 = vector.shape_cast %swap3A_590 : vector<1x16x1024xf32> to vector<16x1024xf32>
    %swap3A_592 = vector.shape_cast %add3A_586 : vector<16x1024xf32> to vector<1x16x1024xf32>
    tpu.vector_store %arg6[%swap3A_587, %swap3A_588, %swap3A_589], %swap3A_592 {strides = array<i32>} : memref<128x16x1024xf32, #tpu.memory_space<vmem>>, vector<1x16x1024xf32>,
    %slice3A_593 = vector.extract_strided_slice %get3A_12 {offsets = [0, 58], sizes = [16, 1], strides = [1, 1]} : vector<16x128xf32> to vector<16x1xf32>
    %add3A_594 = vector.broadcast %slice3A_593 : vector<16x1xf32> to vector<16x1024xf32>
    %add3A_595 = vector.broadcast %get3A_15 : vector<1x1024xf32> to vector<16x1024xf32>
    %add3A_596 = arith.addf %add3A_594, %add3A_595 : vector<16x1024xf32>
    %swap3A_597 = arith.constant 58 : index
    %swap3A_598 = arith.constant 0 : index
    %swap3A_599 = arith.constant 0 : index
    %swap3A_600 = vector.load %arg6[%swap3A_597, %swap3A_598, %swap3A_599] : memref<128x16x1024xf32, #tpu.memory_space<vmem>>, vector<1x16x1024xf32>
    %swap3A_601 = vector.shape_cast %swap3A_600 : vector<1x16x1024xf32> to vector<16x1024xf32>
    %swap3A_602 = vector.shape_cast %add3A_596 : vector<16x1024xf32> to vector<1x16x1024xf32>
    tpu.vector_store %arg6[%swap3A_597, %swap3A_598, %swap3A_599], %swap3A_602 {strides = array<i32>} : memref<128x16x1024xf32, #tpu.memory_space<vmem>>, vector<1x16x1024xf32>,
    %slice3A_603 = vector.extract_strided_slice %get3A_12 {offsets = [0, 59], sizes = [16, 1], strides = [1, 1]} : vector<16x128xf32> to vector<16x1xf32>
    %add3A_604 = vector.broadcast %slice3A_603 : vector<16x1xf32> to vector<16x1024xf32>
    %add3A_605 = vector.broadcast %get3A_15 : vector<1x1024xf32> to vector<16x1024xf32>
    %add3A_606 = arith.addf %add3A_604, %add3A_605 : vector<16x1024xf32>
    %swap3A_607 = arith.constant 59 : index
    %swap3A_608 = arith.constant 0 : index
    %swap3A_609 = arith.constant 0 : index
    %swap3A_610 = vector.load %arg6[%swap3A_607, %swap3A_608, %swap3A_609] : memref<128x16x1024xf32, #tpu.memory_space<vmem>>, vector<1x16x1024xf32>
    %swap3A_611 = vector.shape_cast %swap3A_610 : vector<1x16x1024xf32> to vector<16x1024xf32>
    %swap3A_612 = vector.shape_cast %add3A_606 : vector<16x1024xf32> to vector<1x16x1024xf32>
    tpu.vector_store %arg6[%swap3A_607, %swap3A_608, %swap3A_609], %swap3A_612 {strides = array<i32>} : memref<128x16x1024xf32, #tpu.memory_space<vmem>>, vector<1x16x1024xf32>,
    %slice3A_613 = vector.extract_strided_slice %get3A_12 {offsets = [0, 60], sizes = [16, 1], strides = [1, 1]} : vector<16x128xf32> to vector<16x1xf32>
    %add3A_614 = vector.broadcast %slice3A_613 : vector<16x1xf32> to vector<16x1024xf32>
    %add3A_615 = vector.broadcast %get3A_15 : vector<1x1024xf32> to vector<16x1024xf32>
    %add3A_616 = arith.addf %add3A_614, %add3A_615 : vector<16x1024xf32>
    %swap3A_617 = arith.constant 60 : index
    %swap3A_618 = arith.constant 0 : index
    %swap3A_619 = arith.constant 0 : index
    %swap3A_620 = vector.load %arg6[%swap3A_617, %swap3A_618, %swap3A_619] : memref<128x16x1024xf32, #tpu.memory_space<vmem>>, vector<1x16x1024xf32>
    %swap3A_621 = vector.shape_cast %swap3A_620 : vector<1x16x1024xf32> to vector<16x1024xf32>
    %swap3A_622 = vector.shape_cast %add3A_616 : vector<16x1024xf32> to vector<1x16x1024xf32>
    tpu.vector_store %arg6[%swap3A_617, %swap3A_618, %swap3A_619], %swap3A_622 {strides = array<i32>} : memref<128x16x1024xf32, #tpu.memory_space<vmem>>, vector<1x16x1024xf32>,
    %slice3A_623 = vector.extract_strided_slice %get3A_12 {offsets = [0, 61], sizes = [16, 1], strides = [1, 1]} : vector<16x128xf32> to vector<16x1xf32>
    %add3A_624 = vector.broadcast %slice3A_623 : vector<16x1xf32> to vector<16x1024xf32>
    %add3A_625 = vector.broadcast %get3A_15 : vector<1x1024xf32> to vector<16x1024xf32>
    %add3A_626 = arith.addf %add3A_624, %add3A_625 : vector<16x1024xf32>
    %swap3A_627 = arith.constant 61 : index
    %swap3A_628 = arith.constant 0 : index
    %swap3A_629 = arith.constant 0 : index
    %swap3A_630 = vector.load %arg6[%swap3A_627, %swap3A_628, %swap3A_629] : memref<128x16x1024xf32, #tpu.memory_space<vmem>>, vector<1x16x1024xf32>
    %swap3A_631 = vector.shape_cast %swap3A_630 : vector<1x16x1024xf32> to vector<16x1024xf32>
    %swap3A_632 = vector.shape_cast %add3A_626 : vector<16x1024xf32> to vector<1x16x1024xf32>
    tpu.vector_store %arg6[%swap3A_627, %swap3A_628, %swap3A_629], %swap3A_632 {strides = array<i32>} : memref<128x16x1024xf32, #tpu.memory_space<vmem>>, vector<1x16x1024xf32>,
    %slice3A_633 = vector.extract_strided_slice %get3A_12 {offsets = [0, 62], sizes = [16, 1], strides = [1, 1]} : vector<16x128xf32> to vector<16x1xf32>
    %add3A_634 = vector.broadcast %slice3A_633 : vector<16x1xf32> to vector<16x1024xf32>
    %add3A_635 = vector.broadcast %get3A_15 : vector<1x1024xf32> to vector<16x1024xf32>
    %add3A_636 = arith.addf %add3A_634, %add3A_635 : vector<16x1024xf32>
    %swap3A_637 = arith.constant 62 : index
    %swap3A_638 = arith.constant 0 : index
    %swap3A_639 = arith.constant 0 : index
    %swap3A_640 = vector.load %arg6[%swap3A_637, %swap3A_638, %swap3A_639] : memref<128x16x1024xf32, #tpu.memory_space<vmem>>, vector<1x16x1024xf32>
    %swap3A_641 = vector.shape_cast %swap3A_640 : vector<1x16x1024xf32> to vector<16x1024xf32>
    %swap3A_642 = vector.shape_cast %add3A_636 : vector<16x1024xf32> to vector<1x16x1024xf32>
    tpu.vector_store %arg6[%swap3A_637, %swap3A_638, %swap3A_639], %swap3A_642 {strides = array<i32>} : memref<128x16x1024xf32, #tpu.memory_space<vmem>>, vector<1x16x1024xf32>,
    %slice3A_643 = vector.extract_strided_slice %get3A_12 {offsets = [0, 63], sizes = [16, 1], strides = [1, 1]} : vector<16x128xf32> to vector<16x1xf32>
    %add3A_644 = vector.broadcast %slice3A_643 : vector<16x1xf32> to vector<16x1024xf32>
    %add3A_645 = vector.broadcast %get3A_15 : vector<1x1024xf32> to vector<16x1024xf32>
    %add3A_646 = arith.addf %add3A_644, %add3A_645 : vector<16x1024xf32>
    %swap3A_647 = arith.constant 63 : index
    %swap3A_648 = arith.constant 0 : index
    %swap3A_649 = arith.constant 0 : index
    %swap3A_650 = vector.load %arg6[%swap3A_647, %swap3A_648, %swap3A_649] : memref<128x16x1024xf32, #tpu.memory_space<vmem>>, vector<1x16x1024xf32>
    %swap3A_651 = vector.shape_cast %swap3A_650 : vector<1x16x1024xf32> to vector<16x1024xf32>
    %swap3A_652 = vector.shape_cast %add3A_646 : vector<16x1024xf32> to vector<1x16x1024xf32>
    tpu.vector_store %arg6[%swap3A_647, %swap3A_648, %swap3A_649], %swap3A_652 {strides = array<i32>} : memref<128x16x1024xf32, #tpu.memory_space<vmem>>, vector<1x16x1024xf32>,
    %slice3A_653 = vector.extract_strided_slice %get3A_12 {offsets = [0, 64], sizes = [16, 1], strides = [1, 1]} : vector<16x128xf32> to vector<16x1xf32>
    %add3A_654 = vector.broadcast %slice3A_653 : vector<16x1xf32> to vector<16x1024xf32>
    %add3A_655 = vector.broadcast %get3A_15 : vector<1x1024xf32> to vector<16x1024xf32>
    %add3A_656 = arith.addf %add3A_654, %add3A_655 : vector<16x1024xf32>
    %swap3A_657 = arith.constant 64 : index
    %swap3A_658 = arith.constant 0 : index
    %swap3A_659 = arith.constant 0 : index
    %swap3A_660 = vector.load %arg6[%swap3A_657, %swap3A_658, %swap3A_659] : memref<128x16x1024xf32, #tpu.memory_space<vmem>>, vector<1x16x1024xf32>
    %swap3A_661 = vector.shape_cast %swap3A_660 : vector<1x16x1024xf32> to vector<16x1024xf32>
    %swap3A_662 = vector.shape_cast %add3A_656 : vector<16x1024xf32> to vector<1x16x1024xf32>
    tpu.vector_store %arg6[%swap3A_657, %swap3A_658, %swap3A_659], %swap3A_662 {strides = array<i32>} : memref<128x16x1024xf32, #tpu.memory_space<vmem>>, vector<1x16x1024xf32>,
    %slice3A_663 = vector.extract_strided_slice %get3A_12 {offsets = [0, 65], sizes = [16, 1], strides = [1, 1]} : vector<16x128xf32> to vector<16x1xf32>
    %add3A_664 = vector.broadcast %slice3A_663 : vector<16x1xf32> to vector<16x1024xf32>
    %add3A_665 = vector.broadcast %get3A_15 : vector<1x1024xf32> to vector<16x1024xf32>
    %add3A_666 = arith.addf %add3A_664, %add3A_665 : vector<16x1024xf32>
    %swap3A_667 = arith.constant 65 : index
    %swap3A_668 = arith.constant 0 : index
    %swap3A_669 = arith.constant 0 : index
    %swap3A_670 = vector.load %arg6[%swap3A_667, %swap3A_668, %swap3A_669] : memref<128x16x1024xf32, #tpu.memory_space<vmem>>, vector<1x16x1024xf32>
    %swap3A_671 = vector.shape_cast %swap3A_670 : vector<1x16x1024xf32> to vector<16x1024xf32>
    %swap3A_672 = vector.shape_cast %add3A_666 : vector<16x1024xf32> to vector<1x16x1024xf32>
    tpu.vector_store %arg6[%swap3A_667, %swap3A_668, %swap3A_669], %swap3A_672 {strides = array<i32>} : memref<128x16x1024xf32, #tpu.memory_space<vmem>>, vector<1x16x1024xf32>,
    %slice3A_673 = vector.extract_strided_slice %get3A_12 {offsets = [0, 66], sizes = [16, 1], strides = [1, 1]} : vector<16x128xf32> to vector<16x1xf32>
    %add3A_674 = vector.broadcast %slice3A_673 : vector<16x1xf32> to vector<16x1024xf32>
    %add3A_675 = vector.broadcast %get3A_15 : vector<1x1024xf32> to vector<16x1024xf32>
    %add3A_676 = arith.addf %add3A_674, %add3A_675 : vector<16x1024xf32>
    %swap3A_677 = arith.constant 66 : index
    %swap3A_678 = arith.constant 0 : index
    %swap3A_679 = arith.constant 0 : index
    %swap3A_680 = vector.load %arg6[%swap3A_677, %swap3A_678, %swap3A_679] : memref<128x16x1024xf32, #tpu.memory_space<vmem>>, vector<1x16x1024xf32>
    %swap3A_681 = vector.shape_cast %swap3A_680 : vector<1x16x1024xf32> to vector<16x1024xf32>
    %swap3A_682 = vector.shape_cast %add3A_676 : vector<16x1024xf32> to vector<1x16x1024xf32>
    tpu.vector_store %arg6[%swap3A_677, %swap3A_678, %swap3A_679], %swap3A_682 {strides = array<i32>} : memref<128x16x1024xf32, #tpu.memory_space<vmem>>, vector<1x16x1024xf32>,
    %slice3A_683 = vector.extract_strided_slice %get3A_12 {offsets = [0, 67], sizes = [16, 1], strides = [1, 1]} : vector<16x128xf32> to vector<16x1xf32>
    %add3A_684 = vector.broadcast %slice3A_683 : vector<16x1xf32> to vector<16x1024xf32>
    %add3A_685 = vector.broadcast %get3A_15 : vector<1x1024xf32> to vector<16x1024xf32>
    %add3A_686 = arith.addf %add3A_684, %add3A_685 : vector<16x1024xf32>
    %swap3A_687 = arith.constant 67 : index
    %swap3A_688 = arith.constant 0 : index
    %swap3A_689 = arith.constant 0 : index
    %swap3A_690 = vector.load %arg6[%swap3A_687, %swap3A_688, %swap3A_689] : memref<128x16x1024xf32, #tpu.memory_space<vmem>>, vector<1x16x1024xf32>
    %swap3A_691 = vector.shape_cast %swap3A_690 : vector<1x16x1024xf32> to vector<16x1024xf32>
    %swap3A_692 = vector.shape_cast %add3A_686 : vector<16x1024xf32> to vector<1x16x1024xf32>
    tpu.vector_store %arg6[%swap3A_687, %swap3A_688, %swap3A_689], %swap3A_692 {strides = array<i32>} : memref<128x16x1024xf32, #tpu.memory_space<vmem>>, vector<1x16x1024xf32>,
    %slice3A_693 = vector.extract_strided_slice %get3A_12 {offsets = [0, 68], sizes = [16, 1], strides = [1, 1]} : vector<16x128xf32> to vector<16x1xf32>
    %add3A_694 = vector.broadcast %slice3A_693 : vector<16x1xf32> to vector<16x1024xf32>
    %add3A_695 = vector.broadcast %get3A_15 : vector<1x1024xf32> to vector<16x1024xf32>
    %add3A_696 = arith.addf %add3A_694, %add3A_695 : vector<16x1024xf32>
    %swap3A_697 = arith.constant 68 : index
    %swap3A_698 = arith.constant 0 : index
    %swap3A_699 = arith.constant 0 : index
    %swap3A_700 = vector.load %arg6[%swap3A_697, %swap3A_698, %swap3A_699] : memref<128x16x1024xf32, #tpu.memory_space<vmem>>, vector<1x16x1024xf32>
    %swap3A_701 = vector.shape_cast %swap3A_700 : vector<1x16x1024xf32> to vector<16x1024xf32>
    %swap3A_702 = vector.shape_cast %add3A_696 : vector<16x1024xf32> to vector<1x16x1024xf32>
    tpu.vector_store %arg6[%swap3A_697, %swap3A_698, %swap3A_699], %swap3A_702 {strides = array<i32>} : memref<128x16x1024xf32, #tpu.memory_space<vmem>>, vector<1x16x1024xf32>,
    %slice3A_703 = vector.extract_strided_slice %get3A_12 {offsets = [0, 69], sizes = [16, 1], strides = [1, 1]} : vector<16x128xf32> to vector<16x1xf32>
    %add3A_704 = vector.broadcast %slice3A_703 : vector<16x1xf32> to vector<16x1024xf32>
    %add3A_705 = vector.broadcast %get3A_15 : vector<1x1024xf32> to vector<16x1024xf32>
    %add3A_706 = arith.addf %add3A_704, %add3A_705 : vector<16x1024xf32>
    %swap3A_707 = arith.constant 69 : index
    %swap3A_708 = arith.constant 0 : index
    %swap3A_709 = arith.constant 0 : index
    %swap3A_710 = vector.load %arg6[%swap3A_707, %swap3A_708, %swap3A_709] : memref<128x16x1024xf32, #tpu.memory_space<vmem>>, vector<1x16x1024xf32>
    %swap3A_711 = vector.shape_cast %swap3A_710 : vector<1x16x1024xf32> to vector<16x1024xf32>
    %swap3A_712 = vector.shape_cast %add3A_706 : vector<16x1024xf32> to vector<1x16x1024xf32>
    tpu.vector_store %arg6[%swap3A_707, %swap3A_708, %swap3A_709], %swap3A_712 {strides = array<i32>} : memref<128x16x1024xf32, #tpu.memory_space<vmem>>, vector<1x16x1024xf32>,
    %slice3A_713 = vector.extract_strided_slice %get3A_12 {offsets = [0, 70], sizes = [16, 1], strides = [1, 1]} : vector<16x128xf32> to vector<16x1xf32>
    %add3A_714 = vector.broadcast %slice3A_713 : vector<16x1xf32> to vector<16x1024xf32>
    %add3A_715 = vector.broadcast %get3A_15 : vector<1x1024xf32> to vector<16x1024xf32>
    %add3A_716 = arith.addf %add3A_714, %add3A_715 : vector<16x1024xf32>
    %swap3A_717 = arith.constant 70 : index
    %swap3A_718 = arith.constant 0 : index
    %swap3A_719 = arith.constant 0 : index
    %swap3A_720 = vector.load %arg6[%swap3A_717, %swap3A_718, %swap3A_719] : memref<128x16x1024xf32, #tpu.memory_space<vmem>>, vector<1x16x1024xf32>
    %swap3A_721 = vector.shape_cast %swap3A_720 : vector<1x16x1024xf32> to vector<16x1024xf32>
    %swap3A_722 = vector.shape_cast %add3A_716 : vector<16x1024xf32> to vector<1x16x1024xf32>
    tpu.vector_store %arg6[%swap3A_717, %swap3A_718, %swap3A_719], %swap3A_722 {strides = array<i32>} : memref<128x16x1024xf32, #tpu.memory_space<vmem>>, vector<1x16x1024xf32>,
    %slice3A_723 = vector.extract_strided_slice %get3A_12 {offsets = [0, 71], sizes = [16, 1], strides = [1, 1]} : vector<16x128xf32> to vector<16x1xf32>
    %add3A_724 = vector.broadcast %slice3A_723 : vector<16x1xf32> to vector<16x1024xf32>
    %add3A_725 = vector.broadcast %get3A_15 : vector<1x1024xf32> to vector<16x1024xf32>
    %add3A_726 = arith.addf %add3A_724, %add3A_725 : vector<16x1024xf32>
    %swap3A_727 = arith.constant 71 : index
    %swap3A_728 = arith.constant 0 : index
    %swap3A_729 = arith.constant 0 : index
    %swap3A_730 = vector.load %arg6[%swap3A_727, %swap3A_728, %swap3A_729] : memref<128x16x1024xf32, #tpu.memory_space<vmem>>, vector<1x16x1024xf32>
    %swap3A_731 = vector.shape_cast %swap3A_730 : vector<1x16x1024xf32> to vector<16x1024xf32>
    %swap3A_732 = vector.shape_cast %add3A_726 : vector<16x1024xf32> to vector<1x16x1024xf32>
    tpu.vector_store %arg6[%swap3A_727, %swap3A_728, %swap3A_729], %swap3A_732 {strides = array<i32>} : memref<128x16x1024xf32, #tpu.memory_space<vmem>>, vector<1x16x1024xf32>,
    %slice3A_733 = vector.extract_strided_slice %get3A_12 {offsets = [0, 72], sizes = [16, 1], strides = [1, 1]} : vector<16x128xf32> to vector<16x1xf32>
    %add3A_734 = vector.broadcast %slice3A_733 : vector<16x1xf32> to vector<16x1024xf32>
    %add3A_735 = vector.broadcast %get3A_15 : vector<1x1024xf32> to vector<16x1024xf32>
    %add3A_736 = arith.addf %add3A_734, %add3A_735 : vector<16x1024xf32>
    %swap3A_737 = arith.constant 72 : index
    %swap3A_738 = arith.constant 0 : index
    %swap3A_739 = arith.constant 0 : index
    %swap3A_740 = vector.load %arg6[%swap3A_737, %swap3A_738, %swap3A_739] : memref<128x16x1024xf32, #tpu.memory_space<vmem>>, vector<1x16x1024xf32>
    %swap3A_741 = vector.shape_cast %swap3A_740 : vector<1x16x1024xf32> to vector<16x1024xf32>
    %swap3A_742 = vector.shape_cast %add3A_736 : vector<16x1024xf32> to vector<1x16x1024xf32>
    tpu.vector_store %arg6[%swap3A_737, %swap3A_738, %swap3A_739], %swap3A_742 {strides = array<i32>} : memref<128x16x1024xf32, #tpu.memory_space<vmem>>, vector<1x16x1024xf32>,
    %slice3A_743 = vector.extract_strided_slice %get3A_12 {offsets = [0, 73], sizes = [16, 1], strides = [1, 1]} : vector<16x128xf32> to vector<16x1xf32>
    %add3A_744 = vector.broadcast %slice3A_743 : vector<16x1xf32> to vector<16x1024xf32>
    %add3A_745 = vector.broadcast %get3A_15 : vector<1x1024xf32> to vector<16x1024xf32>
    %add3A_746 = arith.addf %add3A_744, %add3A_745 : vector<16x1024xf32>
    %swap3A_747 = arith.constant 73 : index
    %swap3A_748 = arith.constant 0 : index
    %swap3A_749 = arith.constant 0 : index
    %swap3A_750 = vector.load %arg6[%swap3A_747, %swap3A_748, %swap3A_749] : memref<128x16x1024xf32, #tpu.memory_space<vmem>>, vector<1x16x1024xf32>
    %swap3A_751 = vector.shape_cast %swap3A_750 : vector<1x16x1024xf32> to vector<16x1024xf32>
    %swap3A_752 = vector.shape_cast %add3A_746 : vector<16x1024xf32> to vector<1x16x1024xf32>
    tpu.vector_store %arg6[%swap3A_747, %swap3A_748, %swap3A_749], %swap3A_752 {strides = array<i32>} : memref<128x16x1024xf32, #tpu.memory_space<vmem>>, vector<1x16x1024xf32>,
    %slice3A_753 = vector.extract_strided_slice %get3A_12 {offsets = [0, 74], sizes = [16, 1], strides = [1, 1]} : vector<16x128xf32> to vector<16x1xf32>
    %add3A_754 = vector.broadcast %slice3A_753 : vector<16x1xf32> to vector<16x1024xf32>
    %add3A_755 = vector.broadcast %get3A_15 : vector<1x1024xf32> to vector<16x1024xf32>
    %add3A_756 = arith.addf %add3A_754, %add3A_755 : vector<16x1024xf32>
    %swap3A_757 = arith.constant 74 : index
    %swap3A_758 = arith.constant 0 : index
    %swap3A_759 = arith.constant 0 : index
    %swap3A_760 = vector.load %arg6[%swap3A_757, %swap3A_758, %swap3A_759] : memref<128x16x1024xf32, #tpu.memory_space<vmem>>, vector<1x16x1024xf32>
    %swap3A_761 = vector.shape_cast %swap3A_760 : vector<1x16x1024xf32> to vector<16x1024xf32>
    %swap3A_762 = vector.shape_cast %add3A_756 : vector<16x1024xf32> to vector<1x16x1024xf32>
    tpu.vector_store %arg6[%swap3A_757, %swap3A_758, %swap3A_759], %swap3A_762 {strides = array<i32>} : memref<128x16x1024xf32, #tpu.memory_space<vmem>>, vector<1x16x1024xf32>,
    %slice3A_763 = vector.extract_strided_slice %get3A_12 {offsets = [0, 75], sizes = [16, 1], strides = [1, 1]} : vector<16x128xf32> to vector<16x1xf32>
    %add3A_764 = vector.broadcast %slice3A_763 : vector<16x1xf32> to vector<16x1024xf32>
    %add3A_765 = vector.broadcast %get3A_15 : vector<1x1024xf32> to vector<16x1024xf32>
    %add3A_766 = arith.addf %add3A_764, %add3A_765 : vector<16x1024xf32>
    %swap3A_767 = arith.constant 75 : index
    %swap3A_768 = arith.constant 0 : index
    %swap3A_769 = arith.constant 0 : index
    %swap3A_770 = vector.load %arg6[%swap3A_767, %swap3A_768, %swap3A_769] : memref<128x16x1024xf32, #tpu.memory_space<vmem>>, vector<1x16x1024xf32>
    %swap3A_771 = vector.shape_cast %swap3A_770 : vector<1x16x1024xf32> to vector<16x1024xf32>
    %swap3A_772 = vector.shape_cast %add3A_766 : vector<16x1024xf32> to vector<1x16x1024xf32>
    tpu.vector_store %arg6[%swap3A_767, %swap3A_768, %swap3A_769], %swap3A_772 {strides = array<i32>} : memref<128x16x1024xf32, #tpu.memory_space<vmem>>, vector<1x16x1024xf32>,
    %slice3A_773 = vector.extract_strided_slice %get3A_12 {offsets = [0, 76], sizes = [16, 1], strides = [1, 1]} : vector<16x128xf32> to vector<16x1xf32>
    %add3A_774 = vector.broadcast %slice3A_773 : vector<16x1xf32> to vector<16x1024xf32>
    %add3A_775 = vector.broadcast %get3A_15 : vector<1x1024xf32> to vector<16x1024xf32>
    %add3A_776 = arith.addf %add3A_774, %add3A_775 : vector<16x1024xf32>
    %swap3A_777 = arith.constant 76 : index
    %swap3A_778 = arith.constant 0 : index
    %swap3A_779 = arith.constant 0 : index
    %swap3A_780 = vector.load %arg6[%swap3A_777, %swap3A_778, %swap3A_779] : memref<128x16x1024xf32, #tpu.memory_space<vmem>>, vector<1x16x1024xf32>
    %swap3A_781 = vector.shape_cast %swap3A_780 : vector<1x16x1024xf32> to vector<16x1024xf32>
    %swap3A_782 = vector.shape_cast %add3A_776 : vector<16x1024xf32> to vector<1x16x1024xf32>
    tpu.vector_store %arg6[%swap3A_777, %swap3A_778, %swap3A_779], %swap3A_782 {strides = array<i32>} : memref<128x16x1024xf32, #tpu.memory_space<vmem>>, vector<1x16x1024xf32>,
    %slice3A_783 = vector.extract_strided_slice %get3A_12 {offsets = [0, 77], sizes = [16, 1], strides = [1, 1]} : vector<16x128xf32> to vector<16x1xf32>
    %add3A_784 = vector.broadcast %slice3A_783 : vector<16x1xf32> to vector<16x1024xf32>
    %add3A_785 = vector.broadcast %get3A_15 : vector<1x1024xf32> to vector<16x1024xf32>
    %add3A_786 = arith.addf %add3A_784, %add3A_785 : vector<16x1024xf32>
    %swap3A_787 = arith.constant 77 : index
    %swap3A_788 = arith.constant 0 : index
    %swap3A_789 = arith.constant 0 : index
    %swap3A_790 = vector.load %arg6[%swap3A_787, %swap3A_788, %swap3A_789] : memref<128x16x1024xf32, #tpu.memory_space<vmem>>, vector<1x16x1024xf32>
    %swap3A_791 = vector.shape_cast %swap3A_790 : vector<1x16x1024xf32> to vector<16x1024xf32>
    %swap3A_792 = vector.shape_cast %add3A_786 : vector<16x1024xf32> to vector<1x16x1024xf32>
    tpu.vector_store %arg6[%swap3A_787, %swap3A_788, %swap3A_789], %swap3A_792 {strides = array<i32>} : memref<128x16x1024xf32, #tpu.memory_space<vmem>>, vector<1x16x1024xf32>,
    %slice3A_793 = vector.extract_strided_slice %get3A_12 {offsets = [0, 78], sizes = [16, 1], strides = [1, 1]} : vector<16x128xf32> to vector<16x1xf32>
    %add3A_794 = vector.broadcast %slice3A_793 : vector<16x1xf32> to vector<16x1024xf32>
    %add3A_795 = vector.broadcast %get3A_15 : vector<1x1024xf32> to vector<16x1024xf32>
    %add3A_796 = arith.addf %add3A_794, %add3A_795 : vector<16x1024xf32>
    %swap3A_797 = arith.constant 78 : index
    %swap3A_798 = arith.constant 0 : index
    %swap3A_799 = arith.constant 0 : index
    %swap3A_800 = vector.load %arg6[%swap3A_797, %swap3A_798, %swap3A_799] : memref<128x16x1024xf32, #tpu.memory_space<vmem>>, vector<1x16x1024xf32>
    %swap3A_801 = vector.shape_cast %swap3A_800 : vector<1x16x1024xf32> to vector<16x1024xf32>
    %swap3A_802 = vector.shape_cast %add3A_796 : vector<16x1024xf32> to vector<1x16x1024xf32>
    tpu.vector_store %arg6[%swap3A_797, %swap3A_798, %swap3A_799], %swap3A_802 {strides = array<i32>} : memref<128x16x1024xf32, #tpu.memory_space<vmem>>, vector<1x16x1024xf32>,
    %slice3A_803 = vector.extract_strided_slice %get3A_12 {offsets = [0, 79], sizes = [16, 1], strides = [1, 1]} : vector<16x128xf32> to vector<16x1xf32>
    %add3A_804 = vector.broadcast %slice3A_803 : vector<16x1xf32> to vector<16x1024xf32>
    %add3A_805 = vector.broadcast %get3A_15 : vector<1x1024xf32> to vector<16x1024xf32>
    %add3A_806 = arith.addf %add3A_804, %add3A_805 : vector<16x1024xf32>
    %swap3A_807 = arith.constant 79 : index
    %swap3A_808 = arith.constant 0 : index
    %swap3A_809 = arith.constant 0 : index
    %swap3A_810 = vector.load %arg6[%swap3A_807, %swap3A_808, %swap3A_809] : memref<128x16x1024xf32, #tpu.memory_space<vmem>>, vector<1x16x1024xf32>
    %swap3A_811 = vector.shape_cast %swap3A_810 : vector<1x16x1024xf32> to vector<16x1024xf32>
    %swap3A_812 = vector.shape_cast %add3A_806 : vector<16x1024xf32> to vector<1x16x1024xf32>
    tpu.vector_store %arg6[%swap3A_807, %swap3A_808, %swap3A_809], %swap3A_812 {strides = array<i32>} : memref<128x16x1024xf32, #tpu.memory_space<vmem>>, vector<1x16x1024xf32>,
    %slice3A_813 = vector.extract_strided_slice %get3A_12 {offsets = [0, 80], sizes = [16, 1], strides = [1, 1]} : vector<16x128xf32> to vector<16x1xf32>
    %add3A_814 = vector.broadcast %slice3A_813 : vector<16x1xf32> to vector<16x1024xf32>
    %add3A_815 = vector.broadcast %get3A_15 : vector<1x1024xf32> to vector<16x1024xf32>
    %add3A_816 = arith.addf %add3A_814, %add3A_815 : vector<16x1024xf32>
    %swap3A_817 = arith.constant 80 : index
    %swap3A_818 = arith.constant 0 : index
    %swap3A_819 = arith.constant 0 : index
    %swap3A_820 = vector.load %arg6[%swap3A_817, %swap3A_818, %swap3A_819] : memref<128x16x1024xf32, #tpu.memory_space<vmem>>, vector<1x16x1024xf32>
    %swap3A_821 = vector.shape_cast %swap3A_820 : vector<1x16x1024xf32> to vector<16x1024xf32>
    %swap3A_822 = vector.shape_cast %add3A_816 : vector<16x1024xf32> to vector<1x16x1024xf32>
    tpu.vector_store %arg6[%swap3A_817, %swap3A_818, %swap3A_819], %swap3A_822 {strides = array<i32>} : memref<128x16x1024xf32, #tpu.memory_space<vmem>>, vector<1x16x1024xf32>,
    %slice3A_823 = vector.extract_strided_slice %get3A_12 {offsets = [0, 81], sizes = [16, 1], strides = [1, 1]} : vector<16x128xf32> to vector<16x1xf32>
    %add3A_824 = vector.broadcast %slice3A_823 : vector<16x1xf32> to vector<16x1024xf32>
    %add3A_825 = vector.broadcast %get3A_15 : vector<1x1024xf32> to vector<16x1024xf32>
    %add3A_826 = arith.addf %add3A_824, %add3A_825 : vector<16x1024xf32>
    %swap3A_827 = arith.constant 81 : index
    %swap3A_828 = arith.constant 0 : index
    %swap3A_829 = arith.constant 0 : index
    %swap3A_830 = vector.load %arg6[%swap3A_827, %swap3A_828, %swap3A_829] : memref<128x16x1024xf32, #tpu.memory_space<vmem>>, vector<1x16x1024xf32>
    %swap3A_831 = vector.shape_cast %swap3A_830 : vector<1x16x1024xf32> to vector<16x1024xf32>
    %swap3A_832 = vector.shape_cast %add3A_826 : vector<16x1024xf32> to vector<1x16x1024xf32>
    tpu.vector_store %arg6[%swap3A_827, %swap3A_828, %swap3A_829], %swap3A_832 {strides = array<i32>} : memref<128x16x1024xf32, #tpu.memory_space<vmem>>, vector<1x16x1024xf32>,
    %slice3A_833 = vector.extract_strided_slice %get3A_12 {offsets = [0, 82], sizes = [16, 1], strides = [1, 1]} : vector<16x128xf32> to vector<16x1xf32>
    %add3A_834 = vector.broadcast %slice3A_833 : vector<16x1xf32> to vector<16x1024xf32>
    %add3A_835 = vector.broadcast %get3A_15 : vector<1x1024xf32> to vector<16x1024xf32>
    %add3A_836 = arith.addf %add3A_834, %add3A_835 : vector<16x1024xf32>
    %swap3A_837 = arith.constant 82 : index
    %swap3A_838 = arith.constant 0 : index
    %swap3A_839 = arith.constant 0 : index
    %swap3A_840 = vector.load %arg6[%swap3A_837, %swap3A_838, %swap3A_839] : memref<128x16x1024xf32, #tpu.memory_space<vmem>>, vector<1x16x1024xf32>
    %swap3A_841 = vector.shape_cast %swap3A_840 : vector<1x16x1024xf32> to vector<16x1024xf32>
    %swap3A_842 = vector.shape_cast %add3A_836 : vector<16x1024xf32> to vector<1x16x1024xf32>
    tpu.vector_store %arg6[%swap3A_837, %swap3A_838, %swap3A_839], %swap3A_842 {strides = array<i32>} : memref<128x16x1024xf32, #tpu.memory_space<vmem>>, vector<1x16x1024xf32>,
    %slice3A_843 = vector.extract_strided_slice %get3A_12 {offsets = [0, 83], sizes = [16, 1], strides = [1, 1]} : vector<16x128xf32> to vector<16x1xf32>
    %add3A_844 = vector.broadcast %slice3A_843 : vector<16x1xf32> to vector<16x1024xf32>
    %add3A_845 = vector.broadcast %get3A_15 : vector<1x1024xf32> to vector<16x1024xf32>
    %add3A_846 = arith.addf %add3A_844, %add3A_845 : vector<16x1024xf32>
    %swap3A_847 = arith.constant 83 : index
    %swap3A_848 = arith.constant 0 : index
    %swap3A_849 = arith.constant 0 : index
    %swap3A_850 = vector.load %arg6[%swap3A_847, %swap3A_848, %swap3A_849] : memref<128x16x1024xf32, #tpu.memory_space<vmem>>, vector<1x16x1024xf32>
    %swap3A_851 = vector.shape_cast %swap3A_850 : vector<1x16x1024xf32> to vector<16x1024xf32>
    %swap3A_852 = vector.shape_cast %add3A_846 : vector<16x1024xf32> to vector<1x16x1024xf32>
    tpu.vector_store %arg6[%swap3A_847, %swap3A_848, %swap3A_849], %swap3A_852 {strides = array<i32>} : memref<128x16x1024xf32, #tpu.memory_space<vmem>>, vector<1x16x1024xf32>,
    %slice3A_853 = vector.extract_strided_slice %get3A_12 {offsets = [0, 84], sizes = [16, 1], strides = [1, 1]} : vector<16x128xf32> to vector<16x1xf32>
    %add3A_854 = vector.broadcast %slice3A_853 : vector<16x1xf32> to vector<16x1024xf32>
    %add3A_855 = vector.broadcast %get3A_15 : vector<1x1024xf32> to vector<16x1024xf32>
    %add3A_856 = arith.addf %add3A_854, %add3A_855 : vector<16x1024xf32>
    %swap3A_857 = arith.constant 84 : index
    %swap3A_858 = arith.constant 0 : index
    %swap3A_859 = arith.constant 0 : index
    %swap3A_860 = vector.load %arg6[%swap3A_857, %swap3A_858, %swap3A_859] : memref<128x16x1024xf32, #tpu.memory_space<vmem>>, vector<1x16x1024xf32>
    %swap3A_861 = vector.shape_cast %swap3A_860 : vector<1x16x1024xf32> to vector<16x1024xf32>
    %swap3A_862 = vector.shape_cast %add3A_856 : vector<16x1024xf32> to vector<1x16x1024xf32>
    tpu.vector_store %arg6[%swap3A_857, %swap3A_858, %swap3A_859], %swap3A_862 {strides = array<i32>} : memref<128x16x1024xf32, #tpu.memory_space<vmem>>, vector<1x16x1024xf32>,
    %slice3A_863 = vector.extract_strided_slice %get3A_12 {offsets = [0, 85], sizes = [16, 1], strides = [1, 1]} : vector<16x128xf32> to vector<16x1xf32>
    %add3A_864 = vector.broadcast %slice3A_863 : vector<16x1xf32> to vector<16x1024xf32>
    %add3A_865 = vector.broadcast %get3A_15 : vector<1x1024xf32> to vector<16x1024xf32>
    %add3A_866 = arith.addf %add3A_864, %add3A_865 : vector<16x1024xf32>
    %swap3A_867 = arith.constant 85 : index
    %swap3A_868 = arith.constant 0 : index
    %swap3A_869 = arith.constant 0 : index
    %swap3A_870 = vector.load %arg6[%swap3A_867, %swap3A_868, %swap3A_869] : memref<128x16x1024xf32, #tpu.memory_space<vmem>>, vector<1x16x1024xf32>
    %swap3A_871 = vector.shape_cast %swap3A_870 : vector<1x16x1024xf32> to vector<16x1024xf32>
    %swap3A_872 = vector.shape_cast %add3A_866 : vector<16x1024xf32> to vector<1x16x1024xf32>
    tpu.vector_store %arg6[%swap3A_867, %swap3A_868, %swap3A_869], %swap3A_872 {strides = array<i32>} : memref<128x16x1024xf32, #tpu.memory_space<vmem>>, vector<1x16x1024xf32>,
    %slice3A_873 = vector.extract_strided_slice %get3A_12 {offsets = [0, 86], sizes = [16, 1], strides = [1, 1]} : vector<16x128xf32> to vector<16x1xf32>
    %add3A_874 = vector.broadcast %slice3A_873 : vector<16x1xf32> to vector<16x1024xf32>
    %add3A_875 = vector.broadcast %get3A_15 : vector<1x1024xf32> to vector<16x1024xf32>
    %add3A_876 = arith.addf %add3A_874, %add3A_875 : vector<16x1024xf32>
    %swap3A_877 = arith.constant 86 : index
    %swap3A_878 = arith.constant 0 : index
    %swap3A_879 = arith.constant 0 : index
    %swap3A_880 = vector.load %arg6[%swap3A_877, %swap3A_878, %swap3A_879] : memref<128x16x1024xf32, #tpu.memory_space<vmem>>, vector<1x16x1024xf32>
    %swap3A_881 = vector.shape_cast %swap3A_880 : vector<1x16x1024xf32> to vector<16x1024xf32>
    %swap3A_882 = vector.shape_cast %add3A_876 : vector<16x1024xf32> to vector<1x16x1024xf32>
    tpu.vector_store %arg6[%swap3A_877, %swap3A_878, %swap3A_879], %swap3A_882 {strides = array<i32>} : memref<128x16x1024xf32, #tpu.memory_space<vmem>>, vector<1x16x1024xf32>,
    %slice3A_883 = vector.extract_strided_slice %get3A_12 {offsets = [0, 87], sizes = [16, 1], strides = [1, 1]} : vector<16x128xf32> to vector<16x1xf32>
    %add3A_884 = vector.broadcast %slice3A_883 : vector<16x1xf32> to vector<16x1024xf32>
    %add3A_885 = vector.broadcast %get3A_15 : vector<1x1024xf32> to vector<16x1024xf32>
    %add3A_886 = arith.addf %add3A_884, %add3A_885 : vector<16x1024xf32>
    %swap3A_887 = arith.constant 87 : index
    %swap3A_888 = arith.constant 0 : index
    %swap3A_889 = arith.constant 0 : index
    %swap3A_890 = vector.load %arg6[%swap3A_887, %swap3A_888, %swap3A_889] : memref<128x16x1024xf32, #tpu.memory_space<vmem>>, vector<1x16x1024xf32>
    %swap3A_891 = vector.shape_cast %swap3A_890 : vector<1x16x1024xf32> to vector<16x1024xf32>
    %swap3A_892 = vector.shape_cast %add3A_886 : vector<16x1024xf32> to vector<1x16x1024xf32>
    tpu.vector_store %arg6[%swap3A_887, %swap3A_888, %swap3A_889], %swap3A_892 {strides = array<i32>} : memref<128x16x1024xf32, #tpu.memory_space<vmem>>, vector<1x16x1024xf32>,
    %slice3A_893 = vector.extract_strided_slice %get3A_12 {offsets = [0, 88], sizes = [16, 1], strides = [1, 1]} : vector<16x128xf32> to vector<16x1xf32>
    %add3A_894 = vector.broadcast %slice3A_893 : vector<16x1xf32> to vector<16x1024xf32>
    %add3A_895 = vector.broadcast %get3A_15 : vector<1x1024xf32> to vector<16x1024xf32>
    %add3A_896 = arith.addf %add3A_894, %add3A_895 : vector<16x1024xf32>
    %swap3A_897 = arith.constant 88 : index
    %swap3A_898 = arith.constant 0 : index
    %swap3A_899 = arith.constant 0 : index
    %swap3A_900 = vector.load %arg6[%swap3A_897, %swap3A_898, %swap3A_899] : memref<128x16x1024xf32, #tpu.memory_space<vmem>>, vector<1x16x1024xf32>
    %swap3A_901 = vector.shape_cast %swap3A_900 : vector<1x16x1024xf32> to vector<16x1024xf32>
    %swap3A_902 = vector.shape_cast %add3A_896 : vector<16x1024xf32> to vector<1x16x1024xf32>
    tpu.vector_store %arg6[%swap3A_897, %swap3A_898, %swap3A_899], %swap3A_902 {strides = array<i32>} : memref<128x16x1024xf32, #tpu.memory_space<vmem>>, vector<1x16x1024xf32>,
    %slice3A_903 = vector.extract_strided_slice %get3A_12 {offsets = [0, 89], sizes = [16, 1], strides = [1, 1]} : vector<16x128xf32> to vector<16x1xf32>
    %add3A_904 = vector.broadcast %slice3A_903 : vector<16x1xf32> to vector<16x1024xf32>
    %add3A_905 = vector.broadcast %get3A_15 : vector<1x1024xf32> to vector<16x1024xf32>
    %add3A_906 = arith.addf %add3A_904, %add3A_905 : vector<16x1024xf32>
    %swap3A_907 = arith.constant 89 : index
    %swap3A_908 = arith.constant 0 : index
    %swap3A_909 = arith.constant 0 : index
    %swap3A_910 = vector.load %arg6[%swap3A_907, %swap3A_908, %swap3A_909] : memref<128x16x1024xf32, #tpu.memory_space<vmem>>, vector<1x16x1024xf32>
    %swap3A_911 = vector.shape_cast %swap3A_910 : vector<1x16x1024xf32> to vector<16x1024xf32>
    %swap3A_912 = vector.shape_cast %add3A_906 : vector<16x1024xf32> to vector<1x16x1024xf32>
    tpu.vector_store %arg6[%swap3A_907, %swap3A_908, %swap3A_909], %swap3A_912 {strides = array<i32>} : memref<128x16x1024xf32, #tpu.memory_space<vmem>>, vector<1x16x1024xf32>,
    %slice3A_913 = vector.extract_strided_slice %get3A_12 {offsets = [0, 90], sizes = [16, 1], strides = [1, 1]} : vector<16x128xf32> to vector<16x1xf32>
    %add3A_914 = vector.broadcast %slice3A_913 : vector<16x1xf32> to vector<16x1024xf32>
    %add3A_915 = vector.broadcast %get3A_15 : vector<1x1024xf32> to vector<16x1024xf32>
    %add3A_916 = arith.addf %add3A_914, %add3A_915 : vector<16x1024xf32>
    %swap3A_917 = arith.constant 90 : index
    %swap3A_918 = arith.constant 0 : index
    %swap3A_919 = arith.constant 0 : index
    %swap3A_920 = vector.load %arg6[%swap3A_917, %swap3A_918, %swap3A_919] : memref<128x16x1024xf32, #tpu.memory_space<vmem>>, vector<1x16x1024xf32>
    %swap3A_921 = vector.shape_cast %swap3A_920 : vector<1x16x1024xf32> to vector<16x1024xf32>
    %swap3A_922 = vector.shape_cast %add3A_916 : vector<16x1024xf32> to vector<1x16x1024xf32>
    tpu.vector_store %arg6[%swap3A_917, %swap3A_918, %swap3A_919], %swap3A_922 {strides = array<i32>} : memref<128x16x1024xf32, #tpu.memory_space<vmem>>, vector<1x16x1024xf32>,
    %slice3A_923 = vector.extract_strided_slice %get3A_12 {offsets = [0, 91], sizes = [16, 1], strides = [1, 1]} : vector<16x128xf32> to vector<16x1xf32>
    %add3A_924 = vector.broadcast %slice3A_923 : vector<16x1xf32> to vector<16x1024xf32>
    %add3A_925 = vector.broadcast %get3A_15 : vector<1x1024xf32> to vector<16x1024xf32>
    %add3A_926 = arith.addf %add3A_924, %add3A_925 : vector<16x1024xf32>
    %swap3A_927 = arith.constant 91 : index
    %swap3A_928 = arith.constant 0 : index
    %swap3A_929 = arith.constant 0 : index
    %swap3A_930 = vector.load %arg6[%swap3A_927, %swap3A_928, %swap3A_929] : memref<128x16x1024xf32, #tpu.memory_space<vmem>>, vector<1x16x1024xf32>
    %swap3A_931 = vector.shape_cast %swap3A_930 : vector<1x16x1024xf32> to vector<16x1024xf32>
    %swap3A_932 = vector.shape_cast %add3A_926 : vector<16x1024xf32> to vector<1x16x1024xf32>
    tpu.vector_store %arg6[%swap3A_927, %swap3A_928, %swap3A_929], %swap3A_932 {strides = array<i32>} : memref<128x16x1024xf32, #tpu.memory_space<vmem>>, vector<1x16x1024xf32>,
    %slice3A_933 = vector.extract_strided_slice %get3A_12 {offsets = [0, 92], sizes = [16, 1], strides = [1, 1]} : vector<16x128xf32> to vector<16x1xf32>
    %add3A_934 = vector.broadcast %slice3A_933 : vector<16x1xf32> to vector<16x1024xf32>
    %add3A_935 = vector.broadcast %get3A_15 : vector<1x1024xf32> to vector<16x1024xf32>
    %add3A_936 = arith.addf %add3A_934, %add3A_935 : vector<16x1024xf32>
    %swap3A_937 = arith.constant 92 : index
    %swap3A_938 = arith.constant 0 : index
    %swap3A_939 = arith.constant 0 : index
    %swap3A_940 = vector.load %arg6[%swap3A_937, %swap3A_938, %swap3A_939] : memref<128x16x1024xf32, #tpu.memory_space<vmem>>, vector<1x16x1024xf32>
    %swap3A_941 = vector.shape_cast %swap3A_940 : vector<1x16x1024xf32> to vector<16x1024xf32>
    %swap3A_942 = vector.shape_cast %add3A_936 : vector<16x1024xf32> to vector<1x16x1024xf32>
    tpu.vector_store %arg6[%swap3A_937, %swap3A_938, %swap3A_939], %swap3A_942 {strides = array<i32>} : memref<128x16x1024xf32, #tpu.memory_space<vmem>>, vector<1x16x1024xf32>,
    %slice3A_943 = vector.extract_strided_slice %get3A_12 {offsets = [0, 93], sizes = [16, 1], strides = [1, 1]} : vector<16x128xf32> to vector<16x1xf32>
    %add3A_944 = vector.broadcast %slice3A_943 : vector<16x1xf32> to vector<16x1024xf32>
    %add3A_945 = vector.broadcast %get3A_15 : vector<1x1024xf32> to vector<16x1024xf32>
    %add3A_946 = arith.addf %add3A_944, %add3A_945 : vector<16x1024xf32>
    %swap3A_947 = arith.constant 93 : index
    %swap3A_948 = arith.constant 0 : index
    %swap3A_949 = arith.constant 0 : index
    %swap3A_950 = vector.load %arg6[%swap3A_947, %swap3A_948, %swap3A_949] : memref<128x16x1024xf32, #tpu.memory_space<vmem>>, vector<1x16x1024xf32>
    %swap3A_951 = vector.shape_cast %swap3A_950 : vector<1x16x1024xf32> to vector<16x1024xf32>
    %swap3A_952 = vector.shape_cast %add3A_946 : vector<16x1024xf32> to vector<1x16x1024xf32>
    tpu.vector_store %arg6[%swap3A_947, %swap3A_948, %swap3A_949], %swap3A_952 {strides = array<i32>} : memref<128x16x1024xf32, #tpu.memory_space<vmem>>, vector<1x16x1024xf32>,
    %slice3A_953 = vector.extract_strided_slice %get3A_12 {offsets = [0, 94], sizes = [16, 1], strides = [1, 1]} : vector<16x128xf32> to vector<16x1xf32>
    %add3A_954 = vector.broadcast %slice3A_953 : vector<16x1xf32> to vector<16x1024xf32>
    %add3A_955 = vector.broadcast %get3A_15 : vector<1x1024xf32> to vector<16x1024xf32>
    %add3A_956 = arith.addf %add3A_954, %add3A_955 : vector<16x1024xf32>
    %swap3A_957 = arith.constant 94 : index
    %swap3A_958 = arith.constant 0 : index
    %swap3A_959 = arith.constant 0 : index
    %swap3A_960 = vector.load %arg6[%swap3A_957, %swap3A_958, %swap3A_959] : memref<128x16x1024xf32, #tpu.memory_space<vmem>>, vector<1x16x1024xf32>
    %swap3A_961 = vector.shape_cast %swap3A_960 : vector<1x16x1024xf32> to vector<16x1024xf32>
    %swap3A_962 = vector.shape_cast %add3A_956 : vector<16x1024xf32> to vector<1x16x1024xf32>
    tpu.vector_store %arg6[%swap3A_957, %swap3A_958, %swap3A_959], %swap3A_962 {strides = array<i32>} : memref<128x16x1024xf32, #tpu.memory_space<vmem>>, vector<1x16x1024xf32>,
    %slice3A_963 = vector.extract_strided_slice %get3A_12 {offsets = [0, 95], sizes = [16, 1], strides = [1, 1]} : vector<16x128xf32> to vector<16x1xf32>
    %add3A_964 = vector.broadcast %slice3A_963 : vector<16x1xf32> to vector<16x1024xf32>
    %add3A_965 = vector.broadcast %get3A_15 : vector<1x1024xf32> to vector<16x1024xf32>
    %add3A_966 = arith.addf %add3A_964, %add3A_965 : vector<16x1024xf32>
    %swap3A_967 = arith.constant 95 : index
    %swap3A_968 = arith.constant 0 : index
    %swap3A_969 = arith.constant 0 : index
    %swap3A_970 = vector.load %arg6[%swap3A_967, %swap3A_968, %swap3A_969] : memref<128x16x1024xf32, #tpu.memory_space<vmem>>, vector<1x16x1024xf32>
    %swap3A_971 = vector.shape_cast %swap3A_970 : vector<1x16x1024xf32> to vector<16x1024xf32>
    %swap3A_972 = vector.shape_cast %add3A_966 : vector<16x1024xf32> to vector<1x16x1024xf32>
    tpu.vector_store %arg6[%swap3A_967, %swap3A_968, %swap3A_969], %swap3A_972 {strides = array<i32>} : memref<128x16x1024xf32, #tpu.memory_space<vmem>>, vector<1x16x1024xf32>,
    %slice3A_973 = vector.extract_strided_slice %get3A_12 {offsets = [0, 96], sizes = [16, 1], strides = [1, 1]} : vector<16x128xf32> to vector<16x1xf32>
    %add3A_974 = vector.broadcast %slice3A_973 : vector<16x1xf32> to vector<16x1024xf32>
    %add3A_975 = vector.broadcast %get3A_15 : vector<1x1024xf32> to vector<16x1024xf32>
    %add3A_976 = arith.addf %add3A_974, %add3A_975 : vector<16x1024xf32>
    %swap3A_977 = arith.constant 96 : index
    %swap3A_978 = arith.constant 0 : index
    %swap3A_979 = arith.constant 0 : index
    %swap3A_980 = vector.load %arg6[%swap3A_977, %swap3A_978, %swap3A_979] : memref<128x16x1024xf32, #tpu.memory_space<vmem>>, vector<1x16x1024xf32>
    %swap3A_981 = vector.shape_cast %swap3A_980 : vector<1x16x1024xf32> to vector<16x1024xf32>
    %swap3A_982 = vector.shape_cast %add3A_976 : vector<16x1024xf32> to vector<1x16x1024xf32>
    tpu.vector_store %arg6[%swap3A_977, %swap3A_978, %swap3A_979], %swap3A_982 {strides = array<i32>} : memref<128x16x1024xf32, #tpu.memory_space<vmem>>, vector<1x16x1024xf32>,
    %slice3A_983 = vector.extract_strided_slice %get3A_12 {offsets = [0, 97], sizes = [16, 1], strides = [1, 1]} : vector<16x128xf32> to vector<16x1xf32>
    %add3A_984 = vector.broadcast %slice3A_983 : vector<16x1xf32> to vector<16x1024xf32>
    %add3A_985 = vector.broadcast %get3A_15 : vector<1x1024xf32> to vector<16x1024xf32>
    %add3A_986 = arith.addf %add3A_984, %add3A_985 : vector<16x1024xf32>
    %swap3A_987 = arith.constant 97 : index
    %swap3A_988 = arith.constant 0 : index
    %swap3A_989 = arith.constant 0 : index
    %swap3A_990 = vector.load %arg6[%swap3A_987, %swap3A_988, %swap3A_989] : memref<128x16x1024xf32, #tpu.memory_space<vmem>>, vector<1x16x1024xf32>
    %swap3A_991 = vector.shape_cast %swap3A_990 : vector<1x16x1024xf32> to vector<16x1024xf32>
    %swap3A_992 = vector.shape_cast %add3A_986 : vector<16x1024xf32> to vector<1x16x1024xf32>
    tpu.vector_store %arg6[%swap3A_987, %swap3A_988, %swap3A_989], %swap3A_992 {strides = array<i32>} : memref<128x16x1024xf32, #tpu.memory_space<vmem>>, vector<1x16x1024xf32>,
    %slice3A_993 = vector.extract_strided_slice %get3A_12 {offsets = [0, 98], sizes = [16, 1], strides = [1, 1]} : vector<16x128xf32> to vector<16x1xf32>
    %add3A_994 = vector.broadcast %slice3A_993 : vector<16x1xf32> to vector<16x1024xf32>
    %add3A_995 = vector.broadcast %get3A_15 : vector<1x1024xf32> to vector<16x1024xf32>
    %add3A_996 = arith.addf %add3A_994, %add3A_995 : vector<16x1024xf32>
    %swap3A_997 = arith.constant 98 : index
    %swap3A_998 = arith.constant 0 : index
    %swap3A_999 = arith.constant 0 : index
    %swap3A_1000 = vector.load %arg6[%swap3A_997, %swap3A_998, %swap3A_999] : memref<128x16x1024xf32, #tpu.memory_space<vmem>>, vector<1x16x1024xf32>
    %swap3A_1001 = vector.shape_cast %swap3A_1000 : vector<1x16x1024xf32> to vector<16x1024xf32>
    %swap3A_1002 = vector.shape_cast %add3A_996 : vector<16x1024xf32> to vector<1x16x1024xf32>
    tpu.vector_store %arg6[%swap3A_997, %swap3A_998, %swap3A_999], %swap3A_1002 {strides = array<i32>} : memref<128x16x1024xf32, #tpu.memory_space<vmem>>, vector<1x16x1024xf32>,
    %slice3A_1003 = vector.extract_strided_slice %get3A_12 {offsets = [0, 99], sizes = [16, 1], strides = [1, 1]} : vector<16x128xf32> to vector<16x1xf32>
    %add3A_1004 = vector.broadcast %slice3A_1003 : vector<16x1xf32> to vector<16x1024xf32>
    %add3A_1005 = vector.broadcast %get3A_15 : vector<1x1024xf32> to vector<16x1024xf32>
    %add3A_1006 = arith.addf %add3A_1004, %add3A_1005 : vector<16x1024xf32>
    %swap3A_1007 = arith.constant 99 : index
    %swap3A_1008 = arith.constant 0 : index
    %swap3A_1009 = arith.constant 0 : index
    %swap3A_1010 = vector.load %arg6[%swap3A_1007, %swap3A_1008, %swap3A_1009] : memref<128x16x1024xf32, #tpu.memory_space<vmem>>, vector<1x16x1024xf32>
    %swap3A_1011 = vector.shape_cast %swap3A_1010 : vector<1x16x1024xf32> to vector<16x1024xf32>
    %swap3A_1012 = vector.shape_cast %add3A_1006 : vector<16x1024xf32> to vector<1x16x1024xf32>
    tpu.vector_store %arg6[%swap3A_1007, %swap3A_1008, %swap3A_1009], %swap3A_1012 {strides = array<i32>} : memref<128x16x1024xf32, #tpu.memory_space<vmem>>, vector<1x16x1024xf32>,
    %slice3A_1013 = vector.extract_strided_slice %get3A_12 {offsets = [0, 100], sizes = [16, 1], strides = [1, 1]} : vector<16x128xf32> to vector<16x1xf32>
    %add3A_1014 = vector.broadcast %slice3A_1013 : vector<16x1xf32> to vector<16x1024xf32>
    %add3A_1015 = vector.broadcast %get3A_15 : vector<1x1024xf32> to vector<16x1024xf32>
    %add3A_1016 = arith.addf %add3A_1014, %add3A_1015 : vector<16x1024xf32>
    %swap3A_1017 = arith.constant 100 : index
    %swap3A_1018 = arith.constant 0 : index
    %swap3A_1019 = arith.constant 0 : index
    %swap3A_1020 = vector.load %arg6[%swap3A_1017, %swap3A_1018, %swap3A_1019] : memref<128x16x1024xf32, #tpu.memory_space<vmem>>, vector<1x16x1024xf32>
    %swap3A_1021 = vector.shape_cast %swap3A_1020 : vector<1x16x1024xf32> to vector<16x1024xf32>
    %swap3A_1022 = vector.shape_cast %add3A_1016 : vector<16x1024xf32> to vector<1x16x1024xf32>
    tpu.vector_store %arg6[%swap3A_1017, %swap3A_1018, %swap3A_1019], %swap3A_1022 {strides = array<i32>} : memref<128x16x1024xf32, #tpu.memory_space<vmem>>, vector<1x16x1024xf32>,
    %slice3A_1023 = vector.extract_strided_slice %get3A_12 {offsets = [0, 101], sizes = [16, 1], strides = [1, 1]} : vector<16x128xf32> to vector<16x1xf32>
    %add3A_1024 = vector.broadcast %slice3A_1023 : vector<16x1xf32> to vector<16x1024xf32>
    %add3A_1025 = vector.broadcast %get3A_15 : vector<1x1024xf32> to vector<16x1024xf32>
    %add3A_1026 = arith.addf %add3A_1024, %add3A_1025 : vector<16x1024xf32>
    %swap3A_1027 = arith.constant 101 : index
    %swap3A_1028 = arith.constant 0 : index
    %swap3A_1029 = arith.constant 0 : index
    %swap3A_1030 = vector.load %arg6[%swap3A_1027, %swap3A_1028, %swap3A_1029] : memref<128x16x1024xf32, #tpu.memory_space<vmem>>, vector<1x16x1024xf32>
    %swap3A_1031 = vector.shape_cast %swap3A_1030 : vector<1x16x1024xf32> to vector<16x1024xf32>
    %swap3A_1032 = vector.shape_cast %add3A_1026 : vector<16x1024xf32> to vector<1x16x1024xf32>
    tpu.vector_store %arg6[%swap3A_1027, %swap3A_1028, %swap3A_1029], %swap3A_1032 {strides = array<i32>} : memref<128x16x1024xf32, #tpu.memory_space<vmem>>, vector<1x16x1024xf32>,
    %slice3A_1033 = vector.extract_strided_slice %get3A_12 {offsets = [0, 102], sizes = [16, 1], strides = [1, 1]} : vector<16x128xf32> to vector<16x1xf32>
    %add3A_1034 = vector.broadcast %slice3A_1033 : vector<16x1xf32> to vector<16x1024xf32>
    %add3A_1035 = vector.broadcast %get3A_15 : vector<1x1024xf32> to vector<16x1024xf32>
    %add3A_1036 = arith.addf %add3A_1034, %add3A_1035 : vector<16x1024xf32>
    %swap3A_1037 = arith.constant 102 : index
    %swap3A_1038 = arith.constant 0 : index
    %swap3A_1039 = arith.constant 0 : index
    %swap3A_1040 = vector.load %arg6[%swap3A_1037, %swap3A_1038, %swap3A_1039] : memref<128x16x1024xf32, #tpu.memory_space<vmem>>, vector<1x16x1024xf32>
    %swap3A_1041 = vector.shape_cast %swap3A_1040 : vector<1x16x1024xf32> to vector<16x1024xf32>
    %swap3A_1042 = vector.shape_cast %add3A_1036 : vector<16x1024xf32> to vector<1x16x1024xf32>
    tpu.vector_store %arg6[%swap3A_1037, %swap3A_1038, %swap3A_1039], %swap3A_1042 {strides = array<i32>} : memref<128x16x1024xf32, #tpu.memory_space<vmem>>, vector<1x16x1024xf32>,
    %slice3A_1043 = vector.extract_strided_slice %get3A_12 {offsets = [0, 103], sizes = [16, 1], strides = [1, 1]} : vector<16x128xf32> to vector<16x1xf32>
    %add3A_1044 = vector.broadcast %slice3A_1043 : vector<16x1xf32> to vector<16x1024xf32>
    %add3A_1045 = vector.broadcast %get3A_15 : vector<1x1024xf32> to vector<16x1024xf32>
    %add3A_1046 = arith.addf %add3A_1044, %add3A_1045 : vector<16x1024xf32>
    %swap3A_1047 = arith.constant 103 : index
    %swap3A_1048 = arith.constant 0 : index
    %swap3A_1049 = arith.constant 0 : index
    %swap3A_1050 = vector.load %arg6[%swap3A_1047, %swap3A_1048, %swap3A_1049] : memref<128x16x1024xf32, #tpu.memory_space<vmem>>, vector<1x16x1024xf32>
    %swap3A_1051 = vector.shape_cast %swap3A_1050 : vector<1x16x1024xf32> to vector<16x1024xf32>
    %swap3A_1052 = vector.shape_cast %add3A_1046 : vector<16x1024xf32> to vector<1x16x1024xf32>
    tpu.vector_store %arg6[%swap3A_1047, %swap3A_1048, %swap3A_1049], %swap3A_1052 {strides = array<i32>} : memref<128x16x1024xf32, #tpu.memory_space<vmem>>, vector<1x16x1024xf32>,
    %slice3A_1053 = vector.extract_strided_slice %get3A_12 {offsets = [0, 104], sizes = [16, 1], strides = [1, 1]} : vector<16x128xf32> to vector<16x1xf32>
    %add3A_1054 = vector.broadcast %slice3A_1053 : vector<16x1xf32> to vector<16x1024xf32>
    %add3A_1055 = vector.broadcast %get3A_15 : vector<1x1024xf32> to vector<16x1024xf32>
    %add3A_1056 = arith.addf %add3A_1054, %add3A_1055 : vector<16x1024xf32>
    %swap3A_1057 = arith.constant 104 : index
    %swap3A_1058 = arith.constant 0 : index
    %swap3A_1059 = arith.constant 0 : index
    %swap3A_1060 = vector.load %arg6[%swap3A_1057, %swap3A_1058, %swap3A_1059] : memref<128x16x1024xf32, #tpu.memory_space<vmem>>, vector<1x16x1024xf32>
    %swap3A_1061 = vector.shape_cast %swap3A_1060 : vector<1x16x1024xf32> to vector<16x1024xf32>
    %swap3A_1062 = vector.shape_cast %add3A_1056 : vector<16x1024xf32> to vector<1x16x1024xf32>
    tpu.vector_store %arg6[%swap3A_1057, %swap3A_1058, %swap3A_1059], %swap3A_1062 {strides = array<i32>} : memref<128x16x1024xf32, #tpu.memory_space<vmem>>, vector<1x16x1024xf32>,
    %slice3A_1063 = vector.extract_strided_slice %get3A_12 {offsets = [0, 105], sizes = [16, 1], strides = [1, 1]} : vector<16x128xf32> to vector<16x1xf32>
    %add3A_1064 = vector.broadcast %slice3A_1063 : vector<16x1xf32> to vector<16x1024xf32>
    %add3A_1065 = vector.broadcast %get3A_15 : vector<1x1024xf32> to vector<16x1024xf32>
    %add3A_1066 = arith.addf %add3A_1064, %add3A_1065 : vector<16x1024xf32>
    %swap3A_1067 = arith.constant 105 : index
    %swap3A_1068 = arith.constant 0 : index
    %swap3A_1069 = arith.constant 0 : index
    %swap3A_1070 = vector.load %arg6[%swap3A_1067, %swap3A_1068, %swap3A_1069] : memref<128x16x1024xf32, #tpu.memory_space<vmem>>, vector<1x16x1024xf32>
    %swap3A_1071 = vector.shape_cast %swap3A_1070 : vector<1x16x1024xf32> to vector<16x1024xf32>
    %swap3A_1072 = vector.shape_cast %add3A_1066 : vector<16x1024xf32> to vector<1x16x1024xf32>
    tpu.vector_store %arg6[%swap3A_1067, %swap3A_1068, %swap3A_1069], %swap3A_1072 {strides = array<i32>} : memref<128x16x1024xf32, #tpu.memory_space<vmem>>, vector<1x16x1024xf32>,
    %slice3A_1073 = vector.extract_strided_slice %get3A_12 {offsets = [0, 106], sizes = [16, 1], strides = [1, 1]} : vector<16x128xf32> to vector<16x1xf32>
    %add3A_1074 = vector.broadcast %slice3A_1073 : vector<16x1xf32> to vector<16x1024xf32>
    %add3A_1075 = vector.broadcast %get3A_15 : vector<1x1024xf32> to vector<16x1024xf32>
    %add3A_1076 = arith.addf %add3A_1074, %add3A_1075 : vector<16x1024xf32>
    %swap3A_1077 = arith.constant 106 : index
    %swap3A_1078 = arith.constant 0 : index
    %swap3A_1079 = arith.constant 0 : index
    %swap3A_1080 = vector.load %arg6[%swap3A_1077, %swap3A_1078, %swap3A_1079] : memref<128x16x1024xf32, #tpu.memory_space<vmem>>, vector<1x16x1024xf32>
    %swap3A_1081 = vector.shape_cast %swap3A_1080 : vector<1x16x1024xf32> to vector<16x1024xf32>
    %swap3A_1082 = vector.shape_cast %add3A_1076 : vector<16x1024xf32> to vector<1x16x1024xf32>
    tpu.vector_store %arg6[%swap3A_1077, %swap3A_1078, %swap3A_1079], %swap3A_1082 {strides = array<i32>} : memref<128x16x1024xf32, #tpu.memory_space<vmem>>, vector<1x16x1024xf32>,
    %slice3A_1083 = vector.extract_strided_slice %get3A_12 {offsets = [0, 107], sizes = [16, 1], strides = [1, 1]} : vector<16x128xf32> to vector<16x1xf32>
    %add3A_1084 = vector.broadcast %slice3A_1083 : vector<16x1xf32> to vector<16x1024xf32>
    %add3A_1085 = vector.broadcast %get3A_15 : vector<1x1024xf32> to vector<16x1024xf32>
    %add3A_1086 = arith.addf %add3A_1084, %add3A_1085 : vector<16x1024xf32>
    %swap3A_1087 = arith.constant 107 : index
    %swap3A_1088 = arith.constant 0 : index
    %swap3A_1089 = arith.constant 0 : index
    %swap3A_1090 = vector.load %arg6[%swap3A_1087, %swap3A_1088, %swap3A_1089] : memref<128x16x1024xf32, #tpu.memory_space<vmem>>, vector<1x16x1024xf32>
    %swap3A_1091 = vector.shape_cast %swap3A_1090 : vector<1x16x1024xf32> to vector<16x1024xf32>
    %swap3A_1092 = vector.shape_cast %add3A_1086 : vector<16x1024xf32> to vector<1x16x1024xf32>
    tpu.vector_store %arg6[%swap3A_1087, %swap3A_1088, %swap3A_1089], %swap3A_1092 {strides = array<i32>} : memref<128x16x1024xf32, #tpu.memory_space<vmem>>, vector<1x16x1024xf32>,
    %slice3A_1093 = vector.extract_strided_slice %get3A_12 {offsets = [0, 108], sizes = [16, 1], strides = [1, 1]} : vector<16x128xf32> to vector<16x1xf32>
    %add3A_1094 = vector.broadcast %slice3A_1093 : vector<16x1xf32> to vector<16x1024xf32>
    %add3A_1095 = vector.broadcast %get3A_15 : vector<1x1024xf32> to vector<16x1024xf32>
    %add3A_1096 = arith.addf %add3A_1094, %add3A_1095 : vector<16x1024xf32>
    %swap3A_1097 = arith.constant 108 : index
    %swap3A_1098 = arith.constant 0 : index
    %swap3A_1099 = arith.constant 0 : index
    %swap3A_1100 = vector.load %arg6[%swap3A_1097, %swap3A_1098, %swap3A_1099] : memref<128x16x1024xf32, #tpu.memory_space<vmem>>, vector<1x16x1024xf32>
    %swap3A_1101 = vector.shape_cast %swap3A_1100 : vector<1x16x1024xf32> to vector<16x1024xf32>
    %swap3A_1102 = vector.shape_cast %add3A_1096 : vector<16x1024xf32> to vector<1x16x1024xf32>
    tpu.vector_store %arg6[%swap3A_1097, %swap3A_1098, %swap3A_1099], %swap3A_1102 {strides = array<i32>} : memref<128x16x1024xf32, #tpu.memory_space<vmem>>, vector<1x16x1024xf32>,
    %slice3A_1103 = vector.extract_strided_slice %get3A_12 {offsets = [0, 109], sizes = [16, 1], strides = [1, 1]} : vector<16x128xf32> to vector<16x1xf32>
    %add3A_1104 = vector.broadcast %slice3A_1103 : vector<16x1xf32> to vector<16x1024xf32>
    %add3A_1105 = vector.broadcast %get3A_15 : vector<1x1024xf32> to vector<16x1024xf32>
    %add3A_1106 = arith.addf %add3A_1104, %add3A_1105 : vector<16x1024xf32>
    %swap3A_1107 = arith.constant 109 : index
    %swap3A_1108 = arith.constant 0 : index
    %swap3A_1109 = arith.constant 0 : index
    %swap3A_1110 = vector.load %arg6[%swap3A_1107, %swap3A_1108, %swap3A_1109] : memref<128x16x1024xf32, #tpu.memory_space<vmem>>, vector<1x16x1024xf32>
    %swap3A_1111 = vector.shape_cast %swap3A_1110 : vector<1x16x1024xf32> to vector<16x1024xf32>
    %swap3A_1112 = vector.shape_cast %add3A_1106 : vector<16x1024xf32> to vector<1x16x1024xf32>
    tpu.vector_store %arg6[%swap3A_1107, %swap3A_1108, %swap3A_1109], %swap3A_1112 {strides = array<i32>} : memref<128x16x1024xf32, #tpu.memory_space<vmem>>, vector<1x16x1024xf32>,
    %slice3A_1113 = vector.extract_strided_slice %get3A_12 {offsets = [0, 110], sizes = [16, 1], strides = [1, 1]} : vector<16x128xf32> to vector<16x1xf32>
    %add3A_1114 = vector.broadcast %slice3A_1113 : vector<16x1xf32> to vector<16x1024xf32>
    %add3A_1115 = vector.broadcast %get3A_15 : vector<1x1024xf32> to vector<16x1024xf32>
    %add3A_1116 = arith.addf %add3A_1114, %add3A_1115 : vector<16x1024xf32>
    %swap3A_1117 = arith.constant 110 : index
    %swap3A_1118 = arith.constant 0 : index
    %swap3A_1119 = arith.constant 0 : index
    %swap3A_1120 = vector.load %arg6[%swap3A_1117, %swap3A_1118, %swap3A_1119] : memref<128x16x1024xf32, #tpu.memory_space<vmem>>, vector<1x16x1024xf32>
    %swap3A_1121 = vector.shape_cast %swap3A_1120 : vector<1x16x1024xf32> to vector<16x1024xf32>
    %swap3A_1122 = vector.shape_cast %add3A_1116 : vector<16x1024xf32> to vector<1x16x1024xf32>
    tpu.vector_store %arg6[%swap3A_1117, %swap3A_1118, %swap3A_1119], %swap3A_1122 {strides = array<i32>} : memref<128x16x1024xf32, #tpu.memory_space<vmem>>, vector<1x16x1024xf32>,
    %slice3A_1123 = vector.extract_strided_slice %get3A_12 {offsets = [0, 111], sizes = [16, 1], strides = [1, 1]} : vector<16x128xf32> to vector<16x1xf32>
    %add3A_1124 = vector.broadcast %slice3A_1123 : vector<16x1xf32> to vector<16x1024xf32>
    %add3A_1125 = vector.broadcast %get3A_15 : vector<1x1024xf32> to vector<16x1024xf32>
    %add3A_1126 = arith.addf %add3A_1124, %add3A_1125 : vector<16x1024xf32>
    %swap3A_1127 = arith.constant 111 : index
    %swap3A_1128 = arith.constant 0 : index
    %swap3A_1129 = arith.constant 0 : index
    %swap3A_1130 = vector.load %arg6[%swap3A_1127, %swap3A_1128, %swap3A_1129] : memref<128x16x1024xf32, #tpu.memory_space<vmem>>, vector<1x16x1024xf32>
    %swap3A_1131 = vector.shape_cast %swap3A_1130 : vector<1x16x1024xf32> to vector<16x1024xf32>
    %swap3A_1132 = vector.shape_cast %add3A_1126 : vector<16x1024xf32> to vector<1x16x1024xf32>
    tpu.vector_store %arg6[%swap3A_1127, %swap3A_1128, %swap3A_1129], %swap3A_1132 {strides = array<i32>} : memref<128x16x1024xf32, #tpu.memory_space<vmem>>, vector<1x16x1024xf32>,
    %slice3A_1133 = vector.extract_strided_slice %get3A_12 {offsets = [0, 112], sizes = [16, 1], strides = [1, 1]} : vector<16x128xf32> to vector<16x1xf32>
    %add3A_1134 = vector.broadcast %slice3A_1133 : vector<16x1xf32> to vector<16x1024xf32>
    %add3A_1135 = vector.broadcast %get3A_15 : vector<1x1024xf32> to vector<16x1024xf32>
    %add3A_1136 = arith.addf %add3A_1134, %add3A_1135 : vector<16x1024xf32>
    %swap3A_1137 = arith.constant 112 : index
    %swap3A_1138 = arith.constant 0 : index
    %swap3A_1139 = arith.constant 0 : index
    %swap3A_1140 = vector.load %arg6[%swap3A_1137, %swap3A_1138, %swap3A_1139] : memref<128x16x1024xf32, #tpu.memory_space<vmem>>, vector<1x16x1024xf32>
    %swap3A_1141 = vector.shape_cast %swap3A_1140 : vector<1x16x1024xf32> to vector<16x1024xf32>
    %swap3A_1142 = vector.shape_cast %add3A_1136 : vector<16x1024xf32> to vector<1x16x1024xf32>
    tpu.vector_store %arg6[%swap3A_1137, %swap3A_1138, %swap3A_1139], %swap3A_1142 {strides = array<i32>} : memref<128x16x1024xf32, #tpu.memory_space<vmem>>, vector<1x16x1024xf32>,
    %slice3A_1143 = vector.extract_strided_slice %get3A_12 {offsets = [0, 113], sizes = [16, 1], strides = [1, 1]} : vector<16x128xf32> to vector<16x1xf32>
    %add3A_1144 = vector.broadcast %slice3A_1143 : vector<16x1xf32> to vector<16x1024xf32>
    %add3A_1145 = vector.broadcast %get3A_15 : vector<1x1024xf32> to vector<16x1024xf32>
    %add3A_1146 = arith.addf %add3A_1144, %add3A_1145 : vector<16x1024xf32>
    %swap3A_1147 = arith.constant 113 : index
    %swap3A_1148 = arith.constant 0 : index
    %swap3A_1149 = arith.constant 0 : index
    %swap3A_1150 = vector.load %arg6[%swap3A_1147, %swap3A_1148, %swap3A_1149] : memref<128x16x1024xf32, #tpu.memory_space<vmem>>, vector<1x16x1024xf32>
    %swap3A_1151 = vector.shape_cast %swap3A_1150 : vector<1x16x1024xf32> to vector<16x1024xf32>
    %swap3A_1152 = vector.shape_cast %add3A_1146 : vector<16x1024xf32> to vector<1x16x1024xf32>
    tpu.vector_store %arg6[%swap3A_1147, %swap3A_1148, %swap3A_1149], %swap3A_1152 {strides = array<i32>} : memref<128x16x1024xf32, #tpu.memory_space<vmem>>, vector<1x16x1024xf32>,
    %slice3A_1153 = vector.extract_strided_slice %get3A_12 {offsets = [0, 114], sizes = [16, 1], strides = [1, 1]} : vector<16x128xf32> to vector<16x1xf32>
    %add3A_1154 = vector.broadcast %slice3A_1153 : vector<16x1xf32> to vector<16x1024xf32>
    %add3A_1155 = vector.broadcast %get3A_15 : vector<1x1024xf32> to vector<16x1024xf32>
    %add3A_1156 = arith.addf %add3A_1154, %add3A_1155 : vector<16x1024xf32>
    %swap3A_1157 = arith.constant 114 : index
    %swap3A_1158 = arith.constant 0 : index
    %swap3A_1159 = arith.constant 0 : index
    %swap3A_1160 = vector.load %arg6[%swap3A_1157, %swap3A_1158, %swap3A_1159] : memref<128x16x1024xf32, #tpu.memory_space<vmem>>, vector<1x16x1024xf32>
    %swap3A_1161 = vector.shape_cast %swap3A_1160 : vector<1x16x1024xf32> to vector<16x1024xf32>
    %swap3A_1162 = vector.shape_cast %add3A_1156 : vector<16x1024xf32> to vector<1x16x1024xf32>
    tpu.vector_store %arg6[%swap3A_1157, %swap3A_1158, %swap3A_1159], %swap3A_1162 {strides = array<i32>} : memref<128x16x1024xf32, #tpu.memory_space<vmem>>, vector<1x16x1024xf32>,
    %slice3A_1163 = vector.extract_strided_slice %get3A_12 {offsets = [0, 115], sizes = [16, 1], strides = [1, 1]} : vector<16x128xf32> to vector<16x1xf32>
    %add3A_1164 = vector.broadcast %slice3A_1163 : vector<16x1xf32> to vector<16x1024xf32>
    %add3A_1165 = vector.broadcast %get3A_15 : vector<1x1024xf32> to vector<16x1024xf32>
    %add3A_1166 = arith.addf %add3A_1164, %add3A_1165 : vector<16x1024xf32>
    %swap3A_1167 = arith.constant 115 : index
    %swap3A_1168 = arith.constant 0 : index
    %swap3A_1169 = arith.constant 0 : index
    %swap3A_1170 = vector.load %arg6[%swap3A_1167, %swap3A_1168, %swap3A_1169] : memref<128x16x1024xf32, #tpu.memory_space<vmem>>, vector<1x16x1024xf32>
    %swap3A_1171 = vector.shape_cast %swap3A_1170 : vector<1x16x1024xf32> to vector<16x1024xf32>
    %swap3A_1172 = vector.shape_cast %add3A_1166 : vector<16x1024xf32> to vector<1x16x1024xf32>
    tpu.vector_store %arg6[%swap3A_1167, %swap3A_1168, %swap3A_1169], %swap3A_1172 {strides = array<i32>} : memref<128x16x1024xf32, #tpu.memory_space<vmem>>, vector<1x16x1024xf32>,
    %slice3A_1173 = vector.extract_strided_slice %get3A_12 {offsets = [0, 116], sizes = [16, 1], strides = [1, 1]} : vector<16x128xf32> to vector<16x1xf32>
    %add3A_1174 = vector.broadcast %slice3A_1173 : vector<16x1xf32> to vector<16x1024xf32>
    %add3A_1175 = vector.broadcast %get3A_15 : vector<1x1024xf32> to vector<16x1024xf32>
    %add3A_1176 = arith.addf %add3A_1174, %add3A_1175 : vector<16x1024xf32>
    %swap3A_1177 = arith.constant 116 : index
    %swap3A_1178 = arith.constant 0 : index
    %swap3A_1179 = arith.constant 0 : index
    %swap3A_1180 = vector.load %arg6[%swap3A_1177, %swap3A_1178, %swap3A_1179] : memref<128x16x1024xf32, #tpu.memory_space<vmem>>, vector<1x16x1024xf32>
    %swap3A_1181 = vector.shape_cast %swap3A_1180 : vector<1x16x1024xf32> to vector<16x1024xf32>
    %swap3A_1182 = vector.shape_cast %add3A_1176 : vector<16x1024xf32> to vector<1x16x1024xf32>
    tpu.vector_store %arg6[%swap3A_1177, %swap3A_1178, %swap3A_1179], %swap3A_1182 {strides = array<i32>} : memref<128x16x1024xf32, #tpu.memory_space<vmem>>, vector<1x16x1024xf32>,
    %slice3A_1183 = vector.extract_strided_slice %get3A_12 {offsets = [0, 117], sizes = [16, 1], strides = [1, 1]} : vector<16x128xf32> to vector<16x1xf32>
    %add3A_1184 = vector.broadcast %slice3A_1183 : vector<16x1xf32> to vector<16x1024xf32>
    %add3A_1185 = vector.broadcast %get3A_15 : vector<1x1024xf32> to vector<16x1024xf32>
    %add3A_1186 = arith.addf %add3A_1184, %add3A_1185 : vector<16x1024xf32>
    %swap3A_1187 = arith.constant 117 : index
    %swap3A_1188 = arith.constant 0 : index
    %swap3A_1189 = arith.constant 0 : index
    %swap3A_1190 = vector.load %arg6[%swap3A_1187, %swap3A_1188, %swap3A_1189] : memref<128x16x1024xf32, #tpu.memory_space<vmem>>, vector<1x16x1024xf32>
    %swap3A_1191 = vector.shape_cast %swap3A_1190 : vector<1x16x1024xf32> to vector<16x1024xf32>
    %swap3A_1192 = vector.shape_cast %add3A_1186 : vector<16x1024xf32> to vector<1x16x1024xf32>
    tpu.vector_store %arg6[%swap3A_1187, %swap3A_1188, %swap3A_1189], %swap3A_1192 {strides = array<i32>} : memref<128x16x1024xf32, #tpu.memory_space<vmem>>, vector<1x16x1024xf32>,
    %slice3A_1193 = vector.extract_strided_slice %get3A_12 {offsets = [0, 118], sizes = [16, 1], strides = [1, 1]} : vector<16x128xf32> to vector<16x1xf32>
    %add3A_1194 = vector.broadcast %slice3A_1193 : vector<16x1xf32> to vector<16x1024xf32>
    %add3A_1195 = vector.broadcast %get3A_15 : vector<1x1024xf32> to vector<16x1024xf32>
    %add3A_1196 = arith.addf %add3A_1194, %add3A_1195 : vector<16x1024xf32>
    %swap3A_1197 = arith.constant 118 : index
    %swap3A_1198 = arith.constant 0 : index
    %swap3A_1199 = arith.constant 0 : index
    %swap3A_1200 = vector.load %arg6[%swap3A_1197, %swap3A_1198, %swap3A_1199] : memref<128x16x1024xf32, #tpu.memory_space<vmem>>, vector<1x16x1024xf32>
    %swap3A_1201 = vector.shape_cast %swap3A_1200 : vector<1x16x1024xf32> to vector<16x1024xf32>
    %swap3A_1202 = vector.shape_cast %add3A_1196 : vector<16x1024xf32> to vector<1x16x1024xf32>
    tpu.vector_store %arg6[%swap3A_1197, %swap3A_1198, %swap3A_1199], %swap3A_1202 {strides = array<i32>} : memref<128x16x1024xf32, #tpu.memory_space<vmem>>, vector<1x16x1024xf32>,
    %slice3A_1203 = vector.extract_strided_slice %get3A_12 {offsets = [0, 119], sizes = [16, 1], strides = [1, 1]} : vector<16x128xf32> to vector<16x1xf32>
    %add3A_1204 = vector.broadcast %slice3A_1203 : vector<16x1xf32> to vector<16x1024xf32>
    %add3A_1205 = vector.broadcast %get3A_15 : vector<1x1024xf32> to vector<16x1024xf32>
    %add3A_1206 = arith.addf %add3A_1204, %add3A_1205 : vector<16x1024xf32>
    %swap3A_1207 = arith.constant 119 : index
    %swap3A_1208 = arith.constant 0 : index
    %swap3A_1209 = arith.constant 0 : index
    %swap3A_1210 = vector.load %arg6[%swap3A_1207, %swap3A_1208, %swap3A_1209] : memref<128x16x1024xf32, #tpu.memory_space<vmem>>, vector<1x16x1024xf32>
    %swap3A_1211 = vector.shape_cast %swap3A_1210 : vector<1x16x1024xf32> to vector<16x1024xf32>
    %swap3A_1212 = vector.shape_cast %add3A_1206 : vector<16x1024xf32> to vector<1x16x1024xf32>
    tpu.vector_store %arg6[%swap3A_1207, %swap3A_1208, %swap3A_1209], %swap3A_1212 {strides = array<i32>} : memref<128x16x1024xf32, #tpu.memory_space<vmem>>, vector<1x16x1024xf32>,
    %slice3A_1213 = vector.extract_strided_slice %get3A_12 {offsets = [0, 120], sizes = [16, 1], strides = [1, 1]} : vector<16x128xf32> to vector<16x1xf32>
    %add3A_1214 = vector.broadcast %slice3A_1213 : vector<16x1xf32> to vector<16x1024xf32>
    %add3A_1215 = vector.broadcast %get3A_15 : vector<1x1024xf32> to vector<16x1024xf32>
    %add3A_1216 = arith.addf %add3A_1214, %add3A_1215 : vector<16x1024xf32>
    %swap3A_1217 = arith.constant 120 : index
    %swap3A_1218 = arith.constant 0 : index
    %swap3A_1219 = arith.constant 0 : index
    %swap3A_1220 = vector.load %arg6[%swap3A_1217, %swap3A_1218, %swap3A_1219] : memref<128x16x1024xf32, #tpu.memory_space<vmem>>, vector<1x16x1024xf32>
    %swap3A_1221 = vector.shape_cast %swap3A_1220 : vector<1x16x1024xf32> to vector<16x1024xf32>
    %swap3A_1222 = vector.shape_cast %add3A_1216 : vector<16x1024xf32> to vector<1x16x1024xf32>
    tpu.vector_store %arg6[%swap3A_1217, %swap3A_1218, %swap3A_1219], %swap3A_1222 {strides = array<i32>} : memref<128x16x1024xf32, #tpu.memory_space<vmem>>, vector<1x16x1024xf32>,
    %slice3A_1223 = vector.extract_strided_slice %get3A_12 {offsets = [0, 121], sizes = [16, 1], strides = [1, 1]} : vector<16x128xf32> to vector<16x1xf32>
    %add3A_1224 = vector.broadcast %slice3A_1223 : vector<16x1xf32> to vector<16x1024xf32>
    %add3A_1225 = vector.broadcast %get3A_15 : vector<1x1024xf32> to vector<16x1024xf32>
    %add3A_1226 = arith.addf %add3A_1224, %add3A_1225 : vector<16x1024xf32>
    %swap3A_1227 = arith.constant 121 : index
    %swap3A_1228 = arith.constant 0 : index
    %swap3A_1229 = arith.constant 0 : index
    %swap3A_1230 = vector.load %arg6[%swap3A_1227, %swap3A_1228, %swap3A_1229] : memref<128x16x1024xf32, #tpu.memory_space<vmem>>, vector<1x16x1024xf32>
    %swap3A_1231 = vector.shape_cast %swap3A_1230 : vector<1x16x1024xf32> to vector<16x1024xf32>
    %swap3A_1232 = vector.shape_cast %add3A_1226 : vector<16x1024xf32> to vector<1x16x1024xf32>
    tpu.vector_store %arg6[%swap3A_1227, %swap3A_1228, %swap3A_1229], %swap3A_1232 {strides = array<i32>} : memref<128x16x1024xf32, #tpu.memory_space<vmem>>, vector<1x16x1024xf32>,
    %slice3A_1233 = vector.extract_strided_slice %get3A_12 {offsets = [0, 122], sizes = [16, 1], strides = [1, 1]} : vector<16x128xf32> to vector<16x1xf32>
    %add3A_1234 = vector.broadcast %slice3A_1233 : vector<16x1xf32> to vector<16x1024xf32>
    %add3A_1235 = vector.broadcast %get3A_15 : vector<1x1024xf32> to vector<16x1024xf32>
    %add3A_1236 = arith.addf %add3A_1234, %add3A_1235 : vector<16x1024xf32>
    %swap3A_1237 = arith.constant 122 : index
    %swap3A_1238 = arith.constant 0 : index
    %swap3A_1239 = arith.constant 0 : index
    %swap3A_1240 = vector.load %arg6[%swap3A_1237, %swap3A_1238, %swap3A_1239] : memref<128x16x1024xf32, #tpu.memory_space<vmem>>, vector<1x16x1024xf32>
    %swap3A_1241 = vector.shape_cast %swap3A_1240 : vector<1x16x1024xf32> to vector<16x1024xf32>
    %swap3A_1242 = vector.shape_cast %add3A_1236 : vector<16x1024xf32> to vector<1x16x1024xf32>
    tpu.vector_store %arg6[%swap3A_1237, %swap3A_1238, %swap3A_1239], %swap3A_1242 {strides = array<i32>} : memref<128x16x1024xf32, #tpu.memory_space<vmem>>, vector<1x16x1024xf32>,
    %slice3A_1243 = vector.extract_strided_slice %get3A_12 {offsets = [0, 123], sizes = [16, 1], strides = [1, 1]} : vector<16x128xf32> to vector<16x1xf32>
    %add3A_1244 = vector.broadcast %slice3A_1243 : vector<16x1xf32> to vector<16x1024xf32>
    %add3A_1245 = vector.broadcast %get3A_15 : vector<1x1024xf32> to vector<16x1024xf32>
    %add3A_1246 = arith.addf %add3A_1244, %add3A_1245 : vector<16x1024xf32>
    %swap3A_1247 = arith.constant 123 : index
    %swap3A_1248 = arith.constant 0 : index
    %swap3A_1249 = arith.constant 0 : index
    %swap3A_1250 = vector.load %arg6[%swap3A_1247, %swap3A_1248, %swap3A_1249] : memref<128x16x1024xf32, #tpu.memory_space<vmem>>, vector<1x16x1024xf32>
    %swap3A_1251 = vector.shape_cast %swap3A_1250 : vector<1x16x1024xf32> to vector<16x1024xf32>
    %swap3A_1252 = vector.shape_cast %add3A_1246 : vector<16x1024xf32> to vector<1x16x1024xf32>
    tpu.vector_store %arg6[%swap3A_1247, %swap3A_1248, %swap3A_1249], %swap3A_1252 {strides = array<i32>} : memref<128x16x1024xf32, #tpu.memory_space<vmem>>, vector<1x16x1024xf32>,
    %slice3A_1253 = vector.extract_strided_slice %get3A_12 {offsets = [0, 124], sizes = [16, 1], strides = [1, 1]} : vector<16x128xf32> to vector<16x1xf32>
    %add3A_1254 = vector.broadcast %slice3A_1253 : vector<16x1xf32> to vector<16x1024xf32>
    %add3A_1255 = vector.broadcast %get3A_15 : vector<1x1024xf32> to vector<16x1024xf32>
    %add3A_1256 = arith.addf %add3A_1254, %add3A_1255 : vector<16x1024xf32>
    %swap3A_1257 = arith.constant 124 : index
    %swap3A_1258 = arith.constant 0 : index
    %swap3A_1259 = arith.constant 0 : index
    %swap3A_1260 = vector.load %arg6[%swap3A_1257, %swap3A_1258, %swap3A_1259] : memref<128x16x1024xf32, #tpu.memory_space<vmem>>, vector<1x16x1024xf32>
    %swap3A_1261 = vector.shape_cast %swap3A_1260 : vector<1x16x1024xf32> to vector<16x1024xf32>
    %swap3A_1262 = vector.shape_cast %add3A_1256 : vector<16x1024xf32> to vector<1x16x1024xf32>
    tpu.vector_store %arg6[%swap3A_1257, %swap3A_1258, %swap3A_1259], %swap3A_1262 {strides = array<i32>} : memref<128x16x1024xf32, #tpu.memory_space<vmem>>, vector<1x16x1024xf32>,
    %slice3A_1263 = vector.extract_strided_slice %get3A_12 {offsets = [0, 125], sizes = [16, 1], strides = [1, 1]} : vector<16x128xf32> to vector<16x1xf32>
    %add3A_1264 = vector.broadcast %slice3A_1263 : vector<16x1xf32> to vector<16x1024xf32>
    %add3A_1265 = vector.broadcast %get3A_15 : vector<1x1024xf32> to vector<16x1024xf32>
    %add3A_1266 = arith.addf %add3A_1264, %add3A_1265 : vector<16x1024xf32>
    %swap3A_1267 = arith.constant 125 : index
    %swap3A_1268 = arith.constant 0 : index
    %swap3A_1269 = arith.constant 0 : index
    %swap3A_1270 = vector.load %arg6[%swap3A_1267, %swap3A_1268, %swap3A_1269] : memref<128x16x1024xf32, #tpu.memory_space<vmem>>, vector<1x16x1024xf32>
    %swap3A_1271 = vector.shape_cast %swap3A_1270 : vector<1x16x1024xf32> to vector<16x1024xf32>
    %swap3A_1272 = vector.shape_cast %add3A_1266 : vector<16x1024xf32> to vector<1x16x1024xf32>
    tpu.vector_store %arg6[%swap3A_1267, %swap3A_1268, %swap3A_1269], %swap3A_1272 {strides = array<i32>} : memref<128x16x1024xf32, #tpu.memory_space<vmem>>, vector<1x16x1024xf32>,
    %slice3A_1273 = vector.extract_strided_slice %get3A_12 {offsets = [0, 126], sizes = [16, 1], strides = [1, 1]} : vector<16x128xf32> to vector<16x1xf32>
    %add3A_1274 = vector.broadcast %slice3A_1273 : vector<16x1xf32> to vector<16x1024xf32>
    %add3A_1275 = vector.broadcast %get3A_15 : vector<1x1024xf32> to vector<16x1024xf32>
    %add3A_1276 = arith.addf %add3A_1274, %add3A_1275 : vector<16x1024xf32>
    %swap3A_1277 = arith.constant 126 : index
    %swap3A_1278 = arith.constant 0 : index
    %swap3A_1279 = arith.constant 0 : index
    %swap3A_1280 = vector.load %arg6[%swap3A_1277, %swap3A_1278, %swap3A_1279] : memref<128x16x1024xf32, #tpu.memory_space<vmem>>, vector<1x16x1024xf32>
    %swap3A_1281 = vector.shape_cast %swap3A_1280 : vector<1x16x1024xf32> to vector<16x1024xf32>
    %swap3A_1282 = vector.shape_cast %add3A_1276 : vector<16x1024xf32> to vector<1x16x1024xf32>
    tpu.vector_store %arg6[%swap3A_1277, %swap3A_1278, %swap3A_1279], %swap3A_1282 {strides = array<i32>} : memref<128x16x1024xf32, #tpu.memory_space<vmem>>, vector<1x16x1024xf32>,
    %slice3A_1283 = vector.extract_strided_slice %get3A_12 {offsets = [0, 127], sizes = [16, 1], strides = [1, 1]} : vector<16x128xf32> to vector<16x1xf32>
    %add3A_1284 = vector.broadcast %slice3A_1283 : vector<16x1xf32> to vector<16x1024xf32>
    %add3A_1285 = vector.broadcast %get3A_15 : vector<1x1024xf32> to vector<16x1024xf32>
    %add3A_1286 = arith.addf %add3A_1284, %add3A_1285 : vector<16x1024xf32>
    %swap3A_1287 = arith.constant 127 : index
    %swap3A_1288 = arith.constant 0 : index
    %swap3A_1289 = arith.constant 0 : index
    %swap3A_1290 = vector.load %arg6[%swap3A_1287, %swap3A_1288, %swap3A_1289] : memref<128x16x1024xf32, #tpu.memory_space<vmem>>, vector<1x16x1024xf32>
    %swap3A_1291 = vector.shape_cast %swap3A_1290 : vector<1x16x1024xf32> to vector<16x1024xf32>
    %swap3A_1292 = vector.shape_cast %add3A_1286 : vector<16x1024xf32> to vector<1x16x1024xf32>
    tpu.vector_store %arg6[%swap3A_1287, %swap3A_1288, %swap3A_1289], %swap3A_1292 {strides = array<i32>} : memref<128x16x1024xf32, #tpu.memory_space<vmem>>, vector<1x16x1024xf32>,
    return
  }
  func.func @transform_0(%arg0: i32) -> (i32, i32) {
    %c0_i32 = arith.constant 0 : i32
    %c0_i32_0 = arith.constant 0 : i32
    %c0_i32_1 = arith.constant 0 : i32
    return %c0_i32, %c0_i32_0 : i32, i32
  }
  func.func @transform_1(%arg0: i32) -> (i32, i32) {
    %c0_i32 = arith.constant 0 : i32
    %c0_i32_0 = arith.constant 0 : i32
    %c0_i32_1 = arith.constant 0 : i32
    return %c0_i32, %c0_i32_0 : i32, i32
  }
  func.func @transform_2(%arg0: i32) -> (i32, i32) {
    %c0_i32 = arith.constant 0 : i32
    %c0_i32_0 = arith.constant 0 : i32
    %c0_i32_1 = arith.constant 0 : i32
    return %c0_i32, %c0_i32_0 : i32, i32
  }
  func.func @transform_3(%arg0: i32) -> (i32, i32) {
    %c0_i32 = arith.constant 0 : i32
    %c0_i32_0 = arith.constant 0 : i32
    %c0_i32_1 = arith.constant 0 : i32
    return %c0_i32, %c0_i32_0 : i32, i32
  }
  func.func @transform_4(%arg0: i32) -> (i32, i32) {
    %c0_i32 = arith.constant 0 : i32
    %c0_i32_0 = arith.constant 0 : i32
    %c0_i32_1 = arith.constant 0 : i32
    return %c0_i32, %c0_i32_0 : i32, i32
  }
  func.func @transform_5(%arg0: i32) -> (i32, i32, i32) {
    %c0_i32 = arith.constant 0 : i32
    %c0_i32_0 = arith.constant 0 : i32
    %c0_i32_1 = arith.constant 0 : i32
    return %arg0, %c0_i32, %c0_i32_0 : i32, i32, i32
  }
}

</mosaic_0001>

<sc_bundles>
// kernel: kernel.4.cloned.1.call-start
scs
__scs_entry_jumppad:
0x0: {  	(pc) =	sbr.rel $0x88, $3  }
0x1: {  	(tag) =	ssettag $0x0;
	lr =	simm.s32 $0x1  }
0x2: {  	[smem:$0x3F9B] =	sst lr;
	_ =	strace $0xD0000000  }
0x3: {  	_ = 	snop  }
0x4: {  	_ = 	snop  }
0x5: {  	_ = 	snop  }
0x6: {  	_ = 	snop  }
0x7: {  	_ = 	snop  }
__scs_overlays_trampoline_lowered:
0x8: {  	[smem:$0x3FAA] =	sst s0  }
0x9: {  	[smem:$0x3FAB] =	sst s1  }
0xa: {  	[smem:$0x3FAC] =	sst s2  }
0xb: {  	[smem:$0x3FAD] =	sst s3  }
0xc: {  	[smem:$0x3FAE] =	sst s4  }
0xd: {  	[smem:$0x3FAF] =	sst s5  }
0xe: {  	[smem:$0x3FB0] =	sst s6  }
0xf: {  	[smem:$0x3FB1] =	sst s7  }
0x10: {  	[smem:$0x3FB2] =	sst s8  }
0x11: {  	[smem:$0x3FB3] =	sst s9;
	s0 =	simm.s32 @!p0 $0x0  }
0x12: {  	s1 =	sld [smem:$0x3F99];
	s0 =	simm.s32 @p0 $0x1  }
0x13: {  	[smem:$0x3FB4] =	sst s0;
	s0 =	simm.s32 @!p1 $0x0  }
0x14: {  	s2 =	sld [smem:$0x3F98];
	s0 =	simm.s32 @p1 $0x1  }
0x15: {  	[smem:$0x3FB5] =	sst s0;
	s0 =	simm.s32 @!p2 $0x0  }
0x16: {  	s3 =	sld [smem:$0x3FDB];
	s0 =	simm.s32 @p2 $0x1  }
0x17: {  	s4 =	simm.s32 $0x1BF5;
	[smem:$0x3FB7] =	sst s0  }
0x18: {  	s0 =	sld [smem:$0x3F9A];
	_ =	swait.ge [sflag:s4], $0x0  }
0x19: {  	s7 =	sld [smem:$0x3F9B]  }
0x1a: {  	s8 =	sadd.s32 $0xFFFFE003, lr  }
0x1b: {  	s9 =	sadd.s32 $0xFFFFFEF7, lr;
	s5 =	simm.s32 $0xFFFFFFFF;
	p2 =	slt.u32 s8, $0xFFFFF086  }
0x1c: {  	p1 =	slt.u32 s9, $0xF7A;
	s5 =	simm.s32 @!p2 $0x0  }
0x1d: {  	s5 =	simm.s32 @p1 $0x1;
	p0 =	seq.s32 s7, s2  }
0x1e: {  	s7 =	smul.u32 @!p0 $0xF7A, s2;
	p2 =	seq.s32 @!p0 s5, $0x0  }
0x1f: {  	s9 =	smul.u32 $0xF7A, s1;
	s8 =	simm.s32 @!p0 $0x1BF5;
	p2 =	por !p2, p0  }
0x20: {  	[sflag:s8] =	ssyncset.s32 @!p0 $0xFFFFF086;
	s6 =	sadd.s32 @!p0 s3, s7;
	s7 =	simm.s32 @!p0 $0x108  }
0x21: {  	s3 =	sadd.s32 s3, s9;
	s6 =	sadd.s32 @!p0 $0x88, s6;
	s7 =	simm.s32 @p2 $0x1082  }
0x22: {  	[simem:s7], [sflag:s8] =	dma.local @!p0 [hbm:s6], $0xF7A  }
0x23: {  	s9 =	sor.u32 $0xD0000000, s2;
	s6 =	simm.s32 $0x108;
	_ =	swait.ge @!p0 [sflag:s8], $0x0  }
0x24: {  	s3 =	sadd.s32 $0x88, s3;
	s6 =	simm.s32 @!p1 $0x1082;
	[sflag:s4] =	ssyncset.s32 $0xFFFFF086  }
0x25: {  	[simem:s6], [sflag:s4] =	dma.local [hbm:s3], $0xF7A  }
0x26: {  	[smem:$0x3F9B] =	sst s1;
	(tag) =	ssettag s2;
	_ =	strace s9  }
0x27: {  	s1 =	sld [smem:$0x3FAB]  }
0x28: {  	s2 =	sld [smem:$0x3FAC]  }
0x29: {  	s4 =	sld [smem:$0x3FAE]  }
0x2a: {  	p0 =	seq.s32 s5, $0x0;
	s5 =	sld [smem:$0x3FAF]  }
0x2b: {  	s6 =	sld [smem:$0x3FB0]  }
0x2c: {  	s7 =	sld [smem:$0x3FB1]  }
0x2d: {  	s3 =	simm.s32 $0x108;
	s8 =	sld [smem:$0x3FB2]  }
0x2e: {  	s3 =	simm.s32 @!p0 $0x1082;
	s9 =	sld [smem:$0x3FB3]  }
0x2f: {  	lr =	sadd.s32 s0, s3;
	s0 =	sld [smem:$0x3FAA]  }
0x30: {  	s3 =	sld [smem:$0x3FAD]  }
0x31: {  	[smem:$0x3FB6] =	sst s10  }
0x32: {  	s10 =	sld [smem:$0x3FB4];
	_ =	sdelay $0x3  }
0x33: {  	p0 =	seq.s32 s10, $0x1;
	s10 =	sld [smem:$0x3FB6];
	_ =	sdelay $0x3  }
0x34: {  	[smem:$0x3FB6] =	sst s10  }
0x35: {  	s10 =	sld [smem:$0x3FB5];
	_ =	sdelay $0x3  }
0x36: {  	p1 =	seq.s32 s10, $0x1;
	s10 =	sld [smem:$0x3FB6];
	_ =	sdelay $0x3  }
0x37: {  	[smem:$0x3FB6] =	sst s10  }
0x38: {  	s10 =	sld [smem:$0x3FB7]  }
0x39: {  	_ = 	snop;
	(pc) =	sbr.ind lr, $3  }
0x3a: {  	_ = 	snop  }
0x3b: {  	_ = 	snop  }
0x3c: {  	p2 =	seq.s32 s10, $0x1;
	s10 =	sld [smem:$0x3FB6]  }
0x3d: {  	_ =	shalt  }
0x3e: {  	_ =	shalt  }
0x3f: {  	_ =	shalt  }
0x40: {  	_ =	shalt  }
0x41: {  	_ =	shalt  }
0x42: {  	_ =	shalt  }
0x43: {  	_ =	shalt  }
0x44: {  	_ =	shalt  }
0x45: {  	_ =	shalt  }
0x46: {  	_ =	shalt  }
0x47: {  	_ =	shalt  }
0x48: {  	_ =	shalt  }
0x49: {  	_ =	shalt  }
0x4a: {  	_ =	shalt  }
0x4b: {  	_ =	shalt  }
0x4c: {  	_ =	shalt  }
0x4d: {  	_ =	shalt  }
0x4e: {  	_ =	shalt  }
0x4f: {  	_ =	shalt  }
0x50: {  	_ =	shalt  }
0x51: {  	_ =	shalt  }
0x52: {  	_ =	shalt  }
0x53: {  	_ =	shalt  }
0x54: {  	_ =	shalt  }
0x55: {  	_ =	shalt  }
0x56: {  	_ =	shalt  }
0x57: {  	_ =	shalt  }
0x58: {  	_ =	shalt  }
0x59: {  	_ =	shalt  }
0x5a: {  	_ =	shalt  }
0x5b: {  	_ =	shalt  }
0x5c: {  	_ =	shalt  }
0x5d: {  	_ =	shalt  }
0x5e: {  	_ =	shalt  }
0x5f: {  	_ =	shalt  }
0x60: {  	_ =	shalt  }
0x61: {  	_ =	shalt  }
0x62: {  	_ =	shalt  }
0x63: {  	_ =	shalt  }
0x64: {  	_ =	shalt  }
0x65: {  	_ =	shalt  }
0x66: {  	_ =	shalt  }
0x67: {  	_ =	shalt  }
0x68: {  	_ =	shalt  }
0x69: {  	_ =	shalt  }
0x6a: {  	_ =	shalt  }
0x6b: {  	_ =	shalt  }
0x6c: {  	_ =	shalt  }
0x6d: {  	_ =	shalt  }
0x6e: {  	_ =	shalt  }
0x6f: {  	_ =	shalt  }
0x70: {  	_ =	shalt  }
0x71: {  	_ =	shalt  }
0x72: {  	_ =	shalt  }
0x73: {  	_ =	shalt  }
0x74: {  	_ =	shalt  }
0x75: {  	_ =	shalt  }
0x76: {  	_ =	shalt  }
0x77: {  	_ =	shalt  }
0x78: {  	_ =	shalt  }
0x79: {  	_ =	shalt  }
0x7a: {  	_ =	shalt  }
0x7b: {  	_ =	shalt  }
0x7c: {  	_ =	shalt  }
0x7d: {  	_ =	shalt  }
0x7e: {  	_ =	shalt  }
0x7f: {  	_ =	shalt  }
0x80: {  	_ =	shalt  }
0x81: {  	_ =	shalt  }
0x82: {  	_ =	shalt  }
0x83: {  	_ =	shalt  }
0x84: {  	_ =	shalt  }
0x85: {  	_ =	shalt  }
0x86: {  	_ =	shalt  }
0x87: {  	_ =	shalt  }
.Lfunc_end0:
.L_simem_size_0:
called_computation_lowered:
.L_overlay_start_0:
0x88: {  	s2 =	sld [smem:$0x3FD9]  }
0x89: {  	s3 =	sld [smem:$0x3FFE];
	_ =	sdelay $0x1  }
0x8a: {  	s1 =	srdreg.scid  }
0x8b: {  	s0 =	sand.u32 $0x1, s1  }
0x8c: {  	s18 =	sshll.u32 s0, $0xA;
	s2 =	sadd.s32 s3, s2  }
0x8d: {  	s2 =	sadd.s32 s2, s18  }
0x8e: {  	[smem:$0x3FC2] =	sst s2  }
0x8f: {  	_ = 	snop  }
0x90: {  	s2 =	sld [smem:$0x3FC9]  }
0x91: {  	s19 =	sld [smem:$0x3FC7]  }
0x92: {  	s4 =	sld [smem:$0x3FD0];
	(tm) =	ssettm $0x1  }
0x93: {  	s5 =	sld [smem:$0x3FFB];
	_ =	sdelay $0x3  }
0x94: {  	_ =	strace s5  }
0x95: {  	s5 =	sld [smem:$0x3FFC];
	_ =	sdelay $0x3  }
0x96: {  	_ =	strace s5  }
0x97: {  	s5 =	sld [smem:$0x3FFD];
	_ =	sdelay $0x3  }
0x98: {  	_ =	strace s5  }
0x99: {  	_ =	strace $0x8FFFFFFF  }
0x9a: {  	s20 =	sld [smem:$0x3FDB];
	_ =	sdelay $0x1  }
0x9b: {  	s6 =	simm.s32 $_scs_section_size  }
0x9c: {  	s7 =	simm.s32 $_size__tile_overlayer_lowered;
	s8 =	simm.s32 $_tile_overlayer_lowered  }
0x9d: {  	s23 =	simm.s32 $0x1BFF;
	s22 =	sshll.u32 s8, $0x1;
	s5 =	sadd.s32 s6, s20  }
0x9e: {  	s9 =	simm.s32 $0x0;
	s21 =	sshll.u32 s7, $0x1;
	s7 =	sadd.s32 s22, s5  }
0x9f: {  	[timem:s9], [sflag:s23] =	dma.local [hbm:s7], s21  }
0xa0: {  	_ =	swait.ge [sflag:s23], s21  }
0xa1: {  	s6 =	ssub.s32 $0x0, s21;
	[sflag:s23] =	ssyncset.done $0x0  }
0xa2: {  	[sflag:s23] =	ssyncadd.s32 s6;
	_ =	sdelay $0x1  }
0xa3: {  	s24 =	simm.s32 $0x1B8B  }
0xa4: {  	_ =	swait.ge [sflag:s24], $0x1  }
0xa5: {  	[sflag:s24] =	ssyncset.done $0x0  }
0xa6: {  	s25 =	simm.s32 $0x1B8E;
	[sflag:s24] =	ssyncadd.s32 $0xFFFFFFFF  }
0xa7: {  	s26 =	simm.s32 $execute0_lowered;
	[smem:$0x3FD2] =	sst s25  }
0xa8: {  	s6 =	sshll.u32 s26, $0x1;
	_ =	strace $0x80000046;
	[dreg:$0x1] =	wrdreg $0xFFFFFFFF  }
0xa9: {  	s28 =	simm.s32 $_size_execute0_lowered;
	s5 =	sadd.s32 s5, s6;
	[dreg:$0x0] =	wrdreg $0x0  }
0xaa: {  	s6 =	sshll.u32 s28, $0x1;
	[dreg:$0x2] =	wrdreg s5  }
0xab: {  	[dreg:$0x3] =	wrdreg s6  }
0xac: {  	[dreg:$0x4] =	wrdreg $0xC0  }
0xad: {  	_ =	task [dreg:s9], $0x5FFFF  }
0xae: {  	[dreg:$0x1] =	wrdreg $0xFFFFFFFF  }
0xaf: {  	[dreg:$0x0] =	wrdreg $0x60  }
0xb0: {  	[dreg:$0x2] =	wrdreg s2  }
0xb1: {  	[dreg:$0x3] =	wrdreg s19  }
0xb2: {  	[dreg:$0x4] =	wrdreg s4  }
0xb3: {  	[dreg:$0x5] =	wrdreg $0x9  }
0xb4: {  	_ =	task.clear_ibuf [dreg:s9], $0x6FFFF;
	_ =	strace $0x90000046  }
0xb5: {  	s29 =	simm.s32 $0x9;
	_ =	strace $0x80000048  }
0xb6: {  	_ =	swait.ge [sflag:s29], $0x1  }
0xb7: {  	[sflag:s29] =	ssyncadd.s32 $0xFFFFFFFF  }
0xb8: {  	_ =	strace $0x90000048  }
0xb9: {  	_ =	sfence  }
0xba: {  	s30 =	sld [smem:$0x0];
	_ =	sdelay $0x2  }
0xbb: {  	s31 =	sshll.u32 s1, $0xD;
	s1 =	sshrl.u32 s1, $0x2  }
0xbc: {  	s3 =	sand.u32 $0x4000, s31;
	s1 =	sadd.s32 s1, s30  }
0xbd: {  	s0 =	sor.u32 s3, s0;
	s1 =	sshll.u32 s1, $0x11  }
0xbe: {  	s0 =	sor.u32 s1, s0  }
0xbf: {  	s0 =	sadd.s32 $0x8F2B, s0  }
0xc0: {  	[sflag:s0] =	ssyncadd.remote.s32 $0x1  }
0xc1: {  	_ =	sfence.sel $0xFFFF  }
0xc2: {  	[dreg:$0x0] =	wrdreg $0xFFFFFFFF;
	(pc) =	sbr.abs _section_cstart, $3  }
0xc3: {  	[dreg:$0x1] =	wrdreg $0xFFFFFFFF  }
0xc4: {  	_ =	task.clear_ibuf [dreg:s9], $0x2FFFF;
	_ =	strace $0x9FFFFFFF  }
0xc5: {  	(tm) =	ssettm $0x7FFFFFFF  }
tec
execute0_lowered:
.L_overlay_start_1:
0x0: {  	(tag) =	ssettag $0x1  }
0x1: {  	s0 =	rddreg [dreg:$0x0]  }
0x2: {  	s2 =	rddreg [dreg:$0x1]  }
0x3: {  	s1 =	rddreg [dreg:$0x2]  }
0x4: {  	s3 =	srdreg.scid;
	s4 =	stileid.u32  }
0x5: {  	s6 =	simm.s32 $0x0;
	s7 =	simm.s32 $0x400;
	s8 =	simm.s32 $0xC3800  }
0x6: {  	s31 =	simm.s32 $0x18080;
	s18 =	simm.s32 $0x2;
	s3 =	sand.u32 $0x1, s3  }
0x7: {  	s4 =	sshll.u32 s4, $0x6;
	[smem:$0x7FF] =	sst s6;
	s5 =	sshll.u32 s3, $0x5  }
0x8: {  	s17 =	simm.s32 $0x3;
	_ =	strace $0x80000047;
	s4 =	sor.u32 s5, s4  }
0x9: {  	v0 =	vlaneseq.u32;
	s3 =	ssub.s32 $0x2, s3;
	[dreg:$0x6] =	wrdreg s31;
	s5 =	sshrl.u32 s4, $0x3  }
0xa: {  	v0 =	vmul.u32 $0x80, v0;
	s28 =	sshrl.u32 s3, $0x1;
	s4 =	sshll.u32 s4, $0x4;
	s0 =	sadd.s32 s0, s5  }
0xb: {  	s30 =	ssub.s32 s3, s28;
	s29 =	sadd.s32 s1, s4;
	[dreg:$0x4] =	wrdreg s0  }
0xc: {  	s6 =	simm.s32 $0x1;
	v1 =	vor.u32 $0x800, v0;
	s1 =	smax.u32 s30, $0x1;
	[dreg:$0x5] =	wrdreg s29  }
.LBB2_1:
0xd: {  	[dreg:$0x7] =	wrdreg s1  }
0xe: {  	s0 =	rddreg [dreg:$0x4];
	s11 =	simm.s32 $0x0;
	s12 =	simm.s32 $0x4  }
0xf: {  	[tilespmem:s11], [sflag:$0x4] =	stream.linear.gather [hbm4b:s0+s11], $0x20, $0x38;
	[tilespmem:$0x19080] =	vst v63  }
0x10: {  	_ =	swait.ge [sflag:s12], $0x20  }
0x11: {  	[sflag:s12] =	ssyncset.done $0x0  }
0x12: {  	[sflag:s12] =	ssyncadd.s32 $0xFFFFFFE0  }
0x13: {  	v3 =	vld [tilespmem:$0x0];
	_ =	sdelay $0x4  }
0x14: {  	(v2sf) =	vpush v3, $0x0;
	_ =	sdelay $0xa  }
0x15: {  	(v2sf) =	vpush v3, $0x1;
	_ =	sdelay $0x3  }
0x16: {  	s29 =	spop (v2sf)  }
0x17: {  	s13 =	sshra.s32 s29, $0x1F  }
0x18: {  	s0 =	sshrl.u32 s13, $0x19  }
0x19: {  	s0 =	sadd.s32 s0, s29  }
0x1a: {  	s14 =	sand.u32 $0xFFFFFF80, s0  }
0x1b: {  	p0 =	slt.s32 s29, $0x1;
	p1 =	sne.s32 s29, s14  }
0x1c: {  	p0 =	por !p0, !p1  }
0x1d: {  	s1 =	simm.s32 $0x1;
	p0 =	por !p0, !p0  }
0x1e: {  	(v2sf) =	vpush v3, $0x2;
	s0 =	sshrl.u32 s0, $0x7;
	s1 =	simm.s32 @!p0 $0x0  }
0x1f: {  	s0 =	ssub.s32 s0, s1  }
0x20: {  	s0 =	sshll.u32 s0, $0x7  }
0x21: {  	s31 =	spop (v2sf);
	s0 =	sand.u32 $0x1FFFFF80, s0  }
0x22: {  	s15 =	simm.s32 $0x80;
	s16 =	sshra.s32 s31, $0x1F;
	s0 =	sadd.s32 s2, s0  }
0x23: {  	v2 =	vld [tilespmem:$0x10];
	[tilespmem:s15], [sflag:$0x1] =	stream.strided.gather [hbm4b:s0+s7], $0x1000, s8, s7, $0x38  }
0x24: {  	s0 =	sshrl.u32 s16, $0x19  }
0x25: {  	s0 =	sadd.s32 s0, s31  }
0x26: {  	s19 =	sand.u32 $0xFFFFFF80, s0  }
0x27: {  	p5 =	slt.s32 s31, $0x1;
	p6 =	sne.s32 s31, s19  }
0x28: {  	p0 =	por !p5, !p6  }
0x29: {  	s1 =	simm.s32 $0x1;
	p0 =	por !p0, !p0  }
0x2a: {  	(v2sf) =	vpush v3, $0x3;
	s0 =	sshrl.u32 s0, $0x7;
	s1 =	simm.s32 @!p0 $0x0  }
0x2b: {  	s0 =	ssub.s32 s0, s1  }
0x2c: {  	s0 =	sshll.u32 s0, $0x7  }
0x2d: {  	s1 =	spop (v2sf);
	s0 =	sand.u32 $0x1FFFFF80, s0  }
0x2e: {  	s20 =	simm.s32 $0x1080;
	s21 =	sshra.s32 s1, $0x1F;
	s0 =	sadd.s32 s2, s0  }
0x2f: {  	[tilespmem:s20], [sflag:$0x1] =	stream.strided.gather [hbm4b:s0+s7], $0x1000, s8, s7, $0x38;
	[tilespmem:$0x19080] =	vst v63  }
0x30: {  	s0 =	sshrl.u32 s21, $0x19  }
0x31: {  	s0 =	sadd.s32 s0, s1  }
0x32: {  	s5 =	sand.u32 $0xFFFFFF80, s0  }
0x33: {  	p1 =	slt.s32 s1, $0x1;
	p2 =	sne.s32 s1, s5  }
0x34: {  	p0 =	por !p1, !p2  }
0x35: {  	s5 =	simm.s32 $0x1;
	p0 =	por !p0, !p0  }
0x36: {  	(v2sf) =	vpush v3, $0x4;
	s0 =	sshrl.u32 s0, $0x7;
	s5 =	simm.s32 @!p0 $0x0  }
0x37: {  	s0 =	ssub.s32 s0, s5  }
0x38: {  	s0 =	sshll.u32 s0, $0x7  }
0x39: {  	s9 =	spop (v2sf);
	s0 =	sand.u32 $0x1FFFFF80, s0  }
0x3a: {  	s3 =	simm.s32 $0x2080;
	s22 =	sshra.s32 s9, $0x1F;
	s0 =	sadd.s32 s2, s0  }
0x3b: {  	[tilespmem:s3], [sflag:$0x1] =	stream.strided.gather [hbm4b:s0+s7], $0x1000, s8, s7, $0x38;
	[tilespmem:$0x19080] =	vst v63  }
0x3c: {  	s0 =	sshrl.u32 s22, $0x19  }
0x3d: {  	s0 =	sadd.s32 s0, s9  }
0x3e: {  	s23 =	sand.u32 $0xFFFFFF80, s0  }
0x3f: {  	p3 =	slt.s32 s9, $0x1;
	p4 =	sne.s32 s9, s23  }
0x40: {  	p0 =	por !p3, !p4  }
0x41: {  	s5 =	simm.s32 $0x1;
	p0 =	por !p0, !p0  }
0x42: {  	(v2sf) =	vpush v3, $0x5;
	s0 =	sshrl.u32 s0, $0x7;
	s5 =	simm.s32 @!p0 $0x0  }
0x43: {  	s0 =	ssub.s32 s0, s5  }
0x44: {  	s0 =	sshll.u32 s0, $0x7  }
0x45: {  	s11 =	spop (v2sf);
	s0 =	sand.u32 $0x1FFFFF80, s0  }
0x46: {  	s24 =	simm.s32 $0x3080;
	s25 =	sshra.s32 s11, $0x1F;
	s0 =	sadd.s32 s2, s0  }
0x47: {  	[tilespmem:s24], [sflag:$0x1] =	stream.strided.gather [hbm4b:s0+s7], $0x1000, s8, s7, $0x38;
	[tilespmem:$0x19080] =	vst v63  }
0x48: {  	s0 =	sshrl.u32 s25, $0x19  }
0x49: {  	s0 =	sadd.s32 s0, s11  }
0x4a: {  	s26 =	sand.u32 $0xFFFFFF80, s0  }
0x4b: {  	p5 =	slt.s32 s11, $0x1;
	p6 =	sne.s32 s11, s26  }
0x4c: {  	p0 =	por !p5, !p6  }
0x4d: {  	s5 =	simm.s32 $0x1;
	p0 =	por !p0, !p0  }
0x4e: {  	(v2sf) =	vpush v3, $0x6;
	s0 =	sshrl.u32 s0, $0x7;
	s5 =	simm.s32 @!p0 $0x0  }
0x4f: {  	s0 =	ssub.s32 s0, s5  }
0x50: {  	s0 =	sshll.u32 s0, $0x7  }
0x51: {  	s13 =	spop (v2sf);
	s0 =	sand.u32 $0x1FFFFF80, s0  }
0x52: {  	s28 =	simm.s32 $0x4080;
	s30 =	sshra.s32 s13, $0x1F;
	s0 =	sadd.s32 s2, s0  }
0x53: {  	[tilespmem:s28], [sflag:$0x1] =	stream.strided.gather [hbm4b:s0+s7], $0x1000, s8, s7, $0x38;
	[tilespmem:$0x19080] =	vst v63  }
0x54: {  	s0 =	sshrl.u32 s30, $0x19  }
0x55: {  	s0 =	sadd.s32 s0, s13  }
0x56: {  	s3 =	sand.u32 $0xFFFFFF80, s0  }
0x57: {  	p1 =	slt.s32 s13, $0x1;
	p2 =	sne.s32 s13, s3  }
0x58: {  	p0 =	por !p1, !p2  }
0x59: {  	s5 =	simm.s32 $0x1;
	p0 =	por !p0, !p0  }
0x5a: {  	(v2sf) =	vpush v3, $0x7;
	s0 =	sshrl.u32 s0, $0x7;
	s5 =	simm.s32 @!p0 $0x0  }
0x5b: {  	s0 =	ssub.s32 s0, s5  }
0x5c: {  	s0 =	sshll.u32 s0, $0x7  }
0x5d: {  	s15 =	spop (v2sf);
	s0 =	sand.u32 $0x1FFFFF80, s0  }
0x5e: {  	s4 =	simm.s32 $0x5080;
	s5 =	sshra.s32 s15, $0x1F;
	s0 =	sadd.s32 s2, s0  }
0x5f: {  	[tilespmem:s4], [sflag:$0x1] =	stream.strided.gather [hbm4b:s0+s7], $0x1000, s8, s7, $0x38;
	[tilespmem:$0x19080] =	vst v63  }
0x60: {  	s0 =	sshrl.u32 s5, $0x19  }
0x61: {  	s0 =	sadd.s32 s0, s15  }
0x62: {  	s10 =	sand.u32 $0xFFFFFF80, s0  }
0x63: {  	p3 =	slt.s32 s15, $0x1;
	p4 =	sne.s32 s15, s10  }
0x64: {  	p0 =	por !p3, !p4  }
0x65: {  	s5 =	simm.s32 $0x1;
	p0 =	por !p0, !p0  }
0x66: {  	(v2sf) =	vpush v3, $0x8;
	s0 =	sshrl.u32 s0, $0x7;
	s5 =	simm.s32 @!p0 $0x0  }
0x67: {  	s0 =	ssub.s32 s0, s5  }
0x68: {  	s0 =	sshll.u32 s0, $0x7  }
0x69: {  	s16 =	spop (v2sf);
	s0 =	sand.u32 $0x1FFFFF80, s0  }
0x6a: {  	s12 =	simm.s32 $0x6080;
	s14 =	sshra.s32 s16, $0x1F;
	s0 =	sadd.s32 s2, s0  }
0x6b: {  	[tilespmem:s12], [sflag:$0x1] =	stream.strided.gather [hbm4b:s0+s7], $0x1000, s8, s7, $0x38;
	[tilespmem:$0x19080] =	vst v63  }
0x6c: {  	s0 =	sshrl.u32 s14, $0x19  }
0x6d: {  	s0 =	sadd.s32 s0, s16  }
0x6e: {  	s19 =	sand.u32 $0xFFFFFF80, s0  }
0x6f: {  	p5 =	slt.s32 s16, $0x1;
	p6 =	sne.s32 s16, s19  }
0x70: {  	p0 =	por !p5, !p6  }
0x71: {  	s5 =	simm.s32 $0x1;
	p0 =	por !p0, !p0  }
0x72: {  	(v2sf) =	vpush v3, $0x9;
	s0 =	sshrl.u32 s0, $0x7;
	s5 =	simm.s32 @!p0 $0x0  }
0x73: {  	s0 =	ssub.s32 s0, s5  }
0x74: {  	s0 =	sshll.u32 s0, $0x7  }
0x75: {  	s21 =	spop (v2sf);
	s0 =	sand.u32 $0x1FFFFF80, s0  }
0x76: {  	s20 =	simm.s32 $0x7080;
	s22 =	sshra.s32 s21, $0x1F;
	s0 =	sadd.s32 s2, s0  }
0x77: {  	[tilespmem:s20], [sflag:$0x1] =	stream.strided.gather [hbm4b:s0+s7], $0x1000, s8, s7, $0x38;
	[tilespmem:$0x19080] =	vst v63  }
0x78: {  	s0 =	sshrl.u32 s22, $0x19  }
0x79: {  	s0 =	sadd.s32 s0, s21  }
0x7a: {  	s23 =	sand.u32 $0xFFFFFF80, s0  }
0x7b: {  	p1 =	slt.s32 s21, $0x1;
	p2 =	sne.s32 s21, s23  }
0x7c: {  	p0 =	por !p1, !p2  }
0x7d: {  	s5 =	simm.s32 $0x1;
	p0 =	por !p0, !p0  }
0x7e: {  	(v2sf) =	vpush v3, $0xA;
	s0 =	sshrl.u32 s0, $0x7;
	s5 =	simm.s32 @!p0 $0x0  }
0x7f: {  	s0 =	ssub.s32 s0, s5  }
0x80: {  	s0 =	sshll.u32 s0, $0x7  }
0x81: {  	s19 =	spop (v2sf);
	s0 =	sand.u32 $0x1FFFFF80, s0  }
0x82: {  	s24 =	simm.s32 $0x8080;
	s25 =	sshra.s32 s19, $0x1F;
	s0 =	sadd.s32 s2, s0  }
0x83: {  	[tilespmem:s24], [sflag:$0x2] =	stream.strided.gather [hbm4b:s0+s7], $0x1000, s8, s7, $0x38;
	[tilespmem:$0x19080] =	vst v63  }
0x84: {  	s0 =	sshrl.u32 s25, $0x19  }
0x85: {  	s0 =	sadd.s32 s0, s19  }
0x86: {  	s26 =	sand.u32 $0xFFFFFF80, s0  }
0x87: {  	p3 =	slt.s32 s19, $0x1;
	p4 =	sne.s32 s19, s26  }
0x88: {  	p0 =	por !p3, !p4  }
0x89: {  	s5 =	simm.s32 $0x1;
	p0 =	por !p0, !p0  }
0x8a: {  	(v2sf) =	vpush v3, $0xB;
	s0 =	sshrl.u32 s0, $0x7;
	s5 =	simm.s32 @!p0 $0x0  }
0x8b: {  	s0 =	ssub.s32 s0, s5  }
0x8c: {  	s0 =	sshll.u32 s0, $0x7  }
0x8d: {  	s20 =	spop (v2sf);
	s0 =	sand.u32 $0x1FFFFF80, s0  }
0x8e: {  	s28 =	simm.s32 $0x9080;
	s30 =	sshra.s32 s20, $0x1F;
	s0 =	sadd.s32 s2, s0  }
0x8f: {  	[tilespmem:s28], [sflag:$0x2] =	stream.strided.gather [hbm4b:s0+s7], $0x1000, s8, s7, $0x38;
	[tilespmem:$0x19080] =	vst v63  }
0x90: {  	s0 =	sshrl.u32 s30, $0x19  }
0x91: {  	s0 =	sadd.s32 s0, s20  }
0x92: {  	s3 =	sand.u32 $0xFFFFFF80, s0  }
0x93: {  	p5 =	slt.s32 s20, $0x1;
	p6 =	sne.s32 s20, s3  }
0x94: {  	p0 =	por !p5, !p6  }
0x95: {  	s5 =	simm.s32 $0x1;
	p0 =	por !p0, !p0  }
0x96: {  	(v2sf) =	vpush v3, $0xC;
	s0 =	sshrl.u32 s0, $0x7;
	s5 =	simm.s32 @!p0 $0x0  }
0x97: {  	s0 =	ssub.s32 s0, s5  }
0x98: {  	s0 =	sshll.u32 s0, $0x7  }
0x99: {  	[dreg:$0x8] =	wrdreg s21;
	s21 =	spop (v2sf);
	s0 =	sand.u32 $0x1FFFFF80, s0  }
0x9a: {  	s4 =	simm.s32 $0xA080;
	s5 =	sshra.s32 s21, $0x1F;
	s0 =	sadd.s32 s2, s0  }
0x9b: {  	[tilespmem:s4], [sflag:$0x2] =	stream.strided.gather [hbm4b:s0+s7], $0x1000, s8, s7, $0x38;
	[tilespmem:$0x19080] =	vst v63  }
0x9c: {  	s0 =	sshrl.u32 s5, $0x19  }
0x9d: {  	s0 =	sadd.s32 s0, s21  }
0x9e: {  	s10 =	sand.u32 $0xFFFFFF80, s0  }
0x9f: {  	p1 =	slt.s32 s21, $0x1;
	p2 =	sne.s32 s21, s10  }
0xa0: {  	p0 =	por !p1, !p2  }
0xa1: {  	s5 =	simm.s32 $0x1;
	p0 =	por !p0, !p0  }
0xa2: {  	(v2sf) =	vpush v3, $0xD;
	s0 =	sshrl.u32 s0, $0x7;
	s5 =	simm.s32 @!p0 $0x0  }
0xa3: {  	s0 =	ssub.s32 s0, s5  }
0xa4: {  	s0 =	sshll.u32 s0, $0x7  }
0xa5: {  	s22 =	spop (v2sf);
	s0 =	sand.u32 $0x1FFFFF80, s0  }
0xa6: {  	s12 =	simm.s32 $0xB080;
	s14 =	sshra.s32 s22, $0x1F;
	s0 =	sadd.s32 s2, s0  }
0xa7: {  	[tilespmem:s12], [sflag:$0x2] =	stream.strided.gather [hbm4b:s0+s7], $0x1000, s8, s7, $0x38;
	[tilespmem:$0x19080] =	vst v63  }
0xa8: {  	s0 =	sshrl.u32 s14, $0x19  }
0xa9: {  	s0 =	sadd.s32 s0, s22  }
0xaa: {  	s23 =	sand.u32 $0xFFFFFF80, s0  }
0xab: {  	p3 =	slt.s32 s22, $0x1;
	p4 =	sne.s32 s22, s23  }
0xac: {  	p0 =	por !p3, !p4  }
0xad: {  	s5 =	simm.s32 $0x1;
	p0 =	por !p0, !p0  }
0xae: {  	(v2sf) =	vpush v3, $0xE;
	s0 =	sshrl.u32 s0, $0x7;
	s5 =	simm.s32 @!p0 $0x0  }
0xaf: {  	s0 =	ssub.s32 s0, s5  }
0xb0: {  	s0 =	sshll.u32 s0, $0x7  }
0xb1: {  	s23 =	spop (v2sf);
	s0 =	sand.u32 $0x1FFFFF80, s0  }
0xb2: {  	s24 =	simm.s32 $0xC080;
	s25 =	sshra.s32 s23, $0x1F;
	s0 =	sadd.s32 s2, s0  }
0xb3: {  	[tilespmem:s24], [sflag:$0x2] =	stream.strided.gather [hbm4b:s0+s7], $0x1000, s8, s7, $0x38;
	[tilespmem:$0x19080] =	vst v63  }
0xb4: {  	s0 =	sshrl.u32 s25, $0x19  }
0xb5: {  	s0 =	sadd.s32 s0, s23  }
0xb6: {  	s26 =	sand.u32 $0xFFFFFF80, s0  }
0xb7: {  	p5 =	slt.s32 s23, $0x1;
	p6 =	sne.s32 s23, s26  }
0xb8: {  	p0 =	por !p5, !p6  }
0xb9: {  	s5 =	simm.s32 $0x1;
	p0 =	por !p0, !p0  }
0xba: {  	(v2sf) =	vpush v3, $0xF;
	s0 =	sshrl.u32 s0, $0x7;
	s5 =	simm.s32 @!p0 $0x0  }
0xbb: {  	s0 =	ssub.s32 s0, s5  }
0xbc: {  	s0 =	sshll.u32 s0, $0x7  }
0xbd: {  	s24 =	spop (v2sf);
	s0 =	sand.u32 $0x1FFFFF80, s0  }
0xbe: {  	s28 =	simm.s32 $0xD080;
	s30 =	sshra.s32 s24, $0x1F;
	s0 =	sadd.s32 s2, s0  }
0xbf: {  	[tilespmem:s28], [sflag:$0x2] =	stream.strided.gather [hbm4b:s0+s7], $0x1000, s8, s7, $0x38;
	[tilespmem:$0x19080] =	vst v63  }
0xc0: {  	s0 =	sshrl.u32 s30, $0x19  }
0xc1: {  	s0 =	sadd.s32 s0, s24  }
0xc2: {  	s3 =	sand.u32 $0xFFFFFF80, s0  }
0xc3: {  	p1 =	slt.s32 s24, $0x1;
	p2 =	sne.s32 s24, s3  }
0xc4: {  	p0 =	por !p1, !p2  }
0xc5: {  	s5 =	simm.s32 $0x1;
	p0 =	por !p0, !p0  }
0xc6: {  	(v2sf) =	vpush v2, $0x0;
	s0 =	sshrl.u32 s0, $0x7;
	s5 =	simm.s32 @!p0 $0x0  }
0xc7: {  	s0 =	ssub.s32 s0, s5  }
0xc8: {  	s0 =	sshll.u32 s0, $0x7  }
0xc9: {  	s28 =	spop (v2sf);
	s0 =	sand.u32 $0x1FFFFF80, s0  }
0xca: {  	s4 =	simm.s32 $0xE080;
	s5 =	sshra.s32 s28, $0x1F;
	s0 =	sadd.s32 s2, s0  }
0xcb: {  	[tilespmem:s4], [sflag:$0x2] =	stream.strided.gather [hbm4b:s0+s7], $0x1000, s8, s7, $0x38;
	[tilespmem:$0x19080] =	vst v63  }
0xcc: {  	s0 =	sshrl.u32 s5, $0x19  }
0xcd: {  	s0 =	sadd.s32 s0, s28  }
0xce: {  	s10 =	sand.u32 $0xFFFFFF80, s0  }
0xcf: {  	p3 =	slt.s32 s28, $0x1;
	p4 =	sne.s32 s28, s10  }
0xd0: {  	p0 =	por !p3, !p4  }
0xd1: {  	s5 =	simm.s32 $0x1;
	p0 =	por !p0, !p0  }
0xd2: {  	(v2sf) =	vpush v2, $0x1;
	s0 =	sshrl.u32 s0, $0x7;
	s5 =	simm.s32 @!p0 $0x0  }
0xd3: {  	s0 =	ssub.s32 s0, s5  }
0xd4: {  	s0 =	sshll.u32 s0, $0x7  }
0xd5: {  	s25 =	spop (v2sf);
	s0 =	sand.u32 $0x1FFFFF80, s0  }
0xd6: {  	s12 =	simm.s32 $0xF080;
	s14 =	sshra.s32 s25, $0x1F;
	s0 =	sadd.s32 s2, s0  }
0xd7: {  	[tilespmem:s12], [sflag:$0x2] =	stream.strided.gather [hbm4b:s0+s7], $0x1000, s8, s7, $0x38;
	[tilespmem:$0x19080] =	vst v63  }
0xd8: {  	s0 =	sshrl.u32 s14, $0x19  }
0xd9: {  	s0 =	sadd.s32 s0, s25  }
0xda: {  	s26 =	sand.u32 $0xFFFFFF80, s0  }
0xdb: {  	p5 =	slt.s32 s25, $0x1;
	p6 =	sne.s32 s25, s26  }
0xdc: {  	p0 =	por !p5, !p6  }
0xdd: {  	s5 =	simm.s32 $0x1;
	p0 =	por !p0, !p0  }
0xde: {  	(v2sf) =	vpush v2, $0x2;
	s0 =	sshrl.u32 s0, $0x7;
	s5 =	simm.s32 @!p0 $0x0  }
0xdf: {  	s0 =	ssub.s32 s0, s5  }
0xe0: {  	s0 =	sshll.u32 s0, $0x7  }
0xe1: {  	s26 =	spop (v2sf);
	s0 =	sand.u32 $0x1FFFFF80, s0  }
0xe2: {  	s30 =	simm.s32 $0x10080;
	s3 =	sshra.s32 s26, $0x1F;
	s0 =	sadd.s32 s2, s0  }
0xe3: {  	[tilespmem:s30], [sflag:$0x3] =	stream.strided.gather [hbm4b:s0+s7], $0x1000, s8, s7, $0x38;
	[tilespmem:$0x19080] =	vst v63  }
0xe4: {  	s0 =	sshrl.u32 s3, $0x19  }
0xe5: {  	s0 =	sadd.s32 s0, s26  }
0xe6: {  	s4 =	sand.u32 $0xFFFFFF80, s0  }
0xe7: {  	p1 =	slt.s32 s26, $0x1;
	p2 =	sne.s32 s26, s4  }
0xe8: {  	p0 =	por !p1, !p2  }
0xe9: {  	s5 =	simm.s32 $0x1;
	p0 =	por !p0, !p0  }
0xea: {  	s0 =	sshrl.u32 s0, $0x7;
	s5 =	simm.s32 @!p0 $0x0  }
0xeb: {  	s0 =	ssub.s32 s0, s5  }
0xec: {  	s0 =	sshll.u32 s0, $0x7  }
0xed: {  	(v2sf) =	vpush v2, $0x3;
	s30 =	spop (v2sf);
	s0 =	sand.u32 $0x1FFFFF80, s0  }
0xee: {  	s10 =	sshra.s32 s30, $0x1F;
	s5 =	simm.s32 $0x11080;
	s0 =	sadd.s32 s2, s0  }
0xef: {  	[tilespmem:s5], [sflag:$0x3] =	stream.strided.gather [hbm4b:s0+s7], $0x1000, s8, s7, $0x38;
	[tilespmem:$0x19080] =	vst v63  }
0xf0: {  	s0 =	sshrl.u32 s10, $0x19  }
0xf1: {  	s0 =	sadd.s32 s0, s30  }
0xf2: {  	s12 =	sand.u32 $0xFFFFFF80, s0  }
0xf3: {  	p3 =	slt.s32 s30, $0x1;
	p4 =	sne.s32 s30, s12  }
0xf4: {  	p0 =	por !p3, !p4  }
0xf5: {  	s5 =	simm.s32 $0x1;
	p0 =	por !p0, !p0  }
0xf6: {  	s0 =	sshrl.u32 s0, $0x7;
	s5 =	simm.s32 @!p0 $0x0  }
0xf7: {  	s0 =	ssub.s32 s0, s5  }
0xf8: {  	s0 =	sshll.u32 s0, $0x7  }
0xf9: {  	s0 =	sand.u32 $0x1FFFFF80, s0  }
0xfa: {  	s14 =	simm.s32 $0x12080;
	s0 =	sadd.s32 s2, s0  }
0xfb: {  	(v2sf) =	vpush v2, $0x4;
	[tilespmem:s14], [sflag:$0x3] =	stream.strided.gather [hbm4b:s0+s7], $0x1000, s8, s7, $0x38;
	[tilespmem:$0x19080] =	vst v63  }
0xfc: {  	s0 =	spop (v2sf)  }
0xfd: {  	s4 =	sshra.s32 s0, $0x1F  }
0xfe: {  	s5 =	sshrl.u32 s4, $0x19  }
0xff: {  	s5 =	sadd.s32 s5, s0  }
0x100: {  	s10 =	sand.u32 $0xFFFFFF80, s5  }
0x101: {  	p5 =	slt.s32 s0, $0x1;
	p6 =	sne.s32 s0, s10  }
0x102: {  	p0 =	por !p5, !p6  }
0x103: {  	s10 =	simm.s32 $0x1;
	p0 =	por !p0, !p0  }
0x104: {  	s5 =	sshrl.u32 s5, $0x7;
	s10 =	simm.s32 @!p0 $0x0  }
0x105: {  	s5 =	ssub.s32 s5, s10  }
0x106: {  	s5 =	sshll.u32 s5, $0x7  }
0x107: {  	s5 =	sand.u32 $0x1FFFFF80, s5  }
0x108: {  	s10 =	simm.s32 $0x13080;
	s5 =	sadd.s32 s2, s5  }
0x109: {  	(v2sf) =	vpush v2, $0x5;
	[tilespmem:s10], [sflag:$0x3] =	stream.strided.gather [hbm4b:s5+s7], $0x1000, s8, s7, $0x38;
	[tilespmem:$0x19080] =	vst v63  }
0x10a: {  	s5 =	spop (v2sf)  }
0x10b: {  	s12 =	sshra.s32 s5, $0x1F  }
0x10c: {  	s10 =	sshrl.u32 s12, $0x19  }
0x10d: {  	s10 =	sadd.s32 s10, s5  }
0x10e: {  	s12 =	sand.u32 $0xFFFFFF80, s10  }
0x10f: {  	p1 =	slt.s32 s5, $0x1;
	p2 =	sne.s32 s5, s12  }
0x110: {  	p0 =	por !p1, !p2  }
0x111: {  	s12 =	simm.s32 $0x1;
	p0 =	por !p0, !p0  }
0x112: {  	s10 =	sshrl.u32 s10, $0x7;
	s12 =	simm.s32 @!p0 $0x0  }
0x113: {  	s10 =	ssub.s32 s10, s12  }
0x114: {  	s10 =	sshll.u32 s10, $0x7  }
0x115: {  	s10 =	sand.u32 $0x1FFFFF80, s10  }
0x116: {  	s14 =	simm.s32 $0x14080;
	s10 =	sadd.s32 s2, s10  }
0x117: {  	(v2sf) =	vpush v2, $0x6;
	[tilespmem:s14], [sflag:$0x3] =	stream.strided.gather [hbm4b:s10+s7], $0x1000, s8, s7, $0x38;
	[tilespmem:$0x19080] =	vst v63  }
0x118: {  	s10 =	spop (v2sf)  }
0x119: {  	s4 =	sshra.s32 s10, $0x1F  }
0x11a: {  	s12 =	sshrl.u32 s4, $0x19  }
0x11b: {  	s12 =	sadd.s32 s12, s10  }
0x11c: {  	s14 =	sand.u32 $0xFFFFFF80, s12  }
0x11d: {  	p3 =	slt.s32 s10, $0x1;
	p4 =	sne.s32 s10, s14  }
0x11e: {  	p0 =	por !p3, !p4  }
0x11f: {  	s14 =	simm.s32 $0x1;
	p0 =	por !p0, !p0  }
0x120: {  	s12 =	sshrl.u32 s12, $0x7;
	s14 =	simm.s32 @!p0 $0x0  }
0x121: {  	s12 =	ssub.s32 s12, s14  }
0x122: {  	s12 =	sshll.u32 s12, $0x7  }
0x123: {  	s12 =	sand.u32 $0x1FFFFF80, s12  }
0x124: {  	s14 =	simm.s32 $0x15080;
	s12 =	sadd.s32 s2, s12  }
0x125: {  	(v2sf) =	vpush v2, $0x7;
	[tilespmem:s14], [sflag:$0x3] =	stream.strided.gather [hbm4b:s12+s7], $0x1000, s8, s7, $0x38;
	[tilespmem:$0x19080] =	vst v63  }
0x126: {  	s12 =	spop (v2sf)  }
0x127: {  	s4 =	sshra.s32 s12, $0x1F  }
0x128: {  	s14 =	sshrl.u32 s4, $0x19  }
0x129: {  	s14 =	sadd.s32 s14, s12  }
0x12a: {  	s4 =	sand.u32 $0xFFFFFF80, s14  }
0x12b: {  	p5 =	slt.s32 s12, $0x1;
	p6 =	sne.s32 s12, s4  }
0x12c: {  	p0 =	por !p5, !p6  }
0x12d: {  	s4 =	simm.s32 $0x1;
	p0 =	por !p0, !p0  }
0x12e: {  	s14 =	sshrl.u32 s14, $0x7;
	s4 =	simm.s32 @!p0 $0x0  }
0x12f: {  	s4 =	ssub.s32 s14, s4  }
0x130: {  	s4 =	sshll.u32 s4, $0x7  }
0x131: {  	s4 =	sand.u32 $0x1FFFFF80, s4  }
0x132: {  	s14 =	simm.s32 $0x16080;
	s4 =	sadd.s32 s2, s4  }
0x133: {  	[tilespmem:s14], [sflag:$0x3] =	stream.strided.gather [hbm4b:s4+s7], $0x1000, s8, s7, $0x38;
	[tilespmem:$0x19080] =	vst v63  }
0x134: {  	s14 =	spop (v2sf)  }
0x135: {  	s3 =	sshra.s32 s14, $0x1F  }
0x136: {  	s4 =	sshrl.u32 s3, $0x19  }
0x137: {  	s4 =	sadd.s32 s4, s14  }
0x138: {  	s3 =	sand.u32 $0xFFFFFF80, s4  }
0x139: {  	p1 =	slt.s32 s14, $0x1;
	p2 =	sne.s32 s14, s3  }
0x13a: {  	p0 =	por !p1, !p2  }
0x13b: {  	s3 =	simm.s32 $0x1;
	p0 =	por !p0, !p0  }
0x13c: {  	s4 =	sshrl.u32 s4, $0x7;
	s3 =	simm.s32 @!p0 $0x0  }
0x13d: {  	s3 =	ssub.s32 s4, s3  }
0x13e: {  	s3 =	sshll.u32 s3, $0x7  }
0x13f: {  	s3 =	sand.u32 $0x1FFFFF80, s3  }
0x140: {  	s4 =	simm.s32 $0x17080;
	s3 =	sadd.s32 s2, s3  }
0x141: {  	[tilespmem:s4], [sflag:$0x3] =	stream.strided.gather [hbm4b:s3+s7], $0x1000, s8, s7, $0x38;
	[tilespmem:$0x19080] =	vst v63  }
0x142: {  	_ =	swait.ge [sflag:s6], $0x1000  }
0x143: {  	[sflag:s6] =	ssyncset.done $0x0  }
0x144: {  	[sflag:s6] =	ssyncadd.s32 $0xFFFFF000  }
0x145: {  	_ =	swait.ge [sflag:s6], $0x1000  }
0x146: {  	[sflag:s6] =	ssyncset.done $0x0  }
0x147: {  	[sflag:s6] =	ssyncadd.s32 $0xFFFFF000  }
0x148: {  	_ =	swait.ge [sflag:s6], $0x1000  }
0x149: {  	[sflag:s6] =	ssyncset.done $0x0  }
0x14a: {  	[sflag:s6] =	ssyncadd.s32 $0xFFFFF000  }
0x14b: {  	_ =	swait.ge [sflag:s6], $0x1000  }
0x14c: {  	[sflag:s6] =	ssyncset.done $0x0  }
0x14d: {  	[sflag:s6] =	ssyncadd.s32 $0xFFFFF000  }
0x14e: {  	_ =	swait.ge [sflag:s6], $0x1000  }
0x14f: {  	[sflag:s6] =	ssyncset.done $0x0  }
0x150: {  	[sflag:s6] =	ssyncadd.s32 $0xFFFFF000  }
0x151: {  	_ =	swait.ge [sflag:s6], $0x1000  }
0x152: {  	[sflag:s6] =	ssyncset.done $0x0  }
0x153: {  	[sflag:s6] =	ssyncadd.s32 $0xFFFFF000  }
0x154: {  	s4 =	sand.u32 $0x7F, s29;
	_ =	swait.ge [sflag:s6], $0x1000  }
0x155: {  	v3 =	vor.u32 s4, v0;
	[sflag:s6] =	ssyncset.done $0x0  }
0x156: {  	[sflag:s6] =	ssyncadd.s32 $0xFFFFF000  }
0x157: {  	_ =	swait.ge [sflag:s6], $0x1000  }
0x158: {  	[sflag:s6] =	ssyncset.done $0x0  }
0x159: {  	s29 =	simm.s32 $0x80;
	[sflag:s6] =	ssyncadd.s32 $0xFFFFF000  }
0x15a: {  	v3 =	vld.idx.msk [tilespmem:v3+s29+$0x0], $0xffff  }
0x15b: {  	v4 =	vor.u32 s4, v1;
	_ =	sdelay $0x3  }
0x15c: {  	[tilespmem:$0x18080] =	vst v3  }
0x15d: {  	s4 =	sand.u32 $0x7F, s31;
	v3 =	vld.idx.msk [tilespmem:v4+s29+$0x0], $0xffff  }
0x15e: {  	v50 =	vor.u32 s4, v0;
	_ =	sdelay $0x3  }
0x15f: {  	s31 =	simm.s32 $0x1080;
	[tilespmem:$0x18090] =	vst v3  }
0x160: {  	v3 =	vld.idx.msk [tilespmem:v50+s31+$0x0], $0xffff  }
0x161: {  	v51 =	vor.u32 s4, v1;
	_ =	sdelay $0x3  }
0x162: {  	[tilespmem:$0x18100] =	vst v3  }
0x163: {  	s1 =	sand.u32 $0x7F, s1;
	v3 =	vld.idx.msk [tilespmem:v51+s31+$0x0], $0xffff  }
0x164: {  	v52 =	vor.u32 s1, v0;
	_ =	sdelay $0x3  }
0x165: {  	s4 =	simm.s32 $0x2080;
	[tilespmem:$0x18110] =	vst v3  }
0x166: {  	v3 =	vld.idx.msk [tilespmem:v52+s4+$0x0], $0xffff  }
0x167: {  	v53 =	vor.u32 s1, v1;
	_ =	sdelay $0x3  }
0x168: {  	[tilespmem:$0x18180] =	vst v3  }
0x169: {  	v3 =	vld.idx.msk [tilespmem:v53+s4+$0x0], $0xffff;
	s4 =	sand.u32 $0x7F, s9  }
0x16a: {  	v54 =	vor.u32 s4, v0;
	_ =	sdelay $0x3  }
0x16b: {  	s9 =	simm.s32 $0x3080;
	[tilespmem:$0x18190] =	vst v3  }
0x16c: {  	v3 =	vld.idx.msk [tilespmem:v54+s9+$0x0], $0xffff  }
0x16d: {  	v55 =	vor.u32 s4, v1;
	_ =	sdelay $0x3  }
0x16e: {  	[tilespmem:$0x18200] =	vst v3  }
0x16f: {  	s4 =	sand.u32 $0x7F, s11;
	v3 =	vld.idx.msk [tilespmem:v55+s9+$0x0], $0xffff  }
0x170: {  	v56 =	vor.u32 s4, v0;
	_ =	sdelay $0x3  }
0x171: {  	s9 =	simm.s32 $0x4080;
	[tilespmem:$0x18210] =	vst v3  }
0x172: {  	v3 =	vld.idx.msk [tilespmem:v56+s9+$0x0], $0xffff  }
0x173: {  	v57 =	vor.u32 s4, v1;
	_ =	sdelay $0x3  }
0x174: {  	[tilespmem:$0x18280] =	vst v3  }
0x175: {  	s11 =	sand.u32 $0x7F, s13;
	v3 =	vld.idx.msk [tilespmem:v57+s9+$0x0], $0xffff  }
0x176: {  	v58 =	vor.u32 s11, v0;
	_ =	sdelay $0x3  }
0x177: {  	s13 =	simm.s32 $0x5080;
	[tilespmem:$0x18290] =	vst v3  }
0x178: {  	v3 =	vld.idx.msk [tilespmem:v58+s13+$0x0], $0xffff  }
0x179: {  	v59 =	vor.u32 s11, v1;
	_ =	sdelay $0x3  }
0x17a: {  	[tilespmem:$0x18300] =	vst v3  }
0x17b: {  	s3 =	sand.u32 $0x7F, s15;
	v3 =	vld.idx.msk [tilespmem:v59+s13+$0x0], $0xffff  }
0x17c: {  	v60 =	vor.u32 s3, v0  }
0x17d: {  	(v2sf) =	vpush v2, $0x8;
	_ =	sdelay $0x2  }
0x17e: {  	s4 =	simm.s32 $0x6080;
	[tilespmem:$0x18310] =	vst v3  }
0x17f: {  	v3 =	vld.idx.msk [tilespmem:v60+s4+$0x0], $0xffff  }
0x180: {  	v61 =	vor.u32 s3, v1;
	_ =	sdelay $0x3  }
0x181: {  	[tilespmem:$0x18380] =	vst v3  }
0x182: {  	s9 =	sand.u32 $0x7F, s16;
	v3 =	vld.idx.msk [tilespmem:v61+s4+$0x0], $0xffff  }
0x183: {  	(v2sf) =	vpush v2, $0x9;
	v62 =	vor.u32 s9, v0;
	_ =	sdelay $0x3  }
0x184: {  	s1 =	spop (v2sf);
	s11 =	simm.s32 $0x7080;
	[tilespmem:$0x18390] =	vst v3  }
0x185: {  	s13 =	sshra.s32 s1, $0x1F;
	v3 =	vld.idx.msk [tilespmem:v62+s11+$0x0], $0xffff  }
0x186: {  	v63 =	vor.u32 s9, v1;
	s15 =	sshrl.u32 s13, $0x19  }
0x187: {  	s3 =	sadd.s32 s15, s1  }
0x188: {  	s16 =	sand.u32 $0xFFFFFF80, s3  }
0x189: {  	p3 =	slt.s32 s1, $0x1;
	p4 =	sne.s32 s1, s16  }
0x18a: {  	p0 =	por !p3, !p4;
	[tilespmem:$0x18400] =	vst v3  }
0x18b: {  	p0 =	por !p0, !p0;
	s4 =	simm.s32 $0x1;
	v3 =	vld.idx.msk [tilespmem:v63+s11+$0x0], $0xffff  }
0x18c: {  	(v2sf) =	vpush v2, $0xA;
	s3 =	sshrl.u32 s3, $0x7;
	s4 =	simm.s32 @!p0 $0x0  }
0x18d: {  	s3 =	ssub.s32 s3, s4  }
0x18e: {  	s3 =	sshll.u32 s3, $0x7  }
0x18f: {  	s9 =	spop (v2sf);
	s3 =	sand.u32 $0x1FFFFF80, s3  }
0x190: {  	s29 =	simm.s32 $0x80;
	s4 =	sshra.s32 s9, $0x1F;
	s3 =	sadd.s32 s2, s3;
	[tilespmem:$0x18410] =	vst v3  }
0x191: {  	[tilespmem:s29], [sflag:$0x1] =	stream.strided.gather [hbm4b:s3+s7], $0x1000, s8, s7, $0x38;
	[tilespmem:$0x19080] =	vst v63  }
0x192: {  	s3 =	sshrl.u32 s4, $0x19  }
0x193: {  	s3 =	sadd.s32 s3, s9  }
0x194: {  	s11 =	sand.u32 $0xFFFFFF80, s3  }
0x195: {  	p5 =	slt.s32 s9, $0x1;
	p6 =	sne.s32 s9, s11  }
0x196: {  	p0 =	por !p5, !p6  }
0x197: {  	s4 =	simm.s32 $0x1;
	p0 =	por !p0, !p0  }
0x198: {  	(v2sf) =	vpush v2, $0xB;
	s3 =	sshrl.u32 s3, $0x7;
	s4 =	simm.s32 @!p0 $0x0  }
0x199: {  	s3 =	ssub.s32 s3, s4  }
0x19a: {  	s3 =	sshll.u32 s3, $0x7  }
0x19b: {  	s11 =	spop (v2sf);
	s3 =	sand.u32 $0x1FFFFF80, s3  }
0x19c: {  	s31 =	simm.s32 $0x1080;
	s13 =	sshra.s32 s11, $0x1F;
	s3 =	sadd.s32 s2, s3  }
0x19d: {  	[tilespmem:s31], [sflag:$0x1] =	stream.strided.gather [hbm4b:s3+s7], $0x1000, s8, s7, $0x38;
	[tilespmem:$0x19080] =	vst v63  }
0x19e: {  	s3 =	sshrl.u32 s13, $0x19  }
0x19f: {  	s3 =	sadd.s32 s3, s11  }
0x1a0: {  	s15 =	sand.u32 $0xFFFFFF80, s3  }
0x1a1: {  	p1 =	slt.s32 s11, $0x1;
	p2 =	sne.s32 s11, s15  }
0x1a2: {  	p0 =	por !p1, !p2  }
0x1a3: {  	s4 =	simm.s32 $0x1;
	p0 =	por !p0, !p0  }
0x1a4: {  	s3 =	sshrl.u32 s3, $0x7;
	s4 =	simm.s32 @!p0 $0x0  }
0x1a5: {  	s3 =	ssub.s32 s3, s4  }
0x1a6: {  	s3 =	sshll.u32 s3, $0x7  }
0x1a7: {  	(v2sf) =	vpush v2, $0xC;
	s13 =	spop (v2sf);
	s3 =	sand.u32 $0x1FFFFF80, s3  }
0x1a8: {  	s16 =	simm.s32 $0x2080;
	s29 =	sshra.s32 s13, $0x1F;
	s3 =	sadd.s32 s2, s3  }
0x1a9: {  	[tilespmem:s16], [sflag:$0x1] =	stream.strided.gather [hbm4b:s3+s7], $0x1000, s8, s7, $0x38;
	[tilespmem:$0x19080] =	vst v63  }
0x1aa: {  	s3 =	sshrl.u32 s29, $0x19  }
0x1ab: {  	s3 =	sadd.s32 s3, s13  }
0x1ac: {  	s31 =	sand.u32 $0xFFFFFF80, s3  }
0x1ad: {  	p3 =	slt.s32 s13, $0x1;
	p4 =	sne.s32 s13, s31  }
0x1ae: {  	p0 =	por !p3, !p4  }
0x1af: {  	s4 =	simm.s32 $0x1;
	p0 =	por !p0, !p0  }
0x1b0: {  	s3 =	sshrl.u32 s3, $0x7;
	s4 =	simm.s32 @!p0 $0x0  }
0x1b1: {  	s3 =	ssub.s32 s3, s4  }
0x1b2: {  	(v2sf) =	vpush v2, $0xD;
	s3 =	sshll.u32 s3, $0x7  }
0x1b3: {  	s3 =	sand.u32 $0x1FFFFF80, s3  }
0x1b4: {  	s15 =	simm.s32 $0x3080;
	s3 =	sadd.s32 s2, s3  }
0x1b5: {  	[tilespmem:s15], [sflag:$0x1] =	stream.strided.gather [hbm4b:s3+s7], $0x1000, s8, s7, $0x38;
	[tilespmem:$0x19080] =	vst v63  }
0x1b6: {  	s15 =	spop (v2sf)  }
0x1b7: {  	s16 =	sshra.s32 s15, $0x1F  }
0x1b8: {  	s3 =	sshrl.u32 s16, $0x19  }
0x1b9: {  	s3 =	sadd.s32 s3, s15  }
0x1ba: {  	s29 =	sand.u32 $0xFFFFFF80, s3  }
0x1bb: {  	p5 =	slt.s32 s15, $0x1;
	p6 =	sne.s32 s15, s29  }
0x1bc: {  	p0 =	por !p5, !p6  }
0x1bd: {  	s4 =	simm.s32 $0x1;
	p0 =	por !p0, !p0  }
0x1be: {  	(v2sf) =	vpush v2, $0xE;
	s3 =	sshrl.u32 s3, $0x7;
	s4 =	simm.s32 @!p0 $0x0  }
0x1bf: {  	s3 =	ssub.s32 s3, s4  }
0x1c0: {  	s3 =	sshll.u32 s3, $0x7  }
0x1c1: {  	s16 =	spop (v2sf);
	s3 =	sand.u32 $0x1FFFFF80, s3  }
0x1c2: {  	s31 =	simm.s32 $0x4080;
	s4 =	sshra.s32 s16, $0x1F;
	s3 =	sadd.s32 s2, s3  }
0x1c3: {  	[tilespmem:s31], [sflag:$0x1] =	stream.strided.gather [hbm4b:s3+s7], $0x1000, s8, s7, $0x38;
	[tilespmem:$0x19080] =	vst v63  }
0x1c4: {  	s3 =	sshrl.u32 s4, $0x19  }
0x1c5: {  	s3 =	sadd.s32 s3, s16  }
0x1c6: {  	s29 =	sand.u32 $0xFFFFFF80, s3  }
0x1c7: {  	p1 =	slt.s32 s16, $0x1;
	p2 =	sne.s32 s16, s29  }
0x1c8: {  	p0 =	por !p1, !p2  }
0x1c9: {  	s4 =	simm.s32 $0x1;
	p0 =	por !p0, !p0  }
0x1ca: {  	s3 =	sshrl.u32 s3, $0x7;
	s4 =	simm.s32 @!p0 $0x0  }
0x1cb: {  	s3 =	ssub.s32 s3, s4  }
0x1cc: {  	s3 =	sshll.u32 s3, $0x7  }
0x1cd: {  	s29 =	spop (v2sf);
	(v2sf) =	vpush v2, $0xF;
	s3 =	sand.u32 $0x1FFFFF80, s3  }
0x1ce: {  	s31 =	simm.s32 $0x5080;
	s4 =	sshra.s32 s29, $0x1F;
	s3 =	sadd.s32 s2, s3  }
0x1cf: {  	[tilespmem:s31], [sflag:$0x1] =	stream.strided.gather [hbm4b:s3+s7], $0x1000, s8, s7, $0x38;
	[tilespmem:$0x19080] =	vst v63  }
0x1d0: {  	s3 =	sshrl.u32 s4, $0x19  }
0x1d1: {  	s3 =	sadd.s32 s3, s29  }
0x1d2: {  	s31 =	sand.u32 $0xFFFFFF80, s3  }
0x1d3: {  	p3 =	slt.s32 s29, $0x1;
	p4 =	sne.s32 s29, s31  }
0x1d4: {  	p0 =	por !p3, !p4  }
0x1d5: {  	s4 =	simm.s32 $0x1;
	p0 =	por !p0, !p0  }
0x1d6: {  	s3 =	sshrl.u32 s3, $0x7;
	s4 =	simm.s32 @!p0 $0x0  }
0x1d7: {  	s3 =	ssub.s32 s3, s4  }
0x1d8: {  	s3 =	sshll.u32 s3, $0x7  }
0x1d9: {  	s3 =	sand.u32 $0x1FFFFF80, s3  }
0x1da: {  	s31 =	simm.s32 $0x6080;
	s3 =	sadd.s32 s2, s3  }
0x1db: {  	[tilespmem:s31], [sflag:$0x1] =	stream.strided.gather [hbm4b:s3+s7], $0x1000, s8, s7, $0x38;
	[tilespmem:$0x19080] =	vst v63  }
0x1dc: {  	s31 =	spop (v2sf)  }
0x1dd: {  	s4 =	sshra.s32 s31, $0x1F  }
0x1de: {  	s3 =	sshrl.u32 s4, $0x19  }
0x1df: {  	s3 =	sadd.s32 s3, s31  }
0x1e0: {  	s4 =	sand.u32 $0xFFFFFF80, s3  }
0x1e1: {  	p5 =	slt.s32 s31, $0x1;
	p6 =	sne.s32 s31, s4  }
0x1e2: {  	p0 =	por !p5, !p6  }
0x1e3: {  	s4 =	simm.s32 $0x1;
	p0 =	por !p0, !p0  }
0x1e4: {  	s3 =	sshrl.u32 s3, $0x7;
	s4 =	simm.s32 @!p0 $0x0  }
0x1e5: {  	s3 =	ssub.s32 s3, s4  }
0x1e6: {  	s3 =	sshll.u32 s3, $0x7  }
0x1e7: {  	s3 =	sand.u32 $0x1FFFFF80, s3  }
0x1e8: {  	s4 =	simm.s32 $0x7080;
	s3 =	sadd.s32 s2, s3  }
0x1e9: {  	[tilespmem:s4], [sflag:$0x1] =	stream.strided.gather [hbm4b:s3+s7], $0x1000, s8, s7, $0x38;
	[tilespmem:$0x19080] =	vst v63  }
0x1ea: {  	_ =	swait.ge [sflag:s18], $0x1000  }
0x1eb: {  	[sflag:s18] =	ssyncset.done $0x0  }
0x1ec: {  	[sflag:s18] =	ssyncadd.s32 $0xFFFFF000  }
0x1ed: {  	_ =	swait.ge [sflag:s18], $0x1000  }
0x1ee: {  	[sflag:s18] =	ssyncset.done $0x0  }
0x1ef: {  	[sflag:s18] =	ssyncadd.s32 $0xFFFFF000  }
0x1f0: {  	_ =	swait.ge [sflag:s18], $0x1000  }
0x1f1: {  	[sflag:s18] =	ssyncset.done $0x0  }
0x1f2: {  	[sflag:s18] =	ssyncadd.s32 $0xFFFFF000  }
0x1f3: {  	_ =	swait.ge [sflag:s18], $0x1000  }
0x1f4: {  	[sflag:s18] =	ssyncset.done $0x0  }
0x1f5: {  	[sflag:s18] =	ssyncadd.s32 $0xFFFFF000  }
0x1f6: {  	_ =	swait.ge [sflag:s18], $0x1000  }
0x1f7: {  	[sflag:s18] =	ssyncset.done $0x0  }
0x1f8: {  	[sflag:s18] =	ssyncadd.s32 $0xFFFFF000  }
0x1f9: {  	_ =	swait.ge [sflag:s18], $0x1000  }
0x1fa: {  	[sflag:s18] =	ssyncset.done $0x0  }
0x1fb: {  	[sflag:s18] =	ssyncadd.s32 $0xFFFFF000  }
0x1fc: {  	_ =	swait.ge [sflag:s18], $0x1000  }
0x1fd: {  	s4 =	rddreg [dreg:$0x8]  }
0x1fe: {  	s3 =	sand.u32 $0x7F, s4  }
0x1ff: {  	[sflag:s18] =	ssyncset.done $0x0;
	v2 =	vor.u32 s3, v0  }
0x200: {  	[sflag:s18] =	ssyncadd.s32 $0xFFFFF000  }
0x201: {  	_ =	swait.ge [sflag:s18], $0x1000  }
0x202: {  	[sflag:s18] =	ssyncset.done $0x0  }
0x203: {  	s4 =	simm.s32 $0x8080;
	[sflag:s18] =	ssyncadd.s32 $0xFFFFF000  }
0x204: {  	v2 =	vld.idx.msk [tilespmem:v2+s4+$0x0], $0xffff  }
0x205: {  	v3 =	vor.u32 s3, v1;
	_ =	sdelay $0x3  }
0x206: {  	[tilespmem:$0x18480] =	vst v2  }
0x207: {  	v2 =	vld.idx.msk [tilespmem:v3+s4+$0x0], $0xffff;
	s4 =	sand.u32 $0x7F, s19  }
0x208: {  	v3 =	vor.u32 s4, v0;
	_ =	sdelay $0x3  }
0x209: {  	s19 =	simm.s32 $0x9080;
	[tilespmem:$0x18490] =	vst v2  }
0x20a: {  	v2 =	vld.idx.msk [tilespmem:v3+s19+$0x0], $0xffff  }
0x20b: {  	v3 =	vor.u32 s4, v1;
	_ =	sdelay $0x3  }
0x20c: {  	[tilespmem:$0x18500] =	vst v2  }
0x20d: {  	v2 =	vld.idx.msk [tilespmem:v3+s19+$0x0], $0xffff;
	s19 =	sand.u32 $0x7F, s20  }
0x20e: {  	v3 =	vor.u32 s19, v0;
	_ =	sdelay $0x3  }
0x20f: {  	s20 =	simm.s32 $0xA080;
	[tilespmem:$0x18510] =	vst v2  }
0x210: {  	v2 =	vld.idx.msk [tilespmem:v3+s20+$0x0], $0xffff  }
0x211: {  	v3 =	vor.u32 s19, v1;
	_ =	sdelay $0x3  }
0x212: {  	[tilespmem:$0x18580] =	vst v2  }
0x213: {  	s19 =	sand.u32 $0x7F, s21;
	v2 =	vld.idx.msk [tilespmem:v3+s20+$0x0], $0xffff  }
0x214: {  	v3 =	vor.u32 s19, v0;
	_ =	sdelay $0x3  }
0x215: {  	s20 =	simm.s32 $0xB080;
	[tilespmem:$0x18590] =	vst v2  }
0x216: {  	v2 =	vld.idx.msk [tilespmem:v3+s20+$0x0], $0xffff  }
0x217: {  	v3 =	vor.u32 s19, v1;
	_ =	sdelay $0x3  }
0x218: {  	[tilespmem:$0x18600] =	vst v2  }
0x219: {  	s21 =	sand.u32 $0x7F, s22;
	v2 =	vld.idx.msk [tilespmem:v3+s20+$0x0], $0xffff  }
0x21a: {  	v3 =	vor.u32 s21, v0;
	_ =	sdelay $0x3  }
0x21b: {  	s22 =	simm.s32 $0xC080;
	[tilespmem:$0x18610] =	vst v2  }
0x21c: {  	v2 =	vld.idx.msk [tilespmem:v3+s22+$0x0], $0xffff  }
0x21d: {  	v3 =	vor.u32 s21, v1;
	_ =	sdelay $0x3  }
0x21e: {  	[tilespmem:$0x18680] =	vst v2  }
0x21f: {  	s4 =	sand.u32 $0x7F, s23;
	v2 =	vld.idx.msk [tilespmem:v3+s22+$0x0], $0xffff  }
0x220: {  	v3 =	vor.u32 s4, v0;
	_ =	sdelay $0x3  }
0x221: {  	s19 =	simm.s32 $0xD080;
	[tilespmem:$0x18690] =	vst v2  }
0x222: {  	v2 =	vld.idx.msk [tilespmem:v3+s19+$0x0], $0xffff  }
0x223: {  	v3 =	vor.u32 s4, v1;
	_ =	sdelay $0x3  }
0x224: {  	[tilespmem:$0x18700] =	vst v2  }
0x225: {  	s20 =	sand.u32 $0x7F, s24;
	v2 =	vld.idx.msk [tilespmem:v3+s19+$0x0], $0xffff  }
0x226: {  	v3 =	vor.u32 s20, v0;
	_ =	sdelay $0x3  }
0x227: {  	s21 =	simm.s32 $0xE080;
	[tilespmem:$0x18710] =	vst v2  }
0x228: {  	v2 =	vld.idx.msk [tilespmem:v3+s21+$0x0], $0xffff  }
0x229: {  	v3 =	vor.u32 s20, v1;
	_ =	sdelay $0x3  }
0x22a: {  	[tilespmem:$0x18780] =	vst v2  }
0x22b: {  	s22 =	sand.u32 $0x7F, s28;
	v2 =	vld.idx.msk [tilespmem:v3+s21+$0x0], $0xffff  }
0x22c: {  	v3 =	vor.u32 s22, v0;
	_ =	sdelay $0x3  }
0x22d: {  	s23 =	simm.s32 $0xF080;
	[tilespmem:$0x18790] =	vst v2  }
0x22e: {  	v2 =	vld.idx.msk [tilespmem:v3+s23+$0x0], $0xffff  }
0x22f: {  	v3 =	vor.u32 s22, v1;
	_ =	sdelay $0x3  }
0x230: {  	[tilespmem:$0x18800] =	vst v2  }
0x231: {  	v2 =	vld.idx.msk [tilespmem:v3+s23+$0x0], $0xffff;
	_ =	sdelay $0x4  }
0x232: {  	[tilespmem:$0x18810] =	vst v2  }
0x233: {  	_ =	swait.ge [sflag:s17], $0x1000  }
0x234: {  	[sflag:s17] =	ssyncset.done $0x0  }
0x235: {  	[sflag:s17] =	ssyncadd.s32 $0xFFFFF000  }
0x236: {  	_ =	swait.ge [sflag:s17], $0x1000  }
0x237: {  	[sflag:s17] =	ssyncset.done $0x0  }
0x238: {  	[sflag:s17] =	ssyncadd.s32 $0xFFFFF000  }
0x239: {  	_ =	swait.ge [sflag:s17], $0x1000  }
0x23a: {  	[sflag:s17] =	ssyncset.done $0x0  }
0x23b: {  	[sflag:s17] =	ssyncadd.s32 $0xFFFFF000  }
0x23c: {  	_ =	swait.ge [sflag:s17], $0x1000  }
0x23d: {  	[sflag:s17] =	ssyncset.done $0x0  }
0x23e: {  	[sflag:s17] =	ssyncadd.s32 $0xFFFFF000  }
0x23f: {  	_ =	swait.ge [sflag:s17], $0x1000  }
0x240: {  	[sflag:s17] =	ssyncset.done $0x0  }
0x241: {  	[sflag:s17] =	ssyncadd.s32 $0xFFFFF000  }
0x242: {  	_ =	swait.ge [sflag:s17], $0x1000  }
0x243: {  	[sflag:s17] =	ssyncset.done $0x0  }
0x244: {  	[sflag:s17] =	ssyncadd.s32 $0xFFFFF000  }
0x245: {  	s24 =	sand.u32 $0x7F, s25;
	_ =	swait.ge [sflag:s17], $0x1000  }
0x246: {  	v2 =	vor.u32 s24, v0;
	[sflag:s17] =	ssyncset.done $0x0  }
0x247: {  	[sflag:s17] =	ssyncadd.s32 $0xFFFFF000  }
0x248: {  	_ =	swait.ge [sflag:s17], $0x1000  }
0x249: {  	[sflag:s17] =	ssyncset.done $0x0  }
0x24a: {  	s25 =	simm.s32 $0x10080;
	[sflag:s17] =	ssyncadd.s32 $0xFFFFF000  }
0x24b: {  	v2 =	vld.idx.msk [tilespmem:v2+s25+$0x0], $0xffff  }
0x24c: {  	v3 =	vor.u32 s24, v1;
	_ =	sdelay $0x3  }
0x24d: {  	[tilespmem:$0x18880] =	vst v2  }
0x24e: {  	s26 =	sand.u32 $0x7F, s26;
	v2 =	vld.idx.msk [tilespmem:v3+s25+$0x0], $0xffff  }
0x24f: {  	v3 =	vor.u32 s26, v0;
	_ =	sdelay $0x3  }
0x250: {  	s28 =	simm.s32 $0x11080;
	[tilespmem:$0x18890] =	vst v2  }
0x251: {  	v2 =	vld.idx.msk [tilespmem:v3+s28+$0x0], $0xffff  }
0x252: {  	v3 =	vor.u32 s26, v1;
	_ =	sdelay $0x3  }
0x253: {  	[tilespmem:$0x18900] =	vst v2  }
0x254: {  	s4 =	sand.u32 $0x7F, s30;
	v2 =	vld.idx.msk [tilespmem:v3+s28+$0x0], $0xffff  }
0x255: {  	v3 =	vor.u32 s4, v0;
	_ =	sdelay $0x3  }
0x256: {  	s19 =	simm.s32 $0x12080;
	[tilespmem:$0x18910] =	vst v2  }
0x257: {  	v2 =	vld.idx.msk [tilespmem:v3+s19+$0x0], $0xffff  }
0x258: {  	v3 =	vor.u32 s4, v1;
	_ =	sdelay $0x3  }
0x259: {  	[tilespmem:$0x18980] =	vst v2  }
0x25a: {  	s0 =	sand.u32 $0x7F, s0;
	v2 =	vld.idx.msk [tilespmem:v3+s19+$0x0], $0xffff  }
0x25b: {  	v3 =	vor.u32 s0, v0;
	_ =	sdelay $0x3  }
0x25c: {  	s20 =	simm.s32 $0x13080;
	[tilespmem:$0x18990] =	vst v2  }
0x25d: {  	v2 =	vld.idx.msk [tilespmem:v3+s20+$0x0], $0xffff  }
0x25e: {  	v3 =	vor.u32 s0, v1;
	_ =	sdelay $0x3  }
0x25f: {  	[tilespmem:$0x18A00] =	vst v2  }
0x260: {  	s21 =	sand.u32 $0x7F, s5;
	v2 =	vld.idx.msk [tilespmem:v3+s20+$0x0], $0xffff  }
0x261: {  	v3 =	vor.u32 s21, v0;
	_ =	sdelay $0x3  }
0x262: {  	s22 =	simm.s32 $0x14080;
	[tilespmem:$0x18A10] =	vst v2  }
0x263: {  	v2 =	vld.idx.msk [tilespmem:v3+s22+$0x0], $0xffff  }
0x264: {  	v3 =	vor.u32 s21, v1;
	_ =	sdelay $0x3  }
0x265: {  	[tilespmem:$0x18A80] =	vst v2  }
0x266: {  	s23 =	sand.u32 $0x7F, s10;
	v2 =	vld.idx.msk [tilespmem:v3+s22+$0x0], $0xffff  }
0x267: {  	v3 =	vor.u32 s23, v0;
	_ =	sdelay $0x3  }
0x268: {  	s24 =	simm.s32 $0x15080;
	[tilespmem:$0x18A90] =	vst v2  }
0x269: {  	v2 =	vld.idx.msk [tilespmem:v3+s24+$0x0], $0xffff  }
0x26a: {  	v3 =	vor.u32 s23, v1;
	_ =	sdelay $0x3  }
0x26b: {  	[tilespmem:$0x18B00] =	vst v2  }
0x26c: {  	s25 =	sand.u32 $0x7F, s12;
	v2 =	vld.idx.msk [tilespmem:v3+s24+$0x0], $0xffff  }
0x26d: {  	v3 =	vor.u32 s25, v0;
	_ =	sdelay $0x3  }
0x26e: {  	s26 =	simm.s32 $0x16080;
	[tilespmem:$0x18B10] =	vst v2  }
0x26f: {  	v2 =	vld.idx.msk [tilespmem:v3+s26+$0x0], $0xffff  }
0x270: {  	v3 =	vor.u32 s25, v1;
	_ =	sdelay $0x3  }
0x271: {  	[tilespmem:$0x18B80] =	vst v2  }
0x272: {  	s28 =	sand.u32 $0x7F, s14;
	v2 =	vld.idx.msk [tilespmem:v3+s26+$0x0], $0xffff  }
0x273: {  	v3 =	vor.u32 s28, v0;
	_ =	sdelay $0x3  }
0x274: {  	s30 =	simm.s32 $0x17080;
	[tilespmem:$0x18B90] =	vst v2  }
0x275: {  	v2 =	vld.idx.msk [tilespmem:v3+s30+$0x0], $0xffff  }
0x276: {  	v3 =	vor.u32 s28, v1;
	_ =	sdelay $0x3  }
0x277: {  	[tilespmem:$0x18C00] =	vst v2  }
0x278: {  	v2 =	vld.idx.msk [tilespmem:v3+s30+$0x0], $0xffff;
	_ =	sdelay $0x4  }
0x279: {  	[tilespmem:$0x18C10] =	vst v2  }
0x27a: {  	_ =	swait.ge [sflag:s6], $0x1000  }
0x27b: {  	[sflag:s6] =	ssyncset.done $0x0  }
0x27c: {  	[sflag:s6] =	ssyncadd.s32 $0xFFFFF000  }
0x27d: {  	_ =	swait.ge [sflag:s6], $0x1000  }
0x27e: {  	[sflag:s6] =	ssyncset.done $0x0  }
0x27f: {  	[sflag:s6] =	ssyncadd.s32 $0xFFFFF000  }
0x280: {  	_ =	swait.ge [sflag:s6], $0x1000  }
0x281: {  	[sflag:s6] =	ssyncset.done $0x0  }
0x282: {  	[sflag:s6] =	ssyncadd.s32 $0xFFFFF000  }
0x283: {  	_ =	swait.ge [sflag:s6], $0x1000  }
0x284: {  	[sflag:s6] =	ssyncset.done $0x0  }
0x285: {  	[sflag:s6] =	ssyncadd.s32 $0xFFFFF000  }
0x286: {  	_ =	swait.ge [sflag:s6], $0x1000  }
0x287: {  	[sflag:s6] =	ssyncset.done $0x0  }
0x288: {  	[sflag:s6] =	ssyncadd.s32 $0xFFFFF000  }
0x289: {  	_ =	swait.ge [sflag:s6], $0x1000  }
0x28a: {  	[sflag:s6] =	ssyncset.done $0x0  }
0x28b: {  	[sflag:s6] =	ssyncadd.s32 $0xFFFFF000  }
0x28c: {  	s3 =	sand.u32 $0x7F, s1;
	_ =	swait.ge [sflag:s6], $0x1000  }
0x28d: {  	v2 =	vor.u32 s3, v0;
	[sflag:s6] =	ssyncset.done $0x0  }
0x28e: {  	[sflag:s6] =	ssyncadd.s32 $0xFFFFF000  }
0x28f: {  	_ =	swait.ge [sflag:s6], $0x1000  }
0x290: {  	[sflag:s6] =	ssyncset.done $0x0  }
0x291: {  	s4 =	simm.s32 $0x80;
	[sflag:s6] =	ssyncadd.s32 $0xFFFFF000  }
0x292: {  	v2 =	vld.idx.msk [tilespmem:v2+s4+$0x0], $0xffff  }
0x293: {  	v3 =	vor.u32 s3, v1;
	_ =	sdelay $0x3  }
0x294: {  	[tilespmem:$0x18C80] =	vst v2  }
0x295: {  	s5 =	sand.u32 $0x7F, s9;
	v2 =	vld.idx.msk [tilespmem:v3+s4+$0x0], $0xffff  }
0x296: {  	v3 =	vor.u32 s5, v0;
	_ =	sdelay $0x3  }
0x297: {  	s9 =	simm.s32 $0x1080;
	[tilespmem:$0x18C90] =	vst v2  }
0x298: {  	v2 =	vld.idx.msk [tilespmem:v3+s9+$0x0], $0xffff  }
0x299: {  	v3 =	vor.u32 s5, v1;
	_ =	sdelay $0x3  }
0x29a: {  	[tilespmem:$0x18D00] =	vst v2  }
0x29b: {  	s10 =	sand.u32 $0x7F, s11;
	v2 =	vld.idx.msk [tilespmem:v3+s9+$0x0], $0xffff  }
0x29c: {  	v3 =	vor.u32 s10, v0;
	_ =	sdelay $0x3  }
0x29d: {  	s11 =	simm.s32 $0x2080;
	[tilespmem:$0x18D10] =	vst v2  }
0x29e: {  	v2 =	vld.idx.msk [tilespmem:v3+s11+$0x0], $0xffff  }
0x29f: {  	v3 =	vor.u32 s10, v1;
	_ =	sdelay $0x3  }
0x2a0: {  	[tilespmem:$0x18D80] =	vst v2  }
0x2a1: {  	s12 =	sand.u32 $0x7F, s13;
	v2 =	vld.idx.msk [tilespmem:v3+s11+$0x0], $0xffff  }
0x2a2: {  	v3 =	vor.u32 s12, v0;
	_ =	sdelay $0x3  }
0x2a3: {  	s13 =	simm.s32 $0x3080;
	[tilespmem:$0x18D90] =	vst v2  }
0x2a4: {  	v2 =	vld.idx.msk [tilespmem:v3+s13+$0x0], $0xffff  }
0x2a5: {  	v3 =	vor.u32 s12, v1;
	_ =	sdelay $0x3  }
0x2a6: {  	[tilespmem:$0x18E00] =	vst v2  }
0x2a7: {  	s14 =	sand.u32 $0x7F, s15;
	v2 =	vld.idx.msk [tilespmem:v3+s13+$0x0], $0xffff  }
0x2a8: {  	v3 =	vor.u32 s14, v0;
	_ =	sdelay $0x3  }
0x2a9: {  	s15 =	simm.s32 $0x4080;
	[tilespmem:$0x18E10] =	vst v2  }
0x2aa: {  	v2 =	vld.idx.msk [tilespmem:v3+s15+$0x0], $0xffff  }
0x2ab: {  	v3 =	vor.u32 s14, v1;
	_ =	sdelay $0x3  }
0x2ac: {  	[tilespmem:$0x18E80] =	vst v2  }
0x2ad: {  	s19 =	sand.u32 $0x7F, s16;
	v2 =	vld.idx.msk [tilespmem:v3+s15+$0x0], $0xffff  }
0x2ae: {  	v3 =	vor.u32 s19, v0;
	_ =	sdelay $0x3  }
0x2af: {  	s20 =	simm.s32 $0x5080;
	[tilespmem:$0x18E90] =	vst v2  }
0x2b0: {  	v2 =	vld.idx.msk [tilespmem:v3+s20+$0x0], $0xffff  }
0x2b1: {  	v3 =	vor.u32 s19, v1;
	_ =	sdelay $0x3  }
0x2b2: {  	[tilespmem:$0x18F00] =	vst v2  }
0x2b3: {  	s21 =	sand.u32 $0x7F, s29;
	v2 =	vld.idx.msk [tilespmem:v3+s20+$0x0], $0xffff  }
0x2b4: {  	v3 =	vor.u32 s21, v0;
	_ =	sdelay $0x3  }
0x2b5: {  	s22 =	simm.s32 $0x6080;
	[tilespmem:$0x18F10] =	vst v2  }
0x2b6: {  	v2 =	vld.idx.msk [tilespmem:v3+s22+$0x0], $0xffff  }
0x2b7: {  	v3 =	vor.u32 s21, v1;
	_ =	sdelay $0x3  }
0x2b8: {  	[tilespmem:$0x18F80] =	vst v2  }
0x2b9: {  	s23 =	sand.u32 $0x7F, s31;
	v2 =	vld.idx.msk [tilespmem:v3+s22+$0x0], $0xffff  }
0x2ba: {  	v3 =	vor.u32 s23, v0;
	_ =	sdelay $0x3  }
0x2bb: {  	s24 =	simm.s32 $0x7080;
	[tilespmem:$0x18F90] =	vst v2  }
0x2bc: {  	v2 =	vld.idx.msk [tilespmem:v3+s24+$0x0], $0xffff  }
0x2bd: {  	v3 =	vor.u32 s23, v1;
	_ =	sdelay $0x3  }
0x2be: {  	[tilespmem:$0x19000] =	vst v2  }
0x2bf: {  	v2 =	vld.idx.msk [tilespmem:v3+s24+$0x0], $0xffff;
	_ =	sdelay $0x2  }
0x2c0: {  	s29 =	rddreg [dreg:$0x7]  }
0x2c1: {  	s28 =	simm.s32 $0x0;
	s25 =	rddreg [dreg:$0x5];
	p0 =	sne.s32 s29, $0x1  }
.Ltmp0:
0x2c2: {  	s30 =	simm.s32 $0x4;
	s26 =	rddreg [dreg:$0x6];
	[tilespmem:$0x19010] =	vst v2;
	(pc) =	sbr.rel @p0 .LBB2_1-.Ltmp0, $4  }
0x2c3: {  	[hbm4b:s25+s28] =	stream.linear.scatter [tilespmem:s26], [sflag:$0x4], $0x1000, $0x38;
	[tilespmem:$0x19080] =	vst v63  }
0x2c4: {  	_ =	swait.ge [sflag:s30], $0x1000  }
0x2c5: {  	s31 =	simm.s32 $0x4;
	[sflag:s30] =	ssyncset.done $0x0  }
0x2c6: {  	s1 =	sadd.s32 $0xFFFFFFFF, s29;
	[sflag:s31] =	ssyncadd.s32 $0xFFFFF000  }
0x2c7: {  	_ =	sfence.sel $0x180000  }
0x2c8: {  	[bflag:$0x0] =	sbarrier.arrive $0xFFFF  }
0x2c9: {  	_ =	strace $0x90000047  }
0x2ca: {  	s0 =	stileid.u32;
	[bflag:$0x2] =	sbarrier.arrive $0xFFFF  }
0x2cb: {  	p0 =	sne.s32 s0, $0x0;
	s0 =	rddreg [dreg:$0x3]  }
0x2cc: {  	s0 =	sadd.s32 @!p0 $0x100000, s0  }
0x2cd: {  	[sflag:s0] =	ssyncadd.tile.s32 @!p0 $0x1;
	_ =	shalt  }
.Lfunc_end2:
_tile_overlayer_lowered:
.L_overlay_start_2:
0x2ce: {  	(tag) =	ssettag $0x2  }
0x2cf: {  	s0 =	rddreg [dreg:$0x0];
	s2 =	stileid.u32  }
0x2d0: {  	s1 =	rddreg [dreg:$0x1];
	p0 =	sne.s32 s2, $0x0  }
0x2d1: {  	s3 =	rddreg [dreg:$0x2];
	[bflag:$0x3] =	sbarrier.arrive $0xFFFF;
	s2 =	simm.s32 @!p0 $0x1C04  }
0x2d2: {  	[timem:s3], [sflag:s2] =	dma.local @!p0 [hbm:s0], s1  }
0x2d3: {  	s0 =	simm.s32 @!p0 $0x4  }
0x2d4: {  	_ =	swait.ge @!p0 [sflag:s0], s1  }
0x2d5: {  	s1 =	ssub.s32 @!p0 $0x0, s1;
	[sflag:s0] =	ssyncset.done @!p0 $0x0  }
0x2d6: {  	[sflag:s0] =	ssyncadd.s32 @!p0 s1  }
0x2d7: {  	[bflag:$0x3] =	sbarrier.arrive $0xFFFF  }
0x2d8: {  	_ =	shalt  }

</sc_bundles>
